<compile_context>
chip_gen: v7x
topology: tpu7x:2x2x1
jax: 0.10.2.dev20260603
libtpu: 0.0.44.dev20260713+nightly
codegen_flags: <defaults>
</compile_context>

<pallas_src>
import functools

import jax
import jax.numpy as jnp
from jax import lax
from jax.experimental import pallas as pl
from jax.experimental.pallas import tpu as pltpu
from jax.experimental.pallas import tpu_sc as plsc

VOCAB = 100000
E = 128
H = 128
B = 1024
L = 200
NG = 4 * H

SPLIT_LO = 48
SPLIT_HI = 152
NA = SPLIT_LO + (L - SPLIT_HI)
NB = SPLIT_HI - SPLIT_LO

_NC = 2
_NS = 16
_NW = _NC * _NS
_CH = 256


@functools.cache
def _make_embed_gather(rows):
    per_w = rows // _NW
    nch = per_w // _CH

    @functools.partial(
        pl.kernel,
        mesh=plsc.VectorSubcoreMesh(core_axis_name="c", subcore_axis_name="s"),
        out_type=jax.ShapeDtypeStruct((rows, E), jnp.float32),
        scratch_types=[
            pltpu.VMEM((per_w,), jnp.int32),
            pltpu.VMEM((_CH, E), jnp.float32),
            pltpu.VMEM((_CH, E), jnp.float32),
            pltpu.SemaphoreType.DMA,
            pltpu.SemaphoreType.DMA,
        ],
    )
    def _embed_gather(emb_hbm, idx_hbm, out_hbm, idx_v, rows0, rows1, s0, s1):
        wid = lax.axis_index("s") * _NC + lax.axis_index("c")
        base = wid * per_w
        pltpu.sync_copy(idx_hbm.at[pl.ds(base, per_w)], idx_v)

        def gather(i, rows_v, sem):
            pltpu.async_copy(emb_hbm.at[idx_v.at[pl.ds(i * _CH, _CH)]],
                             rows_v, sem)

        def drain(rows_v, sem):
            pltpu.make_async_copy(emb_hbm.at[pl.ds(0, _CH)], rows_v, sem).wait()

        gather(0, rows0, s0)

        def body(j, carry):
            i = 2 * j
            drain(rows0, s0)
            gather(i + 1, rows1, s1)
            pltpu.sync_copy(rows0, out_hbm.at[pl.ds(base + i * _CH, _CH)])
            drain(rows1, s1)

            @pl.when(i + 2 < nch)
            def _():
                gather(i + 2, rows0, s0)

            pltpu.sync_copy(rows1, out_hbm.at[pl.ds(base + (i + 1) * _CH, _CH)])
            return carry

        lax.fori_loop(0, nch // 2, body, 0)

        if nch % 2:
            i = nch - 1
            drain(rows0, s0)
            pltpu.sync_copy(rows0, out_hbm.at[pl.ds(base + i * _CH, _CH)])

    return _embed_gather


def _lstm_body(state_ref, xf_ref, xb_ref, wf_ref, wr_ref,
               bf_ref, br_ref, wfcf_ref, wfcr_ref, bfc_ref,
               out_ref, st_out, zsem, *, n_iters):
    t = pl.program_id(0)
    hf, cf, hb, cb = (st_out.at[0], st_out.at[1], st_out.at[2], st_out.at[3])

    @pl.when(t == 0)
    def _init():
        for k in range(4):
            pltpu.async_copy(state_ref.at[k], st_out.at[k], zsem)
        for k in range(4):
            pltpu.make_async_copy(state_ref.at[k], st_out.at[k], zsem).wait()

    def step(x, h, c, w, b):
        xh = jnp.concatenate([x, h], axis=-1)
        gates = jnp.dot(xh, w, preferred_element_type=jnp.float32) + b
        t_i = jnp.tanh(gates[:, 0 * H:1 * H])
        f_g = jax.nn.sigmoid(gates[:, 1 * H:2 * H])
        g_t = jnp.tanh(gates[:, 2 * H:3 * H])
        t_o = jnp.tanh(gates[:, 3 * H:4 * H])
        c_new = f_g * c + 0.5 * (t_i * g_t + g_t)
        ct = jnp.tanh(c_new)
        h_new = 0.5 * (t_o * ct + ct)
        return h_new, c_new

    hfc, cfc = hf[...], cf[...]
    hbc, cbc = hb[...], cb[...]
    for k in range(8):
        hfc, cfc = step(xf_ref[k], hfc, cfc, wf_ref[...], bf_ref[...])
        hbc, cbc = step(xb_ref[7 - k], hbc, cbc, wr_ref[...], br_ref[...])
    hf[...] = hfc
    cf[...] = cfc
    hb[...] = hbc
    cb[...] = cbc

    @pl.when(t == n_iters - 1)
    def _finish():
        out_ref[...] = (
            jnp.dot(hfc, wfcf_ref[...], preferred_element_type=jnp.float32)
            + jnp.dot(hbc, wfcr_ref[...], preferred_element_type=jnp.float32)
            + bfc_ref[0, 0])


@functools.cache
def _make_lstm_pass(n_iters, f_off, b_off):
    return pl.pallas_call(
        functools.partial(_lstm_body, n_iters=n_iters),
        grid=(n_iters,),
        in_specs=[
            pl.BlockSpec(memory_space=pl.ANY),
            pl.BlockSpec((8, B, E), lambda t: (f_off + t, 0, 0)),
            pl.BlockSpec((8, B, E), lambda t: (b_off - t, 0, 0)),
            pl.BlockSpec((E + H, NG), lambda t: (0, 0)),
            pl.BlockSpec((E + H, NG), lambda t: (0, 0)),
            pl.BlockSpec((1, NG), lambda t: (0, 0)),
            pl.BlockSpec((1, NG), lambda t: (0, 0)),
            pl.BlockSpec((H, E), lambda t: (0, 0)),
            pl.BlockSpec((H, E), lambda t: (0, 0)),
            pl.BlockSpec(memory_space=pltpu.SMEM),
        ],
        out_specs=[
            pl.BlockSpec((B, E), lambda t: (0, 0)),
            pl.BlockSpec((4, B, H), lambda t: (0, 0, 0)),
        ],
        out_shape=[
            jax.ShapeDtypeStruct((B, E), jnp.float32),
            jax.ShapeDtypeStruct((4, B, H), jnp.float32),
        ],
        scratch_shapes=[pltpu.SemaphoreType.DMA],
        compiler_params=pltpu.CompilerParams(
            dimension_semantics=("arbitrary",)),
    )


def _prep_w(Wih, Whh, bih, bhh):
    w = jnp.concatenate([Wih.T, Whh.T], axis=0)
    b = (bih + bhh).reshape(1, NG)
    scale = jnp.concatenate([
        jnp.full((H,), 0.5, jnp.float32),
        jnp.ones((H,), jnp.float32),
        jnp.ones((H,), jnp.float32),
        jnp.full((H,), 0.5, jnp.float32),
    ])
    return w * scale, b * scale


def kernel(x, emb, Wih_f, Whh_f, bih_f, bhh_f,
           Wih_r, Whh_r, bih_r, bhh_r, W_fc, b_fc):
    idx = jnp.transpose(x).reshape(-1).astype(jnp.int32)
    idx_a = jnp.concatenate([idx[:SPLIT_LO * B], idx[SPLIT_HI * B:]])
    idx_b = idx[SPLIT_LO * B:SPLIT_HI * B]
    xa = _make_embed_gather(NA * B)(emb, idx_a).reshape(NA, B, E)
    xb = _make_embed_gather(NB * B)(emb, idx_b).reshape(NB, B, E)

    wf, bf = _prep_w(Wih_f, Whh_f, bih_f, bhh_f)
    wr, br = _prep_w(Wih_r, Whh_r, bih_r, bhh_r)
    wfcf = jnp.broadcast_to(W_fc[0, :H].reshape(H, 1), (H, E))
    wfcr = jnp.broadcast_to(W_fc[0, H:].reshape(H, 1), (H, E))
    bfc = b_fc.reshape(1, 1)
    weights = (wf, wr, bf, br, wfcf, wfcr, bfc)

    st0 = jnp.zeros((4, B, H), jnp.float32)
    _, st1 = _make_lstm_pass(SPLIT_LO // 8, 0, NA // 8 - 1)(st0, xa, xa, *weights)
    _, st2 = _make_lstm_pass(NB // 8, 0, NB // 8 - 1)(st1, xb, xb, *weights)
    out, _ = _make_lstm_pass(SPLIT_LO // 8, SPLIT_LO // 8, SPLIT_LO // 8 - 1)(
        st2, xa, xa, *weights)
    return out[:, 0]

# --- scband reference (transcript-rebuilt; emitter-appended) ---
"""Pipeline reference for scband-spam-detector-41008347742287 (READ-ONLY COPY).

The authoritative reference and input builder live on the scoring server;
editing this copy changes nothing except your own understanding.
"""

import jax, jax.numpy as jnp
import numpy as np

VOCAB = 100000
E = 128
H = 128
B = 1024
L = 200


def _lstm_scan(xs, Wih, Whh, bih, bhh):
    # xs: [L, B, E]; PyTorch gate order: i, f, g, o
    Bsz = xs.shape[1]
    h0 = jnp.zeros((Bsz, H), dtype=xs.dtype)
    c0 = jnp.zeros((Bsz, H), dtype=xs.dtype)

    def step(carry, xt):
        h, c = carry
        gates = xt @ Wih.T + h @ Whh.T + bih + bhh
        i, f, g, o = jnp.split(gates, 4, axis=-1)
        i = jax.nn.sigmoid(i)
        f = jax.nn.sigmoid(f)
        g = jnp.tanh(g)
        o = jax.nn.sigmoid(o)
        c = f * c + i * g
        h = o * jnp.tanh(c)
        return (h, c), None

    (h, c), _ = jax.lax.scan(step, (h0, c0), xs)
    return h


def setup_inputs(seed: int = 0) -> dict:
    key = jax.random.key(seed)
    ks = jax.random.split(key, 12)
    x = jax.random.randint(ks[0], (B, L), 0, VOCAB, dtype=jnp.int64 if jax.config.jax_enable_x64 else jnp.int32)
    emb = jax.random.normal(ks[1], (VOCAB, E), dtype=jnp.float32) * 0.05
    emb = emb.at[0].set(0.0)  # padding_idx=0
    Wih_f = jax.random.normal(ks[2], (4 * H, E), dtype=jnp.float32) * 0.05
    Whh_f = jax.random.normal(ks[3], (4 * H, H), dtype=jnp.float32) * 0.05
    bih_f = jax.random.normal(ks[4], (4 * H,), dtype=jnp.float32) * 0.05
    bhh_f = jax.random.normal(ks[5], (4 * H,), dtype=jnp.float32) * 0.05
    Wih_r = jax.random.normal(ks[6], (4 * H, E), dtype=jnp.float32) * 0.05
    Whh_r = jax.random.normal(ks[7], (4 * H, H), dtype=jnp.float32) * 0.05
    bih_r = jax.random.normal(ks[8], (4 * H,), dtype=jnp.float32) * 0.05
    bhh_r = jax.random.normal(ks[9], (4 * H,), dtype=jnp.float32) * 0.05
    W_fc = jax.random.normal(ks[10], (1, 2 * H), dtype=jnp.float32) * 0.05
    b_fc = jax.random.normal(ks[11], (1,), dtype=jnp.float32) * 0.05
    return {"x": x, "emb": emb, "Wih_f": Wih_f, "Whh_f": Whh_f, "bih_f": bih_f, "bhh_f": bhh_f,
            "Wih_r": Wih_r, "Whh_r": Whh_r, "bih_r": bih_r, "bhh_r": bhh_r, "W_fc": W_fc, "b_fc": b_fc}


def reference(x, emb, Wih_f, Whh_f, bih_f, bhh_f, Wih_r, Whh_r, bih_r, bhh_r, W_fc, b_fc):
    embedded = jnp.take(emb, x, axis=0)          # [B, L, E]
    xs = jnp.transpose(embedded, (1, 0, 2))      # [L, B, E]
    h_fwd = _lstm_scan(xs, Wih_f, Whh_f, bih_f, bhh_f)          # final forward hidden [B, H]
    h_bwd = _lstm_scan(xs[::-1], Wih_r, Whh_r, bih_r, bhh_r)    # final backward hidden [B, H]
    final_hidden = jnp.concatenate([h_fwd, h_bwd], axis=1)      # [B, 2H]
    # dropout in eval mode -> identity
    logits = final_hidden @ W_fc.T + b_fc        # [B, 1]
    return jnp.squeeze(logits, axis=1)           # [B]

if __name__ == "__main__":
    import jax
    _d = setup_inputs()
    print(jax.jit(kernel)(*tuple(_d.values())))

</pallas_src>

<mosaic_0001>
#map = affine_map<(d0, d1) -> (0, 0)>
#map1 = affine_map<(d0, d1) -> (0)>
module attributes {stable_mosaic.version = 14 : i64} {
  func.func @_embed_gather(%arg0: i32, %arg1: i32, %arg2: memref<100000x128xf32, #tpu.memory_space<hbm>>, %arg3: memref<106496xi32, #tpu.memory_space<hbm>>, %arg4: memref<106496x128xf32, #tpu.memory_space<hbm>>, %arg5: memref<3328xi32, #tpu.memory_space<vmem>>, %arg6: memref<256x128xf32, #tpu.memory_space<vmem>>, %arg7: memref<256x128xf32, #tpu.memory_space<vmem>>, %arg8: memref<!tpu.dma_semaphore, #tpu.memory_space<semaphore_mem>>, %arg9: memref<!tpu.dma_semaphore, #tpu.memory_space<semaphore_mem>>) attributes {dimension_semantics = [#tpu.dimension_semantics<core_parallel>, #tpu.dimension_semantics<subcore_parallel>], iteration_bounds = array<i64: 2, 16>, scalar_prefetch = 0 : i64, scratch_operands = 5 : i64, tpu.core_type = #tpu.core_type<sc_vector_subcore>, window_params = [{transform_indices = #map}, {transform_indices = #map1}, {transform_indices = #map}]} {
    %mul3A = arith.constant 2 : i32
    %mul3A_0 = arith.muli %arg1, %mul3A : i32
    %add3A = arith.addi %mul3A_0, %arg0 : i32
    %mul3A_1 = arith.constant 3328 : i32
    %mul3A_2 = arith.muli %add3A, %mul3A_1 : i32
    "tpu.region"() ({
      %run_scoped3A = tpu.sem_alloc : memref<!tpu.dma_semaphore, #tpu.memory_space<semaphore_mem>>
      %dma_start3A_19 = tpu.memref_slice %arg3[%mul3A_2] : memref<106496xi32, #tpu.memory_space<hbm>> -> memref<3328xi32, #tpu.memory_space<hbm>>
      %dma_start3A_20 = tpu.memref_slice %arg3[%mul3A_2] : memref<106496xi32, #tpu.memory_space<hbm>> -> memref<3328xi32, #tpu.memory_space<hbm>>
      tpu.enqueue_dma source(%dma_start3A_20 : memref<3328xi32, #tpu.memory_space<hbm>>) target(%arg5 : memref<3328xi32, #tpu.memory_space<vmem>>) target_semaphore(%run_scoped3A : memref<!tpu.dma_semaphore, #tpu.memory_space<semaphore_mem>>)
      %dma_wait3A_21 = tpu.memref_slice %arg3[%mul3A_2] : memref<106496xi32, #tpu.memory_space<hbm>> -> memref<3328xi32, #tpu.memory_space<hbm>>
      %dma_wait3A_22 = tpu.memref_slice %arg3[%mul3A_2] : memref<106496xi32, #tpu.memory_space<hbm>> -> memref<3328xi32, #tpu.memory_space<hbm>>
      tpu.wait_dma2 semaphore(%run_scoped3A : memref<!tpu.dma_semaphore, #tpu.memory_space<semaphore_mem>>) src(%dma_wait3A_22 : memref<3328xi32, #tpu.memory_space<hbm>>) dst(%arg5 : memref<3328xi32, #tpu.memory_space<vmem>>)
      tpu.yield
    }) : () -> ()
    %dma_start3A = arith.constant 0 : i32
    %dma_start3A_3 = tpu.memref_slice %arg5[%dma_start3A] : memref<3328xi32, #tpu.memory_space<vmem>> -> memref<256xi32, #tpu.memory_space<vmem>>
    %dma_start3A_4 = arith.constant 0 : i32
    %dma_start3A_5 = arith.constant 0 : i32
    %dma_start3A_6 = tpu.memref_slice %arg2[%dma_start3A_4, %dma_start3A_5] : memref<100000x128xf32, #tpu.memory_space<hbm>> -> memref<100000x128xf32, #tpu.memory_space<hbm>>
    tpu.enqueue_indirect_dma source(%dma_start3A_6 : memref<100000x128xf32, #tpu.memory_space<hbm>>) target(%arg6 : memref<256x128xf32, #tpu.memory_space<vmem>>) offsets(%dma_start3A_3 : memref<256xi32, #tpu.memory_space<vmem>>) semaphore(%arg8 : memref<!tpu.dma_semaphore, #tpu.memory_space<semaphore_mem>>)
    %scan3A = arith.constant 0 : i32
    %scan3A_7 = arith.constant 0 : i32
    %scan3A_8 = arith.constant 6 : i32
    %scan3A_9 = arith.addi %scan3A_7, %scan3A_8 : i32
    %scan3A_10 = arith.constant 1 : i32
    scf.for %scan3A_19 = %scan3A_7 to %scan3A_9 step %scan3A_10  : i32 {
      %mul3A_20 = arith.constant 2 : i32
      %mul3A_21 = arith.muli %mul3A_20, %scan3A_19 : i32
      %dma_wait3A_22 = arith.constant 0 : i32
      %dma_wait3A_23 = arith.constant 0 : i32
      %dma_wait3A_24 = tpu.memref_slice %arg2[%dma_wait3A_22, %dma_wait3A_23] : memref<100000x128xf32, #tpu.memory_space<hbm>> -> memref<256x128xf32, #tpu.memory_space<hbm>>
      %dma_wait3A_25 = arith.constant 0 : i32
      %dma_wait3A_26 = arith.constant 0 : i32
      %dma_wait3A_27 = tpu.memref_slice %arg2[%dma_wait3A_25, %dma_wait3A_26] : memref<100000x128xf32, #tpu.memory_space<hbm>> -> memref<256x128xf32, #tpu.memory_space<hbm>>
      tpu.wait_dma2 semaphore(%arg8 : memref<!tpu.dma_semaphore, #tpu.memory_space<semaphore_mem>>) src(%dma_wait3A_27 : memref<256x128xf32, #tpu.memory_space<hbm>>) dst(%arg6 : memref<256x128xf32, #tpu.memory_space<vmem>>)
      %add3A_28 = arith.constant 1 : i32
      %add3A_29 = arith.addi %mul3A_21, %add3A_28 : i32
      %mul3A_30 = arith.constant 256 : i32
      %mul3A_31 = arith.muli %add3A_29, %mul3A_30 : i32
      %dma_start3A_32 = tpu.memref_slice %arg5[%mul3A_31] : memref<3328xi32, #tpu.memory_space<vmem>> -> memref<256xi32, #tpu.memory_space<vmem>>
      %dma_start3A_33 = arith.constant 0 : i32
      %dma_start3A_34 = arith.constant 0 : i32
      %dma_start3A_35 = tpu.memref_slice %arg2[%dma_start3A_33, %dma_start3A_34] : memref<100000x128xf32, #tpu.memory_space<hbm>> -> memref<100000x128xf32, #tpu.memory_space<hbm>>
      tpu.enqueue_indirect_dma source(%dma_start3A_35 : memref<100000x128xf32, #tpu.memory_space<hbm>>) target(%arg7 : memref<256x128xf32, #tpu.memory_space<vmem>>) offsets(%dma_start3A_32 : memref<256xi32, #tpu.memory_space<vmem>>) semaphore(%arg9 : memref<!tpu.dma_semaphore, #tpu.memory_space<semaphore_mem>>)
      %mul3A_36 = arith.constant 256 : i32
      %mul3A_37 = arith.muli %mul3A_21, %mul3A_36 : i32
      %add3A_38 = arith.addi %mul3A_2, %mul3A_37 : i32
      "tpu.region"() ({
        %run_scoped3A = tpu.sem_alloc : memref<!tpu.dma_semaphore, #tpu.memory_space<semaphore_mem>>
        %dma_start3A_54 = arith.constant 0 : i32
        %dma_start3A_55 = tpu.memref_slice %arg4[%add3A_38, %dma_start3A_54] : memref<106496x128xf32, #tpu.memory_space<hbm>> -> memref<256x128xf32, #tpu.memory_space<hbm>>
        %dma_start3A_56 = arith.constant 0 : i32
        %dma_start3A_57 = tpu.memref_slice %arg4[%add3A_38, %dma_start3A_56] : memref<106496x128xf32, #tpu.memory_space<hbm>> -> memref<256x128xf32, #tpu.memory_space<hbm>>
        tpu.enqueue_dma source(%arg6 : memref<256x128xf32, #tpu.memory_space<vmem>>) target(%dma_start3A_57 : memref<256x128xf32, #tpu.memory_space<hbm>>) target_semaphore(%run_scoped3A : memref<!tpu.dma_semaphore, #tpu.memory_space<semaphore_mem>>)
        %dma_wait3A_58 = arith.constant 0 : i32
        %dma_wait3A_59 = tpu.memref_slice %arg4[%add3A_38, %dma_wait3A_58] : memref<106496x128xf32, #tpu.memory_space<hbm>> -> memref<256x128xf32, #tpu.memory_space<hbm>>
        %dma_wait3A_60 = arith.constant 0 : i32
        %dma_wait3A_61 = tpu.memref_slice %arg4[%add3A_38, %dma_wait3A_60] : memref<106496x128xf32, #tpu.memory_space<hbm>> -> memref<256x128xf32, #tpu.memory_space<hbm>>
        tpu.wait_dma2 semaphore(%run_scoped3A : memref<!tpu.dma_semaphore, #tpu.memory_space<semaphore_mem>>) src(%arg6 : memref<256x128xf32, #tpu.memory_space<vmem>>) dst(%dma_wait3A_61 : memref<256x128xf32, #tpu.memory_space<hbm>>)
        tpu.yield
      }) : () -> ()
      %dma_wait3A_39 = arith.constant 0 : i32
      %dma_wait3A_40 = arith.constant 0 : i32
      %dma_wait3A_41 = tpu.memref_slice %arg2[%dma_wait3A_39, %dma_wait3A_40] : memref<100000x128xf32, #tpu.memory_space<hbm>> -> memref<256x128xf32, #tpu.memory_space<hbm>>
      %dma_wait3A_42 = arith.constant 0 : i32
      %dma_wait3A_43 = arith.constant 0 : i32
      %dma_wait3A_44 = tpu.memref_slice %arg2[%dma_wait3A_42, %dma_wait3A_43] : memref<100000x128xf32, #tpu.memory_space<hbm>> -> memref<256x128xf32, #tpu.memory_space<hbm>>
      tpu.wait_dma2 semaphore(%arg9 : memref<!tpu.dma_semaphore, #tpu.memory_space<semaphore_mem>>) src(%dma_wait3A_44 : memref<256x128xf32, #tpu.memory_space<hbm>>) dst(%arg7 : memref<256x128xf32, #tpu.memory_space<vmem>>)
      %add3A_45 = arith.constant 2 : i32
      %add3A_46 = arith.addi %mul3A_21, %add3A_45 : i32
      %lt3A = arith.constant 13 : i32
      %lt3A_47 = arith.cmpi slt, %add3A_46, %lt3A : i32
      %convert_element_type3A = arith.extui %lt3A_47 : i1 to i32
      %cond3A = arith.constant 0 : i32
      %cond3A_48 = arith.cmpi ne, %convert_element_type3A, %cond3A : i32
      scf.if %cond3A_48 {
        %add3A_54 = arith.constant 2 : i32
        %add3A_55 = arith.addi %mul3A_21, %add3A_54 : i32
        %mul3A_56 = arith.constant 256 : i32
        %mul3A_57 = arith.muli %add3A_55, %mul3A_56 : i32
        %dma_start3A_58 = tpu.memref_slice %arg5[%mul3A_57] : memref<3328xi32, #tpu.memory_space<vmem>> -> memref<256xi32, #tpu.memory_space<vmem>>
        %dma_start3A_59 = arith.constant 0 : i32
        %dma_start3A_60 = arith.constant 0 : i32
        %dma_start3A_61 = tpu.memref_slice %arg2[%dma_start3A_59, %dma_start3A_60] : memref<100000x128xf32, #tpu.memory_space<hbm>> -> memref<100000x128xf32, #tpu.memory_space<hbm>>
        tpu.enqueue_indirect_dma source(%dma_start3A_61 : memref<100000x128xf32, #tpu.memory_space<hbm>>) target(%arg6 : memref<256x128xf32, #tpu.memory_space<vmem>>) offsets(%dma_start3A_58 : memref<256xi32, #tpu.memory_space<vmem>>) semaphore(%arg8 : memref<!tpu.dma_semaphore, #tpu.memory_space<semaphore_mem>>)
      } else {
      }
      %add3A_49 = arith.constant 1 : i32
      %add3A_50 = arith.addi %mul3A_21, %add3A_49 : i32
      %mul3A_51 = arith.constant 256 : i32
      %mul3A_52 = arith.muli %add3A_50, %mul3A_51 : i32
      %add3A_53 = arith.addi %mul3A_2, %mul3A_52 : i32
      "tpu.region"() ({
        %run_scoped3A = tpu.sem_alloc : memref<!tpu.dma_semaphore, #tpu.memory_space<semaphore_mem>>
        %dma_start3A_54 = arith.constant 0 : i32
        %dma_start3A_55 = tpu.memref_slice %arg4[%add3A_53, %dma_start3A_54] : memref<106496x128xf32, #tpu.memory_space<hbm>> -> memref<256x128xf32, #tpu.memory_space<hbm>>
        %dma_start3A_56 = arith.constant 0 : i32
        %dma_start3A_57 = tpu.memref_slice %arg4[%add3A_53, %dma_start3A_56] : memref<106496x128xf32, #tpu.memory_space<hbm>> -> memref<256x128xf32, #tpu.memory_space<hbm>>
        tpu.enqueue_dma source(%arg7 : memref<256x128xf32, #tpu.memory_space<vmem>>) target(%dma_start3A_57 : memref<256x128xf32, #tpu.memory_space<hbm>>) target_semaphore(%run_scoped3A : memref<!tpu.dma_semaphore, #tpu.memory_space<semaphore_mem>>)
        %dma_wait3A_58 = arith.constant 0 : i32
        %dma_wait3A_59 = tpu.memref_slice %arg4[%add3A_53, %dma_wait3A_58] : memref<106496x128xf32, #tpu.memory_space<hbm>> -> memref<256x128xf32, #tpu.memory_space<hbm>>
        %dma_wait3A_60 = arith.constant 0 : i32
        %dma_wait3A_61 = tpu.memref_slice %arg4[%add3A_53, %dma_wait3A_60] : memref<106496x128xf32, #tpu.memory_space<hbm>> -> memref<256x128xf32, #tpu.memory_space<hbm>>
        tpu.wait_dma2 semaphore(%run_scoped3A : memref<!tpu.dma_semaphore, #tpu.memory_space<semaphore_mem>>) src(%arg7 : memref<256x128xf32, #tpu.memory_space<vmem>>) dst(%dma_wait3A_61 : memref<256x128xf32, #tpu.memory_space<hbm>>)
        tpu.yield
      }) : () -> ()
    }
    %scan3A_11 = arith.constant 6 : i32
    %dma_wait3A = arith.constant 0 : i32
    %dma_wait3A_12 = arith.constant 0 : i32
    %dma_wait3A_13 = tpu.memref_slice %arg2[%dma_wait3A, %dma_wait3A_12] : memref<100000x128xf32, #tpu.memory_space<hbm>> -> memref<256x128xf32, #tpu.memory_space<hbm>>
    %dma_wait3A_14 = arith.constant 0 : i32
    %dma_wait3A_15 = arith.constant 0 : i32
    %dma_wait3A_16 = tpu.memref_slice %arg2[%dma_wait3A_14, %dma_wait3A_15] : memref<100000x128xf32, #tpu.memory_space<hbm>> -> memref<256x128xf32, #tpu.memory_space<hbm>>
    tpu.wait_dma2 semaphore(%arg8 : memref<!tpu.dma_semaphore, #tpu.memory_space<semaphore_mem>>) src(%dma_wait3A_16 : memref<256x128xf32, #tpu.memory_space<hbm>>) dst(%arg6 : memref<256x128xf32, #tpu.memory_space<vmem>>)
    %add3A_17 = arith.constant 3072 : i32
    %add3A_18 = arith.addi %mul3A_2, %add3A_17 : i32
    "tpu.region"() ({
      %run_scoped3A = tpu.sem_alloc : memref<!tpu.dma_semaphore, #tpu.memory_space<semaphore_mem>>
      %dma_start3A_19 = arith.constant 0 : i32
      %dma_start3A_20 = tpu.memref_slice %arg4[%add3A_18, %dma_start3A_19] : memref<106496x128xf32, #tpu.memory_space<hbm>> -> memref<256x128xf32, #tpu.memory_space<hbm>>
      %dma_start3A_21 = arith.constant 0 : i32
      %dma_start3A_22 = tpu.memref_slice %arg4[%add3A_18, %dma_start3A_21] : memref<106496x128xf32, #tpu.memory_space<hbm>> -> memref<256x128xf32, #tpu.memory_space<hbm>>
      tpu.enqueue_dma source(%arg6 : memref<256x128xf32, #tpu.memory_space<vmem>>) target(%dma_start3A_22 : memref<256x128xf32, #tpu.memory_space<hbm>>) target_semaphore(%run_scoped3A : memref<!tpu.dma_semaphore, #tpu.memory_space<semaphore_mem>>)
      %dma_wait3A_23 = arith.constant 0 : i32
      %dma_wait3A_24 = tpu.memref_slice %arg4[%add3A_18, %dma_wait3A_23] : memref<106496x128xf32, #tpu.memory_space<hbm>> -> memref<256x128xf32, #tpu.memory_space<hbm>>
      %dma_wait3A_25 = arith.constant 0 : i32
      %dma_wait3A_26 = tpu.memref_slice %arg4[%add3A_18, %dma_wait3A_25] : memref<106496x128xf32, #tpu.memory_space<hbm>> -> memref<256x128xf32, #tpu.memory_space<hbm>>
      tpu.wait_dma2 semaphore(%run_scoped3A : memref<!tpu.dma_semaphore, #tpu.memory_space<semaphore_mem>>) src(%arg6 : memref<256x128xf32, #tpu.memory_space<vmem>>) dst(%dma_wait3A_26 : memref<256x128xf32, #tpu.memory_space<hbm>>)
      tpu.yield
    }) : () -> ()
    return
  }
}

#map = affine_map<(d0, d1) -> (0, 0)>
#map1 = affine_map<(d0, d1) -> (0)>
module attributes {stable_mosaic.version = 14 : i64} {
  func.func @_embed_gather(%arg0: i32, %arg1: i32, %arg2: memref<100000x128xf32, #tpu.memory_space<hbm>>, %arg3: memref<98304xi32, #tpu.memory_space<hbm>>, %arg4: memref<98304x128xf32, #tpu.memory_space<hbm>>, %arg5: memref<3072xi32, #tpu.memory_space<vmem>>, %arg6: memref<256x128xf32, #tpu.memory_space<vmem>>, %arg7: memref<256x128xf32, #tpu.memory_space<vmem>>, %arg8: memref<!tpu.dma_semaphore, #tpu.memory_space<semaphore_mem>>, %arg9: memref<!tpu.dma_semaphore, #tpu.memory_space<semaphore_mem>>) attributes {dimension_semantics = [#tpu.dimension_semantics<core_parallel>, #tpu.dimension_semantics<subcore_parallel>], iteration_bounds = array<i64: 2, 16>, scalar_prefetch = 0 : i64, scratch_operands = 5 : i64, tpu.core_type = #tpu.core_type<sc_vector_subcore>, window_params = [{transform_indices = #map}, {transform_indices = #map1}, {transform_indices = #map}]} {
    %mul3A = arith.constant 2 : i32
    %mul3A_0 = arith.muli %arg1, %mul3A : i32
    %add3A = arith.addi %mul3A_0, %arg0 : i32
    %mul3A_1 = arith.constant 3072 : i32
    %mul3A_2 = arith.muli %add3A, %mul3A_1 : i32
    "tpu.region"() ({
      %run_scoped3A = tpu.sem_alloc : memref<!tpu.dma_semaphore, #tpu.memory_space<semaphore_mem>>
      %dma_start3A_12 = tpu.memref_slice %arg3[%mul3A_2] : memref<98304xi32, #tpu.memory_space<hbm>> -> memref<3072xi32, #tpu.memory_space<hbm>>
      %dma_start3A_13 = tpu.memref_slice %arg3[%mul3A_2] : memref<98304xi32, #tpu.memory_space<hbm>> -> memref<3072xi32, #tpu.memory_space<hbm>>
      tpu.enqueue_dma source(%dma_start3A_13 : memref<3072xi32, #tpu.memory_space<hbm>>) target(%arg5 : memref<3072xi32, #tpu.memory_space<vmem>>) target_semaphore(%run_scoped3A : memref<!tpu.dma_semaphore, #tpu.memory_space<semaphore_mem>>)
      %dma_wait3A = tpu.memref_slice %arg3[%mul3A_2] : memref<98304xi32, #tpu.memory_space<hbm>> -> memref<3072xi32, #tpu.memory_space<hbm>>
      %dma_wait3A_14 = tpu.memref_slice %arg3[%mul3A_2] : memref<98304xi32, #tpu.memory_space<hbm>> -> memref<3072xi32, #tpu.memory_space<hbm>>
      tpu.wait_dma2 semaphore(%run_scoped3A : memref<!tpu.dma_semaphore, #tpu.memory_space<semaphore_mem>>) src(%dma_wait3A_14 : memref<3072xi32, #tpu.memory_space<hbm>>) dst(%arg5 : memref<3072xi32, #tpu.memory_space<vmem>>)
      tpu.yield
    }) : () -> ()
    %dma_start3A = arith.constant 0 : i32
    %dma_start3A_3 = tpu.memref_slice %arg5[%dma_start3A] : memref<3072xi32, #tpu.memory_space<vmem>> -> memref<256xi32, #tpu.memory_space<vmem>>
    %dma_start3A_4 = arith.constant 0 : i32
    %dma_start3A_5 = arith.constant 0 : i32
    %dma_start3A_6 = tpu.memref_slice %arg2[%dma_start3A_4, %dma_start3A_5] : memref<100000x128xf32, #tpu.memory_space<hbm>> -> memref<100000x128xf32, #tpu.memory_space<hbm>>
    tpu.enqueue_indirect_dma source(%dma_start3A_6 : memref<100000x128xf32, #tpu.memory_space<hbm>>) target(%arg6 : memref<256x128xf32, #tpu.memory_space<vmem>>) offsets(%dma_start3A_3 : memref<256xi32, #tpu.memory_space<vmem>>) semaphore(%arg8 : memref<!tpu.dma_semaphore, #tpu.memory_space<semaphore_mem>>)
    %scan3A = arith.constant 0 : i32
    %scan3A_7 = arith.constant 0 : i32
    %scan3A_8 = arith.constant 6 : i32
    %scan3A_9 = arith.addi %scan3A_7, %scan3A_8 : i32
    %scan3A_10 = arith.constant 1 : i32
    scf.for %scan3A_12 = %scan3A_7 to %scan3A_9 step %scan3A_10  : i32 {
      %mul3A_13 = arith.constant 2 : i32
      %mul3A_14 = arith.muli %mul3A_13, %scan3A_12 : i32
      %dma_wait3A = arith.constant 0 : i32
      %dma_wait3A_15 = arith.constant 0 : i32
      %dma_wait3A_16 = tpu.memref_slice %arg2[%dma_wait3A, %dma_wait3A_15] : memref<100000x128xf32, #tpu.memory_space<hbm>> -> memref<256x128xf32, #tpu.memory_space<hbm>>
      %dma_wait3A_17 = arith.constant 0 : i32
      %dma_wait3A_18 = arith.constant 0 : i32
      %dma_wait3A_19 = tpu.memref_slice %arg2[%dma_wait3A_17, %dma_wait3A_18] : memref<100000x128xf32, #tpu.memory_space<hbm>> -> memref<256x128xf32, #tpu.memory_space<hbm>>
      tpu.wait_dma2 semaphore(%arg8 : memref<!tpu.dma_semaphore, #tpu.memory_space<semaphore_mem>>) src(%dma_wait3A_19 : memref<256x128xf32, #tpu.memory_space<hbm>>) dst(%arg6 : memref<256x128xf32, #tpu.memory_space<vmem>>)
      %add3A_20 = arith.constant 1 : i32
      %add3A_21 = arith.addi %mul3A_14, %add3A_20 : i32
      %mul3A_22 = arith.constant 256 : i32
      %mul3A_23 = arith.muli %add3A_21, %mul3A_22 : i32
      %dma_start3A_24 = tpu.memref_slice %arg5[%mul3A_23] : memref<3072xi32, #tpu.memory_space<vmem>> -> memref<256xi32, #tpu.memory_space<vmem>>
      %dma_start3A_25 = arith.constant 0 : i32
      %dma_start3A_26 = arith.constant 0 : i32
      %dma_start3A_27 = tpu.memref_slice %arg2[%dma_start3A_25, %dma_start3A_26] : memref<100000x128xf32, #tpu.memory_space<hbm>> -> memref<100000x128xf32, #tpu.memory_space<hbm>>
      tpu.enqueue_indirect_dma source(%dma_start3A_27 : memref<100000x128xf32, #tpu.memory_space<hbm>>) target(%arg7 : memref<256x128xf32, #tpu.memory_space<vmem>>) offsets(%dma_start3A_24 : memref<256xi32, #tpu.memory_space<vmem>>) semaphore(%arg9 : memref<!tpu.dma_semaphore, #tpu.memory_space<semaphore_mem>>)
      %mul3A_28 = arith.constant 256 : i32
      %mul3A_29 = arith.muli %mul3A_14, %mul3A_28 : i32
      %add3A_30 = arith.addi %mul3A_2, %mul3A_29 : i32
      "tpu.region"() ({
        %run_scoped3A = tpu.sem_alloc : memref<!tpu.dma_semaphore, #tpu.memory_space<semaphore_mem>>
        %dma_start3A_46 = arith.constant 0 : i32
        %dma_start3A_47 = tpu.memref_slice %arg4[%add3A_30, %dma_start3A_46] : memref<98304x128xf32, #tpu.memory_space<hbm>> -> memref<256x128xf32, #tpu.memory_space<hbm>>
        %dma_start3A_48 = arith.constant 0 : i32
        %dma_start3A_49 = tpu.memref_slice %arg4[%add3A_30, %dma_start3A_48] : memref<98304x128xf32, #tpu.memory_space<hbm>> -> memref<256x128xf32, #tpu.memory_space<hbm>>
        tpu.enqueue_dma source(%arg6 : memref<256x128xf32, #tpu.memory_space<vmem>>) target(%dma_start3A_49 : memref<256x128xf32, #tpu.memory_space<hbm>>) target_semaphore(%run_scoped3A : memref<!tpu.dma_semaphore, #tpu.memory_space<semaphore_mem>>)
        %dma_wait3A_50 = arith.constant 0 : i32
        %dma_wait3A_51 = tpu.memref_slice %arg4[%add3A_30, %dma_wait3A_50] : memref<98304x128xf32, #tpu.memory_space<hbm>> -> memref<256x128xf32, #tpu.memory_space<hbm>>
        %dma_wait3A_52 = arith.constant 0 : i32
        %dma_wait3A_53 = tpu.memref_slice %arg4[%add3A_30, %dma_wait3A_52] : memref<98304x128xf32, #tpu.memory_space<hbm>> -> memref<256x128xf32, #tpu.memory_space<hbm>>
        tpu.wait_dma2 semaphore(%run_scoped3A : memref<!tpu.dma_semaphore, #tpu.memory_space<semaphore_mem>>) src(%arg6 : memref<256x128xf32, #tpu.memory_space<vmem>>) dst(%dma_wait3A_53 : memref<256x128xf32, #tpu.memory_space<hbm>>)
        tpu.yield
      }) : () -> ()
      %dma_wait3A_31 = arith.constant 0 : i32
      %dma_wait3A_32 = arith.constant 0 : i32
      %dma_wait3A_33 = tpu.memref_slice %arg2[%dma_wait3A_31, %dma_wait3A_32] : memref<100000x128xf32, #tpu.memory_space<hbm>> -> memref<256x128xf32, #tpu.memory_space<hbm>>
      %dma_wait3A_34 = arith.constant 0 : i32
      %dma_wait3A_35 = arith.constant 0 : i32
      %dma_wait3A_36 = tpu.memref_slice %arg2[%dma_wait3A_34, %dma_wait3A_35] : memref<100000x128xf32, #tpu.memory_space<hbm>> -> memref<256x128xf32, #tpu.memory_space<hbm>>
      tpu.wait_dma2 semaphore(%arg9 : memref<!tpu.dma_semaphore, #tpu.memory_space<semaphore_mem>>) src(%dma_wait3A_36 : memref<256x128xf32, #tpu.memory_space<hbm>>) dst(%arg7 : memref<256x128xf32, #tpu.memory_space<vmem>>)
      %add3A_37 = arith.constant 2 : i32
      %add3A_38 = arith.addi %mul3A_14, %add3A_37 : i32
      %lt3A = arith.constant 12 : i32
      %lt3A_39 = arith.cmpi slt, %add3A_38, %lt3A : i32
      %convert_element_type3A = arith.extui %lt3A_39 : i1 to i32
      %cond3A = arith.constant 0 : i32
      %cond3A_40 = arith.cmpi ne, %convert_element_type3A, %cond3A : i32
      scf.if %cond3A_40 {
        %add3A_46 = arith.constant 2 : i32
        %add3A_47 = arith.addi %mul3A_14, %add3A_46 : i32
        %mul3A_48 = arith.constant 256 : i32
        %mul3A_49 = arith.muli %add3A_47, %mul3A_48 : i32
        %dma_start3A_50 = tpu.memref_slice %arg5[%mul3A_49] : memref<3072xi32, #tpu.memory_space<vmem>> -> memref<256xi32, #tpu.memory_space<vmem>>
        %dma_start3A_51 = arith.constant 0 : i32
        %dma_start3A_52 = arith.constant 0 : i32
        %dma_start3A_53 = tpu.memref_slice %arg2[%dma_start3A_51, %dma_start3A_52] : memref<100000x128xf32, #tpu.memory_space<hbm>> -> memref<100000x128xf32, #tpu.memory_space<hbm>>
        tpu.enqueue_indirect_dma source(%dma_start3A_53 : memref<100000x128xf32, #tpu.memory_space<hbm>>) target(%arg6 : memref<256x128xf32, #tpu.memory_space<vmem>>) offsets(%dma_start3A_50 : memref<256xi32, #tpu.memory_space<vmem>>) semaphore(%arg8 : memref<!tpu.dma_semaphore, #tpu.memory_space<semaphore_mem>>)
      } else {
      }
      %add3A_41 = arith.constant 1 : i32
      %add3A_42 = arith.addi %mul3A_14, %add3A_41 : i32
      %mul3A_43 = arith.constant 256 : i32
      %mul3A_44 = arith.muli %add3A_42, %mul3A_43 : i32
      %add3A_45 = arith.addi %mul3A_2, %mul3A_44 : i32
      "tpu.region"() ({
        %run_scoped3A = tpu.sem_alloc : memref<!tpu.dma_semaphore, #tpu.memory_space<semaphore_mem>>
        %dma_start3A_46 = arith.constant 0 : i32
        %dma_start3A_47 = tpu.memref_slice %arg4[%add3A_45, %dma_start3A_46] : memref<98304x128xf32, #tpu.memory_space<hbm>> -> memref<256x128xf32, #tpu.memory_space<hbm>>
        %dma_start3A_48 = arith.constant 0 : i32
        %dma_start3A_49 = tpu.memref_slice %arg4[%add3A_45, %dma_start3A_48] : memref<98304x128xf32, #tpu.memory_space<hbm>> -> memref<256x128xf32, #tpu.memory_space<hbm>>
        tpu.enqueue_dma source(%arg7 : memref<256x128xf32, #tpu.memory_space<vmem>>) target(%dma_start3A_49 : memref<256x128xf32, #tpu.memory_space<hbm>>) target_semaphore(%run_scoped3A : memref<!tpu.dma_semaphore, #tpu.memory_space<semaphore_mem>>)
        %dma_wait3A_50 = arith.constant 0 : i32
        %dma_wait3A_51 = tpu.memref_slice %arg4[%add3A_45, %dma_wait3A_50] : memref<98304x128xf32, #tpu.memory_space<hbm>> -> memref<256x128xf32, #tpu.memory_space<hbm>>
        %dma_wait3A_52 = arith.constant 0 : i32
        %dma_wait3A_53 = tpu.memref_slice %arg4[%add3A_45, %dma_wait3A_52] : memref<98304x128xf32, #tpu.memory_space<hbm>> -> memref<256x128xf32, #tpu.memory_space<hbm>>
        tpu.wait_dma2 semaphore(%run_scoped3A : memref<!tpu.dma_semaphore, #tpu.memory_space<semaphore_mem>>) src(%arg7 : memref<256x128xf32, #tpu.memory_space<vmem>>) dst(%dma_wait3A_53 : memref<256x128xf32, #tpu.memory_space<hbm>>)
        tpu.yield
      }) : () -> ()
    }
    %scan3A_11 = arith.constant 6 : i32
    return
  }
}

module attributes {stable_mosaic.version = 14 : i64} {
  func.func @_lstm_body(%arg0: i32, %arg1: memref<4x1024x128xf32, #tpu.memory_space<any>>, %arg2: memref<8x1024x128xf32, #tpu.memory_space<vmem>>, %arg3: memref<8x1024x128xf32, #tpu.memory_space<vmem>>, %arg4: memref<256x512xf32, #tpu.memory_space<vmem>>, %arg5: memref<256x512xf32, #tpu.memory_space<vmem>>, %arg6: memref<1x512xf32, #tpu.memory_space<vmem>>, %arg7: memref<1x512xf32, #tpu.memory_space<vmem>>, %arg8: memref<128x128xf32, #tpu.memory_space<vmem>>, %arg9: memref<128x128xf32, #tpu.memory_space<vmem>>, %arg10: memref<1x1xf32, #tpu.memory_space<smem>>, %arg11: memref<1024x128xf32, #tpu.memory_space<vmem>>, %arg12: memref<4x1024x128xf32, #tpu.memory_space<vmem>>, %arg13: memref<!tpu.dma_semaphore, #tpu.memory_space<semaphore_mem>>) attributes {dimension_semantics = [#tpu.dimension_semantics<arbitrary>], iteration_bounds = array<i64: 6>, scalar_prefetch = 0 : i64, scratch_operands = 1 : i64, tpu.core_type = #tpu.core_type<tc>, window_params = [{}, {transform_indices = @transform_1, window_bounds = array<i64: 8, 1024, 128>}, {transform_indices = @transform_2, window_bounds = array<i64: 8, 1024, 128>}, {pipeline_mode = #tpu.pipeline_mode<synchronous>, transform_indices = @transform_3, window_bounds = array<i64: 256, 512>}, {pipeline_mode = #tpu.pipeline_mode<synchronous>, transform_indices = @transform_4, window_bounds = array<i64: 256, 512>}, {pipeline_mode = #tpu.pipeline_mode<synchronous>, transform_indices = @transform_5, window_bounds = array<i64: 1, 512>}, {pipeline_mode = #tpu.pipeline_mode<synchronous>, transform_indices = @transform_6, window_bounds = array<i64: 1, 512>}, {pipeline_mode = #tpu.pipeline_mode<synchronous>, transform_indices = @transform_7, window_bounds = array<i64: 128, 128>}, {pipeline_mode = #tpu.pipeline_mode<synchronous>, transform_indices = @transform_8, window_bounds = array<i64: 128, 128>}, {transform_indices = @transform_9, window_bounds = array<i64: 1, 1>}, {pipeline_mode = #tpu.pipeline_mode<synchronous>, transform_indices = @transform_10, window_bounds = array<i64: 1024, 128>}, {pipeline_mode = #tpu.pipeline_mode<synchronous>, transform_indices = @transform_11, window_bounds = array<i64: 4, 1024, 128>}]} {
    %eq3A = arith.constant 0 : i32
    %eq3A_0 = arith.cmpi eq, %arg0, %eq3A : i32
    %convert_element_type3A = arith.extui %eq3A_0 : i1 to i32
    %cond3A = arith.constant 0 : i32
    %cond3A_1 = arith.cmpi ne, %convert_element_type3A, %cond3A : i32
    scf.if %cond3A_1 {
      %dma_start3A = arith.constant 0 : i32
      %dma_start3A_714 = arith.constant 0 : i32
      %dma_start3A_715 = arith.constant 0 : i32
      %dma_start3A_716 = arith.constant 0 : i32
      %dma_start3A_717 = tpu.memref_slice %arg12[%dma_start3A_714, %dma_start3A_715, %dma_start3A_716] : memref<4x1024x128xf32, #tpu.memory_space<vmem>> -> memref<1x1024x128xf32, #tpu.memory_space<vmem>>
      %dma_start3A_718 = tpu.memref_squeeze %dma_start3A_717 : memref<1x1024x128xf32, #tpu.memory_space<vmem>> -> memref<1024x128xf32, #tpu.memory_space<vmem>>
      %dma_start3A_719 = arith.constant 0 : i32
      %dma_start3A_720 = arith.constant 0 : i32
      %dma_start3A_721 = tpu.memref_slice %arg1[%dma_start3A, %dma_start3A_719, %dma_start3A_720] : memref<4x1024x128xf32, #tpu.memory_space<any>> -> memref<1x1024x128xf32, #tpu.memory_space<any>>
      %dma_start3A_722 = tpu.memref_squeeze %dma_start3A_721 : memref<1x1024x128xf32, #tpu.memory_space<any>> -> memref<1024x128xf32, #tpu.memory_space<any>>
      tpu.enqueue_dma source(%dma_start3A_722 : memref<1024x128xf32, #tpu.memory_space<any>>) target(%dma_start3A_718 : memref<1024x128xf32, #tpu.memory_space<vmem>>) target_semaphore(%arg13 : memref<!tpu.dma_semaphore, #tpu.memory_space<semaphore_mem>>)
      %dma_start3A_723 = arith.constant 1 : i32
      %dma_start3A_724 = arith.constant 1 : i32
      %dma_start3A_725 = arith.constant 0 : i32
      %dma_start3A_726 = arith.constant 0 : i32
      %dma_start3A_727 = tpu.memref_slice %arg12[%dma_start3A_724, %dma_start3A_725, %dma_start3A_726] : memref<4x1024x128xf32, #tpu.memory_space<vmem>> -> memref<1x1024x128xf32, #tpu.memory_space<vmem>>
      %dma_start3A_728 = tpu.memref_squeeze %dma_start3A_727 : memref<1x1024x128xf32, #tpu.memory_space<vmem>> -> memref<1024x128xf32, #tpu.memory_space<vmem>>
      %dma_start3A_729 = arith.constant 0 : i32
      %dma_start3A_730 = arith.constant 0 : i32
      %dma_start3A_731 = tpu.memref_slice %arg1[%dma_start3A_723, %dma_start3A_729, %dma_start3A_730] : memref<4x1024x128xf32, #tpu.memory_space<any>> -> memref<1x1024x128xf32, #tpu.memory_space<any>>
      %dma_start3A_732 = tpu.memref_squeeze %dma_start3A_731 : memref<1x1024x128xf32, #tpu.memory_space<any>> -> memref<1024x128xf32, #tpu.memory_space<any>>
      tpu.enqueue_dma source(%dma_start3A_732 : memref<1024x128xf32, #tpu.memory_space<any>>) target(%dma_start3A_728 : memref<1024x128xf32, #tpu.memory_space<vmem>>) target_semaphore(%arg13 : memref<!tpu.dma_semaphore, #tpu.memory_space<semaphore_mem>>)
      %dma_start3A_733 = arith.constant 2 : i32
      %dma_start3A_734 = arith.constant 2 : i32
      %dma_start3A_735 = arith.constant 0 : i32
      %dma_start3A_736 = arith.constant 0 : i32
      %dma_start3A_737 = tpu.memref_slice %arg12[%dma_start3A_734, %dma_start3A_735, %dma_start3A_736] : memref<4x1024x128xf32, #tpu.memory_space<vmem>> -> memref<1x1024x128xf32, #tpu.memory_space<vmem>>
      %dma_start3A_738 = tpu.memref_squeeze %dma_start3A_737 : memref<1x1024x128xf32, #tpu.memory_space<vmem>> -> memref<1024x128xf32, #tpu.memory_space<vmem>>
      %dma_start3A_739 = arith.constant 0 : i32
      %dma_start3A_740 = arith.constant 0 : i32
      %dma_start3A_741 = tpu.memref_slice %arg1[%dma_start3A_733, %dma_start3A_739, %dma_start3A_740] : memref<4x1024x128xf32, #tpu.memory_space<any>> -> memref<1x1024x128xf32, #tpu.memory_space<any>>
      %dma_start3A_742 = tpu.memref_squeeze %dma_start3A_741 : memref<1x1024x128xf32, #tpu.memory_space<any>> -> memref<1024x128xf32, #tpu.memory_space<any>>
      tpu.enqueue_dma source(%dma_start3A_742 : memref<1024x128xf32, #tpu.memory_space<any>>) target(%dma_start3A_738 : memref<1024x128xf32, #tpu.memory_space<vmem>>) target_semaphore(%arg13 : memref<!tpu.dma_semaphore, #tpu.memory_space<semaphore_mem>>)
      %dma_start3A_743 = arith.constant 3 : i32
      %dma_start3A_744 = arith.constant 3 : i32
      %dma_start3A_745 = arith.constant 0 : i32
      %dma_start3A_746 = arith.constant 0 : i32
      %dma_start3A_747 = tpu.memref_slice %arg12[%dma_start3A_744, %dma_start3A_745, %dma_start3A_746] : memref<4x1024x128xf32, #tpu.memory_space<vmem>> -> memref<1x1024x128xf32, #tpu.memory_space<vmem>>
      %dma_start3A_748 = tpu.memref_squeeze %dma_start3A_747 : memref<1x1024x128xf32, #tpu.memory_space<vmem>> -> memref<1024x128xf32, #tpu.memory_space<vmem>>
      %dma_start3A_749 = arith.constant 0 : i32
      %dma_start3A_750 = arith.constant 0 : i32
      %dma_start3A_751 = tpu.memref_slice %arg1[%dma_start3A_743, %dma_start3A_749, %dma_start3A_750] : memref<4x1024x128xf32, #tpu.memory_space<any>> -> memref<1x1024x128xf32, #tpu.memory_space<any>>
      %dma_start3A_752 = tpu.memref_squeeze %dma_start3A_751 : memref<1x1024x128xf32, #tpu.memory_space<any>> -> memref<1024x128xf32, #tpu.memory_space<any>>
      tpu.enqueue_dma source(%dma_start3A_752 : memref<1024x128xf32, #tpu.memory_space<any>>) target(%dma_start3A_748 : memref<1024x128xf32, #tpu.memory_space<vmem>>) target_semaphore(%arg13 : memref<!tpu.dma_semaphore, #tpu.memory_space<semaphore_mem>>)
      %dma_wait3A = arith.constant 0 : i32
      %dma_wait3A_753 = arith.constant 0 : i32
      %dma_wait3A_754 = arith.constant 0 : i32
      %dma_wait3A_755 = arith.constant 0 : i32
      %dma_wait3A_756 = tpu.memref_slice %arg12[%dma_wait3A_753, %dma_wait3A_754, %dma_wait3A_755] : memref<4x1024x128xf32, #tpu.memory_space<vmem>> -> memref<1x1024x128xf32, #tpu.memory_space<vmem>>
      %dma_wait3A_757 = tpu.memref_squeeze %dma_wait3A_756 : memref<1x1024x128xf32, #tpu.memory_space<vmem>> -> memref<1024x128xf32, #tpu.memory_space<vmem>>
      %dma_wait3A_758 = arith.constant 0 : i32
      %dma_wait3A_759 = arith.constant 0 : i32
      %dma_wait3A_760 = tpu.memref_slice %arg1[%dma_wait3A, %dma_wait3A_758, %dma_wait3A_759] : memref<4x1024x128xf32, #tpu.memory_space<any>> -> memref<1x1024x128xf32, #tpu.memory_space<any>>
      %dma_wait3A_761 = tpu.memref_squeeze %dma_wait3A_760 : memref<1x1024x128xf32, #tpu.memory_space<any>> -> memref<1024x128xf32, #tpu.memory_space<any>>
      tpu.wait_dma2 semaphore(%arg13 : memref<!tpu.dma_semaphore, #tpu.memory_space<semaphore_mem>>) src(%dma_wait3A_761 : memref<1024x128xf32, #tpu.memory_space<any>>) dst(%dma_wait3A_757 : memref<1024x128xf32, #tpu.memory_space<vmem>>)
      %dma_wait3A_762 = arith.constant 1 : i32
      %dma_wait3A_763 = arith.constant 1 : i32
      %dma_wait3A_764 = arith.constant 0 : i32
      %dma_wait3A_765 = arith.constant 0 : i32
      %dma_wait3A_766 = tpu.memref_slice %arg12[%dma_wait3A_763, %dma_wait3A_764, %dma_wait3A_765] : memref<4x1024x128xf32, #tpu.memory_space<vmem>> -> memref<1x1024x128xf32, #tpu.memory_space<vmem>>
      %dma_wait3A_767 = tpu.memref_squeeze %dma_wait3A_766 : memref<1x1024x128xf32, #tpu.memory_space<vmem>> -> memref<1024x128xf32, #tpu.memory_space<vmem>>
      %dma_wait3A_768 = arith.constant 0 : i32
      %dma_wait3A_769 = arith.constant 0 : i32
      %dma_wait3A_770 = tpu.memref_slice %arg1[%dma_wait3A_762, %dma_wait3A_768, %dma_wait3A_769] : memref<4x1024x128xf32, #tpu.memory_space<any>> -> memref<1x1024x128xf32, #tpu.memory_space<any>>
      %dma_wait3A_771 = tpu.memref_squeeze %dma_wait3A_770 : memref<1x1024x128xf32, #tpu.memory_space<any>> -> memref<1024x128xf32, #tpu.memory_space<any>>
      tpu.wait_dma2 semaphore(%arg13 : memref<!tpu.dma_semaphore, #tpu.memory_space<semaphore_mem>>) src(%dma_wait3A_771 : memref<1024x128xf32, #tpu.memory_space<any>>) dst(%dma_wait3A_767 : memref<1024x128xf32, #tpu.memory_space<vmem>>)
      %dma_wait3A_772 = arith.constant 2 : i32
      %dma_wait3A_773 = arith.constant 2 : i32
      %dma_wait3A_774 = arith.constant 0 : i32
      %dma_wait3A_775 = arith.constant 0 : i32
      %dma_wait3A_776 = tpu.memref_slice %arg12[%dma_wait3A_773, %dma_wait3A_774, %dma_wait3A_775] : memref<4x1024x128xf32, #tpu.memory_space<vmem>> -> memref<1x1024x128xf32, #tpu.memory_space<vmem>>
      %dma_wait3A_777 = tpu.memref_squeeze %dma_wait3A_776 : memref<1x1024x128xf32, #tpu.memory_space<vmem>> -> memref<1024x128xf32, #tpu.memory_space<vmem>>
      %dma_wait3A_778 = arith.constant 0 : i32
      %dma_wait3A_779 = arith.constant 0 : i32
      %dma_wait3A_780 = tpu.memref_slice %arg1[%dma_wait3A_772, %dma_wait3A_778, %dma_wait3A_779] : memref<4x1024x128xf32, #tpu.memory_space<any>> -> memref<1x1024x128xf32, #tpu.memory_space<any>>
      %dma_wait3A_781 = tpu.memref_squeeze %dma_wait3A_780 : memref<1x1024x128xf32, #tpu.memory_space<any>> -> memref<1024x128xf32, #tpu.memory_space<any>>
      tpu.wait_dma2 semaphore(%arg13 : memref<!tpu.dma_semaphore, #tpu.memory_space<semaphore_mem>>) src(%dma_wait3A_781 : memref<1024x128xf32, #tpu.memory_space<any>>) dst(%dma_wait3A_777 : memref<1024x128xf32, #tpu.memory_space<vmem>>)
      %dma_wait3A_782 = arith.constant 3 : i32
      %dma_wait3A_783 = arith.constant 3 : i32
      %dma_wait3A_784 = arith.constant 0 : i32
      %dma_wait3A_785 = arith.constant 0 : i32
      %dma_wait3A_786 = tpu.memref_slice %arg12[%dma_wait3A_783, %dma_wait3A_784, %dma_wait3A_785] : memref<4x1024x128xf32, #tpu.memory_space<vmem>> -> memref<1x1024x128xf32, #tpu.memory_space<vmem>>
      %dma_wait3A_787 = tpu.memref_squeeze %dma_wait3A_786 : memref<1x1024x128xf32, #tpu.memory_space<vmem>> -> memref<1024x128xf32, #tpu.memory_space<vmem>>
      %dma_wait3A_788 = arith.constant 0 : i32
      %dma_wait3A_789 = arith.constant 0 : i32
      %dma_wait3A_790 = tpu.memref_slice %arg1[%dma_wait3A_782, %dma_wait3A_788, %dma_wait3A_789] : memref<4x1024x128xf32, #tpu.memory_space<any>> -> memref<1x1024x128xf32, #tpu.memory_space<any>>
      %dma_wait3A_791 = tpu.memref_squeeze %dma_wait3A_790 : memref<1x1024x128xf32, #tpu.memory_space<any>> -> memref<1024x128xf32, #tpu.memory_space<any>>
      tpu.wait_dma2 semaphore(%arg13 : memref<!tpu.dma_semaphore, #tpu.memory_space<semaphore_mem>>) src(%dma_wait3A_791 : memref<1024x128xf32, #tpu.memory_space<any>>) dst(%dma_wait3A_787 : memref<1024x128xf32, #tpu.memory_space<vmem>>)
    } else {
    }
    %get3A = arith.constant 0 : index
    %get3A_2 = arith.constant 0 : index
    %get3A_3 = arith.constant 0 : index
    %get3A_4 = vector.load %arg12[%get3A, %get3A_2, %get3A_3] : memref<4x1024x128xf32, #tpu.memory_space<vmem>>, vector<1x1024x128xf32>
    %get3A_5 = vector.shape_cast %get3A_4 : vector<1x1024x128xf32> to vector<1024x128xf32>
    %get3A_6 = arith.constant 1 : index
    %get3A_7 = arith.constant 0 : index
    %get3A_8 = arith.constant 0 : index
    %get3A_9 = vector.load %arg12[%get3A_6, %get3A_7, %get3A_8] : memref<4x1024x128xf32, #tpu.memory_space<vmem>>, vector<1x1024x128xf32>
    %get3A_10 = vector.shape_cast %get3A_9 : vector<1x1024x128xf32> to vector<1024x128xf32>
    %get3A_11 = arith.constant 2 : index
    %get3A_12 = arith.constant 0 : index
    %get3A_13 = arith.constant 0 : index
    %get3A_14 = vector.load %arg12[%get3A_11, %get3A_12, %get3A_13] : memref<4x1024x128xf32, #tpu.memory_space<vmem>>, vector<1x1024x128xf32>
    %get3A_15 = vector.shape_cast %get3A_14 : vector<1x1024x128xf32> to vector<1024x128xf32>
    %get3A_16 = arith.constant 3 : index
    %get3A_17 = arith.constant 0 : index
    %get3A_18 = arith.constant 0 : index
    %get3A_19 = vector.load %arg12[%get3A_16, %get3A_17, %get3A_18] : memref<4x1024x128xf32, #tpu.memory_space<vmem>>, vector<1x1024x128xf32>
    %get3A_20 = vector.shape_cast %get3A_19 : vector<1x1024x128xf32> to vector<1024x128xf32>
    %get3A_21 = arith.constant 0 : index
    %get3A_22 = arith.constant 0 : index
    %get3A_23 = arith.constant 0 : index
    %get3A_24 = vector.load %arg2[%get3A_21, %get3A_22, %get3A_23] : memref<8x1024x128xf32, #tpu.memory_space<vmem>>, vector<1x1024x128xf32>
    %get3A_25 = vector.shape_cast %get3A_24 : vector<1x1024x128xf32> to vector<1024x128xf32>
    %get3A_26 = arith.constant 0 : index
    %get3A_27 = arith.constant 0 : index
    %get3A_28 = vector.load %arg4[%get3A_26, %get3A_27] : memref<256x512xf32, #tpu.memory_space<vmem>>, vector<256x512xf32>
    %get3A_29 = arith.constant 0 : index
    %get3A_30 = arith.constant 0 : index
    %get3A_31 = vector.load %arg6[%get3A_29, %get3A_30] : memref<1x512xf32, #tpu.memory_space<vmem>>, vector<1x512xf32>
    %concatenate3A = tpu.concatenate %get3A_25, %get3A_5 in 1 : vector<1024x128xf32>, vector<1024x128xf32> -> vector<1024x256xf32>
    %dot_general3A = arith.constant dense<0.000000e+00> : vector<1024x512xf32>
    %dot_general3A_32 = tpu.matmul %concatenate3A, %get3A_28, %dot_general3A {dimension_numbers = #tpu.dot_dimension_numbers<[1], [0], [0], [1], [0, 0, 1, 1], [], []>, transpose_lhs_hint = false} : vector<1024x256xf32>, vector<256x512xf32>, vector<1024x512xf32> -> vector<1024x512xf32>
    %add3A = vector.broadcast %get3A_31 : vector<1x512xf32> to vector<1024x512xf32>
    %add3A_33 = arith.addf %dot_general3A_32, %add3A : vector<1024x512xf32>
    %slice3A = vector.extract_strided_slice %add3A_33 {offsets = [0, 0], sizes = [1024, 128], strides = [1, 1]} : vector<1024x512xf32> to vector<1024x128xf32>
    %tanh3A = math.tanh %slice3A : vector<1024x128xf32>
    %slice3A_34 = vector.extract_strided_slice %add3A_33 {offsets = [0, 128], sizes = [1024, 128], strides = [1, 1]} : vector<1024x512xf32> to vector<1024x128xf32>
    %logistic3A = arith.negf %slice3A_34 : vector<1024x128xf32>
    %logistic3A_35 = math.exp %logistic3A : vector<1024x128xf32>
    %logistic3A_36 = arith.constant 1.000000e+00 : f32
    %logistic3A_37 = vector.broadcast %logistic3A_36 : f32 to vector<1024x128xf32>
    %logistic3A_38 = arith.addf %logistic3A_37, %logistic3A_35 : vector<1024x128xf32>
    %logistic3A_39 = arith.divf %logistic3A_37, %logistic3A_38 : vector<1024x128xf32>
    %slice3A_40 = vector.extract_strided_slice %add3A_33 {offsets = [0, 256], sizes = [1024, 128], strides = [1, 1]} : vector<1024x512xf32> to vector<1024x128xf32>
    %tanh3A_41 = math.tanh %slice3A_40 : vector<1024x128xf32>
    %slice3A_42 = vector.extract_strided_slice %add3A_33 {offsets = [0, 384], sizes = [1024, 128], strides = [1, 1]} : vector<1024x512xf32> to vector<1024x128xf32>
    %tanh3A_43 = math.tanh %slice3A_42 : vector<1024x128xf32>
    %mul3A = arith.mulf %logistic3A_39, %get3A_10 : vector<1024x128xf32>
    %mul3A_44 = arith.mulf %tanh3A, %tanh3A_41 : vector<1024x128xf32>
    %add3A_45 = arith.addf %mul3A_44, %tanh3A_41 : vector<1024x128xf32>
    %mul3A_46 = arith.constant 5.000000e-01 : f32
    %mul3A_47 = vector.broadcast %mul3A_46 : f32 to vector<1024x128xf32>
    %mul3A_48 = arith.mulf %mul3A_47, %add3A_45 : vector<1024x128xf32>
    %add3A_49 = arith.addf %mul3A, %mul3A_48 : vector<1024x128xf32>
    %tanh3A_50 = math.tanh %add3A_49 : vector<1024x128xf32>
    %mul3A_51 = arith.mulf %tanh3A_43, %tanh3A_50 : vector<1024x128xf32>
    %add3A_52 = arith.addf %mul3A_51, %tanh3A_50 : vector<1024x128xf32>
    %mul3A_53 = arith.constant 5.000000e-01 : f32
    %mul3A_54 = vector.broadcast %mul3A_53 : f32 to vector<1024x128xf32>
    %mul3A_55 = arith.mulf %mul3A_54, %add3A_52 : vector<1024x128xf32>
    %get3A_56 = arith.constant 7 : index
    %get3A_57 = arith.constant 0 : index
    %get3A_58 = arith.constant 0 : index
    %get3A_59 = vector.load %arg3[%get3A_56, %get3A_57, %get3A_58] : memref<8x1024x128xf32, #tpu.memory_space<vmem>>, vector<1x1024x128xf32>
    %get3A_60 = vector.shape_cast %get3A_59 : vector<1x1024x128xf32> to vector<1024x128xf32>
    %get3A_61 = arith.constant 0 : index
    %get3A_62 = arith.constant 0 : index
    %get3A_63 = vector.load %arg5[%get3A_61, %get3A_62] : memref<256x512xf32, #tpu.memory_space<vmem>>, vector<256x512xf32>
    %get3A_64 = arith.constant 0 : index
    %get3A_65 = arith.constant 0 : index
    %get3A_66 = vector.load %arg7[%get3A_64, %get3A_65] : memref<1x512xf32, #tpu.memory_space<vmem>>, vector<1x512xf32>
    %concatenate3A_67 = tpu.concatenate %get3A_60, %get3A_15 in 1 : vector<1024x128xf32>, vector<1024x128xf32> -> vector<1024x256xf32>
    %dot_general3A_68 = arith.constant dense<0.000000e+00> : vector<1024x512xf32>
    %dot_general3A_69 = tpu.matmul %concatenate3A_67, %get3A_63, %dot_general3A_68 {dimension_numbers = #tpu.dot_dimension_numbers<[1], [0], [0], [1], [0, 0, 1, 1], [], []>, transpose_lhs_hint = false} : vector<1024x256xf32>, vector<256x512xf32>, vector<1024x512xf32> -> vector<1024x512xf32>
    %add3A_70 = vector.broadcast %get3A_66 : vector<1x512xf32> to vector<1024x512xf32>
    %add3A_71 = arith.addf %dot_general3A_69, %add3A_70 : vector<1024x512xf32>
    %slice3A_72 = vector.extract_strided_slice %add3A_71 {offsets = [0, 0], sizes = [1024, 128], strides = [1, 1]} : vector<1024x512xf32> to vector<1024x128xf32>
    %tanh3A_73 = math.tanh %slice3A_72 : vector<1024x128xf32>
    %slice3A_74 = vector.extract_strided_slice %add3A_71 {offsets = [0, 128], sizes = [1024, 128], strides = [1, 1]} : vector<1024x512xf32> to vector<1024x128xf32>
    %logistic3A_75 = arith.negf %slice3A_74 : vector<1024x128xf32>
    %logistic3A_76 = math.exp %logistic3A_75 : vector<1024x128xf32>
    %logistic3A_77 = arith.constant 1.000000e+00 : f32
    %logistic3A_78 = vector.broadcast %logistic3A_77 : f32 to vector<1024x128xf32>
    %logistic3A_79 = arith.addf %logistic3A_78, %logistic3A_76 : vector<1024x128xf32>
    %logistic3A_80 = arith.divf %logistic3A_78, %logistic3A_79 : vector<1024x128xf32>
    %slice3A_81 = vector.extract_strided_slice %add3A_71 {offsets = [0, 256], sizes = [1024, 128], strides = [1, 1]} : vector<1024x512xf32> to vector<1024x128xf32>
    %tanh3A_82 = math.tanh %slice3A_81 : vector<1024x128xf32>
    %slice3A_83 = vector.extract_strided_slice %add3A_71 {offsets = [0, 384], sizes = [1024, 128], strides = [1, 1]} : vector<1024x512xf32> to vector<1024x128xf32>
    %tanh3A_84 = math.tanh %slice3A_83 : vector<1024x128xf32>
    %mul3A_85 = arith.mulf %logistic3A_80, %get3A_20 : vector<1024x128xf32>
    %mul3A_86 = arith.mulf %tanh3A_73, %tanh3A_82 : vector<1024x128xf32>
    %add3A_87 = arith.addf %mul3A_86, %tanh3A_82 : vector<1024x128xf32>
    %mul3A_88 = arith.constant 5.000000e-01 : f32
    %mul3A_89 = vector.broadcast %mul3A_88 : f32 to vector<1024x128xf32>
    %mul3A_90 = arith.mulf %mul3A_89, %add3A_87 : vector<1024x128xf32>
    %add3A_91 = arith.addf %mul3A_85, %mul3A_90 : vector<1024x128xf32>
    %tanh3A_92 = math.tanh %add3A_91 : vector<1024x128xf32>
    %mul3A_93 = arith.mulf %tanh3A_84, %tanh3A_92 : vector<1024x128xf32>
    %add3A_94 = arith.addf %mul3A_93, %tanh3A_92 : vector<1024x128xf32>
    %mul3A_95 = arith.constant 5.000000e-01 : f32
    %mul3A_96 = vector.broadcast %mul3A_95 : f32 to vector<1024x128xf32>
    %mul3A_97 = arith.mulf %mul3A_96, %add3A_94 : vector<1024x128xf32>
    %get3A_98 = arith.constant 1 : index
    %get3A_99 = arith.constant 0 : index
    %get3A_100 = arith.constant 0 : index
    %get3A_101 = vector.load %arg2[%get3A_98, %get3A_99, %get3A_100] : memref<8x1024x128xf32, #tpu.memory_space<vmem>>, vector<1x1024x128xf32>
    %get3A_102 = vector.shape_cast %get3A_101 : vector<1x1024x128xf32> to vector<1024x128xf32>
    %get3A_103 = arith.constant 0 : index
    %get3A_104 = arith.constant 0 : index
    %get3A_105 = vector.load %arg4[%get3A_103, %get3A_104] : memref<256x512xf32, #tpu.memory_space<vmem>>, vector<256x512xf32>
    %get3A_106 = arith.constant 0 : index
    %get3A_107 = arith.constant 0 : index
    %get3A_108 = vector.load %arg6[%get3A_106, %get3A_107] : memref<1x512xf32, #tpu.memory_space<vmem>>, vector<1x512xf32>
    %concatenate3A_109 = tpu.concatenate %get3A_102, %mul3A_55 in 1 : vector<1024x128xf32>, vector<1024x128xf32> -> vector<1024x256xf32>
    %dot_general3A_110 = arith.constant dense<0.000000e+00> : vector<1024x512xf32>
    %dot_general3A_111 = tpu.matmul %concatenate3A_109, %get3A_105, %dot_general3A_110 {dimension_numbers = #tpu.dot_dimension_numbers<[1], [0], [0], [1], [0, 0, 1, 1], [], []>, transpose_lhs_hint = false} : vector<1024x256xf32>, vector<256x512xf32>, vector<1024x512xf32> -> vector<1024x512xf32>
    %add3A_112 = vector.broadcast %get3A_108 : vector<1x512xf32> to vector<1024x512xf32>
    %add3A_113 = arith.addf %dot_general3A_111, %add3A_112 : vector<1024x512xf32>
    %slice3A_114 = vector.extract_strided_slice %add3A_113 {offsets = [0, 0], sizes = [1024, 128], strides = [1, 1]} : vector<1024x512xf32> to vector<1024x128xf32>
    %tanh3A_115 = math.tanh %slice3A_114 : vector<1024x128xf32>
    %slice3A_116 = vector.extract_strided_slice %add3A_113 {offsets = [0, 128], sizes = [1024, 128], strides = [1, 1]} : vector<1024x512xf32> to vector<1024x128xf32>
    %logistic3A_117 = arith.negf %slice3A_116 : vector<1024x128xf32>
    %logistic3A_118 = math.exp %logistic3A_117 : vector<1024x128xf32>
    %logistic3A_119 = arith.constant 1.000000e+00 : f32
    %logistic3A_120 = vector.broadcast %logistic3A_119 : f32 to vector<1024x128xf32>
    %logistic3A_121 = arith.addf %logistic3A_120, %logistic3A_118 : vector<1024x128xf32>
    %logistic3A_122 = arith.divf %logistic3A_120, %logistic3A_121 : vector<1024x128xf32>
    %slice3A_123 = vector.extract_strided_slice %add3A_113 {offsets = [0, 256], sizes = [1024, 128], strides = [1, 1]} : vector<1024x512xf32> to vector<1024x128xf32>
    %tanh3A_124 = math.tanh %slice3A_123 : vector<1024x128xf32>
    %slice3A_125 = vector.extract_strided_slice %add3A_113 {offsets = [0, 384], sizes = [1024, 128], strides = [1, 1]} : vector<1024x512xf32> to vector<1024x128xf32>
    %tanh3A_126 = math.tanh %slice3A_125 : vector<1024x128xf32>
    %mul3A_127 = arith.mulf %logistic3A_122, %add3A_49 : vector<1024x128xf32>
    %mul3A_128 = arith.mulf %tanh3A_115, %tanh3A_124 : vector<1024x128xf32>
    %add3A_129 = arith.addf %mul3A_128, %tanh3A_124 : vector<1024x128xf32>
    %mul3A_130 = arith.constant 5.000000e-01 : f32
    %mul3A_131 = vector.broadcast %mul3A_130 : f32 to vector<1024x128xf32>
    %mul3A_132 = arith.mulf %mul3A_131, %add3A_129 : vector<1024x128xf32>
    %add3A_133 = arith.addf %mul3A_127, %mul3A_132 : vector<1024x128xf32>
    %tanh3A_134 = math.tanh %add3A_133 : vector<1024x128xf32>
    %mul3A_135 = arith.mulf %tanh3A_126, %tanh3A_134 : vector<1024x128xf32>
    %add3A_136 = arith.addf %mul3A_135, %tanh3A_134 : vector<1024x128xf32>
    %mul3A_137 = arith.constant 5.000000e-01 : f32
    %mul3A_138 = vector.broadcast %mul3A_137 : f32 to vector<1024x128xf32>
    %mul3A_139 = arith.mulf %mul3A_138, %add3A_136 : vector<1024x128xf32>
    %get3A_140 = arith.constant 6 : index
    %get3A_141 = arith.constant 0 : index
    %get3A_142 = arith.constant 0 : index
    %get3A_143 = vector.load %arg3[%get3A_140, %get3A_141, %get3A_142] : memref<8x1024x128xf32, #tpu.memory_space<vmem>>, vector<1x1024x128xf32>
    %get3A_144 = vector.shape_cast %get3A_143 : vector<1x1024x128xf32> to vector<1024x128xf32>
    %get3A_145 = arith.constant 0 : index
    %get3A_146 = arith.constant 0 : index
    %get3A_147 = vector.load %arg5[%get3A_145, %get3A_146] : memref<256x512xf32, #tpu.memory_space<vmem>>, vector<256x512xf32>
    %get3A_148 = arith.constant 0 : index
    %get3A_149 = arith.constant 0 : index
    %get3A_150 = vector.load %arg7[%get3A_148, %get3A_149] : memref<1x512xf32, #tpu.memory_space<vmem>>, vector<1x512xf32>
    %concatenate3A_151 = tpu.concatenate %get3A_144, %mul3A_97 in 1 : vector<1024x128xf32>, vector<1024x128xf32> -> vector<1024x256xf32>
    %dot_general3A_152 = arith.constant dense<0.000000e+00> : vector<1024x512xf32>
    %dot_general3A_153 = tpu.matmul %concatenate3A_151, %get3A_147, %dot_general3A_152 {dimension_numbers = #tpu.dot_dimension_numbers<[1], [0], [0], [1], [0, 0, 1, 1], [], []>, transpose_lhs_hint = false} : vector<1024x256xf32>, vector<256x512xf32>, vector<1024x512xf32> -> vector<1024x512xf32>
    %add3A_154 = vector.broadcast %get3A_150 : vector<1x512xf32> to vector<1024x512xf32>
    %add3A_155 = arith.addf %dot_general3A_153, %add3A_154 : vector<1024x512xf32>
    %slice3A_156 = vector.extract_strided_slice %add3A_155 {offsets = [0, 0], sizes = [1024, 128], strides = [1, 1]} : vector<1024x512xf32> to vector<1024x128xf32>
    %tanh3A_157 = math.tanh %slice3A_156 : vector<1024x128xf32>
    %slice3A_158 = vector.extract_strided_slice %add3A_155 {offsets = [0, 128], sizes = [1024, 128], strides = [1, 1]} : vector<1024x512xf32> to vector<1024x128xf32>
    %logistic3A_159 = arith.negf %slice3A_158 : vector<1024x128xf32>
    %logistic3A_160 = math.exp %logistic3A_159 : vector<1024x128xf32>
    %logistic3A_161 = arith.constant 1.000000e+00 : f32
    %logistic3A_162 = vector.broadcast %logistic3A_161 : f32 to vector<1024x128xf32>
    %logistic3A_163 = arith.addf %logistic3A_162, %logistic3A_160 : vector<1024x128xf32>
    %logistic3A_164 = arith.divf %logistic3A_162, %logistic3A_163 : vector<1024x128xf32>
    %slice3A_165 = vector.extract_strided_slice %add3A_155 {offsets = [0, 256], sizes = [1024, 128], strides = [1, 1]} : vector<1024x512xf32> to vector<1024x128xf32>
    %tanh3A_166 = math.tanh %slice3A_165 : vector<1024x128xf32>
    %slice3A_167 = vector.extract_strided_slice %add3A_155 {offsets = [0, 384], sizes = [1024, 128], strides = [1, 1]} : vector<1024x512xf32> to vector<1024x128xf32>
    %tanh3A_168 = math.tanh %slice3A_167 : vector<1024x128xf32>
    %mul3A_169 = arith.mulf %logistic3A_164, %add3A_91 : vector<1024x128xf32>
    %mul3A_170 = arith.mulf %tanh3A_157, %tanh3A_166 : vector<1024x128xf32>
    %add3A_171 = arith.addf %mul3A_170, %tanh3A_166 : vector<1024x128xf32>
    %mul3A_172 = arith.constant 5.000000e-01 : f32
    %mul3A_173 = vector.broadcast %mul3A_172 : f32 to vector<1024x128xf32>
    %mul3A_174 = arith.mulf %mul3A_173, %add3A_171 : vector<1024x128xf32>
    %add3A_175 = arith.addf %mul3A_169, %mul3A_174 : vector<1024x128xf32>
    %tanh3A_176 = math.tanh %add3A_175 : vector<1024x128xf32>
    %mul3A_177 = arith.mulf %tanh3A_168, %tanh3A_176 : vector<1024x128xf32>
    %add3A_178 = arith.addf %mul3A_177, %tanh3A_176 : vector<1024x128xf32>
    %mul3A_179 = arith.constant 5.000000e-01 : f32
    %mul3A_180 = vector.broadcast %mul3A_179 : f32 to vector<1024x128xf32>
    %mul3A_181 = arith.mulf %mul3A_180, %add3A_178 : vector<1024x128xf32>
    %get3A_182 = arith.constant 2 : index
    %get3A_183 = arith.constant 0 : index
    %get3A_184 = arith.constant 0 : index
    %get3A_185 = vector.load %arg2[%get3A_182, %get3A_183, %get3A_184] : memref<8x1024x128xf32, #tpu.memory_space<vmem>>, vector<1x1024x128xf32>
    %get3A_186 = vector.shape_cast %get3A_185 : vector<1x1024x128xf32> to vector<1024x128xf32>
    %get3A_187 = arith.constant 0 : index
    %get3A_188 = arith.constant 0 : index
    %get3A_189 = vector.load %arg4[%get3A_187, %get3A_188] : memref<256x512xf32, #tpu.memory_space<vmem>>, vector<256x512xf32>
    %get3A_190 = arith.constant 0 : index
    %get3A_191 = arith.constant 0 : index
    %get3A_192 = vector.load %arg6[%get3A_190, %get3A_191] : memref<1x512xf32, #tpu.memory_space<vmem>>, vector<1x512xf32>
    %concatenate3A_193 = tpu.concatenate %get3A_186, %mul3A_139 in 1 : vector<1024x128xf32>, vector<1024x128xf32> -> vector<1024x256xf32>
    %dot_general3A_194 = arith.constant dense<0.000000e+00> : vector<1024x512xf32>
    %dot_general3A_195 = tpu.matmul %concatenate3A_193, %get3A_189, %dot_general3A_194 {dimension_numbers = #tpu.dot_dimension_numbers<[1], [0], [0], [1], [0, 0, 1, 1], [], []>, transpose_lhs_hint = false} : vector<1024x256xf32>, vector<256x512xf32>, vector<1024x512xf32> -> vector<1024x512xf32>
    %add3A_196 = vector.broadcast %get3A_192 : vector<1x512xf32> to vector<1024x512xf32>
    %add3A_197 = arith.addf %dot_general3A_195, %add3A_196 : vector<1024x512xf32>
    %slice3A_198 = vector.extract_strided_slice %add3A_197 {offsets = [0, 0], sizes = [1024, 128], strides = [1, 1]} : vector<1024x512xf32> to vector<1024x128xf32>
    %tanh3A_199 = math.tanh %slice3A_198 : vector<1024x128xf32>
    %slice3A_200 = vector.extract_strided_slice %add3A_197 {offsets = [0, 128], sizes = [1024, 128], strides = [1, 1]} : vector<1024x512xf32> to vector<1024x128xf32>
    %logistic3A_201 = arith.negf %slice3A_200 : vector<1024x128xf32>
    %logistic3A_202 = math.exp %logistic3A_201 : vector<1024x128xf32>
    %logistic3A_203 = arith.constant 1.000000e+00 : f32
    %logistic3A_204 = vector.broadcast %logistic3A_203 : f32 to vector<1024x128xf32>
    %logistic3A_205 = arith.addf %logistic3A_204, %logistic3A_202 : vector<1024x128xf32>
    %logistic3A_206 = arith.divf %logistic3A_204, %logistic3A_205 : vector<1024x128xf32>
    %slice3A_207 = vector.extract_strided_slice %add3A_197 {offsets = [0, 256], sizes = [1024, 128], strides = [1, 1]} : vector<1024x512xf32> to vector<1024x128xf32>
    %tanh3A_208 = math.tanh %slice3A_207 : vector<1024x128xf32>
    %slice3A_209 = vector.extract_strided_slice %add3A_197 {offsets = [0, 384], sizes = [1024, 128], strides = [1, 1]} : vector<1024x512xf32> to vector<1024x128xf32>
    %tanh3A_210 = math.tanh %slice3A_209 : vector<1024x128xf32>
    %mul3A_211 = arith.mulf %logistic3A_206, %add3A_133 : vector<1024x128xf32>
    %mul3A_212 = arith.mulf %tanh3A_199, %tanh3A_208 : vector<1024x128xf32>
    %add3A_213 = arith.addf %mul3A_212, %tanh3A_208 : vector<1024x128xf32>
    %mul3A_214 = arith.constant 5.000000e-01 : f32
    %mul3A_215 = vector.broadcast %mul3A_214 : f32 to vector<1024x128xf32>
    %mul3A_216 = arith.mulf %mul3A_215, %add3A_213 : vector<1024x128xf32>
    %add3A_217 = arith.addf %mul3A_211, %mul3A_216 : vector<1024x128xf32>
    %tanh3A_218 = math.tanh %add3A_217 : vector<1024x128xf32>
    %mul3A_219 = arith.mulf %tanh3A_210, %tanh3A_218 : vector<1024x128xf32>
    %add3A_220 = arith.addf %mul3A_219, %tanh3A_218 : vector<1024x128xf32>
    %mul3A_221 = arith.constant 5.000000e-01 : f32
    %mul3A_222 = vector.broadcast %mul3A_221 : f32 to vector<1024x128xf32>
    %mul3A_223 = arith.mulf %mul3A_222, %add3A_220 : vector<1024x128xf32>
    %get3A_224 = arith.constant 5 : index
    %get3A_225 = arith.constant 0 : index
    %get3A_226 = arith.constant 0 : index
    %get3A_227 = vector.load %arg3[%get3A_224, %get3A_225, %get3A_226] : memref<8x1024x128xf32, #tpu.memory_space<vmem>>, vector<1x1024x128xf32>
    %get3A_228 = vector.shape_cast %get3A_227 : vector<1x1024x128xf32> to vector<1024x128xf32>
    %get3A_229 = arith.constant 0 : index
    %get3A_230 = arith.constant 0 : index
    %get3A_231 = vector.load %arg5[%get3A_229, %get3A_230] : memref<256x512xf32, #tpu.memory_space<vmem>>, vector<256x512xf32>
    %get3A_232 = arith.constant 0 : index
    %get3A_233 = arith.constant 0 : index
    %get3A_234 = vector.load %arg7[%get3A_232, %get3A_233] : memref<1x512xf32, #tpu.memory_space<vmem>>, vector<1x512xf32>
    %concatenate3A_235 = tpu.concatenate %get3A_228, %mul3A_181 in 1 : vector<1024x128xf32>, vector<1024x128xf32> -> vector<1024x256xf32>
    %dot_general3A_236 = arith.constant dense<0.000000e+00> : vector<1024x512xf32>
    %dot_general3A_237 = tpu.matmul %concatenate3A_235, %get3A_231, %dot_general3A_236 {dimension_numbers = #tpu.dot_dimension_numbers<[1], [0], [0], [1], [0, 0, 1, 1], [], []>, transpose_lhs_hint = false} : vector<1024x256xf32>, vector<256x512xf32>, vector<1024x512xf32> -> vector<1024x512xf32>
    %add3A_238 = vector.broadcast %get3A_234 : vector<1x512xf32> to vector<1024x512xf32>
    %add3A_239 = arith.addf %dot_general3A_237, %add3A_238 : vector<1024x512xf32>
    %slice3A_240 = vector.extract_strided_slice %add3A_239 {offsets = [0, 0], sizes = [1024, 128], strides = [1, 1]} : vector<1024x512xf32> to vector<1024x128xf32>
    %tanh3A_241 = math.tanh %slice3A_240 : vector<1024x128xf32>
    %slice3A_242 = vector.extract_strided_slice %add3A_239 {offsets = [0, 128], sizes = [1024, 128], strides = [1, 1]} : vector<1024x512xf32> to vector<1024x128xf32>
    %logistic3A_243 = arith.negf %slice3A_242 : vector<1024x128xf32>
    %logistic3A_244 = math.exp %logistic3A_243 : vector<1024x128xf32>
    %logistic3A_245 = arith.constant 1.000000e+00 : f32
    %logistic3A_246 = vector.broadcast %logistic3A_245 : f32 to vector<1024x128xf32>
    %logistic3A_247 = arith.addf %logistic3A_246, %logistic3A_244 : vector<1024x128xf32>
    %logistic3A_248 = arith.divf %logistic3A_246, %logistic3A_247 : vector<1024x128xf32>
    %slice3A_249 = vector.extract_strided_slice %add3A_239 {offsets = [0, 256], sizes = [1024, 128], strides = [1, 1]} : vector<1024x512xf32> to vector<1024x128xf32>
    %tanh3A_250 = math.tanh %slice3A_249 : vector<1024x128xf32>
    %slice3A_251 = vector.extract_strided_slice %add3A_239 {offsets = [0, 384], sizes = [1024, 128], strides = [1, 1]} : vector<1024x512xf32> to vector<1024x128xf32>
    %tanh3A_252 = math.tanh %slice3A_251 : vector<1024x128xf32>
    %mul3A_253 = arith.mulf %logistic3A_248, %add3A_175 : vector<1024x128xf32>
    %mul3A_254 = arith.mulf %tanh3A_241, %tanh3A_250 : vector<1024x128xf32>
    %add3A_255 = arith.addf %mul3A_254, %tanh3A_250 : vector<1024x128xf32>
    %mul3A_256 = arith.constant 5.000000e-01 : f32
    %mul3A_257 = vector.broadcast %mul3A_256 : f32 to vector<1024x128xf32>
    %mul3A_258 = arith.mulf %mul3A_257, %add3A_255 : vector<1024x128xf32>
    %add3A_259 = arith.addf %mul3A_253, %mul3A_258 : vector<1024x128xf32>
    %tanh3A_260 = math.tanh %add3A_259 : vector<1024x128xf32>
    %mul3A_261 = arith.mulf %tanh3A_252, %tanh3A_260 : vector<1024x128xf32>
    %add3A_262 = arith.addf %mul3A_261, %tanh3A_260 : vector<1024x128xf32>
    %mul3A_263 = arith.constant 5.000000e-01 : f32
    %mul3A_264 = vector.broadcast %mul3A_263 : f32 to vector<1024x128xf32>
    %mul3A_265 = arith.mulf %mul3A_264, %add3A_262 : vector<1024x128xf32>
    %get3A_266 = arith.constant 3 : index
    %get3A_267 = arith.constant 0 : index
    %get3A_268 = arith.constant 0 : index
    %get3A_269 = vector.load %arg2[%get3A_266, %get3A_267, %get3A_268] : memref<8x1024x128xf32, #tpu.memory_space<vmem>>, vector<1x1024x128xf32>
    %get3A_270 = vector.shape_cast %get3A_269 : vector<1x1024x128xf32> to vector<1024x128xf32>
    %get3A_271 = arith.constant 0 : index
    %get3A_272 = arith.constant 0 : index
    %get3A_273 = vector.load %arg4[%get3A_271, %get3A_272] : memref<256x512xf32, #tpu.memory_space<vmem>>, vector<256x512xf32>
    %get3A_274 = arith.constant 0 : index
    %get3A_275 = arith.constant 0 : index
    %get3A_276 = vector.load %arg6[%get3A_274, %get3A_275] : memref<1x512xf32, #tpu.memory_space<vmem>>, vector<1x512xf32>
    %concatenate3A_277 = tpu.concatenate %get3A_270, %mul3A_223 in 1 : vector<1024x128xf32>, vector<1024x128xf32> -> vector<1024x256xf32>
    %dot_general3A_278 = arith.constant dense<0.000000e+00> : vector<1024x512xf32>
    %dot_general3A_279 = tpu.matmul %concatenate3A_277, %get3A_273, %dot_general3A_278 {dimension_numbers = #tpu.dot_dimension_numbers<[1], [0], [0], [1], [0, 0, 1, 1], [], []>, transpose_lhs_hint = false} : vector<1024x256xf32>, vector<256x512xf32>, vector<1024x512xf32> -> vector<1024x512xf32>
    %add3A_280 = vector.broadcast %get3A_276 : vector<1x512xf32> to vector<1024x512xf32>
    %add3A_281 = arith.addf %dot_general3A_279, %add3A_280 : vector<1024x512xf32>
    %slice3A_282 = vector.extract_strided_slice %add3A_281 {offsets = [0, 0], sizes = [1024, 128], strides = [1, 1]} : vector<1024x512xf32> to vector<1024x128xf32>
    %tanh3A_283 = math.tanh %slice3A_282 : vector<1024x128xf32>
    %slice3A_284 = vector.extract_strided_slice %add3A_281 {offsets = [0, 128], sizes = [1024, 128], strides = [1, 1]} : vector<1024x512xf32> to vector<1024x128xf32>
    %logistic3A_285 = arith.negf %slice3A_284 : vector<1024x128xf32>
    %logistic3A_286 = math.exp %logistic3A_285 : vector<1024x128xf32>
    %logistic3A_287 = arith.constant 1.000000e+00 : f32
    %logistic3A_288 = vector.broadcast %logistic3A_287 : f32 to vector<1024x128xf32>
    %logistic3A_289 = arith.addf %logistic3A_288, %logistic3A_286 : vector<1024x128xf32>
    %logistic3A_290 = arith.divf %logistic3A_288, %logistic3A_289 : vector<1024x128xf32>
    %slice3A_291 = vector.extract_strided_slice %add3A_281 {offsets = [0, 256], sizes = [1024, 128], strides = [1, 1]} : vector<1024x512xf32> to vector<1024x128xf32>
    %tanh3A_292 = math.tanh %slice3A_291 : vector<1024x128xf32>
    %slice3A_293 = vector.extract_strided_slice %add3A_281 {offsets = [0, 384], sizes = [1024, 128], strides = [1, 1]} : vector<1024x512xf32> to vector<1024x128xf32>
    %tanh3A_294 = math.tanh %slice3A_293 : vector<1024x128xf32>
    %mul3A_295 = arith.mulf %logistic3A_290, %add3A_217 : vector<1024x128xf32>
    %mul3A_296 = arith.mulf %tanh3A_283, %tanh3A_292 : vector<1024x128xf32>
    %add3A_297 = arith.addf %mul3A_296, %tanh3A_292 : vector<1024x128xf32>
    %mul3A_298 = arith.constant 5.000000e-01 : f32
    %mul3A_299 = vector.broadcast %mul3A_298 : f32 to vector<1024x128xf32>
    %mul3A_300 = arith.mulf %mul3A_299, %add3A_297 : vector<1024x128xf32>
    %add3A_301 = arith.addf %mul3A_295, %mul3A_300 : vector<1024x128xf32>
    %tanh3A_302 = math.tanh %add3A_301 : vector<1024x128xf32>
    %mul3A_303 = arith.mulf %tanh3A_294, %tanh3A_302 : vector<1024x128xf32>
    %add3A_304 = arith.addf %mul3A_303, %tanh3A_302 : vector<1024x128xf32>
    %mul3A_305 = arith.constant 5.000000e-01 : f32
    %mul3A_306 = vector.broadcast %mul3A_305 : f32 to vector<1024x128xf32>
    %mul3A_307 = arith.mulf %mul3A_306, %add3A_304 : vector<1024x128xf32>
    %get3A_308 = arith.constant 4 : index
    %get3A_309 = arith.constant 0 : index
    %get3A_310 = arith.constant 0 : index
    %get3A_311 = vector.load %arg3[%get3A_308, %get3A_309, %get3A_310] : memref<8x1024x128xf32, #tpu.memory_space<vmem>>, vector<1x1024x128xf32>
    %get3A_312 = vector.shape_cast %get3A_311 : vector<1x1024x128xf32> to vector<1024x128xf32>
    %get3A_313 = arith.constant 0 : index
    %get3A_314 = arith.constant 0 : index
    %get3A_315 = vector.load %arg5[%get3A_313, %get3A_314] : memref<256x512xf32, #tpu.memory_space<vmem>>, vector<256x512xf32>
    %get3A_316 = arith.constant 0 : index
    %get3A_317 = arith.constant 0 : index
    %get3A_318 = vector.load %arg7[%get3A_316, %get3A_317] : memref<1x512xf32, #tpu.memory_space<vmem>>, vector<1x512xf32>
    %concatenate3A_319 = tpu.concatenate %get3A_312, %mul3A_265 in 1 : vector<1024x128xf32>, vector<1024x128xf32> -> vector<1024x256xf32>
    %dot_general3A_320 = arith.constant dense<0.000000e+00> : vector<1024x512xf32>
    %dot_general3A_321 = tpu.matmul %concatenate3A_319, %get3A_315, %dot_general3A_320 {dimension_numbers = #tpu.dot_dimension_numbers<[1], [0], [0], [1], [0, 0, 1, 1], [], []>, transpose_lhs_hint = false} : vector<1024x256xf32>, vector<256x512xf32>, vector<1024x512xf32> -> vector<1024x512xf32>
    %add3A_322 = vector.broadcast %get3A_318 : vector<1x512xf32> to vector<1024x512xf32>
    %add3A_323 = arith.addf %dot_general3A_321, %add3A_322 : vector<1024x512xf32>
    %slice3A_324 = vector.extract_strided_slice %add3A_323 {offsets = [0, 0], sizes = [1024, 128], strides = [1, 1]} : vector<1024x512xf32> to vector<1024x128xf32>
    %tanh3A_325 = math.tanh %slice3A_324 : vector<1024x128xf32>
    %slice3A_326 = vector.extract_strided_slice %add3A_323 {offsets = [0, 128], sizes = [1024, 128], strides = [1, 1]} : vector<1024x512xf32> to vector<1024x128xf32>
    %logistic3A_327 = arith.negf %slice3A_326 : vector<1024x128xf32>
    %logistic3A_328 = math.exp %logistic3A_327 : vector<1024x128xf32>
    %logistic3A_329 = arith.constant 1.000000e+00 : f32
    %logistic3A_330 = vector.broadcast %logistic3A_329 : f32 to vector<1024x128xf32>
    %logistic3A_331 = arith.addf %logistic3A_330, %logistic3A_328 : vector<1024x128xf32>
    %logistic3A_332 = arith.divf %logistic3A_330, %logistic3A_331 : vector<1024x128xf32>
    %slice3A_333 = vector.extract_strided_slice %add3A_323 {offsets = [0, 256], sizes = [1024, 128], strides = [1, 1]} : vector<1024x512xf32> to vector<1024x128xf32>
    %tanh3A_334 = math.tanh %slice3A_333 : vector<1024x128xf32>
    %slice3A_335 = vector.extract_strided_slice %add3A_323 {offsets = [0, 384], sizes = [1024, 128], strides = [1, 1]} : vector<1024x512xf32> to vector<1024x128xf32>
    %tanh3A_336 = math.tanh %slice3A_335 : vector<1024x128xf32>
    %mul3A_337 = arith.mulf %logistic3A_332, %add3A_259 : vector<1024x128xf32>
    %mul3A_338 = arith.mulf %tanh3A_325, %tanh3A_334 : vector<1024x128xf32>
    %add3A_339 = arith.addf %mul3A_338, %tanh3A_334 : vector<1024x128xf32>
    %mul3A_340 = arith.constant 5.000000e-01 : f32
    %mul3A_341 = vector.broadcast %mul3A_340 : f32 to vector<1024x128xf32>
    %mul3A_342 = arith.mulf %mul3A_341, %add3A_339 : vector<1024x128xf32>
    %add3A_343 = arith.addf %mul3A_337, %mul3A_342 : vector<1024x128xf32>
    %tanh3A_344 = math.tanh %add3A_343 : vector<1024x128xf32>
    %mul3A_345 = arith.mulf %tanh3A_336, %tanh3A_344 : vector<1024x128xf32>
    %add3A_346 = arith.addf %mul3A_345, %tanh3A_344 : vector<1024x128xf32>
    %mul3A_347 = arith.constant 5.000000e-01 : f32
    %mul3A_348 = vector.broadcast %mul3A_347 : f32 to vector<1024x128xf32>
    %mul3A_349 = arith.mulf %mul3A_348, %add3A_346 : vector<1024x128xf32>
    %get3A_350 = arith.constant 4 : index
    %get3A_351 = arith.constant 0 : index
    %get3A_352 = arith.constant 0 : index
    %get3A_353 = vector.load %arg2[%get3A_350, %get3A_351, %get3A_352] : memref<8x1024x128xf32, #tpu.memory_space<vmem>>, vector<1x1024x128xf32>
    %get3A_354 = vector.shape_cast %get3A_353 : vector<1x1024x128xf32> to vector<1024x128xf32>
    %get3A_355 = arith.constant 0 : index
    %get3A_356 = arith.constant 0 : index
    %get3A_357 = vector.load %arg4[%get3A_355, %get3A_356] : memref<256x512xf32, #tpu.memory_space<vmem>>, vector<256x512xf32>
    %get3A_358 = arith.constant 0 : index
    %get3A_359 = arith.constant 0 : index
    %get3A_360 = vector.load %arg6[%get3A_358, %get3A_359] : memref<1x512xf32, #tpu.memory_space<vmem>>, vector<1x512xf32>
    %concatenate3A_361 = tpu.concatenate %get3A_354, %mul3A_307 in 1 : vector<1024x128xf32>, vector<1024x128xf32> -> vector<1024x256xf32>
    %dot_general3A_362 = arith.constant dense<0.000000e+00> : vector<1024x512xf32>
    %dot_general3A_363 = tpu.matmul %concatenate3A_361, %get3A_357, %dot_general3A_362 {dimension_numbers = #tpu.dot_dimension_numbers<[1], [0], [0], [1], [0, 0, 1, 1], [], []>, transpose_lhs_hint = false} : vector<1024x256xf32>, vector<256x512xf32>, vector<1024x512xf32> -> vector<1024x512xf32>
    %add3A_364 = vector.broadcast %get3A_360 : vector<1x512xf32> to vector<1024x512xf32>
    %add3A_365 = arith.addf %dot_general3A_363, %add3A_364 : vector<1024x512xf32>
    %slice3A_366 = vector.extract_strided_slice %add3A_365 {offsets = [0, 0], sizes = [1024, 128], strides = [1, 1]} : vector<1024x512xf32> to vector<1024x128xf32>
    %tanh3A_367 = math.tanh %slice3A_366 : vector<1024x128xf32>
    %slice3A_368 = vector.extract_strided_slice %add3A_365 {offsets = [0, 128], sizes = [1024, 128], strides = [1, 1]} : vector<1024x512xf32> to vector<1024x128xf32>
    %logistic3A_369 = arith.negf %slice3A_368 : vector<1024x128xf32>
    %logistic3A_370 = math.exp %logistic3A_369 : vector<1024x128xf32>
    %logistic3A_371 = arith.constant 1.000000e+00 : f32
    %logistic3A_372 = vector.broadcast %logistic3A_371 : f32 to vector<1024x128xf32>
    %logistic3A_373 = arith.addf %logistic3A_372, %logistic3A_370 : vector<1024x128xf32>
    %logistic3A_374 = arith.divf %logistic3A_372, %logistic3A_373 : vector<1024x128xf32>
    %slice3A_375 = vector.extract_strided_slice %add3A_365 {offsets = [0, 256], sizes = [1024, 128], strides = [1, 1]} : vector<1024x512xf32> to vector<1024x128xf32>
    %tanh3A_376 = math.tanh %slice3A_375 : vector<1024x128xf32>
    %slice3A_377 = vector.extract_strided_slice %add3A_365 {offsets = [0, 384], sizes = [1024, 128], strides = [1, 1]} : vector<1024x512xf32> to vector<1024x128xf32>
    %tanh3A_378 = math.tanh %slice3A_377 : vector<1024x128xf32>
    %mul3A_379 = arith.mulf %logistic3A_374, %add3A_301 : vector<1024x128xf32>
    %mul3A_380 = arith.mulf %tanh3A_367, %tanh3A_376 : vector<1024x128xf32>
    %add3A_381 = arith.addf %mul3A_380, %tanh3A_376 : vector<1024x128xf32>
    %mul3A_382 = arith.constant 5.000000e-01 : f32
    %mul3A_383 = vector.broadcast %mul3A_382 : f32 to vector<1024x128xf32>
    %mul3A_384 = arith.mulf %mul3A_383, %add3A_381 : vector<1024x128xf32>
    %add3A_385 = arith.addf %mul3A_379, %mul3A_384 : vector<1024x128xf32>
    %tanh3A_386 = math.tanh %add3A_385 : vector<1024x128xf32>
    %mul3A_387 = arith.mulf %tanh3A_378, %tanh3A_386 : vector<1024x128xf32>
    %add3A_388 = arith.addf %mul3A_387, %tanh3A_386 : vector<1024x128xf32>
    %mul3A_389 = arith.constant 5.000000e-01 : f32
    %mul3A_390 = vector.broadcast %mul3A_389 : f32 to vector<1024x128xf32>
    %mul3A_391 = arith.mulf %mul3A_390, %add3A_388 : vector<1024x128xf32>
    %get3A_392 = arith.constant 3 : index
    %get3A_393 = arith.constant 0 : index
    %get3A_394 = arith.constant 0 : index
    %get3A_395 = vector.load %arg3[%get3A_392, %get3A_393, %get3A_394] : memref<8x1024x128xf32, #tpu.memory_space<vmem>>, vector<1x1024x128xf32>
    %get3A_396 = vector.shape_cast %get3A_395 : vector<1x1024x128xf32> to vector<1024x128xf32>
    %get3A_397 = arith.constant 0 : index
    %get3A_398 = arith.constant 0 : index
    %get3A_399 = vector.load %arg5[%get3A_397, %get3A_398] : memref<256x512xf32, #tpu.memory_space<vmem>>, vector<256x512xf32>
    %get3A_400 = arith.constant 0 : index
    %get3A_401 = arith.constant 0 : index
    %get3A_402 = vector.load %arg7[%get3A_400, %get3A_401] : memref<1x512xf32, #tpu.memory_space<vmem>>, vector<1x512xf32>
    %concatenate3A_403 = tpu.concatenate %get3A_396, %mul3A_349 in 1 : vector<1024x128xf32>, vector<1024x128xf32> -> vector<1024x256xf32>
    %dot_general3A_404 = arith.constant dense<0.000000e+00> : vector<1024x512xf32>
    %dot_general3A_405 = tpu.matmul %concatenate3A_403, %get3A_399, %dot_general3A_404 {dimension_numbers = #tpu.dot_dimension_numbers<[1], [0], [0], [1], [0, 0, 1, 1], [], []>, transpose_lhs_hint = false} : vector<1024x256xf32>, vector<256x512xf32>, vector<1024x512xf32> -> vector<1024x512xf32>
    %add3A_406 = vector.broadcast %get3A_402 : vector<1x512xf32> to vector<1024x512xf32>
    %add3A_407 = arith.addf %dot_general3A_405, %add3A_406 : vector<1024x512xf32>
    %slice3A_408 = vector.extract_strided_slice %add3A_407 {offsets = [0, 0], sizes = [1024, 128], strides = [1, 1]} : vector<1024x512xf32> to vector<1024x128xf32>
    %tanh3A_409 = math.tanh %slice3A_408 : vector<1024x128xf32>
    %slice3A_410 = vector.extract_strided_slice %add3A_407 {offsets = [0, 128], sizes = [1024, 128], strides = [1, 1]} : vector<1024x512xf32> to vector<1024x128xf32>
    %logistic3A_411 = arith.negf %slice3A_410 : vector<1024x128xf32>
    %logistic3A_412 = math.exp %logistic3A_411 : vector<1024x128xf32>
    %logistic3A_413 = arith.constant 1.000000e+00 : f32
    %logistic3A_414 = vector.broadcast %logistic3A_413 : f32 to vector<1024x128xf32>
    %logistic3A_415 = arith.addf %logistic3A_414, %logistic3A_412 : vector<1024x128xf32>
    %logistic3A_416 = arith.divf %logistic3A_414, %logistic3A_415 : vector<1024x128xf32>
    %slice3A_417 = vector.extract_strided_slice %add3A_407 {offsets = [0, 256], sizes = [1024, 128], strides = [1, 1]} : vector<1024x512xf32> to vector<1024x128xf32>
    %tanh3A_418 = math.tanh %slice3A_417 : vector<1024x128xf32>
    %slice3A_419 = vector.extract_strided_slice %add3A_407 {offsets = [0, 384], sizes = [1024, 128], strides = [1, 1]} : vector<1024x512xf32> to vector<1024x128xf32>
    %tanh3A_420 = math.tanh %slice3A_419 : vector<1024x128xf32>
    %mul3A_421 = arith.mulf %logistic3A_416, %add3A_343 : vector<1024x128xf32>
    %mul3A_422 = arith.mulf %tanh3A_409, %tanh3A_418 : vector<1024x128xf32>
    %add3A_423 = arith.addf %mul3A_422, %tanh3A_418 : vector<1024x128xf32>
    %mul3A_424 = arith.constant 5.000000e-01 : f32
    %mul3A_425 = vector.broadcast %mul3A_424 : f32 to vector<1024x128xf32>
    %mul3A_426 = arith.mulf %mul3A_425, %add3A_423 : vector<1024x128xf32>
    %add3A_427 = arith.addf %mul3A_421, %mul3A_426 : vector<1024x128xf32>
    %tanh3A_428 = math.tanh %add3A_427 : vector<1024x128xf32>
    %mul3A_429 = arith.mulf %tanh3A_420, %tanh3A_428 : vector<1024x128xf32>
    %add3A_430 = arith.addf %mul3A_429, %tanh3A_428 : vector<1024x128xf32>
    %mul3A_431 = arith.constant 5.000000e-01 : f32
    %mul3A_432 = vector.broadcast %mul3A_431 : f32 to vector<1024x128xf32>
    %mul3A_433 = arith.mulf %mul3A_432, %add3A_430 : vector<1024x128xf32>
    %get3A_434 = arith.constant 5 : index
    %get3A_435 = arith.constant 0 : index
    %get3A_436 = arith.constant 0 : index
    %get3A_437 = vector.load %arg2[%get3A_434, %get3A_435, %get3A_436] : memref<8x1024x128xf32, #tpu.memory_space<vmem>>, vector<1x1024x128xf32>
    %get3A_438 = vector.shape_cast %get3A_437 : vector<1x1024x128xf32> to vector<1024x128xf32>
    %get3A_439 = arith.constant 0 : index
    %get3A_440 = arith.constant 0 : index
    %get3A_441 = vector.load %arg4[%get3A_439, %get3A_440] : memref<256x512xf32, #tpu.memory_space<vmem>>, vector<256x512xf32>
    %get3A_442 = arith.constant 0 : index
    %get3A_443 = arith.constant 0 : index
    %get3A_444 = vector.load %arg6[%get3A_442, %get3A_443] : memref<1x512xf32, #tpu.memory_space<vmem>>, vector<1x512xf32>
    %concatenate3A_445 = tpu.concatenate %get3A_438, %mul3A_391 in 1 : vector<1024x128xf32>, vector<1024x128xf32> -> vector<1024x256xf32>
    %dot_general3A_446 = arith.constant dense<0.000000e+00> : vector<1024x512xf32>
    %dot_general3A_447 = tpu.matmul %concatenate3A_445, %get3A_441, %dot_general3A_446 {dimension_numbers = #tpu.dot_dimension_numbers<[1], [0], [0], [1], [0, 0, 1, 1], [], []>, transpose_lhs_hint = false} : vector<1024x256xf32>, vector<256x512xf32>, vector<1024x512xf32> -> vector<1024x512xf32>
    %add3A_448 = vector.broadcast %get3A_444 : vector<1x512xf32> to vector<1024x512xf32>
    %add3A_449 = arith.addf %dot_general3A_447, %add3A_448 : vector<1024x512xf32>
    %slice3A_450 = vector.extract_strided_slice %add3A_449 {offsets = [0, 0], sizes = [1024, 128], strides = [1, 1]} : vector<1024x512xf32> to vector<1024x128xf32>
    %tanh3A_451 = math.tanh %slice3A_450 : vector<1024x128xf32>
    %slice3A_452 = vector.extract_strided_slice %add3A_449 {offsets = [0, 128], sizes = [1024, 128], strides = [1, 1]} : vector<1024x512xf32> to vector<1024x128xf32>
    %logistic3A_453 = arith.negf %slice3A_452 : vector<1024x128xf32>
    %logistic3A_454 = math.exp %logistic3A_453 : vector<1024x128xf32>
    %logistic3A_455 = arith.constant 1.000000e+00 : f32
    %logistic3A_456 = vector.broadcast %logistic3A_455 : f32 to vector<1024x128xf32>
    %logistic3A_457 = arith.addf %logistic3A_456, %logistic3A_454 : vector<1024x128xf32>
    %logistic3A_458 = arith.divf %logistic3A_456, %logistic3A_457 : vector<1024x128xf32>
    %slice3A_459 = vector.extract_strided_slice %add3A_449 {offsets = [0, 256], sizes = [1024, 128], strides = [1, 1]} : vector<1024x512xf32> to vector<1024x128xf32>
    %tanh3A_460 = math.tanh %slice3A_459 : vector<1024x128xf32>
    %slice3A_461 = vector.extract_strided_slice %add3A_449 {offsets = [0, 384], sizes = [1024, 128], strides = [1, 1]} : vector<1024x512xf32> to vector<1024x128xf32>
    %tanh3A_462 = math.tanh %slice3A_461 : vector<1024x128xf32>
    %mul3A_463 = arith.mulf %logistic3A_458, %add3A_385 : vector<1024x128xf32>
    %mul3A_464 = arith.mulf %tanh3A_451, %tanh3A_460 : vector<1024x128xf32>
    %add3A_465 = arith.addf %mul3A_464, %tanh3A_460 : vector<1024x128xf32>
    %mul3A_466 = arith.constant 5.000000e-01 : f32
    %mul3A_467 = vector.broadcast %mul3A_466 : f32 to vector<1024x128xf32>
    %mul3A_468 = arith.mulf %mul3A_467, %add3A_465 : vector<1024x128xf32>
    %add3A_469 = arith.addf %mul3A_463, %mul3A_468 : vector<1024x128xf32>
    %tanh3A_470 = math.tanh %add3A_469 : vector<1024x128xf32>
    %mul3A_471 = arith.mulf %tanh3A_462, %tanh3A_470 : vector<1024x128xf32>
    %add3A_472 = arith.addf %mul3A_471, %tanh3A_470 : vector<1024x128xf32>
    %mul3A_473 = arith.constant 5.000000e-01 : f32
    %mul3A_474 = vector.broadcast %mul3A_473 : f32 to vector<1024x128xf32>
    %mul3A_475 = arith.mulf %mul3A_474, %add3A_472 : vector<1024x128xf32>
    %get3A_476 = arith.constant 2 : index
    %get3A_477 = arith.constant 0 : index
    %get3A_478 = arith.constant 0 : index
    %get3A_479 = vector.load %arg3[%get3A_476, %get3A_477, %get3A_478] : memref<8x1024x128xf32, #tpu.memory_space<vmem>>, vector<1x1024x128xf32>
    %get3A_480 = vector.shape_cast %get3A_479 : vector<1x1024x128xf32> to vector<1024x128xf32>
    %get3A_481 = arith.constant 0 : index
    %get3A_482 = arith.constant 0 : index
    %get3A_483 = vector.load %arg5[%get3A_481, %get3A_482] : memref<256x512xf32, #tpu.memory_space<vmem>>, vector<256x512xf32>
    %get3A_484 = arith.constant 0 : index
    %get3A_485 = arith.constant 0 : index
    %get3A_486 = vector.load %arg7[%get3A_484, %get3A_485] : memref<1x512xf32, #tpu.memory_space<vmem>>, vector<1x512xf32>
    %concatenate3A_487 = tpu.concatenate %get3A_480, %mul3A_433 in 1 : vector<1024x128xf32>, vector<1024x128xf32> -> vector<1024x256xf32>
    %dot_general3A_488 = arith.constant dense<0.000000e+00> : vector<1024x512xf32>
    %dot_general3A_489 = tpu.matmul %concatenate3A_487, %get3A_483, %dot_general3A_488 {dimension_numbers = #tpu.dot_dimension_numbers<[1], [0], [0], [1], [0, 0, 1, 1], [], []>, transpose_lhs_hint = false} : vector<1024x256xf32>, vector<256x512xf32>, vector<1024x512xf32> -> vector<1024x512xf32>
    %add3A_490 = vector.broadcast %get3A_486 : vector<1x512xf32> to vector<1024x512xf32>
    %add3A_491 = arith.addf %dot_general3A_489, %add3A_490 : vector<1024x512xf32>
    %slice3A_492 = vector.extract_strided_slice %add3A_491 {offsets = [0, 0], sizes = [1024, 128], strides = [1, 1]} : vector<1024x512xf32> to vector<1024x128xf32>
    %tanh3A_493 = math.tanh %slice3A_492 : vector<1024x128xf32>
    %slice3A_494 = vector.extract_strided_slice %add3A_491 {offsets = [0, 128], sizes = [1024, 128], strides = [1, 1]} : vector<1024x512xf32> to vector<1024x128xf32>
    %logistic3A_495 = arith.negf %slice3A_494 : vector<1024x128xf32>
    %logistic3A_496 = math.exp %logistic3A_495 : vector<1024x128xf32>
    %logistic3A_497 = arith.constant 1.000000e+00 : f32
    %logistic3A_498 = vector.broadcast %logistic3A_497 : f32 to vector<1024x128xf32>
    %logistic3A_499 = arith.addf %logistic3A_498, %logistic3A_496 : vector<1024x128xf32>
    %logistic3A_500 = arith.divf %logistic3A_498, %logistic3A_499 : vector<1024x128xf32>
    %slice3A_501 = vector.extract_strided_slice %add3A_491 {offsets = [0, 256], sizes = [1024, 128], strides = [1, 1]} : vector<1024x512xf32> to vector<1024x128xf32>
    %tanh3A_502 = math.tanh %slice3A_501 : vector<1024x128xf32>
    %slice3A_503 = vector.extract_strided_slice %add3A_491 {offsets = [0, 384], sizes = [1024, 128], strides = [1, 1]} : vector<1024x512xf32> to vector<1024x128xf32>
    %tanh3A_504 = math.tanh %slice3A_503 : vector<1024x128xf32>
    %mul3A_505 = arith.mulf %logistic3A_500, %add3A_427 : vector<1024x128xf32>
    %mul3A_506 = arith.mulf %tanh3A_493, %tanh3A_502 : vector<1024x128xf32>
    %add3A_507 = arith.addf %mul3A_506, %tanh3A_502 : vector<1024x128xf32>
    %mul3A_508 = arith.constant 5.000000e-01 : f32
    %mul3A_509 = vector.broadcast %mul3A_508 : f32 to vector<1024x128xf32>
    %mul3A_510 = arith.mulf %mul3A_509, %add3A_507 : vector<1024x128xf32>
    %add3A_511 = arith.addf %mul3A_505, %mul3A_510 : vector<1024x128xf32>
    %tanh3A_512 = math.tanh %add3A_511 : vector<1024x128xf32>
    %mul3A_513 = arith.mulf %tanh3A_504, %tanh3A_512 : vector<1024x128xf32>
    %add3A_514 = arith.addf %mul3A_513, %tanh3A_512 : vector<1024x128xf32>
    %mul3A_515 = arith.constant 5.000000e-01 : f32
    %mul3A_516 = vector.broadcast %mul3A_515 : f32 to vector<1024x128xf32>
    %mul3A_517 = arith.mulf %mul3A_516, %add3A_514 : vector<1024x128xf32>
    %get3A_518 = arith.constant 6 : index
    %get3A_519 = arith.constant 0 : index
    %get3A_520 = arith.constant 0 : index
    %get3A_521 = vector.load %arg2[%get3A_518, %get3A_519, %get3A_520] : memref<8x1024x128xf32, #tpu.memory_space<vmem>>, vector<1x1024x128xf32>
    %get3A_522 = vector.shape_cast %get3A_521 : vector<1x1024x128xf32> to vector<1024x128xf32>
    %get3A_523 = arith.constant 0 : index
    %get3A_524 = arith.constant 0 : index
    %get3A_525 = vector.load %arg4[%get3A_523, %get3A_524] : memref<256x512xf32, #tpu.memory_space<vmem>>, vector<256x512xf32>
    %get3A_526 = arith.constant 0 : index
    %get3A_527 = arith.constant 0 : index
    %get3A_528 = vector.load %arg6[%get3A_526, %get3A_527] : memref<1x512xf32, #tpu.memory_space<vmem>>, vector<1x512xf32>
    %concatenate3A_529 = tpu.concatenate %get3A_522, %mul3A_475 in 1 : vector<1024x128xf32>, vector<1024x128xf32> -> vector<1024x256xf32>
    %dot_general3A_530 = arith.constant dense<0.000000e+00> : vector<1024x512xf32>
    %dot_general3A_531 = tpu.matmul %concatenate3A_529, %get3A_525, %dot_general3A_530 {dimension_numbers = #tpu.dot_dimension_numbers<[1], [0], [0], [1], [0, 0, 1, 1], [], []>, transpose_lhs_hint = false} : vector<1024x256xf32>, vector<256x512xf32>, vector<1024x512xf32> -> vector<1024x512xf32>
    %add3A_532 = vector.broadcast %get3A_528 : vector<1x512xf32> to vector<1024x512xf32>
    %add3A_533 = arith.addf %dot_general3A_531, %add3A_532 : vector<1024x512xf32>
    %slice3A_534 = vector.extract_strided_slice %add3A_533 {offsets = [0, 0], sizes = [1024, 128], strides = [1, 1]} : vector<1024x512xf32> to vector<1024x128xf32>
    %tanh3A_535 = math.tanh %slice3A_534 : vector<1024x128xf32>
    %slice3A_536 = vector.extract_strided_slice %add3A_533 {offsets = [0, 128], sizes = [1024, 128], strides = [1, 1]} : vector<1024x512xf32> to vector<1024x128xf32>
    %logistic3A_537 = arith.negf %slice3A_536 : vector<1024x128xf32>
    %logistic3A_538 = math.exp %logistic3A_537 : vector<1024x128xf32>
    %logistic3A_539 = arith.constant 1.000000e+00 : f32
    %logistic3A_540 = vector.broadcast %logistic3A_539 : f32 to vector<1024x128xf32>
    %logistic3A_541 = arith.addf %logistic3A_540, %logistic3A_538 : vector<1024x128xf32>
    %logistic3A_542 = arith.divf %logistic3A_540, %logistic3A_541 : vector<1024x128xf32>
    %slice3A_543 = vector.extract_strided_slice %add3A_533 {offsets = [0, 256], sizes = [1024, 128], strides = [1, 1]} : vector<1024x512xf32> to vector<1024x128xf32>
    %tanh3A_544 = math.tanh %slice3A_543 : vector<1024x128xf32>
    %slice3A_545 = vector.extract_strided_slice %add3A_533 {offsets = [0, 384], sizes = [1024, 128], strides = [1, 1]} : vector<1024x512xf32> to vector<1024x128xf32>
    %tanh3A_546 = math.tanh %slice3A_545 : vector<1024x128xf32>
    %mul3A_547 = arith.mulf %logistic3A_542, %add3A_469 : vector<1024x128xf32>
    %mul3A_548 = arith.mulf %tanh3A_535, %tanh3A_544 : vector<1024x128xf32>
    %add3A_549 = arith.addf %mul3A_548, %tanh3A_544 : vector<1024x128xf32>
    %mul3A_550 = arith.constant 5.000000e-01 : f32
    %mul3A_551 = vector.broadcast %mul3A_550 : f32 to vector<1024x128xf32>
    %mul3A_552 = arith.mulf %mul3A_551, %add3A_549 : vector<1024x128xf32>
    %add3A_553 = arith.addf %mul3A_547, %mul3A_552 : vector<1024x128xf32>
    %tanh3A_554 = math.tanh %add3A_553 : vector<1024x128xf32>
    %mul3A_555 = arith.mulf %tanh3A_546, %tanh3A_554 : vector<1024x128xf32>
    %add3A_556 = arith.addf %mul3A_555, %tanh3A_554 : vector<1024x128xf32>
    %mul3A_557 = arith.constant 5.000000e-01 : f32
    %mul3A_558 = vector.broadcast %mul3A_557 : f32 to vector<1024x128xf32>
    %mul3A_559 = arith.mulf %mul3A_558, %add3A_556 : vector<1024x128xf32>
    %get3A_560 = arith.constant 1 : index
    %get3A_561 = arith.constant 0 : index
    %get3A_562 = arith.constant 0 : index
    %get3A_563 = vector.load %arg3[%get3A_560, %get3A_561, %get3A_562] : memref<8x1024x128xf32, #tpu.memory_space<vmem>>, vector<1x1024x128xf32>
    %get3A_564 = vector.shape_cast %get3A_563 : vector<1x1024x128xf32> to vector<1024x128xf32>
    %get3A_565 = arith.constant 0 : index
    %get3A_566 = arith.constant 0 : index
    %get3A_567 = vector.load %arg5[%get3A_565, %get3A_566] : memref<256x512xf32, #tpu.memory_space<vmem>>, vector<256x512xf32>
    %get3A_568 = arith.constant 0 : index
    %get3A_569 = arith.constant 0 : index
    %get3A_570 = vector.load %arg7[%get3A_568, %get3A_569] : memref<1x512xf32, #tpu.memory_space<vmem>>, vector<1x512xf32>
    %concatenate3A_571 = tpu.concatenate %get3A_564, %mul3A_517 in 1 : vector<1024x128xf32>, vector<1024x128xf32> -> vector<1024x256xf32>
    %dot_general3A_572 = arith.constant dense<0.000000e+00> : vector<1024x512xf32>
    %dot_general3A_573 = tpu.matmul %concatenate3A_571, %get3A_567, %dot_general3A_572 {dimension_numbers = #tpu.dot_dimension_numbers<[1], [0], [0], [1], [0, 0, 1, 1], [], []>, transpose_lhs_hint = false} : vector<1024x256xf32>, vector<256x512xf32>, vector<1024x512xf32> -> vector<1024x512xf32>
    %add3A_574 = vector.broadcast %get3A_570 : vector<1x512xf32> to vector<1024x512xf32>
    %add3A_575 = arith.addf %dot_general3A_573, %add3A_574 : vector<1024x512xf32>
    %slice3A_576 = vector.extract_strided_slice %add3A_575 {offsets = [0, 0], sizes = [1024, 128], strides = [1, 1]} : vector<1024x512xf32> to vector<1024x128xf32>
    %tanh3A_577 = math.tanh %slice3A_576 : vector<1024x128xf32>
    %slice3A_578 = vector.extract_strided_slice %add3A_575 {offsets = [0, 128], sizes = [1024, 128], strides = [1, 1]} : vector<1024x512xf32> to vector<1024x128xf32>
    %logistic3A_579 = arith.negf %slice3A_578 : vector<1024x128xf32>
    %logistic3A_580 = math.exp %logistic3A_579 : vector<1024x128xf32>
    %logistic3A_581 = arith.constant 1.000000e+00 : f32
    %logistic3A_582 = vector.broadcast %logistic3A_581 : f32 to vector<1024x128xf32>
    %logistic3A_583 = arith.addf %logistic3A_582, %logistic3A_580 : vector<1024x128xf32>
    %logistic3A_584 = arith.divf %logistic3A_582, %logistic3A_583 : vector<1024x128xf32>
    %slice3A_585 = vector.extract_strided_slice %add3A_575 {offsets = [0, 256], sizes = [1024, 128], strides = [1, 1]} : vector<1024x512xf32> to vector<1024x128xf32>
    %tanh3A_586 = math.tanh %slice3A_585 : vector<1024x128xf32>
    %slice3A_587 = vector.extract_strided_slice %add3A_575 {offsets = [0, 384], sizes = [1024, 128], strides = [1, 1]} : vector<1024x512xf32> to vector<1024x128xf32>
    %tanh3A_588 = math.tanh %slice3A_587 : vector<1024x128xf32>
    %mul3A_589 = arith.mulf %logistic3A_584, %add3A_511 : vector<1024x128xf32>
    %mul3A_590 = arith.mulf %tanh3A_577, %tanh3A_586 : vector<1024x128xf32>
    %add3A_591 = arith.addf %mul3A_590, %tanh3A_586 : vector<1024x128xf32>
    %mul3A_592 = arith.constant 5.000000e-01 : f32
    %mul3A_593 = vector.broadcast %mul3A_592 : f32 to vector<1024x128xf32>
    %mul3A_594 = arith.mulf %mul3A_593, %add3A_591 : vector<1024x128xf32>
    %add3A_595 = arith.addf %mul3A_589, %mul3A_594 : vector<1024x128xf32>
    %tanh3A_596 = math.tanh %add3A_595 : vector<1024x128xf32>
    %mul3A_597 = arith.mulf %tanh3A_588, %tanh3A_596 : vector<1024x128xf32>
    %add3A_598 = arith.addf %mul3A_597, %tanh3A_596 : vector<1024x128xf32>
    %mul3A_599 = arith.constant 5.000000e-01 : f32
    %mul3A_600 = vector.broadcast %mul3A_599 : f32 to vector<1024x128xf32>
    %mul3A_601 = arith.mulf %mul3A_600, %add3A_598 : vector<1024x128xf32>
    %get3A_602 = arith.constant 7 : index
    %get3A_603 = arith.constant 0 : index
    %get3A_604 = arith.constant 0 : index
    %get3A_605 = vector.load %arg2[%get3A_602, %get3A_603, %get3A_604] : memref<8x1024x128xf32, #tpu.memory_space<vmem>>, vector<1x1024x128xf32>
    %get3A_606 = vector.shape_cast %get3A_605 : vector<1x1024x128xf32> to vector<1024x128xf32>
    %get3A_607 = arith.constant 0 : index
    %get3A_608 = arith.constant 0 : index
    %get3A_609 = vector.load %arg4[%get3A_607, %get3A_608] : memref<256x512xf32, #tpu.memory_space<vmem>>, vector<256x512xf32>
    %get3A_610 = arith.constant 0 : index
    %get3A_611 = arith.constant 0 : index
    %get3A_612 = vector.load %arg6[%get3A_610, %get3A_611] : memref<1x512xf32, #tpu.memory_space<vmem>>, vector<1x512xf32>
    %concatenate3A_613 = tpu.concatenate %get3A_606, %mul3A_559 in 1 : vector<1024x128xf32>, vector<1024x128xf32> -> vector<1024x256xf32>
    %dot_general3A_614 = arith.constant dense<0.000000e+00> : vector<1024x512xf32>
    %dot_general3A_615 = tpu.matmul %concatenate3A_613, %get3A_609, %dot_general3A_614 {dimension_numbers = #tpu.dot_dimension_numbers<[1], [0], [0], [1], [0, 0, 1, 1], [], []>, transpose_lhs_hint = false} : vector<1024x256xf32>, vector<256x512xf32>, vector<1024x512xf32> -> vector<1024x512xf32>
    %add3A_616 = vector.broadcast %get3A_612 : vector<1x512xf32> to vector<1024x512xf32>
    %add3A_617 = arith.addf %dot_general3A_615, %add3A_616 : vector<1024x512xf32>
    %slice3A_618 = vector.extract_strided_slice %add3A_617 {offsets = [0, 0], sizes = [1024, 128], strides = [1, 1]} : vector<1024x512xf32> to vector<1024x128xf32>
    %tanh3A_619 = math.tanh %slice3A_618 : vector<1024x128xf32>
    %slice3A_620 = vector.extract_strided_slice %add3A_617 {offsets = [0, 128], sizes = [1024, 128], strides = [1, 1]} : vector<1024x512xf32> to vector<1024x128xf32>
    %logistic3A_621 = arith.negf %slice3A_620 : vector<1024x128xf32>
    %logistic3A_622 = math.exp %logistic3A_621 : vector<1024x128xf32>
    %logistic3A_623 = arith.constant 1.000000e+00 : f32
    %logistic3A_624 = vector.broadcast %logistic3A_623 : f32 to vector<1024x128xf32>
    %logistic3A_625 = arith.addf %logistic3A_624, %logistic3A_622 : vector<1024x128xf32>
    %logistic3A_626 = arith.divf %logistic3A_624, %logistic3A_625 : vector<1024x128xf32>
    %slice3A_627 = vector.extract_strided_slice %add3A_617 {offsets = [0, 256], sizes = [1024, 128], strides = [1, 1]} : vector<1024x512xf32> to vector<1024x128xf32>
    %tanh3A_628 = math.tanh %slice3A_627 : vector<1024x128xf32>
    %slice3A_629 = vector.extract_strided_slice %add3A_617 {offsets = [0, 384], sizes = [1024, 128], strides = [1, 1]} : vector<1024x512xf32> to vector<1024x128xf32>
    %tanh3A_630 = math.tanh %slice3A_629 : vector<1024x128xf32>
    %mul3A_631 = arith.mulf %logistic3A_626, %add3A_553 : vector<1024x128xf32>
    %mul3A_632 = arith.mulf %tanh3A_619, %tanh3A_628 : vector<1024x128xf32>
    %add3A_633 = arith.addf %mul3A_632, %tanh3A_628 : vector<1024x128xf32>
    %mul3A_634 = arith.constant 5.000000e-01 : f32
    %mul3A_635 = vector.broadcast %mul3A_634 : f32 to vector<1024x128xf32>
    %mul3A_636 = arith.mulf %mul3A_635, %add3A_633 : vector<1024x128xf32>
    %add3A_637 = arith.addf %mul3A_631, %mul3A_636 : vector<1024x128xf32>
    %tanh3A_638 = math.tanh %add3A_637 : vector<1024x128xf32>
    %mul3A_639 = arith.mulf %tanh3A_630, %tanh3A_638 : vector<1024x128xf32>
    %add3A_640 = arith.addf %mul3A_639, %tanh3A_638 : vector<1024x128xf32>
    %mul3A_641 = arith.constant 5.000000e-01 : f32
    %mul3A_642 = vector.broadcast %mul3A_641 : f32 to vector<1024x128xf32>
    %mul3A_643 = arith.mulf %mul3A_642, %add3A_640 : vector<1024x128xf32>
    %get3A_644 = arith.constant 0 : index
    %get3A_645 = arith.constant 0 : index
    %get3A_646 = arith.constant 0 : index
    %get3A_647 = vector.load %arg3[%get3A_644, %get3A_645, %get3A_646] : memref<8x1024x128xf32, #tpu.memory_space<vmem>>, vector<1x1024x128xf32>
    %get3A_648 = vector.shape_cast %get3A_647 : vector<1x1024x128xf32> to vector<1024x128xf32>
    %get3A_649 = arith.constant 0 : index
    %get3A_650 = arith.constant 0 : index
    %get3A_651 = vector.load %arg5[%get3A_649, %get3A_650] : memref<256x512xf32, #tpu.memory_space<vmem>>, vector<256x512xf32>
    %get3A_652 = arith.constant 0 : index
    %get3A_653 = arith.constant 0 : index
    %get3A_654 = vector.load %arg7[%get3A_652, %get3A_653] : memref<1x512xf32, #tpu.memory_space<vmem>>, vector<1x512xf32>
    %concatenate3A_655 = tpu.concatenate %get3A_648, %mul3A_601 in 1 : vector<1024x128xf32>, vector<1024x128xf32> -> vector<1024x256xf32>
    %dot_general3A_656 = arith.constant dense<0.000000e+00> : vector<1024x512xf32>
    %dot_general3A_657 = tpu.matmul %concatenate3A_655, %get3A_651, %dot_general3A_656 {dimension_numbers = #tpu.dot_dimension_numbers<[1], [0], [0], [1], [0, 0, 1, 1], [], []>, transpose_lhs_hint = false} : vector<1024x256xf32>, vector<256x512xf32>, vector<1024x512xf32> -> vector<1024x512xf32>
    %add3A_658 = vector.broadcast %get3A_654 : vector<1x512xf32> to vector<1024x512xf32>
    %add3A_659 = arith.addf %dot_general3A_657, %add3A_658 : vector<1024x512xf32>
    %slice3A_660 = vector.extract_strided_slice %add3A_659 {offsets = [0, 0], sizes = [1024, 128], strides = [1, 1]} : vector<1024x512xf32> to vector<1024x128xf32>
    %tanh3A_661 = math.tanh %slice3A_660 : vector<1024x128xf32>
    %slice3A_662 = vector.extract_strided_slice %add3A_659 {offsets = [0, 128], sizes = [1024, 128], strides = [1, 1]} : vector<1024x512xf32> to vector<1024x128xf32>
    %logistic3A_663 = arith.negf %slice3A_662 : vector<1024x128xf32>
    %logistic3A_664 = math.exp %logistic3A_663 : vector<1024x128xf32>
    %logistic3A_665 = arith.constant 1.000000e+00 : f32
    %logistic3A_666 = vector.broadcast %logistic3A_665 : f32 to vector<1024x128xf32>
    %logistic3A_667 = arith.addf %logistic3A_666, %logistic3A_664 : vector<1024x128xf32>
    %logistic3A_668 = arith.divf %logistic3A_666, %logistic3A_667 : vector<1024x128xf32>
    %slice3A_669 = vector.extract_strided_slice %add3A_659 {offsets = [0, 256], sizes = [1024, 128], strides = [1, 1]} : vector<1024x512xf32> to vector<1024x128xf32>
    %tanh3A_670 = math.tanh %slice3A_669 : vector<1024x128xf32>
    %slice3A_671 = vector.extract_strided_slice %add3A_659 {offsets = [0, 384], sizes = [1024, 128], strides = [1, 1]} : vector<1024x512xf32> to vector<1024x128xf32>
    %tanh3A_672 = math.tanh %slice3A_671 : vector<1024x128xf32>
    %mul3A_673 = arith.mulf %logistic3A_668, %add3A_595 : vector<1024x128xf32>
    %mul3A_674 = arith.mulf %tanh3A_661, %tanh3A_670 : vector<1024x128xf32>
    %add3A_675 = arith.addf %mul3A_674, %tanh3A_670 : vector<1024x128xf32>
    %mul3A_676 = arith.constant 5.000000e-01 : f32
    %mul3A_677 = vector.broadcast %mul3A_676 : f32 to vector<1024x128xf32>
    %mul3A_678 = arith.mulf %mul3A_677, %add3A_675 : vector<1024x128xf32>
    %add3A_679 = arith.addf %mul3A_673, %mul3A_678 : vector<1024x128xf32>
    %tanh3A_680 = math.tanh %add3A_679 : vector<1024x128xf32>
    %mul3A_681 = arith.mulf %tanh3A_672, %tanh3A_680 : vector<1024x128xf32>
    %add3A_682 = arith.addf %mul3A_681, %tanh3A_680 : vector<1024x128xf32>
    %mul3A_683 = arith.constant 5.000000e-01 : f32
    %mul3A_684 = vector.broadcast %mul3A_683 : f32 to vector<1024x128xf32>
    %mul3A_685 = arith.mulf %mul3A_684, %add3A_682 : vector<1024x128xf32>
    %swap3A = arith.constant 0 : index
    %swap3A_686 = arith.constant 0 : index
    %swap3A_687 = arith.constant 0 : index
    %swap3A_688 = vector.load %arg12[%swap3A, %swap3A_686, %swap3A_687] : memref<4x1024x128xf32, #tpu.memory_space<vmem>>, vector<1x1024x128xf32>
    %swap3A_689 = vector.shape_cast %swap3A_688 : vector<1x1024x128xf32> to vector<1024x128xf32>
    %swap3A_690 = vector.shape_cast %mul3A_643 : vector<1024x128xf32> to vector<1x1024x128xf32>
    tpu.vector_store %arg12[%swap3A, %swap3A_686, %swap3A_687], %swap3A_690 {strides = array<i32>} : memref<4x1024x128xf32, #tpu.memory_space<vmem>>, vector<1x1024x128xf32>,
    %swap3A_691 = arith.constant 1 : index
    %swap3A_692 = arith.constant 0 : index
    %swap3A_693 = arith.constant 0 : index
    %swap3A_694 = vector.load %arg12[%swap3A_691, %swap3A_692, %swap3A_693] : memref<4x1024x128xf32, #tpu.memory_space<vmem>>, vector<1x1024x128xf32>
    %swap3A_695 = vector.shape_cast %swap3A_694 : vector<1x1024x128xf32> to vector<1024x128xf32>
    %swap3A_696 = vector.shape_cast %add3A_637 : vector<1024x128xf32> to vector<1x1024x128xf32>
    tpu.vector_store %arg12[%swap3A_691, %swap3A_692, %swap3A_693], %swap3A_696 {strides = array<i32>} : memref<4x1024x128xf32, #tpu.memory_space<vmem>>, vector<1x1024x128xf32>,
    %swap3A_697 = arith.constant 2 : index
    %swap3A_698 = arith.constant 0 : index
    %swap3A_699 = arith.constant 0 : index
    %swap3A_700 = vector.load %arg12[%swap3A_697, %swap3A_698, %swap3A_699] : memref<4x1024x128xf32, #tpu.memory_space<vmem>>, vector<1x1024x128xf32>
    %swap3A_701 = vector.shape_cast %swap3A_700 : vector<1x1024x128xf32> to vector<1024x128xf32>
    %swap3A_702 = vector.shape_cast %mul3A_685 : vector<1024x128xf32> to vector<1x1024x128xf32>
    tpu.vector_store %arg12[%swap3A_697, %swap3A_698, %swap3A_699], %swap3A_702 {strides = array<i32>} : memref<4x1024x128xf32, #tpu.memory_space<vmem>>, vector<1x1024x128xf32>,
    %swap3A_703 = arith.constant 3 : index
    %swap3A_704 = arith.constant 0 : index
    %swap3A_705 = arith.constant 0 : index
    %swap3A_706 = vector.load %arg12[%swap3A_703, %swap3A_704, %swap3A_705] : memref<4x1024x128xf32, #tpu.memory_space<vmem>>, vector<1x1024x128xf32>
    %swap3A_707 = vector.shape_cast %swap3A_706 : vector<1x1024x128xf32> to vector<1024x128xf32>
    %swap3A_708 = vector.shape_cast %add3A_679 : vector<1024x128xf32> to vector<1x1024x128xf32>
    tpu.vector_store %arg12[%swap3A_703, %swap3A_704, %swap3A_705], %swap3A_708 {strides = array<i32>} : memref<4x1024x128xf32, #tpu.memory_space<vmem>>, vector<1x1024x128xf32>,
    %eq3A_709 = arith.constant 5 : i32
    %eq3A_710 = arith.cmpi eq, %arg0, %eq3A_709 : i32
    %convert_element_type3A_711 = arith.extui %eq3A_710 : i1 to i32
    %cond3A_712 = arith.constant 0 : i32
    %cond3A_713 = arith.cmpi ne, %convert_element_type3A_711, %cond3A_712 : i32
    scf.if %cond3A_713 {
      %get3A_714 = arith.constant 0 : index
      %get3A_715 = arith.constant 0 : index
      %get3A_716 = vector.load %arg8[%get3A_714, %get3A_715] : memref<128x128xf32, #tpu.memory_space<vmem>>, vector<128x128xf32>
      %dot_general3A_717 = arith.constant dense<0.000000e+00> : vector<1024x128xf32>
      %dot_general3A_718 = tpu.matmul %mul3A_643, %get3A_716, %dot_general3A_717 {dimension_numbers = #tpu.dot_dimension_numbers<[1], [0], [0], [1], [0, 0, 1, 1], [], []>, transpose_lhs_hint = false} : vector<1024x128xf32>, vector<128x128xf32>, vector<1024x128xf32> -> vector<1024x128xf32>
      %get3A_719 = arith.constant 0 : index
      %get3A_720 = arith.constant 0 : index
      %get3A_721 = vector.load %arg9[%get3A_719, %get3A_720] : memref<128x128xf32, #tpu.memory_space<vmem>>, vector<128x128xf32>
      %dot_general3A_722 = arith.constant dense<0.000000e+00> : vector<1024x128xf32>
      %dot_general3A_723 = tpu.matmul %mul3A_685, %get3A_721, %dot_general3A_722 {dimension_numbers = #tpu.dot_dimension_numbers<[1], [0], [0], [1], [0, 0, 1, 1], [], []>, transpose_lhs_hint = false} : vector<1024x128xf32>, vector<128x128xf32>, vector<1024x128xf32> -> vector<1024x128xf32>
      %add3A_724 = arith.addf %dot_general3A_718, %dot_general3A_723 : vector<1024x128xf32>
      %get3A_725 = arith.constant 0 : index
      %get3A_726 = arith.constant 0 : index
      %get3A_727 = memref.load %arg10[%get3A_725, %get3A_726] : memref<1x1xf32, #tpu.memory_space<smem>>
      %add3A_728 = vector.broadcast %get3A_727 : f32 to vector<1024x128xf32>
      %add3A_729 = arith.addf %add3A_724, %add3A_728 : vector<1024x128xf32>
      %swap3A_730 = arith.constant 0 : index
      %swap3A_731 = arith.constant 0 : index
      %swap3A_732 = vector.load %arg11[%swap3A_730, %swap3A_731] : memref<1024x128xf32, #tpu.memory_space<vmem>>, vector<1024x128xf32>
      tpu.vector_store %arg11[%swap3A_730, %swap3A_731], %add3A_729 {strides = array<i32>} : memref<1024x128xf32, #tpu.memory_space<vmem>>, vector<1024x128xf32>,
    } else {
    }
    return
  }
  func.func @transform_1(%arg0: i32) -> (i32, i32, i32) {
    %add3A = arith.constant 0 : i32
    %add3A_0 = arith.addi %add3A, %arg0 : i32
    %c0_i32 = arith.constant 0 : i32
    %c0_i32_1 = arith.constant 0 : i32
    %c0_i32_2 = arith.constant 0 : i32
    return %add3A_0, %c0_i32, %c0_i32_1 : i32, i32, i32
  }
  func.func @transform_2(%arg0: i32) -> (i32, i32, i32) {
    %sub3A = arith.constant 11 : i32
    %sub3A_0 = arith.subi %sub3A, %arg0 : i32
    %c0_i32 = arith.constant 0 : i32
    %c0_i32_1 = arith.constant 0 : i32
    %c0_i32_2 = arith.constant 0 : i32
    return %sub3A_0, %c0_i32, %c0_i32_1 : i32, i32, i32
  }
  func.func @transform_3(%arg0: i32) -> (i32, i32) {
    %c0_i32 = arith.constant 0 : i32
    %c0_i32_0 = arith.constant 0 : i32
    %c0_i32_1 = arith.constant 0 : i32
    return %c0_i32, %c0_i32_0 : i32, i32
  }
  func.func @transform_4(%arg0: i32) -> (i32, i32) {
    %c0_i32 = arith.constant 0 : i32
    %c0_i32_0 = arith.constant 0 : i32
    %c0_i32_1 = arith.constant 0 : i32
    return %c0_i32, %c0_i32_0 : i32, i32
  }
  func.func @transform_5(%arg0: i32) -> (i32, i32) {
    %c0_i32 = arith.constant 0 : i32
    %c0_i32_0 = arith.constant 0 : i32
    %c0_i32_1 = arith.constant 0 : i32
    return %c0_i32, %c0_i32_0 : i32, i32
  }
  func.func @transform_6(%arg0: i32) -> (i32, i32) {
    %c0_i32 = arith.constant 0 : i32
    %c0_i32_0 = arith.constant 0 : i32
    %c0_i32_1 = arith.constant 0 : i32
    return %c0_i32, %c0_i32_0 : i32, i32
  }
  func.func @transform_7(%arg0: i32) -> (i32, i32) {
    %c0_i32 = arith.constant 0 : i32
    %c0_i32_0 = arith.constant 0 : i32
    %c0_i32_1 = arith.constant 0 : i32
    return %c0_i32, %c0_i32_0 : i32, i32
  }
  func.func @transform_8(%arg0: i32) -> (i32, i32) {
    %c0_i32 = arith.constant 0 : i32
    %c0_i32_0 = arith.constant 0 : i32
    %c0_i32_1 = arith.constant 0 : i32
    return %c0_i32, %c0_i32_0 : i32, i32
  }
  func.func @transform_9(%arg0: i32) -> (i32, i32) {
    %c0_i32 = arith.constant 0 : i32
    %c0_i32_0 = arith.constant 0 : i32
    %c0_i32_1 = arith.constant 0 : i32
    return %c0_i32, %c0_i32_0 : i32, i32
  }
  func.func @transform_10(%arg0: i32) -> (i32, i32) {
    %c0_i32 = arith.constant 0 : i32
    %c0_i32_0 = arith.constant 0 : i32
    %c0_i32_1 = arith.constant 0 : i32
    return %c0_i32, %c0_i32_0 : i32, i32
  }
  func.func @transform_11(%arg0: i32) -> (i32, i32, i32) {
    %c0_i32 = arith.constant 0 : i32
    %c0_i32_0 = arith.constant 0 : i32
    %c0_i32_1 = arith.constant 0 : i32
    %c0_i32_2 = arith.constant 0 : i32
    return %c0_i32, %c0_i32_0, %c0_i32_1 : i32, i32, i32
  }
}

module attributes {stable_mosaic.version = 14 : i64} {
  func.func @_lstm_body(%arg0: i32, %arg1: memref<4x1024x128xf32, #tpu.memory_space<any>>, %arg2: memref<8x1024x128xf32, #tpu.memory_space<vmem>>, %arg3: memref<8x1024x128xf32, #tpu.memory_space<vmem>>, %arg4: memref<256x512xf32, #tpu.memory_space<vmem>>, %arg5: memref<256x512xf32, #tpu.memory_space<vmem>>, %arg6: memref<1x512xf32, #tpu.memory_space<vmem>>, %arg7: memref<1x512xf32, #tpu.memory_space<vmem>>, %arg8: memref<128x128xf32, #tpu.memory_space<vmem>>, %arg9: memref<128x128xf32, #tpu.memory_space<vmem>>, %arg10: memref<1x1xf32, #tpu.memory_space<smem>>, %arg11: memref<1024x128xf32, #tpu.memory_space<vmem>>, %arg12: memref<4x1024x128xf32, #tpu.memory_space<vmem>>, %arg13: memref<!tpu.dma_semaphore, #tpu.memory_space<semaphore_mem>>) attributes {dimension_semantics = [#tpu.dimension_semantics<arbitrary>], iteration_bounds = array<i64: 6>, scalar_prefetch = 0 : i64, scratch_operands = 1 : i64, tpu.core_type = #tpu.core_type<tc>, window_params = [{}, {transform_indices = @transform_1, window_bounds = array<i64: 8, 1024, 128>}, {transform_indices = @transform_2, window_bounds = array<i64: 8, 1024, 128>}, {pipeline_mode = #tpu.pipeline_mode<synchronous>, transform_indices = @transform_3, window_bounds = array<i64: 256, 512>}, {pipeline_mode = #tpu.pipeline_mode<synchronous>, transform_indices = @transform_4, window_bounds = array<i64: 256, 512>}, {pipeline_mode = #tpu.pipeline_mode<synchronous>, transform_indices = @transform_5, window_bounds = array<i64: 1, 512>}, {pipeline_mode = #tpu.pipeline_mode<synchronous>, transform_indices = @transform_6, window_bounds = array<i64: 1, 512>}, {pipeline_mode = #tpu.pipeline_mode<synchronous>, transform_indices = @transform_7, window_bounds = array<i64: 128, 128>}, {pipeline_mode = #tpu.pipeline_mode<synchronous>, transform_indices = @transform_8, window_bounds = array<i64: 128, 128>}, {transform_indices = @transform_9, window_bounds = array<i64: 1, 1>}, {pipeline_mode = #tpu.pipeline_mode<synchronous>, transform_indices = @transform_10, window_bounds = array<i64: 1024, 128>}, {pipeline_mode = #tpu.pipeline_mode<synchronous>, transform_indices = @transform_11, window_bounds = array<i64: 4, 1024, 128>}]} {
    %eq3A = arith.constant 0 : i32
    %eq3A_0 = arith.cmpi eq, %arg0, %eq3A : i32
    %convert_element_type3A = arith.extui %eq3A_0 : i1 to i32
    %cond3A = arith.constant 0 : i32
    %cond3A_1 = arith.cmpi ne, %convert_element_type3A, %cond3A : i32
    scf.if %cond3A_1 {
      %dma_start3A = arith.constant 0 : i32
      %dma_start3A_714 = arith.constant 0 : i32
      %dma_start3A_715 = arith.constant 0 : i32
      %dma_start3A_716 = arith.constant 0 : i32
      %dma_start3A_717 = tpu.memref_slice %arg12[%dma_start3A_714, %dma_start3A_715, %dma_start3A_716] : memref<4x1024x128xf32, #tpu.memory_space<vmem>> -> memref<1x1024x128xf32, #tpu.memory_space<vmem>>
      %dma_start3A_718 = tpu.memref_squeeze %dma_start3A_717 : memref<1x1024x128xf32, #tpu.memory_space<vmem>> -> memref<1024x128xf32, #tpu.memory_space<vmem>>
      %dma_start3A_719 = arith.constant 0 : i32
      %dma_start3A_720 = arith.constant 0 : i32
      %dma_start3A_721 = tpu.memref_slice %arg1[%dma_start3A, %dma_start3A_719, %dma_start3A_720] : memref<4x1024x128xf32, #tpu.memory_space<any>> -> memref<1x1024x128xf32, #tpu.memory_space<any>>
      %dma_start3A_722 = tpu.memref_squeeze %dma_start3A_721 : memref<1x1024x128xf32, #tpu.memory_space<any>> -> memref<1024x128xf32, #tpu.memory_space<any>>
      tpu.enqueue_dma source(%dma_start3A_722 : memref<1024x128xf32, #tpu.memory_space<any>>) target(%dma_start3A_718 : memref<1024x128xf32, #tpu.memory_space<vmem>>) target_semaphore(%arg13 : memref<!tpu.dma_semaphore, #tpu.memory_space<semaphore_mem>>)
      %dma_start3A_723 = arith.constant 1 : i32
      %dma_start3A_724 = arith.constant 1 : i32
      %dma_start3A_725 = arith.constant 0 : i32
      %dma_start3A_726 = arith.constant 0 : i32
      %dma_start3A_727 = tpu.memref_slice %arg12[%dma_start3A_724, %dma_start3A_725, %dma_start3A_726] : memref<4x1024x128xf32, #tpu.memory_space<vmem>> -> memref<1x1024x128xf32, #tpu.memory_space<vmem>>
      %dma_start3A_728 = tpu.memref_squeeze %dma_start3A_727 : memref<1x1024x128xf32, #tpu.memory_space<vmem>> -> memref<1024x128xf32, #tpu.memory_space<vmem>>
      %dma_start3A_729 = arith.constant 0 : i32
      %dma_start3A_730 = arith.constant 0 : i32
      %dma_start3A_731 = tpu.memref_slice %arg1[%dma_start3A_723, %dma_start3A_729, %dma_start3A_730] : memref<4x1024x128xf32, #tpu.memory_space<any>> -> memref<1x1024x128xf32, #tpu.memory_space<any>>
      %dma_start3A_732 = tpu.memref_squeeze %dma_start3A_731 : memref<1x1024x128xf32, #tpu.memory_space<any>> -> memref<1024x128xf32, #tpu.memory_space<any>>
      tpu.enqueue_dma source(%dma_start3A_732 : memref<1024x128xf32, #tpu.memory_space<any>>) target(%dma_start3A_728 : memref<1024x128xf32, #tpu.memory_space<vmem>>) target_semaphore(%arg13 : memref<!tpu.dma_semaphore, #tpu.memory_space<semaphore_mem>>)
      %dma_start3A_733 = arith.constant 2 : i32
      %dma_start3A_734 = arith.constant 2 : i32
      %dma_start3A_735 = arith.constant 0 : i32
      %dma_start3A_736 = arith.constant 0 : i32
      %dma_start3A_737 = tpu.memref_slice %arg12[%dma_start3A_734, %dma_start3A_735, %dma_start3A_736] : memref<4x1024x128xf32, #tpu.memory_space<vmem>> -> memref<1x1024x128xf32, #tpu.memory_space<vmem>>
      %dma_start3A_738 = tpu.memref_squeeze %dma_start3A_737 : memref<1x1024x128xf32, #tpu.memory_space<vmem>> -> memref<1024x128xf32, #tpu.memory_space<vmem>>
      %dma_start3A_739 = arith.constant 0 : i32
      %dma_start3A_740 = arith.constant 0 : i32
      %dma_start3A_741 = tpu.memref_slice %arg1[%dma_start3A_733, %dma_start3A_739, %dma_start3A_740] : memref<4x1024x128xf32, #tpu.memory_space<any>> -> memref<1x1024x128xf32, #tpu.memory_space<any>>
      %dma_start3A_742 = tpu.memref_squeeze %dma_start3A_741 : memref<1x1024x128xf32, #tpu.memory_space<any>> -> memref<1024x128xf32, #tpu.memory_space<any>>
      tpu.enqueue_dma source(%dma_start3A_742 : memref<1024x128xf32, #tpu.memory_space<any>>) target(%dma_start3A_738 : memref<1024x128xf32, #tpu.memory_space<vmem>>) target_semaphore(%arg13 : memref<!tpu.dma_semaphore, #tpu.memory_space<semaphore_mem>>)
      %dma_start3A_743 = arith.constant 3 : i32
      %dma_start3A_744 = arith.constant 3 : i32
      %dma_start3A_745 = arith.constant 0 : i32
      %dma_start3A_746 = arith.constant 0 : i32
      %dma_start3A_747 = tpu.memref_slice %arg12[%dma_start3A_744, %dma_start3A_745, %dma_start3A_746] : memref<4x1024x128xf32, #tpu.memory_space<vmem>> -> memref<1x1024x128xf32, #tpu.memory_space<vmem>>
      %dma_start3A_748 = tpu.memref_squeeze %dma_start3A_747 : memref<1x1024x128xf32, #tpu.memory_space<vmem>> -> memref<1024x128xf32, #tpu.memory_space<vmem>>
      %dma_start3A_749 = arith.constant 0 : i32
      %dma_start3A_750 = arith.constant 0 : i32
      %dma_start3A_751 = tpu.memref_slice %arg1[%dma_start3A_743, %dma_start3A_749, %dma_start3A_750] : memref<4x1024x128xf32, #tpu.memory_space<any>> -> memref<1x1024x128xf32, #tpu.memory_space<any>>
      %dma_start3A_752 = tpu.memref_squeeze %dma_start3A_751 : memref<1x1024x128xf32, #tpu.memory_space<any>> -> memref<1024x128xf32, #tpu.memory_space<any>>
      tpu.enqueue_dma source(%dma_start3A_752 : memref<1024x128xf32, #tpu.memory_space<any>>) target(%dma_start3A_748 : memref<1024x128xf32, #tpu.memory_space<vmem>>) target_semaphore(%arg13 : memref<!tpu.dma_semaphore, #tpu.memory_space<semaphore_mem>>)
      %dma_wait3A = arith.constant 0 : i32
      %dma_wait3A_753 = arith.constant 0 : i32
      %dma_wait3A_754 = arith.constant 0 : i32
      %dma_wait3A_755 = arith.constant 0 : i32
      %dma_wait3A_756 = tpu.memref_slice %arg12[%dma_wait3A_753, %dma_wait3A_754, %dma_wait3A_755] : memref<4x1024x128xf32, #tpu.memory_space<vmem>> -> memref<1x1024x128xf32, #tpu.memory_space<vmem>>
      %dma_wait3A_757 = tpu.memref_squeeze %dma_wait3A_756 : memref<1x1024x128xf32, #tpu.memory_space<vmem>> -> memref<1024x128xf32, #tpu.memory_space<vmem>>
      %dma_wait3A_758 = arith.constant 0 : i32
      %dma_wait3A_759 = arith.constant 0 : i32
      %dma_wait3A_760 = tpu.memref_slice %arg1[%dma_wait3A, %dma_wait3A_758, %dma_wait3A_759] : memref<4x1024x128xf32, #tpu.memory_space<any>> -> memref<1x1024x128xf32, #tpu.memory_space<any>>
      %dma_wait3A_761 = tpu.memref_squeeze %dma_wait3A_760 : memref<1x1024x128xf32, #tpu.memory_space<any>> -> memref<1024x128xf32, #tpu.memory_space<any>>
      tpu.wait_dma2 semaphore(%arg13 : memref<!tpu.dma_semaphore, #tpu.memory_space<semaphore_mem>>) src(%dma_wait3A_761 : memref<1024x128xf32, #tpu.memory_space<any>>) dst(%dma_wait3A_757 : memref<1024x128xf32, #tpu.memory_space<vmem>>)
      %dma_wait3A_762 = arith.constant 1 : i32
      %dma_wait3A_763 = arith.constant 1 : i32
      %dma_wait3A_764 = arith.constant 0 : i32
      %dma_wait3A_765 = arith.constant 0 : i32
      %dma_wait3A_766 = tpu.memref_slice %arg12[%dma_wait3A_763, %dma_wait3A_764, %dma_wait3A_765] : memref<4x1024x128xf32, #tpu.memory_space<vmem>> -> memref<1x1024x128xf32, #tpu.memory_space<vmem>>
      %dma_wait3A_767 = tpu.memref_squeeze %dma_wait3A_766 : memref<1x1024x128xf32, #tpu.memory_space<vmem>> -> memref<1024x128xf32, #tpu.memory_space<vmem>>
      %dma_wait3A_768 = arith.constant 0 : i32
      %dma_wait3A_769 = arith.constant 0 : i32
      %dma_wait3A_770 = tpu.memref_slice %arg1[%dma_wait3A_762, %dma_wait3A_768, %dma_wait3A_769] : memref<4x1024x128xf32, #tpu.memory_space<any>> -> memref<1x1024x128xf32, #tpu.memory_space<any>>
      %dma_wait3A_771 = tpu.memref_squeeze %dma_wait3A_770 : memref<1x1024x128xf32, #tpu.memory_space<any>> -> memref<1024x128xf32, #tpu.memory_space<any>>
      tpu.wait_dma2 semaphore(%arg13 : memref<!tpu.dma_semaphore, #tpu.memory_space<semaphore_mem>>) src(%dma_wait3A_771 : memref<1024x128xf32, #tpu.memory_space<any>>) dst(%dma_wait3A_767 : memref<1024x128xf32, #tpu.memory_space<vmem>>)
      %dma_wait3A_772 = arith.constant 2 : i32
      %dma_wait3A_773 = arith.constant 2 : i32
      %dma_wait3A_774 = arith.constant 0 : i32
      %dma_wait3A_775 = arith.constant 0 : i32
      %dma_wait3A_776 = tpu.memref_slice %arg12[%dma_wait3A_773, %dma_wait3A_774, %dma_wait3A_775] : memref<4x1024x128xf32, #tpu.memory_space<vmem>> -> memref<1x1024x128xf32, #tpu.memory_space<vmem>>
      %dma_wait3A_777 = tpu.memref_squeeze %dma_wait3A_776 : memref<1x1024x128xf32, #tpu.memory_space<vmem>> -> memref<1024x128xf32, #tpu.memory_space<vmem>>
      %dma_wait3A_778 = arith.constant 0 : i32
      %dma_wait3A_779 = arith.constant 0 : i32
      %dma_wait3A_780 = tpu.memref_slice %arg1[%dma_wait3A_772, %dma_wait3A_778, %dma_wait3A_779] : memref<4x1024x128xf32, #tpu.memory_space<any>> -> memref<1x1024x128xf32, #tpu.memory_space<any>>
      %dma_wait3A_781 = tpu.memref_squeeze %dma_wait3A_780 : memref<1x1024x128xf32, #tpu.memory_space<any>> -> memref<1024x128xf32, #tpu.memory_space<any>>
      tpu.wait_dma2 semaphore(%arg13 : memref<!tpu.dma_semaphore, #tpu.memory_space<semaphore_mem>>) src(%dma_wait3A_781 : memref<1024x128xf32, #tpu.memory_space<any>>) dst(%dma_wait3A_777 : memref<1024x128xf32, #tpu.memory_space<vmem>>)
      %dma_wait3A_782 = arith.constant 3 : i32
      %dma_wait3A_783 = arith.constant 3 : i32
      %dma_wait3A_784 = arith.constant 0 : i32
      %dma_wait3A_785 = arith.constant 0 : i32
      %dma_wait3A_786 = tpu.memref_slice %arg12[%dma_wait3A_783, %dma_wait3A_784, %dma_wait3A_785] : memref<4x1024x128xf32, #tpu.memory_space<vmem>> -> memref<1x1024x128xf32, #tpu.memory_space<vmem>>
      %dma_wait3A_787 = tpu.memref_squeeze %dma_wait3A_786 : memref<1x1024x128xf32, #tpu.memory_space<vmem>> -> memref<1024x128xf32, #tpu.memory_space<vmem>>
      %dma_wait3A_788 = arith.constant 0 : i32
      %dma_wait3A_789 = arith.constant 0 : i32
      %dma_wait3A_790 = tpu.memref_slice %arg1[%dma_wait3A_782, %dma_wait3A_788, %dma_wait3A_789] : memref<4x1024x128xf32, #tpu.memory_space<any>> -> memref<1x1024x128xf32, #tpu.memory_space<any>>
      %dma_wait3A_791 = tpu.memref_squeeze %dma_wait3A_790 : memref<1x1024x128xf32, #tpu.memory_space<any>> -> memref<1024x128xf32, #tpu.memory_space<any>>
      tpu.wait_dma2 semaphore(%arg13 : memref<!tpu.dma_semaphore, #tpu.memory_space<semaphore_mem>>) src(%dma_wait3A_791 : memref<1024x128xf32, #tpu.memory_space<any>>) dst(%dma_wait3A_787 : memref<1024x128xf32, #tpu.memory_space<vmem>>)
    } else {
    }
    %get3A = arith.constant 0 : index
    %get3A_2 = arith.constant 0 : index
    %get3A_3 = arith.constant 0 : index
    %get3A_4 = vector.load %arg12[%get3A, %get3A_2, %get3A_3] : memref<4x1024x128xf32, #tpu.memory_space<vmem>>, vector<1x1024x128xf32>
    %get3A_5 = vector.shape_cast %get3A_4 : vector<1x1024x128xf32> to vector<1024x128xf32>
    %get3A_6 = arith.constant 1 : index
    %get3A_7 = arith.constant 0 : index
    %get3A_8 = arith.constant 0 : index
    %get3A_9 = vector.load %arg12[%get3A_6, %get3A_7, %get3A_8] : memref<4x1024x128xf32, #tpu.memory_space<vmem>>, vector<1x1024x128xf32>
    %get3A_10 = vector.shape_cast %get3A_9 : vector<1x1024x128xf32> to vector<1024x128xf32>
    %get3A_11 = arith.constant 2 : index
    %get3A_12 = arith.constant 0 : index
    %get3A_13 = arith.constant 0 : index
    %get3A_14 = vector.load %arg12[%get3A_11, %get3A_12, %get3A_13] : memref<4x1024x128xf32, #tpu.memory_space<vmem>>, vector<1x1024x128xf32>
    %get3A_15 = vector.shape_cast %get3A_14 : vector<1x1024x128xf32> to vector<1024x128xf32>
    %get3A_16 = arith.constant 3 : index
    %get3A_17 = arith.constant 0 : index
    %get3A_18 = arith.constant 0 : index
    %get3A_19 = vector.load %arg12[%get3A_16, %get3A_17, %get3A_18] : memref<4x1024x128xf32, #tpu.memory_space<vmem>>, vector<1x1024x128xf32>
    %get3A_20 = vector.shape_cast %get3A_19 : vector<1x1024x128xf32> to vector<1024x128xf32>
    %get3A_21 = arith.constant 0 : index
    %get3A_22 = arith.constant 0 : index
    %get3A_23 = arith.constant 0 : index
    %get3A_24 = vector.load %arg2[%get3A_21, %get3A_22, %get3A_23] : memref<8x1024x128xf32, #tpu.memory_space<vmem>>, vector<1x1024x128xf32>
    %get3A_25 = vector.shape_cast %get3A_24 : vector<1x1024x128xf32> to vector<1024x128xf32>
    %get3A_26 = arith.constant 0 : index
    %get3A_27 = arith.constant 0 : index
    %get3A_28 = vector.load %arg4[%get3A_26, %get3A_27] : memref<256x512xf32, #tpu.memory_space<vmem>>, vector<256x512xf32>
    %get3A_29 = arith.constant 0 : index
    %get3A_30 = arith.constant 0 : index
    %get3A_31 = vector.load %arg6[%get3A_29, %get3A_30] : memref<1x512xf32, #tpu.memory_space<vmem>>, vector<1x512xf32>
    %concatenate3A = tpu.concatenate %get3A_25, %get3A_5 in 1 : vector<1024x128xf32>, vector<1024x128xf32> -> vector<1024x256xf32>
    %dot_general3A = arith.constant dense<0.000000e+00> : vector<1024x512xf32>
    %dot_general3A_32 = tpu.matmul %concatenate3A, %get3A_28, %dot_general3A {dimension_numbers = #tpu.dot_dimension_numbers<[1], [0], [0], [1], [0, 0, 1, 1], [], []>, transpose_lhs_hint = false} : vector<1024x256xf32>, vector<256x512xf32>, vector<1024x512xf32> -> vector<1024x512xf32>
    %add3A = vector.broadcast %get3A_31 : vector<1x512xf32> to vector<1024x512xf32>
    %add3A_33 = arith.addf %dot_general3A_32, %add3A : vector<1024x512xf32>
    %slice3A = vector.extract_strided_slice %add3A_33 {offsets = [0, 0], sizes = [1024, 128], strides = [1, 1]} : vector<1024x512xf32> to vector<1024x128xf32>
    %tanh3A = math.tanh %slice3A : vector<1024x128xf32>
    %slice3A_34 = vector.extract_strided_slice %add3A_33 {offsets = [0, 128], sizes = [1024, 128], strides = [1, 1]} : vector<1024x512xf32> to vector<1024x128xf32>
    %logistic3A = arith.negf %slice3A_34 : vector<1024x128xf32>
    %logistic3A_35 = math.exp %logistic3A : vector<1024x128xf32>
    %logistic3A_36 = arith.constant 1.000000e+00 : f32
    %logistic3A_37 = vector.broadcast %logistic3A_36 : f32 to vector<1024x128xf32>
    %logistic3A_38 = arith.addf %logistic3A_37, %logistic3A_35 : vector<1024x128xf32>
    %logistic3A_39 = arith.divf %logistic3A_37, %logistic3A_38 : vector<1024x128xf32>
    %slice3A_40 = vector.extract_strided_slice %add3A_33 {offsets = [0, 256], sizes = [1024, 128], strides = [1, 1]} : vector<1024x512xf32> to vector<1024x128xf32>
    %tanh3A_41 = math.tanh %slice3A_40 : vector<1024x128xf32>
    %slice3A_42 = vector.extract_strided_slice %add3A_33 {offsets = [0, 384], sizes = [1024, 128], strides = [1, 1]} : vector<1024x512xf32> to vector<1024x128xf32>
    %tanh3A_43 = math.tanh %slice3A_42 : vector<1024x128xf32>
    %mul3A = arith.mulf %logistic3A_39, %get3A_10 : vector<1024x128xf32>
    %mul3A_44 = arith.mulf %tanh3A, %tanh3A_41 : vector<1024x128xf32>
    %add3A_45 = arith.addf %mul3A_44, %tanh3A_41 : vector<1024x128xf32>
    %mul3A_46 = arith.constant 5.000000e-01 : f32
    %mul3A_47 = vector.broadcast %mul3A_46 : f32 to vector<1024x128xf32>
    %mul3A_48 = arith.mulf %mul3A_47, %add3A_45 : vector<1024x128xf32>
    %add3A_49 = arith.addf %mul3A, %mul3A_48 : vector<1024x128xf32>
    %tanh3A_50 = math.tanh %add3A_49 : vector<1024x128xf32>
    %mul3A_51 = arith.mulf %tanh3A_43, %tanh3A_50 : vector<1024x128xf32>
    %add3A_52 = arith.addf %mul3A_51, %tanh3A_50 : vector<1024x128xf32>
    %mul3A_53 = arith.constant 5.000000e-01 : f32
    %mul3A_54 = vector.broadcast %mul3A_53 : f32 to vector<1024x128xf32>
    %mul3A_55 = arith.mulf %mul3A_54, %add3A_52 : vector<1024x128xf32>
    %get3A_56 = arith.constant 7 : index
    %get3A_57 = arith.constant 0 : index
    %get3A_58 = arith.constant 0 : index
    %get3A_59 = vector.load %arg3[%get3A_56, %get3A_57, %get3A_58] : memref<8x1024x128xf32, #tpu.memory_space<vmem>>, vector<1x1024x128xf32>
    %get3A_60 = vector.shape_cast %get3A_59 : vector<1x1024x128xf32> to vector<1024x128xf32>
    %get3A_61 = arith.constant 0 : index
    %get3A_62 = arith.constant 0 : index
    %get3A_63 = vector.load %arg5[%get3A_61, %get3A_62] : memref<256x512xf32, #tpu.memory_space<vmem>>, vector<256x512xf32>
    %get3A_64 = arith.constant 0 : index
    %get3A_65 = arith.constant 0 : index
    %get3A_66 = vector.load %arg7[%get3A_64, %get3A_65] : memref<1x512xf32, #tpu.memory_space<vmem>>, vector<1x512xf32>
    %concatenate3A_67 = tpu.concatenate %get3A_60, %get3A_15 in 1 : vector<1024x128xf32>, vector<1024x128xf32> -> vector<1024x256xf32>
    %dot_general3A_68 = arith.constant dense<0.000000e+00> : vector<1024x512xf32>
    %dot_general3A_69 = tpu.matmul %concatenate3A_67, %get3A_63, %dot_general3A_68 {dimension_numbers = #tpu.dot_dimension_numbers<[1], [0], [0], [1], [0, 0, 1, 1], [], []>, transpose_lhs_hint = false} : vector<1024x256xf32>, vector<256x512xf32>, vector<1024x512xf32> -> vector<1024x512xf32>
    %add3A_70 = vector.broadcast %get3A_66 : vector<1x512xf32> to vector<1024x512xf32>
    %add3A_71 = arith.addf %dot_general3A_69, %add3A_70 : vector<1024x512xf32>
    %slice3A_72 = vector.extract_strided_slice %add3A_71 {offsets = [0, 0], sizes = [1024, 128], strides = [1, 1]} : vector<1024x512xf32> to vector<1024x128xf32>
    %tanh3A_73 = math.tanh %slice3A_72 : vector<1024x128xf32>
    %slice3A_74 = vector.extract_strided_slice %add3A_71 {offsets = [0, 128], sizes = [1024, 128], strides = [1, 1]} : vector<1024x512xf32> to vector<1024x128xf32>
    %logistic3A_75 = arith.negf %slice3A_74 : vector<1024x128xf32>
    %logistic3A_76 = math.exp %logistic3A_75 : vector<1024x128xf32>
    %logistic3A_77 = arith.constant 1.000000e+00 : f32
    %logistic3A_78 = vector.broadcast %logistic3A_77 : f32 to vector<1024x128xf32>
    %logistic3A_79 = arith.addf %logistic3A_78, %logistic3A_76 : vector<1024x128xf32>
    %logistic3A_80 = arith.divf %logistic3A_78, %logistic3A_79 : vector<1024x128xf32>
    %slice3A_81 = vector.extract_strided_slice %add3A_71 {offsets = [0, 256], sizes = [1024, 128], strides = [1, 1]} : vector<1024x512xf32> to vector<1024x128xf32>
    %tanh3A_82 = math.tanh %slice3A_81 : vector<1024x128xf32>
    %slice3A_83 = vector.extract_strided_slice %add3A_71 {offsets = [0, 384], sizes = [1024, 128], strides = [1, 1]} : vector<1024x512xf32> to vector<1024x128xf32>
    %tanh3A_84 = math.tanh %slice3A_83 : vector<1024x128xf32>
    %mul3A_85 = arith.mulf %logistic3A_80, %get3A_20 : vector<1024x128xf32>
    %mul3A_86 = arith.mulf %tanh3A_73, %tanh3A_82 : vector<1024x128xf32>
    %add3A_87 = arith.addf %mul3A_86, %tanh3A_82 : vector<1024x128xf32>
    %mul3A_88 = arith.constant 5.000000e-01 : f32
    %mul3A_89 = vector.broadcast %mul3A_88 : f32 to vector<1024x128xf32>
    %mul3A_90 = arith.mulf %mul3A_89, %add3A_87 : vector<1024x128xf32>
    %add3A_91 = arith.addf %mul3A_85, %mul3A_90 : vector<1024x128xf32>
    %tanh3A_92 = math.tanh %add3A_91 : vector<1024x128xf32>
    %mul3A_93 = arith.mulf %tanh3A_84, %tanh3A_92 : vector<1024x128xf32>
    %add3A_94 = arith.addf %mul3A_93, %tanh3A_92 : vector<1024x128xf32>
    %mul3A_95 = arith.constant 5.000000e-01 : f32
    %mul3A_96 = vector.broadcast %mul3A_95 : f32 to vector<1024x128xf32>
    %mul3A_97 = arith.mulf %mul3A_96, %add3A_94 : vector<1024x128xf32>
    %get3A_98 = arith.constant 1 : index
    %get3A_99 = arith.constant 0 : index
    %get3A_100 = arith.constant 0 : index
    %get3A_101 = vector.load %arg2[%get3A_98, %get3A_99, %get3A_100] : memref<8x1024x128xf32, #tpu.memory_space<vmem>>, vector<1x1024x128xf32>
    %get3A_102 = vector.shape_cast %get3A_101 : vector<1x1024x128xf32> to vector<1024x128xf32>
    %get3A_103 = arith.constant 0 : index
    %get3A_104 = arith.constant 0 : index
    %get3A_105 = vector.load %arg4[%get3A_103, %get3A_104] : memref<256x512xf32, #tpu.memory_space<vmem>>, vector<256x512xf32>
    %get3A_106 = arith.constant 0 : index
    %get3A_107 = arith.constant 0 : index
    %get3A_108 = vector.load %arg6[%get3A_106, %get3A_107] : memref<1x512xf32, #tpu.memory_space<vmem>>, vector<1x512xf32>
    %concatenate3A_109 = tpu.concatenate %get3A_102, %mul3A_55 in 1 : vector<1024x128xf32>, vector<1024x128xf32> -> vector<1024x256xf32>
    %dot_general3A_110 = arith.constant dense<0.000000e+00> : vector<1024x512xf32>
    %dot_general3A_111 = tpu.matmul %concatenate3A_109, %get3A_105, %dot_general3A_110 {dimension_numbers = #tpu.dot_dimension_numbers<[1], [0], [0], [1], [0, 0, 1, 1], [], []>, transpose_lhs_hint = false} : vector<1024x256xf32>, vector<256x512xf32>, vector<1024x512xf32> -> vector<1024x512xf32>
    %add3A_112 = vector.broadcast %get3A_108 : vector<1x512xf32> to vector<1024x512xf32>
    %add3A_113 = arith.addf %dot_general3A_111, %add3A_112 : vector<1024x512xf32>
    %slice3A_114 = vector.extract_strided_slice %add3A_113 {offsets = [0, 0], sizes = [1024, 128], strides = [1, 1]} : vector<1024x512xf32> to vector<1024x128xf32>
    %tanh3A_115 = math.tanh %slice3A_114 : vector<1024x128xf32>
    %slice3A_116 = vector.extract_strided_slice %add3A_113 {offsets = [0, 128], sizes = [1024, 128], strides = [1, 1]} : vector<1024x512xf32> to vector<1024x128xf32>
    %logistic3A_117 = arith.negf %slice3A_116 : vector<1024x128xf32>
    %logistic3A_118 = math.exp %logistic3A_117 : vector<1024x128xf32>
    %logistic3A_119 = arith.constant 1.000000e+00 : f32
    %logistic3A_120 = vector.broadcast %logistic3A_119 : f32 to vector<1024x128xf32>
    %logistic3A_121 = arith.addf %logistic3A_120, %logistic3A_118 : vector<1024x128xf32>
    %logistic3A_122 = arith.divf %logistic3A_120, %logistic3A_121 : vector<1024x128xf32>
    %slice3A_123 = vector.extract_strided_slice %add3A_113 {offsets = [0, 256], sizes = [1024, 128], strides = [1, 1]} : vector<1024x512xf32> to vector<1024x128xf32>
    %tanh3A_124 = math.tanh %slice3A_123 : vector<1024x128xf32>
    %slice3A_125 = vector.extract_strided_slice %add3A_113 {offsets = [0, 384], sizes = [1024, 128], strides = [1, 1]} : vector<1024x512xf32> to vector<1024x128xf32>
    %tanh3A_126 = math.tanh %slice3A_125 : vector<1024x128xf32>
    %mul3A_127 = arith.mulf %logistic3A_122, %add3A_49 : vector<1024x128xf32>
    %mul3A_128 = arith.mulf %tanh3A_115, %tanh3A_124 : vector<1024x128xf32>
    %add3A_129 = arith.addf %mul3A_128, %tanh3A_124 : vector<1024x128xf32>
    %mul3A_130 = arith.constant 5.000000e-01 : f32
    %mul3A_131 = vector.broadcast %mul3A_130 : f32 to vector<1024x128xf32>
    %mul3A_132 = arith.mulf %mul3A_131, %add3A_129 : vector<1024x128xf32>
    %add3A_133 = arith.addf %mul3A_127, %mul3A_132 : vector<1024x128xf32>
    %tanh3A_134 = math.tanh %add3A_133 : vector<1024x128xf32>
    %mul3A_135 = arith.mulf %tanh3A_126, %tanh3A_134 : vector<1024x128xf32>
    %add3A_136 = arith.addf %mul3A_135, %tanh3A_134 : vector<1024x128xf32>
    %mul3A_137 = arith.constant 5.000000e-01 : f32
    %mul3A_138 = vector.broadcast %mul3A_137 : f32 to vector<1024x128xf32>
    %mul3A_139 = arith.mulf %mul3A_138, %add3A_136 : vector<1024x128xf32>
    %get3A_140 = arith.constant 6 : index
    %get3A_141 = arith.constant 0 : index
    %get3A_142 = arith.constant 0 : index
    %get3A_143 = vector.load %arg3[%get3A_140, %get3A_141, %get3A_142] : memref<8x1024x128xf32, #tpu.memory_space<vmem>>, vector<1x1024x128xf32>
    %get3A_144 = vector.shape_cast %get3A_143 : vector<1x1024x128xf32> to vector<1024x128xf32>
    %get3A_145 = arith.constant 0 : index
    %get3A_146 = arith.constant 0 : index
    %get3A_147 = vector.load %arg5[%get3A_145, %get3A_146] : memref<256x512xf32, #tpu.memory_space<vmem>>, vector<256x512xf32>
    %get3A_148 = arith.constant 0 : index
    %get3A_149 = arith.constant 0 : index
    %get3A_150 = vector.load %arg7[%get3A_148, %get3A_149] : memref<1x512xf32, #tpu.memory_space<vmem>>, vector<1x512xf32>
    %concatenate3A_151 = tpu.concatenate %get3A_144, %mul3A_97 in 1 : vector<1024x128xf32>, vector<1024x128xf32> -> vector<1024x256xf32>
    %dot_general3A_152 = arith.constant dense<0.000000e+00> : vector<1024x512xf32>
    %dot_general3A_153 = tpu.matmul %concatenate3A_151, %get3A_147, %dot_general3A_152 {dimension_numbers = #tpu.dot_dimension_numbers<[1], [0], [0], [1], [0, 0, 1, 1], [], []>, transpose_lhs_hint = false} : vector<1024x256xf32>, vector<256x512xf32>, vector<1024x512xf32> -> vector<1024x512xf32>
    %add3A_154 = vector.broadcast %get3A_150 : vector<1x512xf32> to vector<1024x512xf32>
    %add3A_155 = arith.addf %dot_general3A_153, %add3A_154 : vector<1024x512xf32>
    %slice3A_156 = vector.extract_strided_slice %add3A_155 {offsets = [0, 0], sizes = [1024, 128], strides = [1, 1]} : vector<1024x512xf32> to vector<1024x128xf32>
    %tanh3A_157 = math.tanh %slice3A_156 : vector<1024x128xf32>
    %slice3A_158 = vector.extract_strided_slice %add3A_155 {offsets = [0, 128], sizes = [1024, 128], strides = [1, 1]} : vector<1024x512xf32> to vector<1024x128xf32>
    %logistic3A_159 = arith.negf %slice3A_158 : vector<1024x128xf32>
    %logistic3A_160 = math.exp %logistic3A_159 : vector<1024x128xf32>
    %logistic3A_161 = arith.constant 1.000000e+00 : f32
    %logistic3A_162 = vector.broadcast %logistic3A_161 : f32 to vector<1024x128xf32>
    %logistic3A_163 = arith.addf %logistic3A_162, %logistic3A_160 : vector<1024x128xf32>
    %logistic3A_164 = arith.divf %logistic3A_162, %logistic3A_163 : vector<1024x128xf32>
    %slice3A_165 = vector.extract_strided_slice %add3A_155 {offsets = [0, 256], sizes = [1024, 128], strides = [1, 1]} : vector<1024x512xf32> to vector<1024x128xf32>
    %tanh3A_166 = math.tanh %slice3A_165 : vector<1024x128xf32>
    %slice3A_167 = vector.extract_strided_slice %add3A_155 {offsets = [0, 384], sizes = [1024, 128], strides = [1, 1]} : vector<1024x512xf32> to vector<1024x128xf32>
    %tanh3A_168 = math.tanh %slice3A_167 : vector<1024x128xf32>
    %mul3A_169 = arith.mulf %logistic3A_164, %add3A_91 : vector<1024x128xf32>
    %mul3A_170 = arith.mulf %tanh3A_157, %tanh3A_166 : vector<1024x128xf32>
    %add3A_171 = arith.addf %mul3A_170, %tanh3A_166 : vector<1024x128xf32>
    %mul3A_172 = arith.constant 5.000000e-01 : f32
    %mul3A_173 = vector.broadcast %mul3A_172 : f32 to vector<1024x128xf32>
    %mul3A_174 = arith.mulf %mul3A_173, %add3A_171 : vector<1024x128xf32>
    %add3A_175 = arith.addf %mul3A_169, %mul3A_174 : vector<1024x128xf32>
    %tanh3A_176 = math.tanh %add3A_175 : vector<1024x128xf32>
    %mul3A_177 = arith.mulf %tanh3A_168, %tanh3A_176 : vector<1024x128xf32>
    %add3A_178 = arith.addf %mul3A_177, %tanh3A_176 : vector<1024x128xf32>
    %mul3A_179 = arith.constant 5.000000e-01 : f32
    %mul3A_180 = vector.broadcast %mul3A_179 : f32 to vector<1024x128xf32>
    %mul3A_181 = arith.mulf %mul3A_180, %add3A_178 : vector<1024x128xf32>
    %get3A_182 = arith.constant 2 : index
    %get3A_183 = arith.constant 0 : index
    %get3A_184 = arith.constant 0 : index
    %get3A_185 = vector.load %arg2[%get3A_182, %get3A_183, %get3A_184] : memref<8x1024x128xf32, #tpu.memory_space<vmem>>, vector<1x1024x128xf32>
    %get3A_186 = vector.shape_cast %get3A_185 : vector<1x1024x128xf32> to vector<1024x128xf32>
    %get3A_187 = arith.constant 0 : index
    %get3A_188 = arith.constant 0 : index
    %get3A_189 = vector.load %arg4[%get3A_187, %get3A_188] : memref<256x512xf32, #tpu.memory_space<vmem>>, vector<256x512xf32>
    %get3A_190 = arith.constant 0 : index
    %get3A_191 = arith.constant 0 : index
    %get3A_192 = vector.load %arg6[%get3A_190, %get3A_191] : memref<1x512xf32, #tpu.memory_space<vmem>>, vector<1x512xf32>
    %concatenate3A_193 = tpu.concatenate %get3A_186, %mul3A_139 in 1 : vector<1024x128xf32>, vector<1024x128xf32> -> vector<1024x256xf32>
    %dot_general3A_194 = arith.constant dense<0.000000e+00> : vector<1024x512xf32>
    %dot_general3A_195 = tpu.matmul %concatenate3A_193, %get3A_189, %dot_general3A_194 {dimension_numbers = #tpu.dot_dimension_numbers<[1], [0], [0], [1], [0, 0, 1, 1], [], []>, transpose_lhs_hint = false} : vector<1024x256xf32>, vector<256x512xf32>, vector<1024x512xf32> -> vector<1024x512xf32>
    %add3A_196 = vector.broadcast %get3A_192 : vector<1x512xf32> to vector<1024x512xf32>
    %add3A_197 = arith.addf %dot_general3A_195, %add3A_196 : vector<1024x512xf32>
    %slice3A_198 = vector.extract_strided_slice %add3A_197 {offsets = [0, 0], sizes = [1024, 128], strides = [1, 1]} : vector<1024x512xf32> to vector<1024x128xf32>
    %tanh3A_199 = math.tanh %slice3A_198 : vector<1024x128xf32>
    %slice3A_200 = vector.extract_strided_slice %add3A_197 {offsets = [0, 128], sizes = [1024, 128], strides = [1, 1]} : vector<1024x512xf32> to vector<1024x128xf32>
    %logistic3A_201 = arith.negf %slice3A_200 : vector<1024x128xf32>
    %logistic3A_202 = math.exp %logistic3A_201 : vector<1024x128xf32>
    %logistic3A_203 = arith.constant 1.000000e+00 : f32
    %logistic3A_204 = vector.broadcast %logistic3A_203 : f32 to vector<1024x128xf32>
    %logistic3A_205 = arith.addf %logistic3A_204, %logistic3A_202 : vector<1024x128xf32>
    %logistic3A_206 = arith.divf %logistic3A_204, %logistic3A_205 : vector<1024x128xf32>
    %slice3A_207 = vector.extract_strided_slice %add3A_197 {offsets = [0, 256], sizes = [1024, 128], strides = [1, 1]} : vector<1024x512xf32> to vector<1024x128xf32>
    %tanh3A_208 = math.tanh %slice3A_207 : vector<1024x128xf32>
    %slice3A_209 = vector.extract_strided_slice %add3A_197 {offsets = [0, 384], sizes = [1024, 128], strides = [1, 1]} : vector<1024x512xf32> to vector<1024x128xf32>
    %tanh3A_210 = math.tanh %slice3A_209 : vector<1024x128xf32>
    %mul3A_211 = arith.mulf %logistic3A_206, %add3A_133 : vector<1024x128xf32>
    %mul3A_212 = arith.mulf %tanh3A_199, %tanh3A_208 : vector<1024x128xf32>
    %add3A_213 = arith.addf %mul3A_212, %tanh3A_208 : vector<1024x128xf32>
    %mul3A_214 = arith.constant 5.000000e-01 : f32
    %mul3A_215 = vector.broadcast %mul3A_214 : f32 to vector<1024x128xf32>
    %mul3A_216 = arith.mulf %mul3A_215, %add3A_213 : vector<1024x128xf32>
    %add3A_217 = arith.addf %mul3A_211, %mul3A_216 : vector<1024x128xf32>
    %tanh3A_218 = math.tanh %add3A_217 : vector<1024x128xf32>
    %mul3A_219 = arith.mulf %tanh3A_210, %tanh3A_218 : vector<1024x128xf32>
    %add3A_220 = arith.addf %mul3A_219, %tanh3A_218 : vector<1024x128xf32>
    %mul3A_221 = arith.constant 5.000000e-01 : f32
    %mul3A_222 = vector.broadcast %mul3A_221 : f32 to vector<1024x128xf32>
    %mul3A_223 = arith.mulf %mul3A_222, %add3A_220 : vector<1024x128xf32>
    %get3A_224 = arith.constant 5 : index
    %get3A_225 = arith.constant 0 : index
    %get3A_226 = arith.constant 0 : index
    %get3A_227 = vector.load %arg3[%get3A_224, %get3A_225, %get3A_226] : memref<8x1024x128xf32, #tpu.memory_space<vmem>>, vector<1x1024x128xf32>
    %get3A_228 = vector.shape_cast %get3A_227 : vector<1x1024x128xf32> to vector<1024x128xf32>
    %get3A_229 = arith.constant 0 : index
    %get3A_230 = arith.constant 0 : index
    %get3A_231 = vector.load %arg5[%get3A_229, %get3A_230] : memref<256x512xf32, #tpu.memory_space<vmem>>, vector<256x512xf32>
    %get3A_232 = arith.constant 0 : index
    %get3A_233 = arith.constant 0 : index
    %get3A_234 = vector.load %arg7[%get3A_232, %get3A_233] : memref<1x512xf32, #tpu.memory_space<vmem>>, vector<1x512xf32>
    %concatenate3A_235 = tpu.concatenate %get3A_228, %mul3A_181 in 1 : vector<1024x128xf32>, vector<1024x128xf32> -> vector<1024x256xf32>
    %dot_general3A_236 = arith.constant dense<0.000000e+00> : vector<1024x512xf32>
    %dot_general3A_237 = tpu.matmul %concatenate3A_235, %get3A_231, %dot_general3A_236 {dimension_numbers = #tpu.dot_dimension_numbers<[1], [0], [0], [1], [0, 0, 1, 1], [], []>, transpose_lhs_hint = false} : vector<1024x256xf32>, vector<256x512xf32>, vector<1024x512xf32> -> vector<1024x512xf32>
    %add3A_238 = vector.broadcast %get3A_234 : vector<1x512xf32> to vector<1024x512xf32>
    %add3A_239 = arith.addf %dot_general3A_237, %add3A_238 : vector<1024x512xf32>
    %slice3A_240 = vector.extract_strided_slice %add3A_239 {offsets = [0, 0], sizes = [1024, 128], strides = [1, 1]} : vector<1024x512xf32> to vector<1024x128xf32>
    %tanh3A_241 = math.tanh %slice3A_240 : vector<1024x128xf32>
    %slice3A_242 = vector.extract_strided_slice %add3A_239 {offsets = [0, 128], sizes = [1024, 128], strides = [1, 1]} : vector<1024x512xf32> to vector<1024x128xf32>
    %logistic3A_243 = arith.negf %slice3A_242 : vector<1024x128xf32>
    %logistic3A_244 = math.exp %logistic3A_243 : vector<1024x128xf32>
    %logistic3A_245 = arith.constant 1.000000e+00 : f32
    %logistic3A_246 = vector.broadcast %logistic3A_245 : f32 to vector<1024x128xf32>
    %logistic3A_247 = arith.addf %logistic3A_246, %logistic3A_244 : vector<1024x128xf32>
    %logistic3A_248 = arith.divf %logistic3A_246, %logistic3A_247 : vector<1024x128xf32>
    %slice3A_249 = vector.extract_strided_slice %add3A_239 {offsets = [0, 256], sizes = [1024, 128], strides = [1, 1]} : vector<1024x512xf32> to vector<1024x128xf32>
    %tanh3A_250 = math.tanh %slice3A_249 : vector<1024x128xf32>
    %slice3A_251 = vector.extract_strided_slice %add3A_239 {offsets = [0, 384], sizes = [1024, 128], strides = [1, 1]} : vector<1024x512xf32> to vector<1024x128xf32>
    %tanh3A_252 = math.tanh %slice3A_251 : vector<1024x128xf32>
    %mul3A_253 = arith.mulf %logistic3A_248, %add3A_175 : vector<1024x128xf32>
    %mul3A_254 = arith.mulf %tanh3A_241, %tanh3A_250 : vector<1024x128xf32>
    %add3A_255 = arith.addf %mul3A_254, %tanh3A_250 : vector<1024x128xf32>
    %mul3A_256 = arith.constant 5.000000e-01 : f32
    %mul3A_257 = vector.broadcast %mul3A_256 : f32 to vector<1024x128xf32>
    %mul3A_258 = arith.mulf %mul3A_257, %add3A_255 : vector<1024x128xf32>
    %add3A_259 = arith.addf %mul3A_253, %mul3A_258 : vector<1024x128xf32>
    %tanh3A_260 = math.tanh %add3A_259 : vector<1024x128xf32>
    %mul3A_261 = arith.mulf %tanh3A_252, %tanh3A_260 : vector<1024x128xf32>
    %add3A_262 = arith.addf %mul3A_261, %tanh3A_260 : vector<1024x128xf32>
    %mul3A_263 = arith.constant 5.000000e-01 : f32
    %mul3A_264 = vector.broadcast %mul3A_263 : f32 to vector<1024x128xf32>
    %mul3A_265 = arith.mulf %mul3A_264, %add3A_262 : vector<1024x128xf32>
    %get3A_266 = arith.constant 3 : index
    %get3A_267 = arith.constant 0 : index
    %get3A_268 = arith.constant 0 : index
    %get3A_269 = vector.load %arg2[%get3A_266, %get3A_267, %get3A_268] : memref<8x1024x128xf32, #tpu.memory_space<vmem>>, vector<1x1024x128xf32>
    %get3A_270 = vector.shape_cast %get3A_269 : vector<1x1024x128xf32> to vector<1024x128xf32>
    %get3A_271 = arith.constant 0 : index
    %get3A_272 = arith.constant 0 : index
    %get3A_273 = vector.load %arg4[%get3A_271, %get3A_272] : memref<256x512xf32, #tpu.memory_space<vmem>>, vector<256x512xf32>
    %get3A_274 = arith.constant 0 : index
    %get3A_275 = arith.constant 0 : index
    %get3A_276 = vector.load %arg6[%get3A_274, %get3A_275] : memref<1x512xf32, #tpu.memory_space<vmem>>, vector<1x512xf32>
    %concatenate3A_277 = tpu.concatenate %get3A_270, %mul3A_223 in 1 : vector<1024x128xf32>, vector<1024x128xf32> -> vector<1024x256xf32>
    %dot_general3A_278 = arith.constant dense<0.000000e+00> : vector<1024x512xf32>
    %dot_general3A_279 = tpu.matmul %concatenate3A_277, %get3A_273, %dot_general3A_278 {dimension_numbers = #tpu.dot_dimension_numbers<[1], [0], [0], [1], [0, 0, 1, 1], [], []>, transpose_lhs_hint = false} : vector<1024x256xf32>, vector<256x512xf32>, vector<1024x512xf32> -> vector<1024x512xf32>
    %add3A_280 = vector.broadcast %get3A_276 : vector<1x512xf32> to vector<1024x512xf32>
    %add3A_281 = arith.addf %dot_general3A_279, %add3A_280 : vector<1024x512xf32>
    %slice3A_282 = vector.extract_strided_slice %add3A_281 {offsets = [0, 0], sizes = [1024, 128], strides = [1, 1]} : vector<1024x512xf32> to vector<1024x128xf32>
    %tanh3A_283 = math.tanh %slice3A_282 : vector<1024x128xf32>
    %slice3A_284 = vector.extract_strided_slice %add3A_281 {offsets = [0, 128], sizes = [1024, 128], strides = [1, 1]} : vector<1024x512xf32> to vector<1024x128xf32>
    %logistic3A_285 = arith.negf %slice3A_284 : vector<1024x128xf32>
    %logistic3A_286 = math.exp %logistic3A_285 : vector<1024x128xf32>
    %logistic3A_287 = arith.constant 1.000000e+00 : f32
    %logistic3A_288 = vector.broadcast %logistic3A_287 : f32 to vector<1024x128xf32>
    %logistic3A_289 = arith.addf %logistic3A_288, %logistic3A_286 : vector<1024x128xf32>
    %logistic3A_290 = arith.divf %logistic3A_288, %logistic3A_289 : vector<1024x128xf32>
    %slice3A_291 = vector.extract_strided_slice %add3A_281 {offsets = [0, 256], sizes = [1024, 128], strides = [1, 1]} : vector<1024x512xf32> to vector<1024x128xf32>
    %tanh3A_292 = math.tanh %slice3A_291 : vector<1024x128xf32>
    %slice3A_293 = vector.extract_strided_slice %add3A_281 {offsets = [0, 384], sizes = [1024, 128], strides = [1, 1]} : vector<1024x512xf32> to vector<1024x128xf32>
    %tanh3A_294 = math.tanh %slice3A_293 : vector<1024x128xf32>
    %mul3A_295 = arith.mulf %logistic3A_290, %add3A_217 : vector<1024x128xf32>
    %mul3A_296 = arith.mulf %tanh3A_283, %tanh3A_292 : vector<1024x128xf32>
    %add3A_297 = arith.addf %mul3A_296, %tanh3A_292 : vector<1024x128xf32>
    %mul3A_298 = arith.constant 5.000000e-01 : f32
    %mul3A_299 = vector.broadcast %mul3A_298 : f32 to vector<1024x128xf32>
    %mul3A_300 = arith.mulf %mul3A_299, %add3A_297 : vector<1024x128xf32>
    %add3A_301 = arith.addf %mul3A_295, %mul3A_300 : vector<1024x128xf32>
    %tanh3A_302 = math.tanh %add3A_301 : vector<1024x128xf32>
    %mul3A_303 = arith.mulf %tanh3A_294, %tanh3A_302 : vector<1024x128xf32>
    %add3A_304 = arith.addf %mul3A_303, %tanh3A_302 : vector<1024x128xf32>
    %mul3A_305 = arith.constant 5.000000e-01 : f32
    %mul3A_306 = vector.broadcast %mul3A_305 : f32 to vector<1024x128xf32>
    %mul3A_307 = arith.mulf %mul3A_306, %add3A_304 : vector<1024x128xf32>
    %get3A_308 = arith.constant 4 : index
    %get3A_309 = arith.constant 0 : index
    %get3A_310 = arith.constant 0 : index
    %get3A_311 = vector.load %arg3[%get3A_308, %get3A_309, %get3A_310] : memref<8x1024x128xf32, #tpu.memory_space<vmem>>, vector<1x1024x128xf32>
    %get3A_312 = vector.shape_cast %get3A_311 : vector<1x1024x128xf32> to vector<1024x128xf32>
    %get3A_313 = arith.constant 0 : index
    %get3A_314 = arith.constant 0 : index
    %get3A_315 = vector.load %arg5[%get3A_313, %get3A_314] : memref<256x512xf32, #tpu.memory_space<vmem>>, vector<256x512xf32>
    %get3A_316 = arith.constant 0 : index
    %get3A_317 = arith.constant 0 : index
    %get3A_318 = vector.load %arg7[%get3A_316, %get3A_317] : memref<1x512xf32, #tpu.memory_space<vmem>>, vector<1x512xf32>
    %concatenate3A_319 = tpu.concatenate %get3A_312, %mul3A_265 in 1 : vector<1024x128xf32>, vector<1024x128xf32> -> vector<1024x256xf32>
    %dot_general3A_320 = arith.constant dense<0.000000e+00> : vector<1024x512xf32>
    %dot_general3A_321 = tpu.matmul %concatenate3A_319, %get3A_315, %dot_general3A_320 {dimension_numbers = #tpu.dot_dimension_numbers<[1], [0], [0], [1], [0, 0, 1, 1], [], []>, transpose_lhs_hint = false} : vector<1024x256xf32>, vector<256x512xf32>, vector<1024x512xf32> -> vector<1024x512xf32>
    %add3A_322 = vector.broadcast %get3A_318 : vector<1x512xf32> to vector<1024x512xf32>
    %add3A_323 = arith.addf %dot_general3A_321, %add3A_322 : vector<1024x512xf32>
    %slice3A_324 = vector.extract_strided_slice %add3A_323 {offsets = [0, 0], sizes = [1024, 128], strides = [1, 1]} : vector<1024x512xf32> to vector<1024x128xf32>
    %tanh3A_325 = math.tanh %slice3A_324 : vector<1024x128xf32>
    %slice3A_326 = vector.extract_strided_slice %add3A_323 {offsets = [0, 128], sizes = [1024, 128], strides = [1, 1]} : vector<1024x512xf32> to vector<1024x128xf32>
    %logistic3A_327 = arith.negf %slice3A_326 : vector<1024x128xf32>
    %logistic3A_328 = math.exp %logistic3A_327 : vector<1024x128xf32>
    %logistic3A_329 = arith.constant 1.000000e+00 : f32
    %logistic3A_330 = vector.broadcast %logistic3A_329 : f32 to vector<1024x128xf32>
    %logistic3A_331 = arith.addf %logistic3A_330, %logistic3A_328 : vector<1024x128xf32>
    %logistic3A_332 = arith.divf %logistic3A_330, %logistic3A_331 : vector<1024x128xf32>
    %slice3A_333 = vector.extract_strided_slice %add3A_323 {offsets = [0, 256], sizes = [1024, 128], strides = [1, 1]} : vector<1024x512xf32> to vector<1024x128xf32>
    %tanh3A_334 = math.tanh %slice3A_333 : vector<1024x128xf32>
    %slice3A_335 = vector.extract_strided_slice %add3A_323 {offsets = [0, 384], sizes = [1024, 128], strides = [1, 1]} : vector<1024x512xf32> to vector<1024x128xf32>
    %tanh3A_336 = math.tanh %slice3A_335 : vector<1024x128xf32>
    %mul3A_337 = arith.mulf %logistic3A_332, %add3A_259 : vector<1024x128xf32>
    %mul3A_338 = arith.mulf %tanh3A_325, %tanh3A_334 : vector<1024x128xf32>
    %add3A_339 = arith.addf %mul3A_338, %tanh3A_334 : vector<1024x128xf32>
    %mul3A_340 = arith.constant 5.000000e-01 : f32
    %mul3A_341 = vector.broadcast %mul3A_340 : f32 to vector<1024x128xf32>
    %mul3A_342 = arith.mulf %mul3A_341, %add3A_339 : vector<1024x128xf32>
    %add3A_343 = arith.addf %mul3A_337, %mul3A_342 : vector<1024x128xf32>
    %tanh3A_344 = math.tanh %add3A_343 : vector<1024x128xf32>
    %mul3A_345 = arith.mulf %tanh3A_336, %tanh3A_344 : vector<1024x128xf32>
    %add3A_346 = arith.addf %mul3A_345, %tanh3A_344 : vector<1024x128xf32>
    %mul3A_347 = arith.constant 5.000000e-01 : f32
    %mul3A_348 = vector.broadcast %mul3A_347 : f32 to vector<1024x128xf32>
    %mul3A_349 = arith.mulf %mul3A_348, %add3A_346 : vector<1024x128xf32>
    %get3A_350 = arith.constant 4 : index
    %get3A_351 = arith.constant 0 : index
    %get3A_352 = arith.constant 0 : index
    %get3A_353 = vector.load %arg2[%get3A_350, %get3A_351, %get3A_352] : memref<8x1024x128xf32, #tpu.memory_space<vmem>>, vector<1x1024x128xf32>
    %get3A_354 = vector.shape_cast %get3A_353 : vector<1x1024x128xf32> to vector<1024x128xf32>
    %get3A_355 = arith.constant 0 : index
    %get3A_356 = arith.constant 0 : index
    %get3A_357 = vector.load %arg4[%get3A_355, %get3A_356] : memref<256x512xf32, #tpu.memory_space<vmem>>, vector<256x512xf32>
    %get3A_358 = arith.constant 0 : index
    %get3A_359 = arith.constant 0 : index
    %get3A_360 = vector.load %arg6[%get3A_358, %get3A_359] : memref<1x512xf32, #tpu.memory_space<vmem>>, vector<1x512xf32>
    %concatenate3A_361 = tpu.concatenate %get3A_354, %mul3A_307 in 1 : vector<1024x128xf32>, vector<1024x128xf32> -> vector<1024x256xf32>
    %dot_general3A_362 = arith.constant dense<0.000000e+00> : vector<1024x512xf32>
    %dot_general3A_363 = tpu.matmul %concatenate3A_361, %get3A_357, %dot_general3A_362 {dimension_numbers = #tpu.dot_dimension_numbers<[1], [0], [0], [1], [0, 0, 1, 1], [], []>, transpose_lhs_hint = false} : vector<1024x256xf32>, vector<256x512xf32>, vector<1024x512xf32> -> vector<1024x512xf32>
    %add3A_364 = vector.broadcast %get3A_360 : vector<1x512xf32> to vector<1024x512xf32>
    %add3A_365 = arith.addf %dot_general3A_363, %add3A_364 : vector<1024x512xf32>
    %slice3A_366 = vector.extract_strided_slice %add3A_365 {offsets = [0, 0], sizes = [1024, 128], strides = [1, 1]} : vector<1024x512xf32> to vector<1024x128xf32>
    %tanh3A_367 = math.tanh %slice3A_366 : vector<1024x128xf32>
    %slice3A_368 = vector.extract_strided_slice %add3A_365 {offsets = [0, 128], sizes = [1024, 128], strides = [1, 1]} : vector<1024x512xf32> to vector<1024x128xf32>
    %logistic3A_369 = arith.negf %slice3A_368 : vector<1024x128xf32>
    %logistic3A_370 = math.exp %logistic3A_369 : vector<1024x128xf32>
    %logistic3A_371 = arith.constant 1.000000e+00 : f32
    %logistic3A_372 = vector.broadcast %logistic3A_371 : f32 to vector<1024x128xf32>
    %logistic3A_373 = arith.addf %logistic3A_372, %logistic3A_370 : vector<1024x128xf32>
    %logistic3A_374 = arith.divf %logistic3A_372, %logistic3A_373 : vector<1024x128xf32>
    %slice3A_375 = vector.extract_strided_slice %add3A_365 {offsets = [0, 256], sizes = [1024, 128], strides = [1, 1]} : vector<1024x512xf32> to vector<1024x128xf32>
    %tanh3A_376 = math.tanh %slice3A_375 : vector<1024x128xf32>
    %slice3A_377 = vector.extract_strided_slice %add3A_365 {offsets = [0, 384], sizes = [1024, 128], strides = [1, 1]} : vector<1024x512xf32> to vector<1024x128xf32>
    %tanh3A_378 = math.tanh %slice3A_377 : vector<1024x128xf32>
    %mul3A_379 = arith.mulf %logistic3A_374, %add3A_301 : vector<1024x128xf32>
    %mul3A_380 = arith.mulf %tanh3A_367, %tanh3A_376 : vector<1024x128xf32>
    %add3A_381 = arith.addf %mul3A_380, %tanh3A_376 : vector<1024x128xf32>
    %mul3A_382 = arith.constant 5.000000e-01 : f32
    %mul3A_383 = vector.broadcast %mul3A_382 : f32 to vector<1024x128xf32>
    %mul3A_384 = arith.mulf %mul3A_383, %add3A_381 : vector<1024x128xf32>
    %add3A_385 = arith.addf %mul3A_379, %mul3A_384 : vector<1024x128xf32>
    %tanh3A_386 = math.tanh %add3A_385 : vector<1024x128xf32>
    %mul3A_387 = arith.mulf %tanh3A_378, %tanh3A_386 : vector<1024x128xf32>
    %add3A_388 = arith.addf %mul3A_387, %tanh3A_386 : vector<1024x128xf32>
    %mul3A_389 = arith.constant 5.000000e-01 : f32
    %mul3A_390 = vector.broadcast %mul3A_389 : f32 to vector<1024x128xf32>
    %mul3A_391 = arith.mulf %mul3A_390, %add3A_388 : vector<1024x128xf32>
    %get3A_392 = arith.constant 3 : index
    %get3A_393 = arith.constant 0 : index
    %get3A_394 = arith.constant 0 : index
    %get3A_395 = vector.load %arg3[%get3A_392, %get3A_393, %get3A_394] : memref<8x1024x128xf32, #tpu.memory_space<vmem>>, vector<1x1024x128xf32>
    %get3A_396 = vector.shape_cast %get3A_395 : vector<1x1024x128xf32> to vector<1024x128xf32>
    %get3A_397 = arith.constant 0 : index
    %get3A_398 = arith.constant 0 : index
    %get3A_399 = vector.load %arg5[%get3A_397, %get3A_398] : memref<256x512xf32, #tpu.memory_space<vmem>>, vector<256x512xf32>
    %get3A_400 = arith.constant 0 : index
    %get3A_401 = arith.constant 0 : index
    %get3A_402 = vector.load %arg7[%get3A_400, %get3A_401] : memref<1x512xf32, #tpu.memory_space<vmem>>, vector<1x512xf32>
    %concatenate3A_403 = tpu.concatenate %get3A_396, %mul3A_349 in 1 : vector<1024x128xf32>, vector<1024x128xf32> -> vector<1024x256xf32>
    %dot_general3A_404 = arith.constant dense<0.000000e+00> : vector<1024x512xf32>
    %dot_general3A_405 = tpu.matmul %concatenate3A_403, %get3A_399, %dot_general3A_404 {dimension_numbers = #tpu.dot_dimension_numbers<[1], [0], [0], [1], [0, 0, 1, 1], [], []>, transpose_lhs_hint = false} : vector<1024x256xf32>, vector<256x512xf32>, vector<1024x512xf32> -> vector<1024x512xf32>
    %add3A_406 = vector.broadcast %get3A_402 : vector<1x512xf32> to vector<1024x512xf32>
    %add3A_407 = arith.addf %dot_general3A_405, %add3A_406 : vector<1024x512xf32>
    %slice3A_408 = vector.extract_strided_slice %add3A_407 {offsets = [0, 0], sizes = [1024, 128], strides = [1, 1]} : vector<1024x512xf32> to vector<1024x128xf32>
    %tanh3A_409 = math.tanh %slice3A_408 : vector<1024x128xf32>
    %slice3A_410 = vector.extract_strided_slice %add3A_407 {offsets = [0, 128], sizes = [1024, 128], strides = [1, 1]} : vector<1024x512xf32> to vector<1024x128xf32>
    %logistic3A_411 = arith.negf %slice3A_410 : vector<1024x128xf32>
    %logistic3A_412 = math.exp %logistic3A_411 : vector<1024x128xf32>
    %logistic3A_413 = arith.constant 1.000000e+00 : f32
    %logistic3A_414 = vector.broadcast %logistic3A_413 : f32 to vector<1024x128xf32>
    %logistic3A_415 = arith.addf %logistic3A_414, %logistic3A_412 : vector<1024x128xf32>
    %logistic3A_416 = arith.divf %logistic3A_414, %logistic3A_415 : vector<1024x128xf32>
    %slice3A_417 = vector.extract_strided_slice %add3A_407 {offsets = [0, 256], sizes = [1024, 128], strides = [1, 1]} : vector<1024x512xf32> to vector<1024x128xf32>
    %tanh3A_418 = math.tanh %slice3A_417 : vector<1024x128xf32>
    %slice3A_419 = vector.extract_strided_slice %add3A_407 {offsets = [0, 384], sizes = [1024, 128], strides = [1, 1]} : vector<1024x512xf32> to vector<1024x128xf32>
    %tanh3A_420 = math.tanh %slice3A_419 : vector<1024x128xf32>
    %mul3A_421 = arith.mulf %logistic3A_416, %add3A_343 : vector<1024x128xf32>
    %mul3A_422 = arith.mulf %tanh3A_409, %tanh3A_418 : vector<1024x128xf32>
    %add3A_423 = arith.addf %mul3A_422, %tanh3A_418 : vector<1024x128xf32>
    %mul3A_424 = arith.constant 5.000000e-01 : f32
    %mul3A_425 = vector.broadcast %mul3A_424 : f32 to vector<1024x128xf32>
    %mul3A_426 = arith.mulf %mul3A_425, %add3A_423 : vector<1024x128xf32>
    %add3A_427 = arith.addf %mul3A_421, %mul3A_426 : vector<1024x128xf32>
    %tanh3A_428 = math.tanh %add3A_427 : vector<1024x128xf32>
    %mul3A_429 = arith.mulf %tanh3A_420, %tanh3A_428 : vector<1024x128xf32>
    %add3A_430 = arith.addf %mul3A_429, %tanh3A_428 : vector<1024x128xf32>
    %mul3A_431 = arith.constant 5.000000e-01 : f32
    %mul3A_432 = vector.broadcast %mul3A_431 : f32 to vector<1024x128xf32>
    %mul3A_433 = arith.mulf %mul3A_432, %add3A_430 : vector<1024x128xf32>
    %get3A_434 = arith.constant 5 : index
    %get3A_435 = arith.constant 0 : index
    %get3A_436 = arith.constant 0 : index
    %get3A_437 = vector.load %arg2[%get3A_434, %get3A_435, %get3A_436] : memref<8x1024x128xf32, #tpu.memory_space<vmem>>, vector<1x1024x128xf32>
    %get3A_438 = vector.shape_cast %get3A_437 : vector<1x1024x128xf32> to vector<1024x128xf32>
    %get3A_439 = arith.constant 0 : index
    %get3A_440 = arith.constant 0 : index
    %get3A_441 = vector.load %arg4[%get3A_439, %get3A_440] : memref<256x512xf32, #tpu.memory_space<vmem>>, vector<256x512xf32>
    %get3A_442 = arith.constant 0 : index
    %get3A_443 = arith.constant 0 : index
    %get3A_444 = vector.load %arg6[%get3A_442, %get3A_443] : memref<1x512xf32, #tpu.memory_space<vmem>>, vector<1x512xf32>
    %concatenate3A_445 = tpu.concatenate %get3A_438, %mul3A_391 in 1 : vector<1024x128xf32>, vector<1024x128xf32> -> vector<1024x256xf32>
    %dot_general3A_446 = arith.constant dense<0.000000e+00> : vector<1024x512xf32>
    %dot_general3A_447 = tpu.matmul %concatenate3A_445, %get3A_441, %dot_general3A_446 {dimension_numbers = #tpu.dot_dimension_numbers<[1], [0], [0], [1], [0, 0, 1, 1], [], []>, transpose_lhs_hint = false} : vector<1024x256xf32>, vector<256x512xf32>, vector<1024x512xf32> -> vector<1024x512xf32>
    %add3A_448 = vector.broadcast %get3A_444 : vector<1x512xf32> to vector<1024x512xf32>
    %add3A_449 = arith.addf %dot_general3A_447, %add3A_448 : vector<1024x512xf32>
    %slice3A_450 = vector.extract_strided_slice %add3A_449 {offsets = [0, 0], sizes = [1024, 128], strides = [1, 1]} : vector<1024x512xf32> to vector<1024x128xf32>
    %tanh3A_451 = math.tanh %slice3A_450 : vector<1024x128xf32>
    %slice3A_452 = vector.extract_strided_slice %add3A_449 {offsets = [0, 128], sizes = [1024, 128], strides = [1, 1]} : vector<1024x512xf32> to vector<1024x128xf32>
    %logistic3A_453 = arith.negf %slice3A_452 : vector<1024x128xf32>
    %logistic3A_454 = math.exp %logistic3A_453 : vector<1024x128xf32>
    %logistic3A_455 = arith.constant 1.000000e+00 : f32
    %logistic3A_456 = vector.broadcast %logistic3A_455 : f32 to vector<1024x128xf32>
    %logistic3A_457 = arith.addf %logistic3A_456, %logistic3A_454 : vector<1024x128xf32>
    %logistic3A_458 = arith.divf %logistic3A_456, %logistic3A_457 : vector<1024x128xf32>
    %slice3A_459 = vector.extract_strided_slice %add3A_449 {offsets = [0, 256], sizes = [1024, 128], strides = [1, 1]} : vector<1024x512xf32> to vector<1024x128xf32>
    %tanh3A_460 = math.tanh %slice3A_459 : vector<1024x128xf32>
    %slice3A_461 = vector.extract_strided_slice %add3A_449 {offsets = [0, 384], sizes = [1024, 128], strides = [1, 1]} : vector<1024x512xf32> to vector<1024x128xf32>
    %tanh3A_462 = math.tanh %slice3A_461 : vector<1024x128xf32>
    %mul3A_463 = arith.mulf %logistic3A_458, %add3A_385 : vector<1024x128xf32>
    %mul3A_464 = arith.mulf %tanh3A_451, %tanh3A_460 : vector<1024x128xf32>
    %add3A_465 = arith.addf %mul3A_464, %tanh3A_460 : vector<1024x128xf32>
    %mul3A_466 = arith.constant 5.000000e-01 : f32
    %mul3A_467 = vector.broadcast %mul3A_466 : f32 to vector<1024x128xf32>
    %mul3A_468 = arith.mulf %mul3A_467, %add3A_465 : vector<1024x128xf32>
    %add3A_469 = arith.addf %mul3A_463, %mul3A_468 : vector<1024x128xf32>
    %tanh3A_470 = math.tanh %add3A_469 : vector<1024x128xf32>
    %mul3A_471 = arith.mulf %tanh3A_462, %tanh3A_470 : vector<1024x128xf32>
    %add3A_472 = arith.addf %mul3A_471, %tanh3A_470 : vector<1024x128xf32>
    %mul3A_473 = arith.constant 5.000000e-01 : f32
    %mul3A_474 = vector.broadcast %mul3A_473 : f32 to vector<1024x128xf32>
    %mul3A_475 = arith.mulf %mul3A_474, %add3A_472 : vector<1024x128xf32>
    %get3A_476 = arith.constant 2 : index
    %get3A_477 = arith.constant 0 : index
    %get3A_478 = arith.constant 0 : index
    %get3A_479 = vector.load %arg3[%get3A_476, %get3A_477, %get3A_478] : memref<8x1024x128xf32, #tpu.memory_space<vmem>>, vector<1x1024x128xf32>
    %get3A_480 = vector.shape_cast %get3A_479 : vector<1x1024x128xf32> to vector<1024x128xf32>
    %get3A_481 = arith.constant 0 : index
    %get3A_482 = arith.constant 0 : index
    %get3A_483 = vector.load %arg5[%get3A_481, %get3A_482] : memref<256x512xf32, #tpu.memory_space<vmem>>, vector<256x512xf32>
    %get3A_484 = arith.constant 0 : index
    %get3A_485 = arith.constant 0 : index
    %get3A_486 = vector.load %arg7[%get3A_484, %get3A_485] : memref<1x512xf32, #tpu.memory_space<vmem>>, vector<1x512xf32>
    %concatenate3A_487 = tpu.concatenate %get3A_480, %mul3A_433 in 1 : vector<1024x128xf32>, vector<1024x128xf32> -> vector<1024x256xf32>
    %dot_general3A_488 = arith.constant dense<0.000000e+00> : vector<1024x512xf32>
    %dot_general3A_489 = tpu.matmul %concatenate3A_487, %get3A_483, %dot_general3A_488 {dimension_numbers = #tpu.dot_dimension_numbers<[1], [0], [0], [1], [0, 0, 1, 1], [], []>, transpose_lhs_hint = false} : vector<1024x256xf32>, vector<256x512xf32>, vector<1024x512xf32> -> vector<1024x512xf32>
    %add3A_490 = vector.broadcast %get3A_486 : vector<1x512xf32> to vector<1024x512xf32>
    %add3A_491 = arith.addf %dot_general3A_489, %add3A_490 : vector<1024x512xf32>
    %slice3A_492 = vector.extract_strided_slice %add3A_491 {offsets = [0, 0], sizes = [1024, 128], strides = [1, 1]} : vector<1024x512xf32> to vector<1024x128xf32>
    %tanh3A_493 = math.tanh %slice3A_492 : vector<1024x128xf32>
    %slice3A_494 = vector.extract_strided_slice %add3A_491 {offsets = [0, 128], sizes = [1024, 128], strides = [1, 1]} : vector<1024x512xf32> to vector<1024x128xf32>
    %logistic3A_495 = arith.negf %slice3A_494 : vector<1024x128xf32>
    %logistic3A_496 = math.exp %logistic3A_495 : vector<1024x128xf32>
    %logistic3A_497 = arith.constant 1.000000e+00 : f32
    %logistic3A_498 = vector.broadcast %logistic3A_497 : f32 to vector<1024x128xf32>
    %logistic3A_499 = arith.addf %logistic3A_498, %logistic3A_496 : vector<1024x128xf32>
    %logistic3A_500 = arith.divf %logistic3A_498, %logistic3A_499 : vector<1024x128xf32>
    %slice3A_501 = vector.extract_strided_slice %add3A_491 {offsets = [0, 256], sizes = [1024, 128], strides = [1, 1]} : vector<1024x512xf32> to vector<1024x128xf32>
    %tanh3A_502 = math.tanh %slice3A_501 : vector<1024x128xf32>
    %slice3A_503 = vector.extract_strided_slice %add3A_491 {offsets = [0, 384], sizes = [1024, 128], strides = [1, 1]} : vector<1024x512xf32> to vector<1024x128xf32>
    %tanh3A_504 = math.tanh %slice3A_503 : vector<1024x128xf32>
    %mul3A_505 = arith.mulf %logistic3A_500, %add3A_427 : vector<1024x128xf32>
    %mul3A_506 = arith.mulf %tanh3A_493, %tanh3A_502 : vector<1024x128xf32>
    %add3A_507 = arith.addf %mul3A_506, %tanh3A_502 : vector<1024x128xf32>
    %mul3A_508 = arith.constant 5.000000e-01 : f32
    %mul3A_509 = vector.broadcast %mul3A_508 : f32 to vector<1024x128xf32>
    %mul3A_510 = arith.mulf %mul3A_509, %add3A_507 : vector<1024x128xf32>
    %add3A_511 = arith.addf %mul3A_505, %mul3A_510 : vector<1024x128xf32>
    %tanh3A_512 = math.tanh %add3A_511 : vector<1024x128xf32>
    %mul3A_513 = arith.mulf %tanh3A_504, %tanh3A_512 : vector<1024x128xf32>
    %add3A_514 = arith.addf %mul3A_513, %tanh3A_512 : vector<1024x128xf32>
    %mul3A_515 = arith.constant 5.000000e-01 : f32
    %mul3A_516 = vector.broadcast %mul3A_515 : f32 to vector<1024x128xf32>
    %mul3A_517 = arith.mulf %mul3A_516, %add3A_514 : vector<1024x128xf32>
    %get3A_518 = arith.constant 6 : index
    %get3A_519 = arith.constant 0 : index
    %get3A_520 = arith.constant 0 : index
    %get3A_521 = vector.load %arg2[%get3A_518, %get3A_519, %get3A_520] : memref<8x1024x128xf32, #tpu.memory_space<vmem>>, vector<1x1024x128xf32>
    %get3A_522 = vector.shape_cast %get3A_521 : vector<1x1024x128xf32> to vector<1024x128xf32>
    %get3A_523 = arith.constant 0 : index
    %get3A_524 = arith.constant 0 : index
    %get3A_525 = vector.load %arg4[%get3A_523, %get3A_524] : memref<256x512xf32, #tpu.memory_space<vmem>>, vector<256x512xf32>
    %get3A_526 = arith.constant 0 : index
    %get3A_527 = arith.constant 0 : index
    %get3A_528 = vector.load %arg6[%get3A_526, %get3A_527] : memref<1x512xf32, #tpu.memory_space<vmem>>, vector<1x512xf32>
    %concatenate3A_529 = tpu.concatenate %get3A_522, %mul3A_475 in 1 : vector<1024x128xf32>, vector<1024x128xf32> -> vector<1024x256xf32>
    %dot_general3A_530 = arith.constant dense<0.000000e+00> : vector<1024x512xf32>
    %dot_general3A_531 = tpu.matmul %concatenate3A_529, %get3A_525, %dot_general3A_530 {dimension_numbers = #tpu.dot_dimension_numbers<[1], [0], [0], [1], [0, 0, 1, 1], [], []>, transpose_lhs_hint = false} : vector<1024x256xf32>, vector<256x512xf32>, vector<1024x512xf32> -> vector<1024x512xf32>
    %add3A_532 = vector.broadcast %get3A_528 : vector<1x512xf32> to vector<1024x512xf32>
    %add3A_533 = arith.addf %dot_general3A_531, %add3A_532 : vector<1024x512xf32>
    %slice3A_534 = vector.extract_strided_slice %add3A_533 {offsets = [0, 0], sizes = [1024, 128], strides = [1, 1]} : vector<1024x512xf32> to vector<1024x128xf32>
    %tanh3A_535 = math.tanh %slice3A_534 : vector<1024x128xf32>
    %slice3A_536 = vector.extract_strided_slice %add3A_533 {offsets = [0, 128], sizes = [1024, 128], strides = [1, 1]} : vector<1024x512xf32> to vector<1024x128xf32>
    %logistic3A_537 = arith.negf %slice3A_536 : vector<1024x128xf32>
    %logistic3A_538 = math.exp %logistic3A_537 : vector<1024x128xf32>
    %logistic3A_539 = arith.constant 1.000000e+00 : f32
    %logistic3A_540 = vector.broadcast %logistic3A_539 : f32 to vector<1024x128xf32>
    %logistic3A_541 = arith.addf %logistic3A_540, %logistic3A_538 : vector<1024x128xf32>
    %logistic3A_542 = arith.divf %logistic3A_540, %logistic3A_541 : vector<1024x128xf32>
    %slice3A_543 = vector.extract_strided_slice %add3A_533 {offsets = [0, 256], sizes = [1024, 128], strides = [1, 1]} : vector<1024x512xf32> to vector<1024x128xf32>
    %tanh3A_544 = math.tanh %slice3A_543 : vector<1024x128xf32>
    %slice3A_545 = vector.extract_strided_slice %add3A_533 {offsets = [0, 384], sizes = [1024, 128], strides = [1, 1]} : vector<1024x512xf32> to vector<1024x128xf32>
    %tanh3A_546 = math.tanh %slice3A_545 : vector<1024x128xf32>
    %mul3A_547 = arith.mulf %logistic3A_542, %add3A_469 : vector<1024x128xf32>
    %mul3A_548 = arith.mulf %tanh3A_535, %tanh3A_544 : vector<1024x128xf32>
    %add3A_549 = arith.addf %mul3A_548, %tanh3A_544 : vector<1024x128xf32>
    %mul3A_550 = arith.constant 5.000000e-01 : f32
    %mul3A_551 = vector.broadcast %mul3A_550 : f32 to vector<1024x128xf32>
    %mul3A_552 = arith.mulf %mul3A_551, %add3A_549 : vector<1024x128xf32>
    %add3A_553 = arith.addf %mul3A_547, %mul3A_552 : vector<1024x128xf32>
    %tanh3A_554 = math.tanh %add3A_553 : vector<1024x128xf32>
    %mul3A_555 = arith.mulf %tanh3A_546, %tanh3A_554 : vector<1024x128xf32>
    %add3A_556 = arith.addf %mul3A_555, %tanh3A_554 : vector<1024x128xf32>
    %mul3A_557 = arith.constant 5.000000e-01 : f32
    %mul3A_558 = vector.broadcast %mul3A_557 : f32 to vector<1024x128xf32>
    %mul3A_559 = arith.mulf %mul3A_558, %add3A_556 : vector<1024x128xf32>
    %get3A_560 = arith.constant 1 : index
    %get3A_561 = arith.constant 0 : index
    %get3A_562 = arith.constant 0 : index
    %get3A_563 = vector.load %arg3[%get3A_560, %get3A_561, %get3A_562] : memref<8x1024x128xf32, #tpu.memory_space<vmem>>, vector<1x1024x128xf32>
    %get3A_564 = vector.shape_cast %get3A_563 : vector<1x1024x128xf32> to vector<1024x128xf32>
    %get3A_565 = arith.constant 0 : index
    %get3A_566 = arith.constant 0 : index
    %get3A_567 = vector.load %arg5[%get3A_565, %get3A_566] : memref<256x512xf32, #tpu.memory_space<vmem>>, vector<256x512xf32>
    %get3A_568 = arith.constant 0 : index
    %get3A_569 = arith.constant 0 : index
    %get3A_570 = vector.load %arg7[%get3A_568, %get3A_569] : memref<1x512xf32, #tpu.memory_space<vmem>>, vector<1x512xf32>
    %concatenate3A_571 = tpu.concatenate %get3A_564, %mul3A_517 in 1 : vector<1024x128xf32>, vector<1024x128xf32> -> vector<1024x256xf32>
    %dot_general3A_572 = arith.constant dense<0.000000e+00> : vector<1024x512xf32>
    %dot_general3A_573 = tpu.matmul %concatenate3A_571, %get3A_567, %dot_general3A_572 {dimension_numbers = #tpu.dot_dimension_numbers<[1], [0], [0], [1], [0, 0, 1, 1], [], []>, transpose_lhs_hint = false} : vector<1024x256xf32>, vector<256x512xf32>, vector<1024x512xf32> -> vector<1024x512xf32>
    %add3A_574 = vector.broadcast %get3A_570 : vector<1x512xf32> to vector<1024x512xf32>
    %add3A_575 = arith.addf %dot_general3A_573, %add3A_574 : vector<1024x512xf32>
    %slice3A_576 = vector.extract_strided_slice %add3A_575 {offsets = [0, 0], sizes = [1024, 128], strides = [1, 1]} : vector<1024x512xf32> to vector<1024x128xf32>
    %tanh3A_577 = math.tanh %slice3A_576 : vector<1024x128xf32>
    %slice3A_578 = vector.extract_strided_slice %add3A_575 {offsets = [0, 128], sizes = [1024, 128], strides = [1, 1]} : vector<1024x512xf32> to vector<1024x128xf32>
    %logistic3A_579 = arith.negf %slice3A_578 : vector<1024x128xf32>
    %logistic3A_580 = math.exp %logistic3A_579 : vector<1024x128xf32>
    %logistic3A_581 = arith.constant 1.000000e+00 : f32
    %logistic3A_582 = vector.broadcast %logistic3A_581 : f32 to vector<1024x128xf32>
    %logistic3A_583 = arith.addf %logistic3A_582, %logistic3A_580 : vector<1024x128xf32>
    %logistic3A_584 = arith.divf %logistic3A_582, %logistic3A_583 : vector<1024x128xf32>
    %slice3A_585 = vector.extract_strided_slice %add3A_575 {offsets = [0, 256], sizes = [1024, 128], strides = [1, 1]} : vector<1024x512xf32> to vector<1024x128xf32>
    %tanh3A_586 = math.tanh %slice3A_585 : vector<1024x128xf32>
    %slice3A_587 = vector.extract_strided_slice %add3A_575 {offsets = [0, 384], sizes = [1024, 128], strides = [1, 1]} : vector<1024x512xf32> to vector<1024x128xf32>
    %tanh3A_588 = math.tanh %slice3A_587 : vector<1024x128xf32>
    %mul3A_589 = arith.mulf %logistic3A_584, %add3A_511 : vector<1024x128xf32>
    %mul3A_590 = arith.mulf %tanh3A_577, %tanh3A_586 : vector<1024x128xf32>
    %add3A_591 = arith.addf %mul3A_590, %tanh3A_586 : vector<1024x128xf32>
    %mul3A_592 = arith.constant 5.000000e-01 : f32
    %mul3A_593 = vector.broadcast %mul3A_592 : f32 to vector<1024x128xf32>
    %mul3A_594 = arith.mulf %mul3A_593, %add3A_591 : vector<1024x128xf32>
    %add3A_595 = arith.addf %mul3A_589, %mul3A_594 : vector<1024x128xf32>
    %tanh3A_596 = math.tanh %add3A_595 : vector<1024x128xf32>
    %mul3A_597 = arith.mulf %tanh3A_588, %tanh3A_596 : vector<1024x128xf32>
    %add3A_598 = arith.addf %mul3A_597, %tanh3A_596 : vector<1024x128xf32>
    %mul3A_599 = arith.constant 5.000000e-01 : f32
    %mul3A_600 = vector.broadcast %mul3A_599 : f32 to vector<1024x128xf32>
    %mul3A_601 = arith.mulf %mul3A_600, %add3A_598 : vector<1024x128xf32>
    %get3A_602 = arith.constant 7 : index
    %get3A_603 = arith.constant 0 : index
    %get3A_604 = arith.constant 0 : index
    %get3A_605 = vector.load %arg2[%get3A_602, %get3A_603, %get3A_604] : memref<8x1024x128xf32, #tpu.memory_space<vmem>>, vector<1x1024x128xf32>
    %get3A_606 = vector.shape_cast %get3A_605 : vector<1x1024x128xf32> to vector<1024x128xf32>
    %get3A_607 = arith.constant 0 : index
    %get3A_608 = arith.constant 0 : index
    %get3A_609 = vector.load %arg4[%get3A_607, %get3A_608] : memref<256x512xf32, #tpu.memory_space<vmem>>, vector<256x512xf32>
    %get3A_610 = arith.constant 0 : index
    %get3A_611 = arith.constant 0 : index
    %get3A_612 = vector.load %arg6[%get3A_610, %get3A_611] : memref<1x512xf32, #tpu.memory_space<vmem>>, vector<1x512xf32>
    %concatenate3A_613 = tpu.concatenate %get3A_606, %mul3A_559 in 1 : vector<1024x128xf32>, vector<1024x128xf32> -> vector<1024x256xf32>
    %dot_general3A_614 = arith.constant dense<0.000000e+00> : vector<1024x512xf32>
    %dot_general3A_615 = tpu.matmul %concatenate3A_613, %get3A_609, %dot_general3A_614 {dimension_numbers = #tpu.dot_dimension_numbers<[1], [0], [0], [1], [0, 0, 1, 1], [], []>, transpose_lhs_hint = false} : vector<1024x256xf32>, vector<256x512xf32>, vector<1024x512xf32> -> vector<1024x512xf32>
    %add3A_616 = vector.broadcast %get3A_612 : vector<1x512xf32> to vector<1024x512xf32>
    %add3A_617 = arith.addf %dot_general3A_615, %add3A_616 : vector<1024x512xf32>
    %slice3A_618 = vector.extract_strided_slice %add3A_617 {offsets = [0, 0], sizes = [1024, 128], strides = [1, 1]} : vector<1024x512xf32> to vector<1024x128xf32>
    %tanh3A_619 = math.tanh %slice3A_618 : vector<1024x128xf32>
    %slice3A_620 = vector.extract_strided_slice %add3A_617 {offsets = [0, 128], sizes = [1024, 128], strides = [1, 1]} : vector<1024x512xf32> to vector<1024x128xf32>
    %logistic3A_621 = arith.negf %slice3A_620 : vector<1024x128xf32>
    %logistic3A_622 = math.exp %logistic3A_621 : vector<1024x128xf32>
    %logistic3A_623 = arith.constant 1.000000e+00 : f32
    %logistic3A_624 = vector.broadcast %logistic3A_623 : f32 to vector<1024x128xf32>
    %logistic3A_625 = arith.addf %logistic3A_624, %logistic3A_622 : vector<1024x128xf32>
    %logistic3A_626 = arith.divf %logistic3A_624, %logistic3A_625 : vector<1024x128xf32>
    %slice3A_627 = vector.extract_strided_slice %add3A_617 {offsets = [0, 256], sizes = [1024, 128], strides = [1, 1]} : vector<1024x512xf32> to vector<1024x128xf32>
    %tanh3A_628 = math.tanh %slice3A_627 : vector<1024x128xf32>
    %slice3A_629 = vector.extract_strided_slice %add3A_617 {offsets = [0, 384], sizes = [1024, 128], strides = [1, 1]} : vector<1024x512xf32> to vector<1024x128xf32>
    %tanh3A_630 = math.tanh %slice3A_629 : vector<1024x128xf32>
    %mul3A_631 = arith.mulf %logistic3A_626, %add3A_553 : vector<1024x128xf32>
    %mul3A_632 = arith.mulf %tanh3A_619, %tanh3A_628 : vector<1024x128xf32>
    %add3A_633 = arith.addf %mul3A_632, %tanh3A_628 : vector<1024x128xf32>
    %mul3A_634 = arith.constant 5.000000e-01 : f32
    %mul3A_635 = vector.broadcast %mul3A_634 : f32 to vector<1024x128xf32>
    %mul3A_636 = arith.mulf %mul3A_635, %add3A_633 : vector<1024x128xf32>
    %add3A_637 = arith.addf %mul3A_631, %mul3A_636 : vector<1024x128xf32>
    %tanh3A_638 = math.tanh %add3A_637 : vector<1024x128xf32>
    %mul3A_639 = arith.mulf %tanh3A_630, %tanh3A_638 : vector<1024x128xf32>
    %add3A_640 = arith.addf %mul3A_639, %tanh3A_638 : vector<1024x128xf32>
    %mul3A_641 = arith.constant 5.000000e-01 : f32
    %mul3A_642 = vector.broadcast %mul3A_641 : f32 to vector<1024x128xf32>
    %mul3A_643 = arith.mulf %mul3A_642, %add3A_640 : vector<1024x128xf32>
    %get3A_644 = arith.constant 0 : index
    %get3A_645 = arith.constant 0 : index
    %get3A_646 = arith.constant 0 : index
    %get3A_647 = vector.load %arg3[%get3A_644, %get3A_645, %get3A_646] : memref<8x1024x128xf32, #tpu.memory_space<vmem>>, vector<1x1024x128xf32>
    %get3A_648 = vector.shape_cast %get3A_647 : vector<1x1024x128xf32> to vector<1024x128xf32>
    %get3A_649 = arith.constant 0 : index
    %get3A_650 = arith.constant 0 : index
    %get3A_651 = vector.load %arg5[%get3A_649, %get3A_650] : memref<256x512xf32, #tpu.memory_space<vmem>>, vector<256x512xf32>
    %get3A_652 = arith.constant 0 : index
    %get3A_653 = arith.constant 0 : index
    %get3A_654 = vector.load %arg7[%get3A_652, %get3A_653] : memref<1x512xf32, #tpu.memory_space<vmem>>, vector<1x512xf32>
    %concatenate3A_655 = tpu.concatenate %get3A_648, %mul3A_601 in 1 : vector<1024x128xf32>, vector<1024x128xf32> -> vector<1024x256xf32>
    %dot_general3A_656 = arith.constant dense<0.000000e+00> : vector<1024x512xf32>
    %dot_general3A_657 = tpu.matmul %concatenate3A_655, %get3A_651, %dot_general3A_656 {dimension_numbers = #tpu.dot_dimension_numbers<[1], [0], [0], [1], [0, 0, 1, 1], [], []>, transpose_lhs_hint = false} : vector<1024x256xf32>, vector<256x512xf32>, vector<1024x512xf32> -> vector<1024x512xf32>
    %add3A_658 = vector.broadcast %get3A_654 : vector<1x512xf32> to vector<1024x512xf32>
    %add3A_659 = arith.addf %dot_general3A_657, %add3A_658 : vector<1024x512xf32>
    %slice3A_660 = vector.extract_strided_slice %add3A_659 {offsets = [0, 0], sizes = [1024, 128], strides = [1, 1]} : vector<1024x512xf32> to vector<1024x128xf32>
    %tanh3A_661 = math.tanh %slice3A_660 : vector<1024x128xf32>
    %slice3A_662 = vector.extract_strided_slice %add3A_659 {offsets = [0, 128], sizes = [1024, 128], strides = [1, 1]} : vector<1024x512xf32> to vector<1024x128xf32>
    %logistic3A_663 = arith.negf %slice3A_662 : vector<1024x128xf32>
    %logistic3A_664 = math.exp %logistic3A_663 : vector<1024x128xf32>
    %logistic3A_665 = arith.constant 1.000000e+00 : f32
    %logistic3A_666 = vector.broadcast %logistic3A_665 : f32 to vector<1024x128xf32>
    %logistic3A_667 = arith.addf %logistic3A_666, %logistic3A_664 : vector<1024x128xf32>
    %logistic3A_668 = arith.divf %logistic3A_666, %logistic3A_667 : vector<1024x128xf32>
    %slice3A_669 = vector.extract_strided_slice %add3A_659 {offsets = [0, 256], sizes = [1024, 128], strides = [1, 1]} : vector<1024x512xf32> to vector<1024x128xf32>
    %tanh3A_670 = math.tanh %slice3A_669 : vector<1024x128xf32>
    %slice3A_671 = vector.extract_strided_slice %add3A_659 {offsets = [0, 384], sizes = [1024, 128], strides = [1, 1]} : vector<1024x512xf32> to vector<1024x128xf32>
    %tanh3A_672 = math.tanh %slice3A_671 : vector<1024x128xf32>
    %mul3A_673 = arith.mulf %logistic3A_668, %add3A_595 : vector<1024x128xf32>
    %mul3A_674 = arith.mulf %tanh3A_661, %tanh3A_670 : vector<1024x128xf32>
    %add3A_675 = arith.addf %mul3A_674, %tanh3A_670 : vector<1024x128xf32>
    %mul3A_676 = arith.constant 5.000000e-01 : f32
    %mul3A_677 = vector.broadcast %mul3A_676 : f32 to vector<1024x128xf32>
    %mul3A_678 = arith.mulf %mul3A_677, %add3A_675 : vector<1024x128xf32>
    %add3A_679 = arith.addf %mul3A_673, %mul3A_678 : vector<1024x128xf32>
    %tanh3A_680 = math.tanh %add3A_679 : vector<1024x128xf32>
    %mul3A_681 = arith.mulf %tanh3A_672, %tanh3A_680 : vector<1024x128xf32>
    %add3A_682 = arith.addf %mul3A_681, %tanh3A_680 : vector<1024x128xf32>
    %mul3A_683 = arith.constant 5.000000e-01 : f32
    %mul3A_684 = vector.broadcast %mul3A_683 : f32 to vector<1024x128xf32>
    %mul3A_685 = arith.mulf %mul3A_684, %add3A_682 : vector<1024x128xf32>
    %swap3A = arith.constant 0 : index
    %swap3A_686 = arith.constant 0 : index
    %swap3A_687 = arith.constant 0 : index
    %swap3A_688 = vector.load %arg12[%swap3A, %swap3A_686, %swap3A_687] : memref<4x1024x128xf32, #tpu.memory_space<vmem>>, vector<1x1024x128xf32>
    %swap3A_689 = vector.shape_cast %swap3A_688 : vector<1x1024x128xf32> to vector<1024x128xf32>
    %swap3A_690 = vector.shape_cast %mul3A_643 : vector<1024x128xf32> to vector<1x1024x128xf32>
    tpu.vector_store %arg12[%swap3A, %swap3A_686, %swap3A_687], %swap3A_690 {strides = array<i32>} : memref<4x1024x128xf32, #tpu.memory_space<vmem>>, vector<1x1024x128xf32>,
    %swap3A_691 = arith.constant 1 : index
    %swap3A_692 = arith.constant 0 : index
    %swap3A_693 = arith.constant 0 : index
    %swap3A_694 = vector.load %arg12[%swap3A_691, %swap3A_692, %swap3A_693] : memref<4x1024x128xf32, #tpu.memory_space<vmem>>, vector<1x1024x128xf32>
    %swap3A_695 = vector.shape_cast %swap3A_694 : vector<1x1024x128xf32> to vector<1024x128xf32>
    %swap3A_696 = vector.shape_cast %add3A_637 : vector<1024x128xf32> to vector<1x1024x128xf32>
    tpu.vector_store %arg12[%swap3A_691, %swap3A_692, %swap3A_693], %swap3A_696 {strides = array<i32>} : memref<4x1024x128xf32, #tpu.memory_space<vmem>>, vector<1x1024x128xf32>,
    %swap3A_697 = arith.constant 2 : index
    %swap3A_698 = arith.constant 0 : index
    %swap3A_699 = arith.constant 0 : index
    %swap3A_700 = vector.load %arg12[%swap3A_697, %swap3A_698, %swap3A_699] : memref<4x1024x128xf32, #tpu.memory_space<vmem>>, vector<1x1024x128xf32>
    %swap3A_701 = vector.shape_cast %swap3A_700 : vector<1x1024x128xf32> to vector<1024x128xf32>
    %swap3A_702 = vector.shape_cast %mul3A_685 : vector<1024x128xf32> to vector<1x1024x128xf32>
    tpu.vector_store %arg12[%swap3A_697, %swap3A_698, %swap3A_699], %swap3A_702 {strides = array<i32>} : memref<4x1024x128xf32, #tpu.memory_space<vmem>>, vector<1x1024x128xf32>,
    %swap3A_703 = arith.constant 3 : index
    %swap3A_704 = arith.constant 0 : index
    %swap3A_705 = arith.constant 0 : index
    %swap3A_706 = vector.load %arg12[%swap3A_703, %swap3A_704, %swap3A_705] : memref<4x1024x128xf32, #tpu.memory_space<vmem>>, vector<1x1024x128xf32>
    %swap3A_707 = vector.shape_cast %swap3A_706 : vector<1x1024x128xf32> to vector<1024x128xf32>
    %swap3A_708 = vector.shape_cast %add3A_679 : vector<1024x128xf32> to vector<1x1024x128xf32>
    tpu.vector_store %arg12[%swap3A_703, %swap3A_704, %swap3A_705], %swap3A_708 {strides = array<i32>} : memref<4x1024x128xf32, #tpu.memory_space<vmem>>, vector<1x1024x128xf32>,
    %eq3A_709 = arith.constant 5 : i32
    %eq3A_710 = arith.cmpi eq, %arg0, %eq3A_709 : i32
    %convert_element_type3A_711 = arith.extui %eq3A_710 : i1 to i32
    %cond3A_712 = arith.constant 0 : i32
    %cond3A_713 = arith.cmpi ne, %convert_element_type3A_711, %cond3A_712 : i32
    scf.if %cond3A_713 {
      %get3A_714 = arith.constant 0 : index
      %get3A_715 = arith.constant 0 : index
      %get3A_716 = vector.load %arg8[%get3A_714, %get3A_715] : memref<128x128xf32, #tpu.memory_space<vmem>>, vector<128x128xf32>
      %dot_general3A_717 = arith.constant dense<0.000000e+00> : vector<1024x128xf32>
      %dot_general3A_718 = tpu.matmul %mul3A_643, %get3A_716, %dot_general3A_717 {dimension_numbers = #tpu.dot_dimension_numbers<[1], [0], [0], [1], [0, 0, 1, 1], [], []>, transpose_lhs_hint = false} : vector<1024x128xf32>, vector<128x128xf32>, vector<1024x128xf32> -> vector<1024x128xf32>
      %get3A_719 = arith.constant 0 : index
      %get3A_720 = arith.constant 0 : index
      %get3A_721 = vector.load %arg9[%get3A_719, %get3A_720] : memref<128x128xf32, #tpu.memory_space<vmem>>, vector<128x128xf32>
      %dot_general3A_722 = arith.constant dense<0.000000e+00> : vector<1024x128xf32>
      %dot_general3A_723 = tpu.matmul %mul3A_685, %get3A_721, %dot_general3A_722 {dimension_numbers = #tpu.dot_dimension_numbers<[1], [0], [0], [1], [0, 0, 1, 1], [], []>, transpose_lhs_hint = false} : vector<1024x128xf32>, vector<128x128xf32>, vector<1024x128xf32> -> vector<1024x128xf32>
      %add3A_724 = arith.addf %dot_general3A_718, %dot_general3A_723 : vector<1024x128xf32>
      %get3A_725 = arith.constant 0 : index
      %get3A_726 = arith.constant 0 : index
      %get3A_727 = memref.load %arg10[%get3A_725, %get3A_726] : memref<1x1xf32, #tpu.memory_space<smem>>
      %add3A_728 = vector.broadcast %get3A_727 : f32 to vector<1024x128xf32>
      %add3A_729 = arith.addf %add3A_724, %add3A_728 : vector<1024x128xf32>
      %swap3A_730 = arith.constant 0 : index
      %swap3A_731 = arith.constant 0 : index
      %swap3A_732 = vector.load %arg11[%swap3A_730, %swap3A_731] : memref<1024x128xf32, #tpu.memory_space<vmem>>, vector<1024x128xf32>
      tpu.vector_store %arg11[%swap3A_730, %swap3A_731], %add3A_729 {strides = array<i32>} : memref<1024x128xf32, #tpu.memory_space<vmem>>, vector<1024x128xf32>,
    } else {
    }
    return
  }
  func.func @transform_1(%arg0: i32) -> (i32, i32, i32) {
    %add3A = arith.constant 6 : i32
    %add3A_0 = arith.addi %add3A, %arg0 : i32
    %c0_i32 = arith.constant 0 : i32
    %c0_i32_1 = arith.constant 0 : i32
    %c0_i32_2 = arith.constant 0 : i32
    return %add3A_0, %c0_i32, %c0_i32_1 : i32, i32, i32
  }
  func.func @transform_2(%arg0: i32) -> (i32, i32, i32) {
    %sub3A = arith.constant 5 : i32
    %sub3A_0 = arith.subi %sub3A, %arg0 : i32
    %c0_i32 = arith.constant 0 : i32
    %c0_i32_1 = arith.constant 0 : i32
    %c0_i32_2 = arith.constant 0 : i32
    return %sub3A_0, %c0_i32, %c0_i32_1 : i32, i32, i32
  }
  func.func @transform_3(%arg0: i32) -> (i32, i32) {
    %c0_i32 = arith.constant 0 : i32
    %c0_i32_0 = arith.constant 0 : i32
    %c0_i32_1 = arith.constant 0 : i32
    return %c0_i32, %c0_i32_0 : i32, i32
  }
  func.func @transform_4(%arg0: i32) -> (i32, i32) {
    %c0_i32 = arith.constant 0 : i32
    %c0_i32_0 = arith.constant 0 : i32
    %c0_i32_1 = arith.constant 0 : i32
    return %c0_i32, %c0_i32_0 : i32, i32
  }
  func.func @transform_5(%arg0: i32) -> (i32, i32) {
    %c0_i32 = arith.constant 0 : i32
    %c0_i32_0 = arith.constant 0 : i32
    %c0_i32_1 = arith.constant 0 : i32
    return %c0_i32, %c0_i32_0 : i32, i32
  }
  func.func @transform_6(%arg0: i32) -> (i32, i32) {
    %c0_i32 = arith.constant 0 : i32
    %c0_i32_0 = arith.constant 0 : i32
    %c0_i32_1 = arith.constant 0 : i32
    return %c0_i32, %c0_i32_0 : i32, i32
  }
  func.func @transform_7(%arg0: i32) -> (i32, i32) {
    %c0_i32 = arith.constant 0 : i32
    %c0_i32_0 = arith.constant 0 : i32
    %c0_i32_1 = arith.constant 0 : i32
    return %c0_i32, %c0_i32_0 : i32, i32
  }
  func.func @transform_8(%arg0: i32) -> (i32, i32) {
    %c0_i32 = arith.constant 0 : i32
    %c0_i32_0 = arith.constant 0 : i32
    %c0_i32_1 = arith.constant 0 : i32
    return %c0_i32, %c0_i32_0 : i32, i32
  }
  func.func @transform_9(%arg0: i32) -> (i32, i32) {
    %c0_i32 = arith.constant 0 : i32
    %c0_i32_0 = arith.constant 0 : i32
    %c0_i32_1 = arith.constant 0 : i32
    return %c0_i32, %c0_i32_0 : i32, i32
  }
  func.func @transform_10(%arg0: i32) -> (i32, i32) {
    %c0_i32 = arith.constant 0 : i32
    %c0_i32_0 = arith.constant 0 : i32
    %c0_i32_1 = arith.constant 0 : i32
    return %c0_i32, %c0_i32_0 : i32, i32
  }
  func.func @transform_11(%arg0: i32) -> (i32, i32, i32) {
    %c0_i32 = arith.constant 0 : i32
    %c0_i32_0 = arith.constant 0 : i32
    %c0_i32_1 = arith.constant 0 : i32
    %c0_i32_2 = arith.constant 0 : i32
    return %c0_i32, %c0_i32_0, %c0_i32_1 : i32, i32, i32
  }
}

module attributes {stable_mosaic.version = 14 : i64} {
  func.func @_lstm_body(%arg0: i32, %arg1: memref<4x1024x128xf32, #tpu.memory_space<any>>, %arg2: memref<8x1024x128xf32, #tpu.memory_space<vmem>>, %arg3: memref<8x1024x128xf32, #tpu.memory_space<vmem>>, %arg4: memref<256x512xf32, #tpu.memory_space<vmem>>, %arg5: memref<256x512xf32, #tpu.memory_space<vmem>>, %arg6: memref<1x512xf32, #tpu.memory_space<vmem>>, %arg7: memref<1x512xf32, #tpu.memory_space<vmem>>, %arg8: memref<128x128xf32, #tpu.memory_space<vmem>>, %arg9: memref<128x128xf32, #tpu.memory_space<vmem>>, %arg10: memref<1x1xf32, #tpu.memory_space<smem>>, %arg11: memref<1024x128xf32, #tpu.memory_space<vmem>>, %arg12: memref<4x1024x128xf32, #tpu.memory_space<vmem>>, %arg13: memref<!tpu.dma_semaphore, #tpu.memory_space<semaphore_mem>>) attributes {dimension_semantics = [#tpu.dimension_semantics<arbitrary>], iteration_bounds = array<i64: 13>, scalar_prefetch = 0 : i64, scratch_operands = 1 : i64, tpu.core_type = #tpu.core_type<tc>, window_params = [{}, {transform_indices = @transform_1, window_bounds = array<i64: 8, 1024, 128>}, {transform_indices = @transform_2, window_bounds = array<i64: 8, 1024, 128>}, {pipeline_mode = #tpu.pipeline_mode<synchronous>, transform_indices = @transform_3, window_bounds = array<i64: 256, 512>}, {pipeline_mode = #tpu.pipeline_mode<synchronous>, transform_indices = @transform_4, window_bounds = array<i64: 256, 512>}, {pipeline_mode = #tpu.pipeline_mode<synchronous>, transform_indices = @transform_5, window_bounds = array<i64: 1, 512>}, {pipeline_mode = #tpu.pipeline_mode<synchronous>, transform_indices = @transform_6, window_bounds = array<i64: 1, 512>}, {pipeline_mode = #tpu.pipeline_mode<synchronous>, transform_indices = @transform_7, window_bounds = array<i64: 128, 128>}, {pipeline_mode = #tpu.pipeline_mode<synchronous>, transform_indices = @transform_8, window_bounds = array<i64: 128, 128>}, {transform_indices = @transform_9, window_bounds = array<i64: 1, 1>}, {pipeline_mode = #tpu.pipeline_mode<synchronous>, transform_indices = @transform_10, window_bounds = array<i64: 1024, 128>}, {pipeline_mode = #tpu.pipeline_mode<synchronous>, transform_indices = @transform_11, window_bounds = array<i64: 4, 1024, 128>}]} {
    %eq3A = arith.constant 0 : i32
    %eq3A_0 = arith.cmpi eq, %arg0, %eq3A : i32
    %convert_element_type3A = arith.extui %eq3A_0 : i1 to i32
    %cond3A = arith.constant 0 : i32
    %cond3A_1 = arith.cmpi ne, %convert_element_type3A, %cond3A : i32
    scf.if %cond3A_1 {
      %dma_start3A = arith.constant 0 : i32
      %dma_start3A_714 = arith.constant 0 : i32
      %dma_start3A_715 = arith.constant 0 : i32
      %dma_start3A_716 = arith.constant 0 : i32
      %dma_start3A_717 = tpu.memref_slice %arg12[%dma_start3A_714, %dma_start3A_715, %dma_start3A_716] : memref<4x1024x128xf32, #tpu.memory_space<vmem>> -> memref<1x1024x128xf32, #tpu.memory_space<vmem>>
      %dma_start3A_718 = tpu.memref_squeeze %dma_start3A_717 : memref<1x1024x128xf32, #tpu.memory_space<vmem>> -> memref<1024x128xf32, #tpu.memory_space<vmem>>
      %dma_start3A_719 = arith.constant 0 : i32
      %dma_start3A_720 = arith.constant 0 : i32
      %dma_start3A_721 = tpu.memref_slice %arg1[%dma_start3A, %dma_start3A_719, %dma_start3A_720] : memref<4x1024x128xf32, #tpu.memory_space<any>> -> memref<1x1024x128xf32, #tpu.memory_space<any>>
      %dma_start3A_722 = tpu.memref_squeeze %dma_start3A_721 : memref<1x1024x128xf32, #tpu.memory_space<any>> -> memref<1024x128xf32, #tpu.memory_space<any>>
      tpu.enqueue_dma source(%dma_start3A_722 : memref<1024x128xf32, #tpu.memory_space<any>>) target(%dma_start3A_718 : memref<1024x128xf32, #tpu.memory_space<vmem>>) target_semaphore(%arg13 : memref<!tpu.dma_semaphore, #tpu.memory_space<semaphore_mem>>)
      %dma_start3A_723 = arith.constant 1 : i32
      %dma_start3A_724 = arith.constant 1 : i32
      %dma_start3A_725 = arith.constant 0 : i32
      %dma_start3A_726 = arith.constant 0 : i32
      %dma_start3A_727 = tpu.memref_slice %arg12[%dma_start3A_724, %dma_start3A_725, %dma_start3A_726] : memref<4x1024x128xf32, #tpu.memory_space<vmem>> -> memref<1x1024x128xf32, #tpu.memory_space<vmem>>
      %dma_start3A_728 = tpu.memref_squeeze %dma_start3A_727 : memref<1x1024x128xf32, #tpu.memory_space<vmem>> -> memref<1024x128xf32, #tpu.memory_space<vmem>>
      %dma_start3A_729 = arith.constant 0 : i32
      %dma_start3A_730 = arith.constant 0 : i32
      %dma_start3A_731 = tpu.memref_slice %arg1[%dma_start3A_723, %dma_start3A_729, %dma_start3A_730] : memref<4x1024x128xf32, #tpu.memory_space<any>> -> memref<1x1024x128xf32, #tpu.memory_space<any>>
      %dma_start3A_732 = tpu.memref_squeeze %dma_start3A_731 : memref<1x1024x128xf32, #tpu.memory_space<any>> -> memref<1024x128xf32, #tpu.memory_space<any>>
      tpu.enqueue_dma source(%dma_start3A_732 : memref<1024x128xf32, #tpu.memory_space<any>>) target(%dma_start3A_728 : memref<1024x128xf32, #tpu.memory_space<vmem>>) target_semaphore(%arg13 : memref<!tpu.dma_semaphore, #tpu.memory_space<semaphore_mem>>)
      %dma_start3A_733 = arith.constant 2 : i32
      %dma_start3A_734 = arith.constant 2 : i32
      %dma_start3A_735 = arith.constant 0 : i32
      %dma_start3A_736 = arith.constant 0 : i32
      %dma_start3A_737 = tpu.memref_slice %arg12[%dma_start3A_734, %dma_start3A_735, %dma_start3A_736] : memref<4x1024x128xf32, #tpu.memory_space<vmem>> -> memref<1x1024x128xf32, #tpu.memory_space<vmem>>
      %dma_start3A_738 = tpu.memref_squeeze %dma_start3A_737 : memref<1x1024x128xf32, #tpu.memory_space<vmem>> -> memref<1024x128xf32, #tpu.memory_space<vmem>>
      %dma_start3A_739 = arith.constant 0 : i32
      %dma_start3A_740 = arith.constant 0 : i32
      %dma_start3A_741 = tpu.memref_slice %arg1[%dma_start3A_733, %dma_start3A_739, %dma_start3A_740] : memref<4x1024x128xf32, #tpu.memory_space<any>> -> memref<1x1024x128xf32, #tpu.memory_space<any>>
      %dma_start3A_742 = tpu.memref_squeeze %dma_start3A_741 : memref<1x1024x128xf32, #tpu.memory_space<any>> -> memref<1024x128xf32, #tpu.memory_space<any>>
      tpu.enqueue_dma source(%dma_start3A_742 : memref<1024x128xf32, #tpu.memory_space<any>>) target(%dma_start3A_738 : memref<1024x128xf32, #tpu.memory_space<vmem>>) target_semaphore(%arg13 : memref<!tpu.dma_semaphore, #tpu.memory_space<semaphore_mem>>)
      %dma_start3A_743 = arith.constant 3 : i32
      %dma_start3A_744 = arith.constant 3 : i32
      %dma_start3A_745 = arith.constant 0 : i32
      %dma_start3A_746 = arith.constant 0 : i32
      %dma_start3A_747 = tpu.memref_slice %arg12[%dma_start3A_744, %dma_start3A_745, %dma_start3A_746] : memref<4x1024x128xf32, #tpu.memory_space<vmem>> -> memref<1x1024x128xf32, #tpu.memory_space<vmem>>
      %dma_start3A_748 = tpu.memref_squeeze %dma_start3A_747 : memref<1x1024x128xf32, #tpu.memory_space<vmem>> -> memref<1024x128xf32, #tpu.memory_space<vmem>>
      %dma_start3A_749 = arith.constant 0 : i32
      %dma_start3A_750 = arith.constant 0 : i32
      %dma_start3A_751 = tpu.memref_slice %arg1[%dma_start3A_743, %dma_start3A_749, %dma_start3A_750] : memref<4x1024x128xf32, #tpu.memory_space<any>> -> memref<1x1024x128xf32, #tpu.memory_space<any>>
      %dma_start3A_752 = tpu.memref_squeeze %dma_start3A_751 : memref<1x1024x128xf32, #tpu.memory_space<any>> -> memref<1024x128xf32, #tpu.memory_space<any>>
      tpu.enqueue_dma source(%dma_start3A_752 : memref<1024x128xf32, #tpu.memory_space<any>>) target(%dma_start3A_748 : memref<1024x128xf32, #tpu.memory_space<vmem>>) target_semaphore(%arg13 : memref<!tpu.dma_semaphore, #tpu.memory_space<semaphore_mem>>)
      %dma_wait3A = arith.constant 0 : i32
      %dma_wait3A_753 = arith.constant 0 : i32
      %dma_wait3A_754 = arith.constant 0 : i32
      %dma_wait3A_755 = arith.constant 0 : i32
      %dma_wait3A_756 = tpu.memref_slice %arg12[%dma_wait3A_753, %dma_wait3A_754, %dma_wait3A_755] : memref<4x1024x128xf32, #tpu.memory_space<vmem>> -> memref<1x1024x128xf32, #tpu.memory_space<vmem>>
      %dma_wait3A_757 = tpu.memref_squeeze %dma_wait3A_756 : memref<1x1024x128xf32, #tpu.memory_space<vmem>> -> memref<1024x128xf32, #tpu.memory_space<vmem>>
      %dma_wait3A_758 = arith.constant 0 : i32
      %dma_wait3A_759 = arith.constant 0 : i32
      %dma_wait3A_760 = tpu.memref_slice %arg1[%dma_wait3A, %dma_wait3A_758, %dma_wait3A_759] : memref<4x1024x128xf32, #tpu.memory_space<any>> -> memref<1x1024x128xf32, #tpu.memory_space<any>>
      %dma_wait3A_761 = tpu.memref_squeeze %dma_wait3A_760 : memref<1x1024x128xf32, #tpu.memory_space<any>> -> memref<1024x128xf32, #tpu.memory_space<any>>
      tpu.wait_dma2 semaphore(%arg13 : memref<!tpu.dma_semaphore, #tpu.memory_space<semaphore_mem>>) src(%dma_wait3A_761 : memref<1024x128xf32, #tpu.memory_space<any>>) dst(%dma_wait3A_757 : memref<1024x128xf32, #tpu.memory_space<vmem>>)
      %dma_wait3A_762 = arith.constant 1 : i32
      %dma_wait3A_763 = arith.constant 1 : i32
      %dma_wait3A_764 = arith.constant 0 : i32
      %dma_wait3A_765 = arith.constant 0 : i32
      %dma_wait3A_766 = tpu.memref_slice %arg12[%dma_wait3A_763, %dma_wait3A_764, %dma_wait3A_765] : memref<4x1024x128xf32, #tpu.memory_space<vmem>> -> memref<1x1024x128xf32, #tpu.memory_space<vmem>>
      %dma_wait3A_767 = tpu.memref_squeeze %dma_wait3A_766 : memref<1x1024x128xf32, #tpu.memory_space<vmem>> -> memref<1024x128xf32, #tpu.memory_space<vmem>>
      %dma_wait3A_768 = arith.constant 0 : i32
      %dma_wait3A_769 = arith.constant 0 : i32
      %dma_wait3A_770 = tpu.memref_slice %arg1[%dma_wait3A_762, %dma_wait3A_768, %dma_wait3A_769] : memref<4x1024x128xf32, #tpu.memory_space<any>> -> memref<1x1024x128xf32, #tpu.memory_space<any>>
      %dma_wait3A_771 = tpu.memref_squeeze %dma_wait3A_770 : memref<1x1024x128xf32, #tpu.memory_space<any>> -> memref<1024x128xf32, #tpu.memory_space<any>>
      tpu.wait_dma2 semaphore(%arg13 : memref<!tpu.dma_semaphore, #tpu.memory_space<semaphore_mem>>) src(%dma_wait3A_771 : memref<1024x128xf32, #tpu.memory_space<any>>) dst(%dma_wait3A_767 : memref<1024x128xf32, #tpu.memory_space<vmem>>)
      %dma_wait3A_772 = arith.constant 2 : i32
      %dma_wait3A_773 = arith.constant 2 : i32
      %dma_wait3A_774 = arith.constant 0 : i32
      %dma_wait3A_775 = arith.constant 0 : i32
      %dma_wait3A_776 = tpu.memref_slice %arg12[%dma_wait3A_773, %dma_wait3A_774, %dma_wait3A_775] : memref<4x1024x128xf32, #tpu.memory_space<vmem>> -> memref<1x1024x128xf32, #tpu.memory_space<vmem>>
      %dma_wait3A_777 = tpu.memref_squeeze %dma_wait3A_776 : memref<1x1024x128xf32, #tpu.memory_space<vmem>> -> memref<1024x128xf32, #tpu.memory_space<vmem>>
      %dma_wait3A_778 = arith.constant 0 : i32
      %dma_wait3A_779 = arith.constant 0 : i32
      %dma_wait3A_780 = tpu.memref_slice %arg1[%dma_wait3A_772, %dma_wait3A_778, %dma_wait3A_779] : memref<4x1024x128xf32, #tpu.memory_space<any>> -> memref<1x1024x128xf32, #tpu.memory_space<any>>
      %dma_wait3A_781 = tpu.memref_squeeze %dma_wait3A_780 : memref<1x1024x128xf32, #tpu.memory_space<any>> -> memref<1024x128xf32, #tpu.memory_space<any>>
      tpu.wait_dma2 semaphore(%arg13 : memref<!tpu.dma_semaphore, #tpu.memory_space<semaphore_mem>>) src(%dma_wait3A_781 : memref<1024x128xf32, #tpu.memory_space<any>>) dst(%dma_wait3A_777 : memref<1024x128xf32, #tpu.memory_space<vmem>>)
      %dma_wait3A_782 = arith.constant 3 : i32
      %dma_wait3A_783 = arith.constant 3 : i32
      %dma_wait3A_784 = arith.constant 0 : i32
      %dma_wait3A_785 = arith.constant 0 : i32
      %dma_wait3A_786 = tpu.memref_slice %arg12[%dma_wait3A_783, %dma_wait3A_784, %dma_wait3A_785] : memref<4x1024x128xf32, #tpu.memory_space<vmem>> -> memref<1x1024x128xf32, #tpu.memory_space<vmem>>
      %dma_wait3A_787 = tpu.memref_squeeze %dma_wait3A_786 : memref<1x1024x128xf32, #tpu.memory_space<vmem>> -> memref<1024x128xf32, #tpu.memory_space<vmem>>
      %dma_wait3A_788 = arith.constant 0 : i32
      %dma_wait3A_789 = arith.constant 0 : i32
      %dma_wait3A_790 = tpu.memref_slice %arg1[%dma_wait3A_782, %dma_wait3A_788, %dma_wait3A_789] : memref<4x1024x128xf32, #tpu.memory_space<any>> -> memref<1x1024x128xf32, #tpu.memory_space<any>>
      %dma_wait3A_791 = tpu.memref_squeeze %dma_wait3A_790 : memref<1x1024x128xf32, #tpu.memory_space<any>> -> memref<1024x128xf32, #tpu.memory_space<any>>
      tpu.wait_dma2 semaphore(%arg13 : memref<!tpu.dma_semaphore, #tpu.memory_space<semaphore_mem>>) src(%dma_wait3A_791 : memref<1024x128xf32, #tpu.memory_space<any>>) dst(%dma_wait3A_787 : memref<1024x128xf32, #tpu.memory_space<vmem>>)
    } else {
    }
    %get3A = arith.constant 0 : index
    %get3A_2 = arith.constant 0 : index
    %get3A_3 = arith.constant 0 : index
    %get3A_4 = vector.load %arg12[%get3A, %get3A_2, %get3A_3] : memref<4x1024x128xf32, #tpu.memory_space<vmem>>, vector<1x1024x128xf32>
    %get3A_5 = vector.shape_cast %get3A_4 : vector<1x1024x128xf32> to vector<1024x128xf32>
    %get3A_6 = arith.constant 1 : index
    %get3A_7 = arith.constant 0 : index
    %get3A_8 = arith.constant 0 : index
    %get3A_9 = vector.load %arg12[%get3A_6, %get3A_7, %get3A_8] : memref<4x1024x128xf32, #tpu.memory_space<vmem>>, vector<1x1024x128xf32>
    %get3A_10 = vector.shape_cast %get3A_9 : vector<1x1024x128xf32> to vector<1024x128xf32>
    %get3A_11 = arith.constant 2 : index
    %get3A_12 = arith.constant 0 : index
    %get3A_13 = arith.constant 0 : index
    %get3A_14 = vector.load %arg12[%get3A_11, %get3A_12, %get3A_13] : memref<4x1024x128xf32, #tpu.memory_space<vmem>>, vector<1x1024x128xf32>
    %get3A_15 = vector.shape_cast %get3A_14 : vector<1x1024x128xf32> to vector<1024x128xf32>
    %get3A_16 = arith.constant 3 : index
    %get3A_17 = arith.constant 0 : index
    %get3A_18 = arith.constant 0 : index
    %get3A_19 = vector.load %arg12[%get3A_16, %get3A_17, %get3A_18] : memref<4x1024x128xf32, #tpu.memory_space<vmem>>, vector<1x1024x128xf32>
    %get3A_20 = vector.shape_cast %get3A_19 : vector<1x1024x128xf32> to vector<1024x128xf32>
    %get3A_21 = arith.constant 0 : index
    %get3A_22 = arith.constant 0 : index
    %get3A_23 = arith.constant 0 : index
    %get3A_24 = vector.load %arg2[%get3A_21, %get3A_22, %get3A_23] : memref<8x1024x128xf32, #tpu.memory_space<vmem>>, vector<1x1024x128xf32>
    %get3A_25 = vector.shape_cast %get3A_24 : vector<1x1024x128xf32> to vector<1024x128xf32>
    %get3A_26 = arith.constant 0 : index
    %get3A_27 = arith.constant 0 : index
    %get3A_28 = vector.load %arg4[%get3A_26, %get3A_27] : memref<256x512xf32, #tpu.memory_space<vmem>>, vector<256x512xf32>
    %get3A_29 = arith.constant 0 : index
    %get3A_30 = arith.constant 0 : index
    %get3A_31 = vector.load %arg6[%get3A_29, %get3A_30] : memref<1x512xf32, #tpu.memory_space<vmem>>, vector<1x512xf32>
    %concatenate3A = tpu.concatenate %get3A_25, %get3A_5 in 1 : vector<1024x128xf32>, vector<1024x128xf32> -> vector<1024x256xf32>
    %dot_general3A = arith.constant dense<0.000000e+00> : vector<1024x512xf32>
    %dot_general3A_32 = tpu.matmul %concatenate3A, %get3A_28, %dot_general3A {dimension_numbers = #tpu.dot_dimension_numbers<[1], [0], [0], [1], [0, 0, 1, 1], [], []>, transpose_lhs_hint = false} : vector<1024x256xf32>, vector<256x512xf32>, vector<1024x512xf32> -> vector<1024x512xf32>
    %add3A = vector.broadcast %get3A_31 : vector<1x512xf32> to vector<1024x512xf32>
    %add3A_33 = arith.addf %dot_general3A_32, %add3A : vector<1024x512xf32>
    %slice3A = vector.extract_strided_slice %add3A_33 {offsets = [0, 0], sizes = [1024, 128], strides = [1, 1]} : vector<1024x512xf32> to vector<1024x128xf32>
    %tanh3A = math.tanh %slice3A : vector<1024x128xf32>
    %slice3A_34 = vector.extract_strided_slice %add3A_33 {offsets = [0, 128], sizes = [1024, 128], strides = [1, 1]} : vector<1024x512xf32> to vector<1024x128xf32>
    %logistic3A = arith.negf %slice3A_34 : vector<1024x128xf32>
    %logistic3A_35 = math.exp %logistic3A : vector<1024x128xf32>
    %logistic3A_36 = arith.constant 1.000000e+00 : f32
    %logistic3A_37 = vector.broadcast %logistic3A_36 : f32 to vector<1024x128xf32>
    %logistic3A_38 = arith.addf %logistic3A_37, %logistic3A_35 : vector<1024x128xf32>
    %logistic3A_39 = arith.divf %logistic3A_37, %logistic3A_38 : vector<1024x128xf32>
    %slice3A_40 = vector.extract_strided_slice %add3A_33 {offsets = [0, 256], sizes = [1024, 128], strides = [1, 1]} : vector<1024x512xf32> to vector<1024x128xf32>
    %tanh3A_41 = math.tanh %slice3A_40 : vector<1024x128xf32>
    %slice3A_42 = vector.extract_strided_slice %add3A_33 {offsets = [0, 384], sizes = [1024, 128], strides = [1, 1]} : vector<1024x512xf32> to vector<1024x128xf32>
    %tanh3A_43 = math.tanh %slice3A_42 : vector<1024x128xf32>
    %mul3A = arith.mulf %logistic3A_39, %get3A_10 : vector<1024x128xf32>
    %mul3A_44 = arith.mulf %tanh3A, %tanh3A_41 : vector<1024x128xf32>
    %add3A_45 = arith.addf %mul3A_44, %tanh3A_41 : vector<1024x128xf32>
    %mul3A_46 = arith.constant 5.000000e-01 : f32
    %mul3A_47 = vector.broadcast %mul3A_46 : f32 to vector<1024x128xf32>
    %mul3A_48 = arith.mulf %mul3A_47, %add3A_45 : vector<1024x128xf32>
    %add3A_49 = arith.addf %mul3A, %mul3A_48 : vector<1024x128xf32>
    %tanh3A_50 = math.tanh %add3A_49 : vector<1024x128xf32>
    %mul3A_51 = arith.mulf %tanh3A_43, %tanh3A_50 : vector<1024x128xf32>
    %add3A_52 = arith.addf %mul3A_51, %tanh3A_50 : vector<1024x128xf32>
    %mul3A_53 = arith.constant 5.000000e-01 : f32
    %mul3A_54 = vector.broadcast %mul3A_53 : f32 to vector<1024x128xf32>
    %mul3A_55 = arith.mulf %mul3A_54, %add3A_52 : vector<1024x128xf32>
    %get3A_56 = arith.constant 7 : index
    %get3A_57 = arith.constant 0 : index
    %get3A_58 = arith.constant 0 : index
    %get3A_59 = vector.load %arg3[%get3A_56, %get3A_57, %get3A_58] : memref<8x1024x128xf32, #tpu.memory_space<vmem>>, vector<1x1024x128xf32>
    %get3A_60 = vector.shape_cast %get3A_59 : vector<1x1024x128xf32> to vector<1024x128xf32>
    %get3A_61 = arith.constant 0 : index
    %get3A_62 = arith.constant 0 : index
    %get3A_63 = vector.load %arg5[%get3A_61, %get3A_62] : memref<256x512xf32, #tpu.memory_space<vmem>>, vector<256x512xf32>
    %get3A_64 = arith.constant 0 : index
    %get3A_65 = arith.constant 0 : index
    %get3A_66 = vector.load %arg7[%get3A_64, %get3A_65] : memref<1x512xf32, #tpu.memory_space<vmem>>, vector<1x512xf32>
    %concatenate3A_67 = tpu.concatenate %get3A_60, %get3A_15 in 1 : vector<1024x128xf32>, vector<1024x128xf32> -> vector<1024x256xf32>
    %dot_general3A_68 = arith.constant dense<0.000000e+00> : vector<1024x512xf32>
    %dot_general3A_69 = tpu.matmul %concatenate3A_67, %get3A_63, %dot_general3A_68 {dimension_numbers = #tpu.dot_dimension_numbers<[1], [0], [0], [1], [0, 0, 1, 1], [], []>, transpose_lhs_hint = false} : vector<1024x256xf32>, vector<256x512xf32>, vector<1024x512xf32> -> vector<1024x512xf32>
    %add3A_70 = vector.broadcast %get3A_66 : vector<1x512xf32> to vector<1024x512xf32>
    %add3A_71 = arith.addf %dot_general3A_69, %add3A_70 : vector<1024x512xf32>
    %slice3A_72 = vector.extract_strided_slice %add3A_71 {offsets = [0, 0], sizes = [1024, 128], strides = [1, 1]} : vector<1024x512xf32> to vector<1024x128xf32>
    %tanh3A_73 = math.tanh %slice3A_72 : vector<1024x128xf32>
    %slice3A_74 = vector.extract_strided_slice %add3A_71 {offsets = [0, 128], sizes = [1024, 128], strides = [1, 1]} : vector<1024x512xf32> to vector<1024x128xf32>
    %logistic3A_75 = arith.negf %slice3A_74 : vector<1024x128xf32>
    %logistic3A_76 = math.exp %logistic3A_75 : vector<1024x128xf32>
    %logistic3A_77 = arith.constant 1.000000e+00 : f32
    %logistic3A_78 = vector.broadcast %logistic3A_77 : f32 to vector<1024x128xf32>
    %logistic3A_79 = arith.addf %logistic3A_78, %logistic3A_76 : vector<1024x128xf32>
    %logistic3A_80 = arith.divf %logistic3A_78, %logistic3A_79 : vector<1024x128xf32>
    %slice3A_81 = vector.extract_strided_slice %add3A_71 {offsets = [0, 256], sizes = [1024, 128], strides = [1, 1]} : vector<1024x512xf32> to vector<1024x128xf32>
    %tanh3A_82 = math.tanh %slice3A_81 : vector<1024x128xf32>
    %slice3A_83 = vector.extract_strided_slice %add3A_71 {offsets = [0, 384], sizes = [1024, 128], strides = [1, 1]} : vector<1024x512xf32> to vector<1024x128xf32>
    %tanh3A_84 = math.tanh %slice3A_83 : vector<1024x128xf32>
    %mul3A_85 = arith.mulf %logistic3A_80, %get3A_20 : vector<1024x128xf32>
    %mul3A_86 = arith.mulf %tanh3A_73, %tanh3A_82 : vector<1024x128xf32>
    %add3A_87 = arith.addf %mul3A_86, %tanh3A_82 : vector<1024x128xf32>
    %mul3A_88 = arith.constant 5.000000e-01 : f32
    %mul3A_89 = vector.broadcast %mul3A_88 : f32 to vector<1024x128xf32>
    %mul3A_90 = arith.mulf %mul3A_89, %add3A_87 : vector<1024x128xf32>
    %add3A_91 = arith.addf %mul3A_85, %mul3A_90 : vector<1024x128xf32>
    %tanh3A_92 = math.tanh %add3A_91 : vector<1024x128xf32>
    %mul3A_93 = arith.mulf %tanh3A_84, %tanh3A_92 : vector<1024x128xf32>
    %add3A_94 = arith.addf %mul3A_93, %tanh3A_92 : vector<1024x128xf32>
    %mul3A_95 = arith.constant 5.000000e-01 : f32
    %mul3A_96 = vector.broadcast %mul3A_95 : f32 to vector<1024x128xf32>
    %mul3A_97 = arith.mulf %mul3A_96, %add3A_94 : vector<1024x128xf32>
    %get3A_98 = arith.constant 1 : index
    %get3A_99 = arith.constant 0 : index
    %get3A_100 = arith.constant 0 : index
    %get3A_101 = vector.load %arg2[%get3A_98, %get3A_99, %get3A_100] : memref<8x1024x128xf32, #tpu.memory_space<vmem>>, vector<1x1024x128xf32>
    %get3A_102 = vector.shape_cast %get3A_101 : vector<1x1024x128xf32> to vector<1024x128xf32>
    %get3A_103 = arith.constant 0 : index
    %get3A_104 = arith.constant 0 : index
    %get3A_105 = vector.load %arg4[%get3A_103, %get3A_104] : memref<256x512xf32, #tpu.memory_space<vmem>>, vector<256x512xf32>
    %get3A_106 = arith.constant 0 : index
    %get3A_107 = arith.constant 0 : index
    %get3A_108 = vector.load %arg6[%get3A_106, %get3A_107] : memref<1x512xf32, #tpu.memory_space<vmem>>, vector<1x512xf32>
    %concatenate3A_109 = tpu.concatenate %get3A_102, %mul3A_55 in 1 : vector<1024x128xf32>, vector<1024x128xf32> -> vector<1024x256xf32>
    %dot_general3A_110 = arith.constant dense<0.000000e+00> : vector<1024x512xf32>
    %dot_general3A_111 = tpu.matmul %concatenate3A_109, %get3A_105, %dot_general3A_110 {dimension_numbers = #tpu.dot_dimension_numbers<[1], [0], [0], [1], [0, 0, 1, 1], [], []>, transpose_lhs_hint = false} : vector<1024x256xf32>, vector<256x512xf32>, vector<1024x512xf32> -> vector<1024x512xf32>
    %add3A_112 = vector.broadcast %get3A_108 : vector<1x512xf32> to vector<1024x512xf32>
    %add3A_113 = arith.addf %dot_general3A_111, %add3A_112 : vector<1024x512xf32>
    %slice3A_114 = vector.extract_strided_slice %add3A_113 {offsets = [0, 0], sizes = [1024, 128], strides = [1, 1]} : vector<1024x512xf32> to vector<1024x128xf32>
    %tanh3A_115 = math.tanh %slice3A_114 : vector<1024x128xf32>
    %slice3A_116 = vector.extract_strided_slice %add3A_113 {offsets = [0, 128], sizes = [1024, 128], strides = [1, 1]} : vector<1024x512xf32> to vector<1024x128xf32>
    %logistic3A_117 = arith.negf %slice3A_116 : vector<1024x128xf32>
    %logistic3A_118 = math.exp %logistic3A_117 : vector<1024x128xf32>
    %logistic3A_119 = arith.constant 1.000000e+00 : f32
    %logistic3A_120 = vector.broadcast %logistic3A_119 : f32 to vector<1024x128xf32>
    %logistic3A_121 = arith.addf %logistic3A_120, %logistic3A_118 : vector<1024x128xf32>
    %logistic3A_122 = arith.divf %logistic3A_120, %logistic3A_121 : vector<1024x128xf32>
    %slice3A_123 = vector.extract_strided_slice %add3A_113 {offsets = [0, 256], sizes = [1024, 128], strides = [1, 1]} : vector<1024x512xf32> to vector<1024x128xf32>
    %tanh3A_124 = math.tanh %slice3A_123 : vector<1024x128xf32>
    %slice3A_125 = vector.extract_strided_slice %add3A_113 {offsets = [0, 384], sizes = [1024, 128], strides = [1, 1]} : vector<1024x512xf32> to vector<1024x128xf32>
    %tanh3A_126 = math.tanh %slice3A_125 : vector<1024x128xf32>
    %mul3A_127 = arith.mulf %logistic3A_122, %add3A_49 : vector<1024x128xf32>
    %mul3A_128 = arith.mulf %tanh3A_115, %tanh3A_124 : vector<1024x128xf32>
    %add3A_129 = arith.addf %mul3A_128, %tanh3A_124 : vector<1024x128xf32>
    %mul3A_130 = arith.constant 5.000000e-01 : f32
    %mul3A_131 = vector.broadcast %mul3A_130 : f32 to vector<1024x128xf32>
    %mul3A_132 = arith.mulf %mul3A_131, %add3A_129 : vector<1024x128xf32>
    %add3A_133 = arith.addf %mul3A_127, %mul3A_132 : vector<1024x128xf32>
    %tanh3A_134 = math.tanh %add3A_133 : vector<1024x128xf32>
    %mul3A_135 = arith.mulf %tanh3A_126, %tanh3A_134 : vector<1024x128xf32>
    %add3A_136 = arith.addf %mul3A_135, %tanh3A_134 : vector<1024x128xf32>
    %mul3A_137 = arith.constant 5.000000e-01 : f32
    %mul3A_138 = vector.broadcast %mul3A_137 : f32 to vector<1024x128xf32>
    %mul3A_139 = arith.mulf %mul3A_138, %add3A_136 : vector<1024x128xf32>
    %get3A_140 = arith.constant 6 : index
    %get3A_141 = arith.constant 0 : index
    %get3A_142 = arith.constant 0 : index
    %get3A_143 = vector.load %arg3[%get3A_140, %get3A_141, %get3A_142] : memref<8x1024x128xf32, #tpu.memory_space<vmem>>, vector<1x1024x128xf32>
    %get3A_144 = vector.shape_cast %get3A_143 : vector<1x1024x128xf32> to vector<1024x128xf32>
    %get3A_145 = arith.constant 0 : index
    %get3A_146 = arith.constant 0 : index
    %get3A_147 = vector.load %arg5[%get3A_145, %get3A_146] : memref<256x512xf32, #tpu.memory_space<vmem>>, vector<256x512xf32>
    %get3A_148 = arith.constant 0 : index
    %get3A_149 = arith.constant 0 : index
    %get3A_150 = vector.load %arg7[%get3A_148, %get3A_149] : memref<1x512xf32, #tpu.memory_space<vmem>>, vector<1x512xf32>
    %concatenate3A_151 = tpu.concatenate %get3A_144, %mul3A_97 in 1 : vector<1024x128xf32>, vector<1024x128xf32> -> vector<1024x256xf32>
    %dot_general3A_152 = arith.constant dense<0.000000e+00> : vector<1024x512xf32>
    %dot_general3A_153 = tpu.matmul %concatenate3A_151, %get3A_147, %dot_general3A_152 {dimension_numbers = #tpu.dot_dimension_numbers<[1], [0], [0], [1], [0, 0, 1, 1], [], []>, transpose_lhs_hint = false} : vector<1024x256xf32>, vector<256x512xf32>, vector<1024x512xf32> -> vector<1024x512xf32>
    %add3A_154 = vector.broadcast %get3A_150 : vector<1x512xf32> to vector<1024x512xf32>
    %add3A_155 = arith.addf %dot_general3A_153, %add3A_154 : vector<1024x512xf32>
    %slice3A_156 = vector.extract_strided_slice %add3A_155 {offsets = [0, 0], sizes = [1024, 128], strides = [1, 1]} : vector<1024x512xf32> to vector<1024x128xf32>
    %tanh3A_157 = math.tanh %slice3A_156 : vector<1024x128xf32>
    %slice3A_158 = vector.extract_strided_slice %add3A_155 {offsets = [0, 128], sizes = [1024, 128], strides = [1, 1]} : vector<1024x512xf32> to vector<1024x128xf32>
    %logistic3A_159 = arith.negf %slice3A_158 : vector<1024x128xf32>
    %logistic3A_160 = math.exp %logistic3A_159 : vector<1024x128xf32>
    %logistic3A_161 = arith.constant 1.000000e+00 : f32
    %logistic3A_162 = vector.broadcast %logistic3A_161 : f32 to vector<1024x128xf32>
    %logistic3A_163 = arith.addf %logistic3A_162, %logistic3A_160 : vector<1024x128xf32>
    %logistic3A_164 = arith.divf %logistic3A_162, %logistic3A_163 : vector<1024x128xf32>
    %slice3A_165 = vector.extract_strided_slice %add3A_155 {offsets = [0, 256], sizes = [1024, 128], strides = [1, 1]} : vector<1024x512xf32> to vector<1024x128xf32>
    %tanh3A_166 = math.tanh %slice3A_165 : vector<1024x128xf32>
    %slice3A_167 = vector.extract_strided_slice %add3A_155 {offsets = [0, 384], sizes = [1024, 128], strides = [1, 1]} : vector<1024x512xf32> to vector<1024x128xf32>
    %tanh3A_168 = math.tanh %slice3A_167 : vector<1024x128xf32>
    %mul3A_169 = arith.mulf %logistic3A_164, %add3A_91 : vector<1024x128xf32>
    %mul3A_170 = arith.mulf %tanh3A_157, %tanh3A_166 : vector<1024x128xf32>
    %add3A_171 = arith.addf %mul3A_170, %tanh3A_166 : vector<1024x128xf32>
    %mul3A_172 = arith.constant 5.000000e-01 : f32
    %mul3A_173 = vector.broadcast %mul3A_172 : f32 to vector<1024x128xf32>
    %mul3A_174 = arith.mulf %mul3A_173, %add3A_171 : vector<1024x128xf32>
    %add3A_175 = arith.addf %mul3A_169, %mul3A_174 : vector<1024x128xf32>
    %tanh3A_176 = math.tanh %add3A_175 : vector<1024x128xf32>
    %mul3A_177 = arith.mulf %tanh3A_168, %tanh3A_176 : vector<1024x128xf32>
    %add3A_178 = arith.addf %mul3A_177, %tanh3A_176 : vector<1024x128xf32>
    %mul3A_179 = arith.constant 5.000000e-01 : f32
    %mul3A_180 = vector.broadcast %mul3A_179 : f32 to vector<1024x128xf32>
    %mul3A_181 = arith.mulf %mul3A_180, %add3A_178 : vector<1024x128xf32>
    %get3A_182 = arith.constant 2 : index
    %get3A_183 = arith.constant 0 : index
    %get3A_184 = arith.constant 0 : index
    %get3A_185 = vector.load %arg2[%get3A_182, %get3A_183, %get3A_184] : memref<8x1024x128xf32, #tpu.memory_space<vmem>>, vector<1x1024x128xf32>
    %get3A_186 = vector.shape_cast %get3A_185 : vector<1x1024x128xf32> to vector<1024x128xf32>
    %get3A_187 = arith.constant 0 : index
    %get3A_188 = arith.constant 0 : index
    %get3A_189 = vector.load %arg4[%get3A_187, %get3A_188] : memref<256x512xf32, #tpu.memory_space<vmem>>, vector<256x512xf32>
    %get3A_190 = arith.constant 0 : index
    %get3A_191 = arith.constant 0 : index
    %get3A_192 = vector.load %arg6[%get3A_190, %get3A_191] : memref<1x512xf32, #tpu.memory_space<vmem>>, vector<1x512xf32>
    %concatenate3A_193 = tpu.concatenate %get3A_186, %mul3A_139 in 1 : vector<1024x128xf32>, vector<1024x128xf32> -> vector<1024x256xf32>
    %dot_general3A_194 = arith.constant dense<0.000000e+00> : vector<1024x512xf32>
    %dot_general3A_195 = tpu.matmul %concatenate3A_193, %get3A_189, %dot_general3A_194 {dimension_numbers = #tpu.dot_dimension_numbers<[1], [0], [0], [1], [0, 0, 1, 1], [], []>, transpose_lhs_hint = false} : vector<1024x256xf32>, vector<256x512xf32>, vector<1024x512xf32> -> vector<1024x512xf32>
    %add3A_196 = vector.broadcast %get3A_192 : vector<1x512xf32> to vector<1024x512xf32>
    %add3A_197 = arith.addf %dot_general3A_195, %add3A_196 : vector<1024x512xf32>
    %slice3A_198 = vector.extract_strided_slice %add3A_197 {offsets = [0, 0], sizes = [1024, 128], strides = [1, 1]} : vector<1024x512xf32> to vector<1024x128xf32>
    %tanh3A_199 = math.tanh %slice3A_198 : vector<1024x128xf32>
    %slice3A_200 = vector.extract_strided_slice %add3A_197 {offsets = [0, 128], sizes = [1024, 128], strides = [1, 1]} : vector<1024x512xf32> to vector<1024x128xf32>
    %logistic3A_201 = arith.negf %slice3A_200 : vector<1024x128xf32>
    %logistic3A_202 = math.exp %logistic3A_201 : vector<1024x128xf32>
    %logistic3A_203 = arith.constant 1.000000e+00 : f32
    %logistic3A_204 = vector.broadcast %logistic3A_203 : f32 to vector<1024x128xf32>
    %logistic3A_205 = arith.addf %logistic3A_204, %logistic3A_202 : vector<1024x128xf32>
    %logistic3A_206 = arith.divf %logistic3A_204, %logistic3A_205 : vector<1024x128xf32>
    %slice3A_207 = vector.extract_strided_slice %add3A_197 {offsets = [0, 256], sizes = [1024, 128], strides = [1, 1]} : vector<1024x512xf32> to vector<1024x128xf32>
    %tanh3A_208 = math.tanh %slice3A_207 : vector<1024x128xf32>
    %slice3A_209 = vector.extract_strided_slice %add3A_197 {offsets = [0, 384], sizes = [1024, 128], strides = [1, 1]} : vector<1024x512xf32> to vector<1024x128xf32>
    %tanh3A_210 = math.tanh %slice3A_209 : vector<1024x128xf32>
    %mul3A_211 = arith.mulf %logistic3A_206, %add3A_133 : vector<1024x128xf32>
    %mul3A_212 = arith.mulf %tanh3A_199, %tanh3A_208 : vector<1024x128xf32>
    %add3A_213 = arith.addf %mul3A_212, %tanh3A_208 : vector<1024x128xf32>
    %mul3A_214 = arith.constant 5.000000e-01 : f32
    %mul3A_215 = vector.broadcast %mul3A_214 : f32 to vector<1024x128xf32>
    %mul3A_216 = arith.mulf %mul3A_215, %add3A_213 : vector<1024x128xf32>
    %add3A_217 = arith.addf %mul3A_211, %mul3A_216 : vector<1024x128xf32>
    %tanh3A_218 = math.tanh %add3A_217 : vector<1024x128xf32>
    %mul3A_219 = arith.mulf %tanh3A_210, %tanh3A_218 : vector<1024x128xf32>
    %add3A_220 = arith.addf %mul3A_219, %tanh3A_218 : vector<1024x128xf32>
    %mul3A_221 = arith.constant 5.000000e-01 : f32
    %mul3A_222 = vector.broadcast %mul3A_221 : f32 to vector<1024x128xf32>
    %mul3A_223 = arith.mulf %mul3A_222, %add3A_220 : vector<1024x128xf32>
    %get3A_224 = arith.constant 5 : index
    %get3A_225 = arith.constant 0 : index
    %get3A_226 = arith.constant 0 : index
    %get3A_227 = vector.load %arg3[%get3A_224, %get3A_225, %get3A_226] : memref<8x1024x128xf32, #tpu.memory_space<vmem>>, vector<1x1024x128xf32>
    %get3A_228 = vector.shape_cast %get3A_227 : vector<1x1024x128xf32> to vector<1024x128xf32>
    %get3A_229 = arith.constant 0 : index
    %get3A_230 = arith.constant 0 : index
    %get3A_231 = vector.load %arg5[%get3A_229, %get3A_230] : memref<256x512xf32, #tpu.memory_space<vmem>>, vector<256x512xf32>
    %get3A_232 = arith.constant 0 : index
    %get3A_233 = arith.constant 0 : index
    %get3A_234 = vector.load %arg7[%get3A_232, %get3A_233] : memref<1x512xf32, #tpu.memory_space<vmem>>, vector<1x512xf32>
    %concatenate3A_235 = tpu.concatenate %get3A_228, %mul3A_181 in 1 : vector<1024x128xf32>, vector<1024x128xf32> -> vector<1024x256xf32>
    %dot_general3A_236 = arith.constant dense<0.000000e+00> : vector<1024x512xf32>
    %dot_general3A_237 = tpu.matmul %concatenate3A_235, %get3A_231, %dot_general3A_236 {dimension_numbers = #tpu.dot_dimension_numbers<[1], [0], [0], [1], [0, 0, 1, 1], [], []>, transpose_lhs_hint = false} : vector<1024x256xf32>, vector<256x512xf32>, vector<1024x512xf32> -> vector<1024x512xf32>
    %add3A_238 = vector.broadcast %get3A_234 : vector<1x512xf32> to vector<1024x512xf32>
    %add3A_239 = arith.addf %dot_general3A_237, %add3A_238 : vector<1024x512xf32>
    %slice3A_240 = vector.extract_strided_slice %add3A_239 {offsets = [0, 0], sizes = [1024, 128], strides = [1, 1]} : vector<1024x512xf32> to vector<1024x128xf32>
    %tanh3A_241 = math.tanh %slice3A_240 : vector<1024x128xf32>
    %slice3A_242 = vector.extract_strided_slice %add3A_239 {offsets = [0, 128], sizes = [1024, 128], strides = [1, 1]} : vector<1024x512xf32> to vector<1024x128xf32>
    %logistic3A_243 = arith.negf %slice3A_242 : vector<1024x128xf32>
    %logistic3A_244 = math.exp %logistic3A_243 : vector<1024x128xf32>
    %logistic3A_245 = arith.constant 1.000000e+00 : f32
    %logistic3A_246 = vector.broadcast %logistic3A_245 : f32 to vector<1024x128xf32>
    %logistic3A_247 = arith.addf %logistic3A_246, %logistic3A_244 : vector<1024x128xf32>
    %logistic3A_248 = arith.divf %logistic3A_246, %logistic3A_247 : vector<1024x128xf32>
    %slice3A_249 = vector.extract_strided_slice %add3A_239 {offsets = [0, 256], sizes = [1024, 128], strides = [1, 1]} : vector<1024x512xf32> to vector<1024x128xf32>
    %tanh3A_250 = math.tanh %slice3A_249 : vector<1024x128xf32>
    %slice3A_251 = vector.extract_strided_slice %add3A_239 {offsets = [0, 384], sizes = [1024, 128], strides = [1, 1]} : vector<1024x512xf32> to vector<1024x128xf32>
    %tanh3A_252 = math.tanh %slice3A_251 : vector<1024x128xf32>
    %mul3A_253 = arith.mulf %logistic3A_248, %add3A_175 : vector<1024x128xf32>
    %mul3A_254 = arith.mulf %tanh3A_241, %tanh3A_250 : vector<1024x128xf32>
    %add3A_255 = arith.addf %mul3A_254, %tanh3A_250 : vector<1024x128xf32>
    %mul3A_256 = arith.constant 5.000000e-01 : f32
    %mul3A_257 = vector.broadcast %mul3A_256 : f32 to vector<1024x128xf32>
    %mul3A_258 = arith.mulf %mul3A_257, %add3A_255 : vector<1024x128xf32>
    %add3A_259 = arith.addf %mul3A_253, %mul3A_258 : vector<1024x128xf32>
    %tanh3A_260 = math.tanh %add3A_259 : vector<1024x128xf32>
    %mul3A_261 = arith.mulf %tanh3A_252, %tanh3A_260 : vector<1024x128xf32>
    %add3A_262 = arith.addf %mul3A_261, %tanh3A_260 : vector<1024x128xf32>
    %mul3A_263 = arith.constant 5.000000e-01 : f32
    %mul3A_264 = vector.broadcast %mul3A_263 : f32 to vector<1024x128xf32>
    %mul3A_265 = arith.mulf %mul3A_264, %add3A_262 : vector<1024x128xf32>
    %get3A_266 = arith.constant 3 : index
    %get3A_267 = arith.constant 0 : index
    %get3A_268 = arith.constant 0 : index
    %get3A_269 = vector.load %arg2[%get3A_266, %get3A_267, %get3A_268] : memref<8x1024x128xf32, #tpu.memory_space<vmem>>, vector<1x1024x128xf32>
    %get3A_270 = vector.shape_cast %get3A_269 : vector<1x1024x128xf32> to vector<1024x128xf32>
    %get3A_271 = arith.constant 0 : index
    %get3A_272 = arith.constant 0 : index
    %get3A_273 = vector.load %arg4[%get3A_271, %get3A_272] : memref<256x512xf32, #tpu.memory_space<vmem>>, vector<256x512xf32>
    %get3A_274 = arith.constant 0 : index
    %get3A_275 = arith.constant 0 : index
    %get3A_276 = vector.load %arg6[%get3A_274, %get3A_275] : memref<1x512xf32, #tpu.memory_space<vmem>>, vector<1x512xf32>
    %concatenate3A_277 = tpu.concatenate %get3A_270, %mul3A_223 in 1 : vector<1024x128xf32>, vector<1024x128xf32> -> vector<1024x256xf32>
    %dot_general3A_278 = arith.constant dense<0.000000e+00> : vector<1024x512xf32>
    %dot_general3A_279 = tpu.matmul %concatenate3A_277, %get3A_273, %dot_general3A_278 {dimension_numbers = #tpu.dot_dimension_numbers<[1], [0], [0], [1], [0, 0, 1, 1], [], []>, transpose_lhs_hint = false} : vector<1024x256xf32>, vector<256x512xf32>, vector<1024x512xf32> -> vector<1024x512xf32>
    %add3A_280 = vector.broadcast %get3A_276 : vector<1x512xf32> to vector<1024x512xf32>
    %add3A_281 = arith.addf %dot_general3A_279, %add3A_280 : vector<1024x512xf32>
    %slice3A_282 = vector.extract_strided_slice %add3A_281 {offsets = [0, 0], sizes = [1024, 128], strides = [1, 1]} : vector<1024x512xf32> to vector<1024x128xf32>
    %tanh3A_283 = math.tanh %slice3A_282 : vector<1024x128xf32>
    %slice3A_284 = vector.extract_strided_slice %add3A_281 {offsets = [0, 128], sizes = [1024, 128], strides = [1, 1]} : vector<1024x512xf32> to vector<1024x128xf32>
    %logistic3A_285 = arith.negf %slice3A_284 : vector<1024x128xf32>
    %logistic3A_286 = math.exp %logistic3A_285 : vector<1024x128xf32>
    %logistic3A_287 = arith.constant 1.000000e+00 : f32
    %logistic3A_288 = vector.broadcast %logistic3A_287 : f32 to vector<1024x128xf32>
    %logistic3A_289 = arith.addf %logistic3A_288, %logistic3A_286 : vector<1024x128xf32>
    %logistic3A_290 = arith.divf %logistic3A_288, %logistic3A_289 : vector<1024x128xf32>
    %slice3A_291 = vector.extract_strided_slice %add3A_281 {offsets = [0, 256], sizes = [1024, 128], strides = [1, 1]} : vector<1024x512xf32> to vector<1024x128xf32>
    %tanh3A_292 = math.tanh %slice3A_291 : vector<1024x128xf32>
    %slice3A_293 = vector.extract_strided_slice %add3A_281 {offsets = [0, 384], sizes = [1024, 128], strides = [1, 1]} : vector<1024x512xf32> to vector<1024x128xf32>
    %tanh3A_294 = math.tanh %slice3A_293 : vector<1024x128xf32>
    %mul3A_295 = arith.mulf %logistic3A_290, %add3A_217 : vector<1024x128xf32>
    %mul3A_296 = arith.mulf %tanh3A_283, %tanh3A_292 : vector<1024x128xf32>
    %add3A_297 = arith.addf %mul3A_296, %tanh3A_292 : vector<1024x128xf32>
    %mul3A_298 = arith.constant 5.000000e-01 : f32
    %mul3A_299 = vector.broadcast %mul3A_298 : f32 to vector<1024x128xf32>
    %mul3A_300 = arith.mulf %mul3A_299, %add3A_297 : vector<1024x128xf32>
    %add3A_301 = arith.addf %mul3A_295, %mul3A_300 : vector<1024x128xf32>
    %tanh3A_302 = math.tanh %add3A_301 : vector<1024x128xf32>
    %mul3A_303 = arith.mulf %tanh3A_294, %tanh3A_302 : vector<1024x128xf32>
    %add3A_304 = arith.addf %mul3A_303, %tanh3A_302 : vector<1024x128xf32>
    %mul3A_305 = arith.constant 5.000000e-01 : f32
    %mul3A_306 = vector.broadcast %mul3A_305 : f32 to vector<1024x128xf32>
    %mul3A_307 = arith.mulf %mul3A_306, %add3A_304 : vector<1024x128xf32>
    %get3A_308 = arith.constant 4 : index
    %get3A_309 = arith.constant 0 : index
    %get3A_310 = arith.constant 0 : index
    %get3A_311 = vector.load %arg3[%get3A_308, %get3A_309, %get3A_310] : memref<8x1024x128xf32, #tpu.memory_space<vmem>>, vector<1x1024x128xf32>
    %get3A_312 = vector.shape_cast %get3A_311 : vector<1x1024x128xf32> to vector<1024x128xf32>
    %get3A_313 = arith.constant 0 : index
    %get3A_314 = arith.constant 0 : index
    %get3A_315 = vector.load %arg5[%get3A_313, %get3A_314] : memref<256x512xf32, #tpu.memory_space<vmem>>, vector<256x512xf32>
    %get3A_316 = arith.constant 0 : index
    %get3A_317 = arith.constant 0 : index
    %get3A_318 = vector.load %arg7[%get3A_316, %get3A_317] : memref<1x512xf32, #tpu.memory_space<vmem>>, vector<1x512xf32>
    %concatenate3A_319 = tpu.concatenate %get3A_312, %mul3A_265 in 1 : vector<1024x128xf32>, vector<1024x128xf32> -> vector<1024x256xf32>
    %dot_general3A_320 = arith.constant dense<0.000000e+00> : vector<1024x512xf32>
    %dot_general3A_321 = tpu.matmul %concatenate3A_319, %get3A_315, %dot_general3A_320 {dimension_numbers = #tpu.dot_dimension_numbers<[1], [0], [0], [1], [0, 0, 1, 1], [], []>, transpose_lhs_hint = false} : vector<1024x256xf32>, vector<256x512xf32>, vector<1024x512xf32> -> vector<1024x512xf32>
    %add3A_322 = vector.broadcast %get3A_318 : vector<1x512xf32> to vector<1024x512xf32>
    %add3A_323 = arith.addf %dot_general3A_321, %add3A_322 : vector<1024x512xf32>
    %slice3A_324 = vector.extract_strided_slice %add3A_323 {offsets = [0, 0], sizes = [1024, 128], strides = [1, 1]} : vector<1024x512xf32> to vector<1024x128xf32>
    %tanh3A_325 = math.tanh %slice3A_324 : vector<1024x128xf32>
    %slice3A_326 = vector.extract_strided_slice %add3A_323 {offsets = [0, 128], sizes = [1024, 128], strides = [1, 1]} : vector<1024x512xf32> to vector<1024x128xf32>
    %logistic3A_327 = arith.negf %slice3A_326 : vector<1024x128xf32>
    %logistic3A_328 = math.exp %logistic3A_327 : vector<1024x128xf32>
    %logistic3A_329 = arith.constant 1.000000e+00 : f32
    %logistic3A_330 = vector.broadcast %logistic3A_329 : f32 to vector<1024x128xf32>
    %logistic3A_331 = arith.addf %logistic3A_330, %logistic3A_328 : vector<1024x128xf32>
    %logistic3A_332 = arith.divf %logistic3A_330, %logistic3A_331 : vector<1024x128xf32>
    %slice3A_333 = vector.extract_strided_slice %add3A_323 {offsets = [0, 256], sizes = [1024, 128], strides = [1, 1]} : vector<1024x512xf32> to vector<1024x128xf32>
    %tanh3A_334 = math.tanh %slice3A_333 : vector<1024x128xf32>
    %slice3A_335 = vector.extract_strided_slice %add3A_323 {offsets = [0, 384], sizes = [1024, 128], strides = [1, 1]} : vector<1024x512xf32> to vector<1024x128xf32>
    %tanh3A_336 = math.tanh %slice3A_335 : vector<1024x128xf32>
    %mul3A_337 = arith.mulf %logistic3A_332, %add3A_259 : vector<1024x128xf32>
    %mul3A_338 = arith.mulf %tanh3A_325, %tanh3A_334 : vector<1024x128xf32>
    %add3A_339 = arith.addf %mul3A_338, %tanh3A_334 : vector<1024x128xf32>
    %mul3A_340 = arith.constant 5.000000e-01 : f32
    %mul3A_341 = vector.broadcast %mul3A_340 : f32 to vector<1024x128xf32>
    %mul3A_342 = arith.mulf %mul3A_341, %add3A_339 : vector<1024x128xf32>
    %add3A_343 = arith.addf %mul3A_337, %mul3A_342 : vector<1024x128xf32>
    %tanh3A_344 = math.tanh %add3A_343 : vector<1024x128xf32>
    %mul3A_345 = arith.mulf %tanh3A_336, %tanh3A_344 : vector<1024x128xf32>
    %add3A_346 = arith.addf %mul3A_345, %tanh3A_344 : vector<1024x128xf32>
    %mul3A_347 = arith.constant 5.000000e-01 : f32
    %mul3A_348 = vector.broadcast %mul3A_347 : f32 to vector<1024x128xf32>
    %mul3A_349 = arith.mulf %mul3A_348, %add3A_346 : vector<1024x128xf32>
    %get3A_350 = arith.constant 4 : index
    %get3A_351 = arith.constant 0 : index
    %get3A_352 = arith.constant 0 : index
    %get3A_353 = vector.load %arg2[%get3A_350, %get3A_351, %get3A_352] : memref<8x1024x128xf32, #tpu.memory_space<vmem>>, vector<1x1024x128xf32>
    %get3A_354 = vector.shape_cast %get3A_353 : vector<1x1024x128xf32> to vector<1024x128xf32>
    %get3A_355 = arith.constant 0 : index
    %get3A_356 = arith.constant 0 : index
    %get3A_357 = vector.load %arg4[%get3A_355, %get3A_356] : memref<256x512xf32, #tpu.memory_space<vmem>>, vector<256x512xf32>
    %get3A_358 = arith.constant 0 : index
    %get3A_359 = arith.constant 0 : index
    %get3A_360 = vector.load %arg6[%get3A_358, %get3A_359] : memref<1x512xf32, #tpu.memory_space<vmem>>, vector<1x512xf32>
    %concatenate3A_361 = tpu.concatenate %get3A_354, %mul3A_307 in 1 : vector<1024x128xf32>, vector<1024x128xf32> -> vector<1024x256xf32>
    %dot_general3A_362 = arith.constant dense<0.000000e+00> : vector<1024x512xf32>
    %dot_general3A_363 = tpu.matmul %concatenate3A_361, %get3A_357, %dot_general3A_362 {dimension_numbers = #tpu.dot_dimension_numbers<[1], [0], [0], [1], [0, 0, 1, 1], [], []>, transpose_lhs_hint = false} : vector<1024x256xf32>, vector<256x512xf32>, vector<1024x512xf32> -> vector<1024x512xf32>
    %add3A_364 = vector.broadcast %get3A_360 : vector<1x512xf32> to vector<1024x512xf32>
    %add3A_365 = arith.addf %dot_general3A_363, %add3A_364 : vector<1024x512xf32>
    %slice3A_366 = vector.extract_strided_slice %add3A_365 {offsets = [0, 0], sizes = [1024, 128], strides = [1, 1]} : vector<1024x512xf32> to vector<1024x128xf32>
    %tanh3A_367 = math.tanh %slice3A_366 : vector<1024x128xf32>
    %slice3A_368 = vector.extract_strided_slice %add3A_365 {offsets = [0, 128], sizes = [1024, 128], strides = [1, 1]} : vector<1024x512xf32> to vector<1024x128xf32>
    %logistic3A_369 = arith.negf %slice3A_368 : vector<1024x128xf32>
    %logistic3A_370 = math.exp %logistic3A_369 : vector<1024x128xf32>
    %logistic3A_371 = arith.constant 1.000000e+00 : f32
    %logistic3A_372 = vector.broadcast %logistic3A_371 : f32 to vector<1024x128xf32>
    %logistic3A_373 = arith.addf %logistic3A_372, %logistic3A_370 : vector<1024x128xf32>
    %logistic3A_374 = arith.divf %logistic3A_372, %logistic3A_373 : vector<1024x128xf32>
    %slice3A_375 = vector.extract_strided_slice %add3A_365 {offsets = [0, 256], sizes = [1024, 128], strides = [1, 1]} : vector<1024x512xf32> to vector<1024x128xf32>
    %tanh3A_376 = math.tanh %slice3A_375 : vector<1024x128xf32>
    %slice3A_377 = vector.extract_strided_slice %add3A_365 {offsets = [0, 384], sizes = [1024, 128], strides = [1, 1]} : vector<1024x512xf32> to vector<1024x128xf32>
    %tanh3A_378 = math.tanh %slice3A_377 : vector<1024x128xf32>
    %mul3A_379 = arith.mulf %logistic3A_374, %add3A_301 : vector<1024x128xf32>
    %mul3A_380 = arith.mulf %tanh3A_367, %tanh3A_376 : vector<1024x128xf32>
    %add3A_381 = arith.addf %mul3A_380, %tanh3A_376 : vector<1024x128xf32>
    %mul3A_382 = arith.constant 5.000000e-01 : f32
    %mul3A_383 = vector.broadcast %mul3A_382 : f32 to vector<1024x128xf32>
    %mul3A_384 = arith.mulf %mul3A_383, %add3A_381 : vector<1024x128xf32>
    %add3A_385 = arith.addf %mul3A_379, %mul3A_384 : vector<1024x128xf32>
    %tanh3A_386 = math.tanh %add3A_385 : vector<1024x128xf32>
    %mul3A_387 = arith.mulf %tanh3A_378, %tanh3A_386 : vector<1024x128xf32>
    %add3A_388 = arith.addf %mul3A_387, %tanh3A_386 : vector<1024x128xf32>
    %mul3A_389 = arith.constant 5.000000e-01 : f32
    %mul3A_390 = vector.broadcast %mul3A_389 : f32 to vector<1024x128xf32>
    %mul3A_391 = arith.mulf %mul3A_390, %add3A_388 : vector<1024x128xf32>
    %get3A_392 = arith.constant 3 : index
    %get3A_393 = arith.constant 0 : index
    %get3A_394 = arith.constant 0 : index
    %get3A_395 = vector.load %arg3[%get3A_392, %get3A_393, %get3A_394] : memref<8x1024x128xf32, #tpu.memory_space<vmem>>, vector<1x1024x128xf32>
    %get3A_396 = vector.shape_cast %get3A_395 : vector<1x1024x128xf32> to vector<1024x128xf32>
    %get3A_397 = arith.constant 0 : index
    %get3A_398 = arith.constant 0 : index
    %get3A_399 = vector.load %arg5[%get3A_397, %get3A_398] : memref<256x512xf32, #tpu.memory_space<vmem>>, vector<256x512xf32>
    %get3A_400 = arith.constant 0 : index
    %get3A_401 = arith.constant 0 : index
    %get3A_402 = vector.load %arg7[%get3A_400, %get3A_401] : memref<1x512xf32, #tpu.memory_space<vmem>>, vector<1x512xf32>
    %concatenate3A_403 = tpu.concatenate %get3A_396, %mul3A_349 in 1 : vector<1024x128xf32>, vector<1024x128xf32> -> vector<1024x256xf32>
    %dot_general3A_404 = arith.constant dense<0.000000e+00> : vector<1024x512xf32>
    %dot_general3A_405 = tpu.matmul %concatenate3A_403, %get3A_399, %dot_general3A_404 {dimension_numbers = #tpu.dot_dimension_numbers<[1], [0], [0], [1], [0, 0, 1, 1], [], []>, transpose_lhs_hint = false} : vector<1024x256xf32>, vector<256x512xf32>, vector<1024x512xf32> -> vector<1024x512xf32>
    %add3A_406 = vector.broadcast %get3A_402 : vector<1x512xf32> to vector<1024x512xf32>
    %add3A_407 = arith.addf %dot_general3A_405, %add3A_406 : vector<1024x512xf32>
    %slice3A_408 = vector.extract_strided_slice %add3A_407 {offsets = [0, 0], sizes = [1024, 128], strides = [1, 1]} : vector<1024x512xf32> to vector<1024x128xf32>
    %tanh3A_409 = math.tanh %slice3A_408 : vector<1024x128xf32>
    %slice3A_410 = vector.extract_strided_slice %add3A_407 {offsets = [0, 128], sizes = [1024, 128], strides = [1, 1]} : vector<1024x512xf32> to vector<1024x128xf32>
    %logistic3A_411 = arith.negf %slice3A_410 : vector<1024x128xf32>
    %logistic3A_412 = math.exp %logistic3A_411 : vector<1024x128xf32>
    %logistic3A_413 = arith.constant 1.000000e+00 : f32
    %logistic3A_414 = vector.broadcast %logistic3A_413 : f32 to vector<1024x128xf32>
    %logistic3A_415 = arith.addf %logistic3A_414, %logistic3A_412 : vector<1024x128xf32>
    %logistic3A_416 = arith.divf %logistic3A_414, %logistic3A_415 : vector<1024x128xf32>
    %slice3A_417 = vector.extract_strided_slice %add3A_407 {offsets = [0, 256], sizes = [1024, 128], strides = [1, 1]} : vector<1024x512xf32> to vector<1024x128xf32>
    %tanh3A_418 = math.tanh %slice3A_417 : vector<1024x128xf32>
    %slice3A_419 = vector.extract_strided_slice %add3A_407 {offsets = [0, 384], sizes = [1024, 128], strides = [1, 1]} : vector<1024x512xf32> to vector<1024x128xf32>
    %tanh3A_420 = math.tanh %slice3A_419 : vector<1024x128xf32>
    %mul3A_421 = arith.mulf %logistic3A_416, %add3A_343 : vector<1024x128xf32>
    %mul3A_422 = arith.mulf %tanh3A_409, %tanh3A_418 : vector<1024x128xf32>
    %add3A_423 = arith.addf %mul3A_422, %tanh3A_418 : vector<1024x128xf32>
    %mul3A_424 = arith.constant 5.000000e-01 : f32
    %mul3A_425 = vector.broadcast %mul3A_424 : f32 to vector<1024x128xf32>
    %mul3A_426 = arith.mulf %mul3A_425, %add3A_423 : vector<1024x128xf32>
    %add3A_427 = arith.addf %mul3A_421, %mul3A_426 : vector<1024x128xf32>
    %tanh3A_428 = math.tanh %add3A_427 : vector<1024x128xf32>
    %mul3A_429 = arith.mulf %tanh3A_420, %tanh3A_428 : vector<1024x128xf32>
    %add3A_430 = arith.addf %mul3A_429, %tanh3A_428 : vector<1024x128xf32>
    %mul3A_431 = arith.constant 5.000000e-01 : f32
    %mul3A_432 = vector.broadcast %mul3A_431 : f32 to vector<1024x128xf32>
    %mul3A_433 = arith.mulf %mul3A_432, %add3A_430 : vector<1024x128xf32>
    %get3A_434 = arith.constant 5 : index
    %get3A_435 = arith.constant 0 : index
    %get3A_436 = arith.constant 0 : index
    %get3A_437 = vector.load %arg2[%get3A_434, %get3A_435, %get3A_436] : memref<8x1024x128xf32, #tpu.memory_space<vmem>>, vector<1x1024x128xf32>
    %get3A_438 = vector.shape_cast %get3A_437 : vector<1x1024x128xf32> to vector<1024x128xf32>
    %get3A_439 = arith.constant 0 : index
    %get3A_440 = arith.constant 0 : index
    %get3A_441 = vector.load %arg4[%get3A_439, %get3A_440] : memref<256x512xf32, #tpu.memory_space<vmem>>, vector<256x512xf32>
    %get3A_442 = arith.constant 0 : index
    %get3A_443 = arith.constant 0 : index
    %get3A_444 = vector.load %arg6[%get3A_442, %get3A_443] : memref<1x512xf32, #tpu.memory_space<vmem>>, vector<1x512xf32>
    %concatenate3A_445 = tpu.concatenate %get3A_438, %mul3A_391 in 1 : vector<1024x128xf32>, vector<1024x128xf32> -> vector<1024x256xf32>
    %dot_general3A_446 = arith.constant dense<0.000000e+00> : vector<1024x512xf32>
    %dot_general3A_447 = tpu.matmul %concatenate3A_445, %get3A_441, %dot_general3A_446 {dimension_numbers = #tpu.dot_dimension_numbers<[1], [0], [0], [1], [0, 0, 1, 1], [], []>, transpose_lhs_hint = false} : vector<1024x256xf32>, vector<256x512xf32>, vector<1024x512xf32> -> vector<1024x512xf32>
    %add3A_448 = vector.broadcast %get3A_444 : vector<1x512xf32> to vector<1024x512xf32>
    %add3A_449 = arith.addf %dot_general3A_447, %add3A_448 : vector<1024x512xf32>
    %slice3A_450 = vector.extract_strided_slice %add3A_449 {offsets = [0, 0], sizes = [1024, 128], strides = [1, 1]} : vector<1024x512xf32> to vector<1024x128xf32>
    %tanh3A_451 = math.tanh %slice3A_450 : vector<1024x128xf32>
    %slice3A_452 = vector.extract_strided_slice %add3A_449 {offsets = [0, 128], sizes = [1024, 128], strides = [1, 1]} : vector<1024x512xf32> to vector<1024x128xf32>
    %logistic3A_453 = arith.negf %slice3A_452 : vector<1024x128xf32>
    %logistic3A_454 = math.exp %logistic3A_453 : vector<1024x128xf32>
    %logistic3A_455 = arith.constant 1.000000e+00 : f32
    %logistic3A_456 = vector.broadcast %logistic3A_455 : f32 to vector<1024x128xf32>
    %logistic3A_457 = arith.addf %logistic3A_456, %logistic3A_454 : vector<1024x128xf32>
    %logistic3A_458 = arith.divf %logistic3A_456, %logistic3A_457 : vector<1024x128xf32>
    %slice3A_459 = vector.extract_strided_slice %add3A_449 {offsets = [0, 256], sizes = [1024, 128], strides = [1, 1]} : vector<1024x512xf32> to vector<1024x128xf32>
    %tanh3A_460 = math.tanh %slice3A_459 : vector<1024x128xf32>
    %slice3A_461 = vector.extract_strided_slice %add3A_449 {offsets = [0, 384], sizes = [1024, 128], strides = [1, 1]} : vector<1024x512xf32> to vector<1024x128xf32>
    %tanh3A_462 = math.tanh %slice3A_461 : vector<1024x128xf32>
    %mul3A_463 = arith.mulf %logistic3A_458, %add3A_385 : vector<1024x128xf32>
    %mul3A_464 = arith.mulf %tanh3A_451, %tanh3A_460 : vector<1024x128xf32>
    %add3A_465 = arith.addf %mul3A_464, %tanh3A_460 : vector<1024x128xf32>
    %mul3A_466 = arith.constant 5.000000e-01 : f32
    %mul3A_467 = vector.broadcast %mul3A_466 : f32 to vector<1024x128xf32>
    %mul3A_468 = arith.mulf %mul3A_467, %add3A_465 : vector<1024x128xf32>
    %add3A_469 = arith.addf %mul3A_463, %mul3A_468 : vector<1024x128xf32>
    %tanh3A_470 = math.tanh %add3A_469 : vector<1024x128xf32>
    %mul3A_471 = arith.mulf %tanh3A_462, %tanh3A_470 : vector<1024x128xf32>
    %add3A_472 = arith.addf %mul3A_471, %tanh3A_470 : vector<1024x128xf32>
    %mul3A_473 = arith.constant 5.000000e-01 : f32
    %mul3A_474 = vector.broadcast %mul3A_473 : f32 to vector<1024x128xf32>
    %mul3A_475 = arith.mulf %mul3A_474, %add3A_472 : vector<1024x128xf32>
    %get3A_476 = arith.constant 2 : index
    %get3A_477 = arith.constant 0 : index
    %get3A_478 = arith.constant 0 : index
    %get3A_479 = vector.load %arg3[%get3A_476, %get3A_477, %get3A_478] : memref<8x1024x128xf32, #tpu.memory_space<vmem>>, vector<1x1024x128xf32>
    %get3A_480 = vector.shape_cast %get3A_479 : vector<1x1024x128xf32> to vector<1024x128xf32>
    %get3A_481 = arith.constant 0 : index
    %get3A_482 = arith.constant 0 : index
    %get3A_483 = vector.load %arg5[%get3A_481, %get3A_482] : memref<256x512xf32, #tpu.memory_space<vmem>>, vector<256x512xf32>
    %get3A_484 = arith.constant 0 : index
    %get3A_485 = arith.constant 0 : index
    %get3A_486 = vector.load %arg7[%get3A_484, %get3A_485] : memref<1x512xf32, #tpu.memory_space<vmem>>, vector<1x512xf32>
    %concatenate3A_487 = tpu.concatenate %get3A_480, %mul3A_433 in 1 : vector<1024x128xf32>, vector<1024x128xf32> -> vector<1024x256xf32>
    %dot_general3A_488 = arith.constant dense<0.000000e+00> : vector<1024x512xf32>
    %dot_general3A_489 = tpu.matmul %concatenate3A_487, %get3A_483, %dot_general3A_488 {dimension_numbers = #tpu.dot_dimension_numbers<[1], [0], [0], [1], [0, 0, 1, 1], [], []>, transpose_lhs_hint = false} : vector<1024x256xf32>, vector<256x512xf32>, vector<1024x512xf32> -> vector<1024x512xf32>
    %add3A_490 = vector.broadcast %get3A_486 : vector<1x512xf32> to vector<1024x512xf32>
    %add3A_491 = arith.addf %dot_general3A_489, %add3A_490 : vector<1024x512xf32>
    %slice3A_492 = vector.extract_strided_slice %add3A_491 {offsets = [0, 0], sizes = [1024, 128], strides = [1, 1]} : vector<1024x512xf32> to vector<1024x128xf32>
    %tanh3A_493 = math.tanh %slice3A_492 : vector<1024x128xf32>
    %slice3A_494 = vector.extract_strided_slice %add3A_491 {offsets = [0, 128], sizes = [1024, 128], strides = [1, 1]} : vector<1024x512xf32> to vector<1024x128xf32>
    %logistic3A_495 = arith.negf %slice3A_494 : vector<1024x128xf32>
    %logistic3A_496 = math.exp %logistic3A_495 : vector<1024x128xf32>
    %logistic3A_497 = arith.constant 1.000000e+00 : f32
    %logistic3A_498 = vector.broadcast %logistic3A_497 : f32 to vector<1024x128xf32>
    %logistic3A_499 = arith.addf %logistic3A_498, %logistic3A_496 : vector<1024x128xf32>
    %logistic3A_500 = arith.divf %logistic3A_498, %logistic3A_499 : vector<1024x128xf32>
    %slice3A_501 = vector.extract_strided_slice %add3A_491 {offsets = [0, 256], sizes = [1024, 128], strides = [1, 1]} : vector<1024x512xf32> to vector<1024x128xf32>
    %tanh3A_502 = math.tanh %slice3A_501 : vector<1024x128xf32>
    %slice3A_503 = vector.extract_strided_slice %add3A_491 {offsets = [0, 384], sizes = [1024, 128], strides = [1, 1]} : vector<1024x512xf32> to vector<1024x128xf32>
    %tanh3A_504 = math.tanh %slice3A_503 : vector<1024x128xf32>
    %mul3A_505 = arith.mulf %logistic3A_500, %add3A_427 : vector<1024x128xf32>
    %mul3A_506 = arith.mulf %tanh3A_493, %tanh3A_502 : vector<1024x128xf32>
    %add3A_507 = arith.addf %mul3A_506, %tanh3A_502 : vector<1024x128xf32>
    %mul3A_508 = arith.constant 5.000000e-01 : f32
    %mul3A_509 = vector.broadcast %mul3A_508 : f32 to vector<1024x128xf32>
    %mul3A_510 = arith.mulf %mul3A_509, %add3A_507 : vector<1024x128xf32>
    %add3A_511 = arith.addf %mul3A_505, %mul3A_510 : vector<1024x128xf32>
    %tanh3A_512 = math.tanh %add3A_511 : vector<1024x128xf32>
    %mul3A_513 = arith.mulf %tanh3A_504, %tanh3A_512 : vector<1024x128xf32>
    %add3A_514 = arith.addf %mul3A_513, %tanh3A_512 : vector<1024x128xf32>
    %mul3A_515 = arith.constant 5.000000e-01 : f32
    %mul3A_516 = vector.broadcast %mul3A_515 : f32 to vector<1024x128xf32>
    %mul3A_517 = arith.mulf %mul3A_516, %add3A_514 : vector<1024x128xf32>
    %get3A_518 = arith.constant 6 : index
    %get3A_519 = arith.constant 0 : index
    %get3A_520 = arith.constant 0 : index
    %get3A_521 = vector.load %arg2[%get3A_518, %get3A_519, %get3A_520] : memref<8x1024x128xf32, #tpu.memory_space<vmem>>, vector<1x1024x128xf32>
    %get3A_522 = vector.shape_cast %get3A_521 : vector<1x1024x128xf32> to vector<1024x128xf32>
    %get3A_523 = arith.constant 0 : index
    %get3A_524 = arith.constant 0 : index
    %get3A_525 = vector.load %arg4[%get3A_523, %get3A_524] : memref<256x512xf32, #tpu.memory_space<vmem>>, vector<256x512xf32>
    %get3A_526 = arith.constant 0 : index
    %get3A_527 = arith.constant 0 : index
    %get3A_528 = vector.load %arg6[%get3A_526, %get3A_527] : memref<1x512xf32, #tpu.memory_space<vmem>>, vector<1x512xf32>
    %concatenate3A_529 = tpu.concatenate %get3A_522, %mul3A_475 in 1 : vector<1024x128xf32>, vector<1024x128xf32> -> vector<1024x256xf32>
    %dot_general3A_530 = arith.constant dense<0.000000e+00> : vector<1024x512xf32>
    %dot_general3A_531 = tpu.matmul %concatenate3A_529, %get3A_525, %dot_general3A_530 {dimension_numbers = #tpu.dot_dimension_numbers<[1], [0], [0], [1], [0, 0, 1, 1], [], []>, transpose_lhs_hint = false} : vector<1024x256xf32>, vector<256x512xf32>, vector<1024x512xf32> -> vector<1024x512xf32>
    %add3A_532 = vector.broadcast %get3A_528 : vector<1x512xf32> to vector<1024x512xf32>
    %add3A_533 = arith.addf %dot_general3A_531, %add3A_532 : vector<1024x512xf32>
    %slice3A_534 = vector.extract_strided_slice %add3A_533 {offsets = [0, 0], sizes = [1024, 128], strides = [1, 1]} : vector<1024x512xf32> to vector<1024x128xf32>
    %tanh3A_535 = math.tanh %slice3A_534 : vector<1024x128xf32>
    %slice3A_536 = vector.extract_strided_slice %add3A_533 {offsets = [0, 128], sizes = [1024, 128], strides = [1, 1]} : vector<1024x512xf32> to vector<1024x128xf32>
    %logistic3A_537 = arith.negf %slice3A_536 : vector<1024x128xf32>
    %logistic3A_538 = math.exp %logistic3A_537 : vector<1024x128xf32>
    %logistic3A_539 = arith.constant 1.000000e+00 : f32
    %logistic3A_540 = vector.broadcast %logistic3A_539 : f32 to vector<1024x128xf32>
    %logistic3A_541 = arith.addf %logistic3A_540, %logistic3A_538 : vector<1024x128xf32>
    %logistic3A_542 = arith.divf %logistic3A_540, %logistic3A_541 : vector<1024x128xf32>
    %slice3A_543 = vector.extract_strided_slice %add3A_533 {offsets = [0, 256], sizes = [1024, 128], strides = [1, 1]} : vector<1024x512xf32> to vector<1024x128xf32>
    %tanh3A_544 = math.tanh %slice3A_543 : vector<1024x128xf32>
    %slice3A_545 = vector.extract_strided_slice %add3A_533 {offsets = [0, 384], sizes = [1024, 128], strides = [1, 1]} : vector<1024x512xf32> to vector<1024x128xf32>
    %tanh3A_546 = math.tanh %slice3A_545 : vector<1024x128xf32>
    %mul3A_547 = arith.mulf %logistic3A_542, %add3A_469 : vector<1024x128xf32>
    %mul3A_548 = arith.mulf %tanh3A_535, %tanh3A_544 : vector<1024x128xf32>
    %add3A_549 = arith.addf %mul3A_548, %tanh3A_544 : vector<1024x128xf32>
    %mul3A_550 = arith.constant 5.000000e-01 : f32
    %mul3A_551 = vector.broadcast %mul3A_550 : f32 to vector<1024x128xf32>
    %mul3A_552 = arith.mulf %mul3A_551, %add3A_549 : vector<1024x128xf32>
    %add3A_553 = arith.addf %mul3A_547, %mul3A_552 : vector<1024x128xf32>
    %tanh3A_554 = math.tanh %add3A_553 : vector<1024x128xf32>
    %mul3A_555 = arith.mulf %tanh3A_546, %tanh3A_554 : vector<1024x128xf32>
    %add3A_556 = arith.addf %mul3A_555, %tanh3A_554 : vector<1024x128xf32>
    %mul3A_557 = arith.constant 5.000000e-01 : f32
    %mul3A_558 = vector.broadcast %mul3A_557 : f32 to vector<1024x128xf32>
    %mul3A_559 = arith.mulf %mul3A_558, %add3A_556 : vector<1024x128xf32>
    %get3A_560 = arith.constant 1 : index
    %get3A_561 = arith.constant 0 : index
    %get3A_562 = arith.constant 0 : index
    %get3A_563 = vector.load %arg3[%get3A_560, %get3A_561, %get3A_562] : memref<8x1024x128xf32, #tpu.memory_space<vmem>>, vector<1x1024x128xf32>
    %get3A_564 = vector.shape_cast %get3A_563 : vector<1x1024x128xf32> to vector<1024x128xf32>
    %get3A_565 = arith.constant 0 : index
    %get3A_566 = arith.constant 0 : index
    %get3A_567 = vector.load %arg5[%get3A_565, %get3A_566] : memref<256x512xf32, #tpu.memory_space<vmem>>, vector<256x512xf32>
    %get3A_568 = arith.constant 0 : index
    %get3A_569 = arith.constant 0 : index
    %get3A_570 = vector.load %arg7[%get3A_568, %get3A_569] : memref<1x512xf32, #tpu.memory_space<vmem>>, vector<1x512xf32>
    %concatenate3A_571 = tpu.concatenate %get3A_564, %mul3A_517 in 1 : vector<1024x128xf32>, vector<1024x128xf32> -> vector<1024x256xf32>
    %dot_general3A_572 = arith.constant dense<0.000000e+00> : vector<1024x512xf32>
    %dot_general3A_573 = tpu.matmul %concatenate3A_571, %get3A_567, %dot_general3A_572 {dimension_numbers = #tpu.dot_dimension_numbers<[1], [0], [0], [1], [0, 0, 1, 1], [], []>, transpose_lhs_hint = false} : vector<1024x256xf32>, vector<256x512xf32>, vector<1024x512xf32> -> vector<1024x512xf32>
    %add3A_574 = vector.broadcast %get3A_570 : vector<1x512xf32> to vector<1024x512xf32>
    %add3A_575 = arith.addf %dot_general3A_573, %add3A_574 : vector<1024x512xf32>
    %slice3A_576 = vector.extract_strided_slice %add3A_575 {offsets = [0, 0], sizes = [1024, 128], strides = [1, 1]} : vector<1024x512xf32> to vector<1024x128xf32>
    %tanh3A_577 = math.tanh %slice3A_576 : vector<1024x128xf32>
    %slice3A_578 = vector.extract_strided_slice %add3A_575 {offsets = [0, 128], sizes = [1024, 128], strides = [1, 1]} : vector<1024x512xf32> to vector<1024x128xf32>
    %logistic3A_579 = arith.negf %slice3A_578 : vector<1024x128xf32>
    %logistic3A_580 = math.exp %logistic3A_579 : vector<1024x128xf32>
    %logistic3A_581 = arith.constant 1.000000e+00 : f32
    %logistic3A_582 = vector.broadcast %logistic3A_581 : f32 to vector<1024x128xf32>
    %logistic3A_583 = arith.addf %logistic3A_582, %logistic3A_580 : vector<1024x128xf32>
    %logistic3A_584 = arith.divf %logistic3A_582, %logistic3A_583 : vector<1024x128xf32>
    %slice3A_585 = vector.extract_strided_slice %add3A_575 {offsets = [0, 256], sizes = [1024, 128], strides = [1, 1]} : vector<1024x512xf32> to vector<1024x128xf32>
    %tanh3A_586 = math.tanh %slice3A_585 : vector<1024x128xf32>
    %slice3A_587 = vector.extract_strided_slice %add3A_575 {offsets = [0, 384], sizes = [1024, 128], strides = [1, 1]} : vector<1024x512xf32> to vector<1024x128xf32>
    %tanh3A_588 = math.tanh %slice3A_587 : vector<1024x128xf32>
    %mul3A_589 = arith.mulf %logistic3A_584, %add3A_511 : vector<1024x128xf32>
    %mul3A_590 = arith.mulf %tanh3A_577, %tanh3A_586 : vector<1024x128xf32>
    %add3A_591 = arith.addf %mul3A_590, %tanh3A_586 : vector<1024x128xf32>
    %mul3A_592 = arith.constant 5.000000e-01 : f32
    %mul3A_593 = vector.broadcast %mul3A_592 : f32 to vector<1024x128xf32>
    %mul3A_594 = arith.mulf %mul3A_593, %add3A_591 : vector<1024x128xf32>
    %add3A_595 = arith.addf %mul3A_589, %mul3A_594 : vector<1024x128xf32>
    %tanh3A_596 = math.tanh %add3A_595 : vector<1024x128xf32>
    %mul3A_597 = arith.mulf %tanh3A_588, %tanh3A_596 : vector<1024x128xf32>
    %add3A_598 = arith.addf %mul3A_597, %tanh3A_596 : vector<1024x128xf32>
    %mul3A_599 = arith.constant 5.000000e-01 : f32
    %mul3A_600 = vector.broadcast %mul3A_599 : f32 to vector<1024x128xf32>
    %mul3A_601 = arith.mulf %mul3A_600, %add3A_598 : vector<1024x128xf32>
    %get3A_602 = arith.constant 7 : index
    %get3A_603 = arith.constant 0 : index
    %get3A_604 = arith.constant 0 : index
    %get3A_605 = vector.load %arg2[%get3A_602, %get3A_603, %get3A_604] : memref<8x1024x128xf32, #tpu.memory_space<vmem>>, vector<1x1024x128xf32>
    %get3A_606 = vector.shape_cast %get3A_605 : vector<1x1024x128xf32> to vector<1024x128xf32>
    %get3A_607 = arith.constant 0 : index
    %get3A_608 = arith.constant 0 : index
    %get3A_609 = vector.load %arg4[%get3A_607, %get3A_608] : memref<256x512xf32, #tpu.memory_space<vmem>>, vector<256x512xf32>
    %get3A_610 = arith.constant 0 : index
    %get3A_611 = arith.constant 0 : index
    %get3A_612 = vector.load %arg6[%get3A_610, %get3A_611] : memref<1x512xf32, #tpu.memory_space<vmem>>, vector<1x512xf32>
    %concatenate3A_613 = tpu.concatenate %get3A_606, %mul3A_559 in 1 : vector<1024x128xf32>, vector<1024x128xf32> -> vector<1024x256xf32>
    %dot_general3A_614 = arith.constant dense<0.000000e+00> : vector<1024x512xf32>
    %dot_general3A_615 = tpu.matmul %concatenate3A_613, %get3A_609, %dot_general3A_614 {dimension_numbers = #tpu.dot_dimension_numbers<[1], [0], [0], [1], [0, 0, 1, 1], [], []>, transpose_lhs_hint = false} : vector<1024x256xf32>, vector<256x512xf32>, vector<1024x512xf32> -> vector<1024x512xf32>
    %add3A_616 = vector.broadcast %get3A_612 : vector<1x512xf32> to vector<1024x512xf32>
    %add3A_617 = arith.addf %dot_general3A_615, %add3A_616 : vector<1024x512xf32>
    %slice3A_618 = vector.extract_strided_slice %add3A_617 {offsets = [0, 0], sizes = [1024, 128], strides = [1, 1]} : vector<1024x512xf32> to vector<1024x128xf32>
    %tanh3A_619 = math.tanh %slice3A_618 : vector<1024x128xf32>
    %slice3A_620 = vector.extract_strided_slice %add3A_617 {offsets = [0, 128], sizes = [1024, 128], strides = [1, 1]} : vector<1024x512xf32> to vector<1024x128xf32>
    %logistic3A_621 = arith.negf %slice3A_620 : vector<1024x128xf32>
    %logistic3A_622 = math.exp %logistic3A_621 : vector<1024x128xf32>
    %logistic3A_623 = arith.constant 1.000000e+00 : f32
    %logistic3A_624 = vector.broadcast %logistic3A_623 : f32 to vector<1024x128xf32>
    %logistic3A_625 = arith.addf %logistic3A_624, %logistic3A_622 : vector<1024x128xf32>
    %logistic3A_626 = arith.divf %logistic3A_624, %logistic3A_625 : vector<1024x128xf32>
    %slice3A_627 = vector.extract_strided_slice %add3A_617 {offsets = [0, 256], sizes = [1024, 128], strides = [1, 1]} : vector<1024x512xf32> to vector<1024x128xf32>
    %tanh3A_628 = math.tanh %slice3A_627 : vector<1024x128xf32>
    %slice3A_629 = vector.extract_strided_slice %add3A_617 {offsets = [0, 384], sizes = [1024, 128], strides = [1, 1]} : vector<1024x512xf32> to vector<1024x128xf32>
    %tanh3A_630 = math.tanh %slice3A_629 : vector<1024x128xf32>
    %mul3A_631 = arith.mulf %logistic3A_626, %add3A_553 : vector<1024x128xf32>
    %mul3A_632 = arith.mulf %tanh3A_619, %tanh3A_628 : vector<1024x128xf32>
    %add3A_633 = arith.addf %mul3A_632, %tanh3A_628 : vector<1024x128xf32>
    %mul3A_634 = arith.constant 5.000000e-01 : f32
    %mul3A_635 = vector.broadcast %mul3A_634 : f32 to vector<1024x128xf32>
    %mul3A_636 = arith.mulf %mul3A_635, %add3A_633 : vector<1024x128xf32>
    %add3A_637 = arith.addf %mul3A_631, %mul3A_636 : vector<1024x128xf32>
    %tanh3A_638 = math.tanh %add3A_637 : vector<1024x128xf32>
    %mul3A_639 = arith.mulf %tanh3A_630, %tanh3A_638 : vector<1024x128xf32>
    %add3A_640 = arith.addf %mul3A_639, %tanh3A_638 : vector<1024x128xf32>
    %mul3A_641 = arith.constant 5.000000e-01 : f32
    %mul3A_642 = vector.broadcast %mul3A_641 : f32 to vector<1024x128xf32>
    %mul3A_643 = arith.mulf %mul3A_642, %add3A_640 : vector<1024x128xf32>
    %get3A_644 = arith.constant 0 : index
    %get3A_645 = arith.constant 0 : index
    %get3A_646 = arith.constant 0 : index
    %get3A_647 = vector.load %arg3[%get3A_644, %get3A_645, %get3A_646] : memref<8x1024x128xf32, #tpu.memory_space<vmem>>, vector<1x1024x128xf32>
    %get3A_648 = vector.shape_cast %get3A_647 : vector<1x1024x128xf32> to vector<1024x128xf32>
    %get3A_649 = arith.constant 0 : index
    %get3A_650 = arith.constant 0 : index
    %get3A_651 = vector.load %arg5[%get3A_649, %get3A_650] : memref<256x512xf32, #tpu.memory_space<vmem>>, vector<256x512xf32>
    %get3A_652 = arith.constant 0 : index
    %get3A_653 = arith.constant 0 : index
    %get3A_654 = vector.load %arg7[%get3A_652, %get3A_653] : memref<1x512xf32, #tpu.memory_space<vmem>>, vector<1x512xf32>
    %concatenate3A_655 = tpu.concatenate %get3A_648, %mul3A_601 in 1 : vector<1024x128xf32>, vector<1024x128xf32> -> vector<1024x256xf32>
    %dot_general3A_656 = arith.constant dense<0.000000e+00> : vector<1024x512xf32>
    %dot_general3A_657 = tpu.matmul %concatenate3A_655, %get3A_651, %dot_general3A_656 {dimension_numbers = #tpu.dot_dimension_numbers<[1], [0], [0], [1], [0, 0, 1, 1], [], []>, transpose_lhs_hint = false} : vector<1024x256xf32>, vector<256x512xf32>, vector<1024x512xf32> -> vector<1024x512xf32>
    %add3A_658 = vector.broadcast %get3A_654 : vector<1x512xf32> to vector<1024x512xf32>
    %add3A_659 = arith.addf %dot_general3A_657, %add3A_658 : vector<1024x512xf32>
    %slice3A_660 = vector.extract_strided_slice %add3A_659 {offsets = [0, 0], sizes = [1024, 128], strides = [1, 1]} : vector<1024x512xf32> to vector<1024x128xf32>
    %tanh3A_661 = math.tanh %slice3A_660 : vector<1024x128xf32>
    %slice3A_662 = vector.extract_strided_slice %add3A_659 {offsets = [0, 128], sizes = [1024, 128], strides = [1, 1]} : vector<1024x512xf32> to vector<1024x128xf32>
    %logistic3A_663 = arith.negf %slice3A_662 : vector<1024x128xf32>
    %logistic3A_664 = math.exp %logistic3A_663 : vector<1024x128xf32>
    %logistic3A_665 = arith.constant 1.000000e+00 : f32
    %logistic3A_666 = vector.broadcast %logistic3A_665 : f32 to vector<1024x128xf32>
    %logistic3A_667 = arith.addf %logistic3A_666, %logistic3A_664 : vector<1024x128xf32>
    %logistic3A_668 = arith.divf %logistic3A_666, %logistic3A_667 : vector<1024x128xf32>
    %slice3A_669 = vector.extract_strided_slice %add3A_659 {offsets = [0, 256], sizes = [1024, 128], strides = [1, 1]} : vector<1024x512xf32> to vector<1024x128xf32>
    %tanh3A_670 = math.tanh %slice3A_669 : vector<1024x128xf32>
    %slice3A_671 = vector.extract_strided_slice %add3A_659 {offsets = [0, 384], sizes = [1024, 128], strides = [1, 1]} : vector<1024x512xf32> to vector<1024x128xf32>
    %tanh3A_672 = math.tanh %slice3A_671 : vector<1024x128xf32>
    %mul3A_673 = arith.mulf %logistic3A_668, %add3A_595 : vector<1024x128xf32>
    %mul3A_674 = arith.mulf %tanh3A_661, %tanh3A_670 : vector<1024x128xf32>
    %add3A_675 = arith.addf %mul3A_674, %tanh3A_670 : vector<1024x128xf32>
    %mul3A_676 = arith.constant 5.000000e-01 : f32
    %mul3A_677 = vector.broadcast %mul3A_676 : f32 to vector<1024x128xf32>
    %mul3A_678 = arith.mulf %mul3A_677, %add3A_675 : vector<1024x128xf32>
    %add3A_679 = arith.addf %mul3A_673, %mul3A_678 : vector<1024x128xf32>
    %tanh3A_680 = math.tanh %add3A_679 : vector<1024x128xf32>
    %mul3A_681 = arith.mulf %tanh3A_672, %tanh3A_680 : vector<1024x128xf32>
    %add3A_682 = arith.addf %mul3A_681, %tanh3A_680 : vector<1024x128xf32>
    %mul3A_683 = arith.constant 5.000000e-01 : f32
    %mul3A_684 = vector.broadcast %mul3A_683 : f32 to vector<1024x128xf32>
    %mul3A_685 = arith.mulf %mul3A_684, %add3A_682 : vector<1024x128xf32>
    %swap3A = arith.constant 0 : index
    %swap3A_686 = arith.constant 0 : index
    %swap3A_687 = arith.constant 0 : index
    %swap3A_688 = vector.load %arg12[%swap3A, %swap3A_686, %swap3A_687] : memref<4x1024x128xf32, #tpu.memory_space<vmem>>, vector<1x1024x128xf32>
    %swap3A_689 = vector.shape_cast %swap3A_688 : vector<1x1024x128xf32> to vector<1024x128xf32>
    %swap3A_690 = vector.shape_cast %mul3A_643 : vector<1024x128xf32> to vector<1x1024x128xf32>
    tpu.vector_store %arg12[%swap3A, %swap3A_686, %swap3A_687], %swap3A_690 {strides = array<i32>} : memref<4x1024x128xf32, #tpu.memory_space<vmem>>, vector<1x1024x128xf32>,
    %swap3A_691 = arith.constant 1 : index
    %swap3A_692 = arith.constant 0 : index
    %swap3A_693 = arith.constant 0 : index
    %swap3A_694 = vector.load %arg12[%swap3A_691, %swap3A_692, %swap3A_693] : memref<4x1024x128xf32, #tpu.memory_space<vmem>>, vector<1x1024x128xf32>
    %swap3A_695 = vector.shape_cast %swap3A_694 : vector<1x1024x128xf32> to vector<1024x128xf32>
    %swap3A_696 = vector.shape_cast %add3A_637 : vector<1024x128xf32> to vector<1x1024x128xf32>
    tpu.vector_store %arg12[%swap3A_691, %swap3A_692, %swap3A_693], %swap3A_696 {strides = array<i32>} : memref<4x1024x128xf32, #tpu.memory_space<vmem>>, vector<1x1024x128xf32>,
    %swap3A_697 = arith.constant 2 : index
    %swap3A_698 = arith.constant 0 : index
    %swap3A_699 = arith.constant 0 : index
    %swap3A_700 = vector.load %arg12[%swap3A_697, %swap3A_698, %swap3A_699] : memref<4x1024x128xf32, #tpu.memory_space<vmem>>, vector<1x1024x128xf32>
    %swap3A_701 = vector.shape_cast %swap3A_700 : vector<1x1024x128xf32> to vector<1024x128xf32>
    %swap3A_702 = vector.shape_cast %mul3A_685 : vector<1024x128xf32> to vector<1x1024x128xf32>
    tpu.vector_store %arg12[%swap3A_697, %swap3A_698, %swap3A_699], %swap3A_702 {strides = array<i32>} : memref<4x1024x128xf32, #tpu.memory_space<vmem>>, vector<1x1024x128xf32>,
    %swap3A_703 = arith.constant 3 : index
    %swap3A_704 = arith.constant 0 : index
    %swap3A_705 = arith.constant 0 : index
    %swap3A_706 = vector.load %arg12[%swap3A_703, %swap3A_704, %swap3A_705] : memref<4x1024x128xf32, #tpu.memory_space<vmem>>, vector<1x1024x128xf32>
    %swap3A_707 = vector.shape_cast %swap3A_706 : vector<1x1024x128xf32> to vector<1024x128xf32>
    %swap3A_708 = vector.shape_cast %add3A_679 : vector<1024x128xf32> to vector<1x1024x128xf32>
    tpu.vector_store %arg12[%swap3A_703, %swap3A_704, %swap3A_705], %swap3A_708 {strides = array<i32>} : memref<4x1024x128xf32, #tpu.memory_space<vmem>>, vector<1x1024x128xf32>,
    %eq3A_709 = arith.constant 12 : i32
    %eq3A_710 = arith.cmpi eq, %arg0, %eq3A_709 : i32
    %convert_element_type3A_711 = arith.extui %eq3A_710 : i1 to i32
    %cond3A_712 = arith.constant 0 : i32
    %cond3A_713 = arith.cmpi ne, %convert_element_type3A_711, %cond3A_712 : i32
    scf.if %cond3A_713 {
      %get3A_714 = arith.constant 0 : index
      %get3A_715 = arith.constant 0 : index
      %get3A_716 = vector.load %arg8[%get3A_714, %get3A_715] : memref<128x128xf32, #tpu.memory_space<vmem>>, vector<128x128xf32>
      %dot_general3A_717 = arith.constant dense<0.000000e+00> : vector<1024x128xf32>
      %dot_general3A_718 = tpu.matmul %mul3A_643, %get3A_716, %dot_general3A_717 {dimension_numbers = #tpu.dot_dimension_numbers<[1], [0], [0], [1], [0, 0, 1, 1], [], []>, transpose_lhs_hint = false} : vector<1024x128xf32>, vector<128x128xf32>, vector<1024x128xf32> -> vector<1024x128xf32>
      %get3A_719 = arith.constant 0 : index
      %get3A_720 = arith.constant 0 : index
      %get3A_721 = vector.load %arg9[%get3A_719, %get3A_720] : memref<128x128xf32, #tpu.memory_space<vmem>>, vector<128x128xf32>
      %dot_general3A_722 = arith.constant dense<0.000000e+00> : vector<1024x128xf32>
      %dot_general3A_723 = tpu.matmul %mul3A_685, %get3A_721, %dot_general3A_722 {dimension_numbers = #tpu.dot_dimension_numbers<[1], [0], [0], [1], [0, 0, 1, 1], [], []>, transpose_lhs_hint = false} : vector<1024x128xf32>, vector<128x128xf32>, vector<1024x128xf32> -> vector<1024x128xf32>
      %add3A_724 = arith.addf %dot_general3A_718, %dot_general3A_723 : vector<1024x128xf32>
      %get3A_725 = arith.constant 0 : index
      %get3A_726 = arith.constant 0 : index
      %get3A_727 = memref.load %arg10[%get3A_725, %get3A_726] : memref<1x1xf32, #tpu.memory_space<smem>>
      %add3A_728 = vector.broadcast %get3A_727 : f32 to vector<1024x128xf32>
      %add3A_729 = arith.addf %add3A_724, %add3A_728 : vector<1024x128xf32>
      %swap3A_730 = arith.constant 0 : index
      %swap3A_731 = arith.constant 0 : index
      %swap3A_732 = vector.load %arg11[%swap3A_730, %swap3A_731] : memref<1024x128xf32, #tpu.memory_space<vmem>>, vector<1024x128xf32>
      tpu.vector_store %arg11[%swap3A_730, %swap3A_731], %add3A_729 {strides = array<i32>} : memref<1024x128xf32, #tpu.memory_space<vmem>>, vector<1024x128xf32>,
    } else {
    }
    return
  }
  func.func @transform_1(%arg0: i32) -> (i32, i32, i32) {
    %add3A = arith.constant 0 : i32
    %add3A_0 = arith.addi %add3A, %arg0 : i32
    %c0_i32 = arith.constant 0 : i32
    %c0_i32_1 = arith.constant 0 : i32
    %c0_i32_2 = arith.constant 0 : i32
    return %add3A_0, %c0_i32, %c0_i32_1 : i32, i32, i32
  }
  func.func @transform_2(%arg0: i32) -> (i32, i32, i32) {
    %sub3A = arith.constant 12 : i32
    %sub3A_0 = arith.subi %sub3A, %arg0 : i32
    %c0_i32 = arith.constant 0 : i32
    %c0_i32_1 = arith.constant 0 : i32
    %c0_i32_2 = arith.constant 0 : i32
    return %sub3A_0, %c0_i32, %c0_i32_1 : i32, i32, i32
  }
  func.func @transform_3(%arg0: i32) -> (i32, i32) {
    %c0_i32 = arith.constant 0 : i32
    %c0_i32_0 = arith.constant 0 : i32
    %c0_i32_1 = arith.constant 0 : i32
    return %c0_i32, %c0_i32_0 : i32, i32
  }
  func.func @transform_4(%arg0: i32) -> (i32, i32) {
    %c0_i32 = arith.constant 0 : i32
    %c0_i32_0 = arith.constant 0 : i32
    %c0_i32_1 = arith.constant 0 : i32
    return %c0_i32, %c0_i32_0 : i32, i32
  }
  func.func @transform_5(%arg0: i32) -> (i32, i32) {
    %c0_i32 = arith.constant 0 : i32
    %c0_i32_0 = arith.constant 0 : i32
    %c0_i32_1 = arith.constant 0 : i32
    return %c0_i32, %c0_i32_0 : i32, i32
  }
  func.func @transform_6(%arg0: i32) -> (i32, i32) {
    %c0_i32 = arith.constant 0 : i32
    %c0_i32_0 = arith.constant 0 : i32
    %c0_i32_1 = arith.constant 0 : i32
    return %c0_i32, %c0_i32_0 : i32, i32
  }
  func.func @transform_7(%arg0: i32) -> (i32, i32) {
    %c0_i32 = arith.constant 0 : i32
    %c0_i32_0 = arith.constant 0 : i32
    %c0_i32_1 = arith.constant 0 : i32
    return %c0_i32, %c0_i32_0 : i32, i32
  }
  func.func @transform_8(%arg0: i32) -> (i32, i32) {
    %c0_i32 = arith.constant 0 : i32
    %c0_i32_0 = arith.constant 0 : i32
    %c0_i32_1 = arith.constant 0 : i32
    return %c0_i32, %c0_i32_0 : i32, i32
  }
  func.func @transform_9(%arg0: i32) -> (i32, i32) {
    %c0_i32 = arith.constant 0 : i32
    %c0_i32_0 = arith.constant 0 : i32
    %c0_i32_1 = arith.constant 0 : i32
    return %c0_i32, %c0_i32_0 : i32, i32
  }
  func.func @transform_10(%arg0: i32) -> (i32, i32) {
    %c0_i32 = arith.constant 0 : i32
    %c0_i32_0 = arith.constant 0 : i32
    %c0_i32_1 = arith.constant 0 : i32
    return %c0_i32, %c0_i32_0 : i32, i32
  }
  func.func @transform_11(%arg0: i32) -> (i32, i32, i32) {
    %c0_i32 = arith.constant 0 : i32
    %c0_i32_0 = arith.constant 0 : i32
    %c0_i32_1 = arith.constant 0 : i32
    %c0_i32_2 = arith.constant 0 : i32
    return %c0_i32, %c0_i32_0, %c0_i32_1 : i32, i32, i32
  }
}

</mosaic_0001>

<sc_bundles>
// kernel: kernel.10.cloned.1.call-start
scs
__scs_entry_jumppad:
0x0: {  	(pc) =	sbr.rel $0x88, $3  }
0x1: {  	(tag) =	ssettag $0x0;
	lr =	simm.s32 $0x1  }
0x2: {  	[smem:$0x3F95] =	sst lr;
	_ =	strace $0xD0000000  }
0x3: {  	_ = 	snop  }
0x4: {  	_ = 	snop  }
0x5: {  	_ = 	snop  }
0x6: {  	_ = 	snop  }
0x7: {  	_ = 	snop  }
__scs_overlays_trampoline_lowered:
0x8: {  	[smem:$0x3FA4] =	sst s0  }
0x9: {  	[smem:$0x3FA5] =	sst s1  }
0xa: {  	[smem:$0x3FA6] =	sst s2  }
0xb: {  	[smem:$0x3FA7] =	sst s3  }
0xc: {  	[smem:$0x3FA8] =	sst s4  }
0xd: {  	[smem:$0x3FA9] =	sst s5  }
0xe: {  	[smem:$0x3FAA] =	sst s6  }
0xf: {  	[smem:$0x3FAB] =	sst s7  }
0x10: {  	[smem:$0x3FAC] =	sst s8  }
0x11: {  	[smem:$0x3FAD] =	sst s9;
	s0 =	simm.s32 @!p0 $0x0  }
0x12: {  	s1 =	sld [smem:$0x3F93];
	s0 =	simm.s32 @p0 $0x1  }
0x13: {  	[smem:$0x3FAE] =	sst s0;
	s0 =	simm.s32 @!p1 $0x0  }
0x14: {  	s2 =	sld [smem:$0x3F92];
	s0 =	simm.s32 @p1 $0x1  }
0x15: {  	[smem:$0x3FAF] =	sst s0;
	s0 =	simm.s32 @!p2 $0x0  }
0x16: {  	s3 =	sld [smem:$0x3FDB];
	s0 =	simm.s32 @p2 $0x1  }
0x17: {  	s4 =	simm.s32 $0x1BF5;
	[smem:$0x3FB1] =	sst s0  }
0x18: {  	s0 =	sld [smem:$0x3F94];
	_ =	swait.ge [sflag:s4], $0x0  }
0x19: {  	s7 =	sld [smem:$0x3F95]  }
0x1a: {  	s8 =	sadd.s32 $0xFFFFE003, lr  }
0x1b: {  	s9 =	sadd.s32 $0xFFFFFEF7, lr;
	s5 =	simm.s32 $0xFFFFFFFF;
	p2 =	slt.u32 s8, $0xFFFFF086  }
0x1c: {  	p1 =	slt.u32 s9, $0xF7A;
	s5 =	simm.s32 @!p2 $0x0  }
0x1d: {  	s5 =	simm.s32 @p1 $0x1;
	p0 =	seq.s32 s7, s2  }
0x1e: {  	s7 =	smul.u32 @!p0 $0xF7A, s2;
	p2 =	seq.s32 @!p0 s5, $0x0  }
0x1f: {  	s9 =	smul.u32 $0xF7A, s1;
	s8 =	simm.s32 @!p0 $0x1BF5;
	p2 =	por !p2, p0  }
0x20: {  	[sflag:s8] =	ssyncset.s32 @!p0 $0xFFFFF086;
	s6 =	sadd.s32 @!p0 s3, s7;
	s7 =	simm.s32 @!p0 $0x108  }
0x21: {  	s3 =	sadd.s32 s3, s9;
	s6 =	sadd.s32 @!p0 $0x88, s6;
	s7 =	simm.s32 @p2 $0x1082  }
0x22: {  	[simem:s7], [sflag:s8] =	dma.local @!p0 [hbm:s6], $0xF7A  }
0x23: {  	s9 =	sor.u32 $0xD0000000, s2;
	s6 =	simm.s32 $0x108;
	_ =	swait.ge @!p0 [sflag:s8], $0x0  }
0x24: {  	s3 =	sadd.s32 $0x88, s3;
	s6 =	simm.s32 @!p1 $0x1082;
	[sflag:s4] =	ssyncset.s32 $0xFFFFF086  }
0x25: {  	[simem:s6], [sflag:s4] =	dma.local [hbm:s3], $0xF7A  }
0x26: {  	[smem:$0x3F95] =	sst s1;
	(tag) =	ssettag s2;
	_ =	strace s9  }
0x27: {  	s1 =	sld [smem:$0x3FA5]  }
0x28: {  	s2 =	sld [smem:$0x3FA6]  }
0x29: {  	s4 =	sld [smem:$0x3FA8]  }
0x2a: {  	p0 =	seq.s32 s5, $0x0;
	s5 =	sld [smem:$0x3FA9]  }
0x2b: {  	s6 =	sld [smem:$0x3FAA]  }
0x2c: {  	s7 =	sld [smem:$0x3FAB]  }
0x2d: {  	s3 =	simm.s32 $0x108;
	s8 =	sld [smem:$0x3FAC]  }
0x2e: {  	s3 =	simm.s32 @!p0 $0x1082;
	s9 =	sld [smem:$0x3FAD]  }
0x2f: {  	lr =	sadd.s32 s0, s3;
	s0 =	sld [smem:$0x3FA4]  }
0x30: {  	s3 =	sld [smem:$0x3FA7]  }
0x31: {  	[smem:$0x3FB0] =	sst s10  }
0x32: {  	s10 =	sld [smem:$0x3FAE];
	_ =	sdelay $0x3  }
0x33: {  	p0 =	seq.s32 s10, $0x1;
	s10 =	sld [smem:$0x3FB0];
	_ =	sdelay $0x3  }
0x34: {  	[smem:$0x3FB0] =	sst s10  }
0x35: {  	s10 =	sld [smem:$0x3FAF];
	_ =	sdelay $0x3  }
0x36: {  	p1 =	seq.s32 s10, $0x1;
	s10 =	sld [smem:$0x3FB0];
	_ =	sdelay $0x3  }
0x37: {  	[smem:$0x3FB0] =	sst s10  }
0x38: {  	s10 =	sld [smem:$0x3FB1]  }
0x39: {  	_ = 	snop;
	(pc) =	sbr.ind lr, $3  }
0x3a: {  	_ = 	snop  }
0x3b: {  	_ = 	snop  }
0x3c: {  	p2 =	seq.s32 s10, $0x1;
	s10 =	sld [smem:$0x3FB0]  }
0x3d: {  	_ =	shalt  }
0x3e: {  	_ =	shalt  }
0x3f: {  	_ =	shalt  }
0x40: {  	_ =	shalt  }
0x41: {  	_ =	shalt  }
0x42: {  	_ =	shalt  }
0x43: {  	_ =	shalt  }
0x44: {  	_ =	shalt  }
0x45: {  	_ =	shalt  }
0x46: {  	_ =	shalt  }
0x47: {  	_ =	shalt  }
0x48: {  	_ =	shalt  }
0x49: {  	_ =	shalt  }
0x4a: {  	_ =	shalt  }
0x4b: {  	_ =	shalt  }
0x4c: {  	_ =	shalt  }
0x4d: {  	_ =	shalt  }
0x4e: {  	_ =	shalt  }
0x4f: {  	_ =	shalt  }
0x50: {  	_ =	shalt  }
0x51: {  	_ =	shalt  }
0x52: {  	_ =	shalt  }
0x53: {  	_ =	shalt  }
0x54: {  	_ =	shalt  }
0x55: {  	_ =	shalt  }
0x56: {  	_ =	shalt  }
0x57: {  	_ =	shalt  }
0x58: {  	_ =	shalt  }
0x59: {  	_ =	shalt  }
0x5a: {  	_ =	shalt  }
0x5b: {  	_ =	shalt  }
0x5c: {  	_ =	shalt  }
0x5d: {  	_ =	shalt  }
0x5e: {  	_ =	shalt  }
0x5f: {  	_ =	shalt  }
0x60: {  	_ =	shalt  }
0x61: {  	_ =	shalt  }
0x62: {  	_ =	shalt  }
0x63: {  	_ =	shalt  }
0x64: {  	_ =	shalt  }
0x65: {  	_ =	shalt  }
0x66: {  	_ =	shalt  }
0x67: {  	_ =	shalt  }
0x68: {  	_ =	shalt  }
0x69: {  	_ =	shalt  }
0x6a: {  	_ =	shalt  }
0x6b: {  	_ =	shalt  }
0x6c: {  	_ =	shalt  }
0x6d: {  	_ =	shalt  }
0x6e: {  	_ =	shalt  }
0x6f: {  	_ =	shalt  }
0x70: {  	_ =	shalt  }
0x71: {  	_ =	shalt  }
0x72: {  	_ =	shalt  }
0x73: {  	_ =	shalt  }
0x74: {  	_ =	shalt  }
0x75: {  	_ =	shalt  }
0x76: {  	_ =	shalt  }
0x77: {  	_ =	shalt  }
0x78: {  	_ =	shalt  }
0x79: {  	_ =	shalt  }
0x7a: {  	_ =	shalt  }
0x7b: {  	_ =	shalt  }
0x7c: {  	_ =	shalt  }
0x7d: {  	_ =	shalt  }
0x7e: {  	_ =	shalt  }
0x7f: {  	_ =	shalt  }
0x80: {  	_ =	shalt  }
0x81: {  	_ =	shalt  }
0x82: {  	_ =	shalt  }
0x83: {  	_ =	shalt  }
0x84: {  	_ =	shalt  }
0x85: {  	_ =	shalt  }
0x86: {  	_ =	shalt  }
0x87: {  	_ =	shalt  }
.Lfunc_end0:
.L_simem_size_0:
called_computation.1_lowered:
.L_overlay_start_0:
0x88: {  	s2 =	sld [smem:$0x3FD9]  }
0x89: {  	s3 =	sld [smem:$0x3FFE];
	_ =	sdelay $0x1  }
0x8a: {  	s1 =	srdreg.scid  }
0x8b: {  	s0 =	sand.u32 $0x1, s1  }
0x8c: {  	s17 =	sshll.u32 s0, $0xA;
	s2 =	sadd.s32 s3, s2  }
0x8d: {  	s2 =	sadd.s32 s2, s17  }
0x8e: {  	[smem:$0x3FBC] =	sst s2  }
0x8f: {  	_ = 	snop  }
0x90: {  	s18 =	sld [smem:$0x3FC8];
	(tm) =	ssettm $0x1  }
0x91: {  	s19 =	sld [smem:$0x3FFB];
	_ =	sdelay $0x3  }
0x92: {  	_ =	strace s19  }
0x93: {  	s2 =	sld [smem:$0x3FFC];
	_ =	sdelay $0x3  }
0x94: {  	_ =	strace s2  }
0x95: {  	s2 =	sld [smem:$0x3FFD];
	_ =	sdelay $0x3  }
0x96: {  	_ =	strace s2  }
0x97: {  	_ =	strace $0x8FFFFFFF  }
0x98: {  	s20 =	sld [smem:$0x3FDB];
	_ =	sdelay $0x1  }
0x99: {  	s4 =	simm.s32 $_scs_section_size  }
0x9a: {  	s5 =	simm.s32 $_size__tile_overlayer_lowered;
	s6 =	simm.s32 $_tile_overlayer_lowered  }
0x9b: {  	s7 =	simm.s32 $0x1BFF;
	s21 =	sshll.u32 s6, $0x1;
	s4 =	sadd.s32 s4, s20  }
0x9c: {  	s22 =	simm.s32 $0x0;
	s5 =	sshll.u32 s5, $0x1;
	s6 =	sadd.s32 s21, s4  }
0x9d: {  	[timem:s22], [sflag:s7] =	dma.local [hbm:s6], s5  }
0x9e: {  	_ =	swait.ge [sflag:s7], s5  }
0x9f: {  	s5 =	ssub.s32 $0x0, s5;
	[sflag:s7] =	ssyncset.done $0x0  }
0xa0: {  	[sflag:s7] =	ssyncadd.s32 s5;
	_ =	sdelay $0x1  }
0xa1: {  	s23 =	simm.s32 $0x1B8B  }
0xa2: {  	_ =	swait.ge [sflag:s23], $0x1  }
0xa3: {  	[sflag:s23] =	ssyncset.done $0x0  }
0xa4: {  	[sflag:s23] =	ssyncadd.s32 $0xFFFFFFFF  }
0xa5: {  	s5 =	sld [smem:$0x0]  }
0xa6: {  	s6 =	sand.u32 $0xFFFFFFFE, s1  }
0xa7: {  	p0 =	sne.s32 s1, s6  }
0xa8: {  	s6 =	sshll.u32 @p0 s6, $0xE  }
0xa9: {  	s6 =	sadd.s32 @p0 $0x11B8D, s6;
	s7 =	sshll.u32 @p0 s5, $0x11  }
0xaa: {  	s6 =	sor.u32 @p0 s7, s6  }
0xab: {  	[sflag:s6] =	ssyncadd.remote.s32 @p0 $0x1;
	_ =	sdelay $0x1  }
0xac: {  	s6 =	simm.s32 @p0 $0x1B8D  }
0xad: {  	_ =	swait.eq @p0 [sflag:s6], $0x1  }
0xae: {  	[sflag:s6] =	ssyncadd.s32 @p0 $0xFFFFFFFF  }
0xaf: {  	s7 =	sshll.u32 @!p0 s1, $0xE  }
0xb0: {  	s7 =	sor.u32 @!p0 $0x4000, s7;
	s6 =	simm.s32 @!p0 $0x1B8D  }
0xb1: {  	s5 =	sshll.u32 @!p0 s5, $0x11;
	s7 =	sadd.s32 @!p0 $0x11B8D, s7;
	_ =	swait.eq @!p0 [sflag:s6], $0x1  }
0xb2: {  	s5 =	sor.u32 @!p0 s5, s7;
	[sflag:s6] =	ssyncadd.s32 @!p0 $0xFFFFFFFF  }
0xb3: {  	s25 =	simm.s32 $0x1B8E;
	s24 =	sld [smem:$0x3FFE];
	[sflag:s5] =	ssyncadd.remote.s32 @!p0 $0x1  }
0xb4: {  	s26 =	simm.s32 $execute0_lowered;
	[smem:$0x3FD2] =	sst s25  }
0xb5: {  	s6 =	sshll.u32 s26, $0x1;
	_ =	strace $0x80000049;
	[dreg:$0x1] =	wrdreg $0xFFFFFFFF  }
0xb6: {  	s28 =	simm.s32 $_size_execute0_lowered;
	s4 =	sadd.s32 s4, s6;
	[dreg:$0x0] =	wrdreg $0x0  }
0xb7: {  	s6 =	sshll.u32 s28, $0x1;
	[dreg:$0x2] =	wrdreg s4  }
0xb8: {  	[dreg:$0x3] =	wrdreg s6  }
0xb9: {  	[dreg:$0x4] =	wrdreg $0xC0  }
0xba: {  	_ =	task [dreg:s22], $0x5FFFF  }
0xbb: {  	[dreg:$0x1] =	wrdreg $0xFFFFFFFF  }
0xbc: {  	[dreg:$0x0] =	wrdreg $0x60  }
0xbd: {  	[dreg:$0x2] =	wrdreg s18  }
0xbe: {  	[dreg:$0x3] =	wrdreg s24  }
0xbf: {  	[dreg:$0x4] =	wrdreg $0xA  }
0xc0: {  	_ =	task.clear_ibuf [dreg:s22], $0x5FFFF;
	_ =	strace $0x90000049  }
0xc1: {  	s29 =	simm.s32 $0xA;
	_ =	strace $0x8000004B  }
0xc2: {  	_ =	swait.ge [sflag:s29], $0x1  }
0xc3: {  	[sflag:s29] =	ssyncadd.s32 $0xFFFFFFFF  }
0xc4: {  	_ =	strace $0x9000004B  }
0xc5: {  	_ =	sfence  }
0xc6: {  	s30 =	sld [smem:$0x0];
	_ =	sdelay $0x2  }
0xc7: {  	s31 =	sshll.u32 s1, $0xD;
	s1 =	sshrl.u32 s1, $0x2  }
0xc8: {  	s4 =	sand.u32 $0x4000, s31;
	s1 =	sadd.s32 s1, s30  }
0xc9: {  	s0 =	sor.u32 s4, s0;
	s1 =	sshll.u32 s1, $0x11  }
0xca: {  	s0 =	sor.u32 s1, s0  }
0xcb: {  	s0 =	sadd.s32 $0x8F2B, s0  }
0xcc: {  	[sflag:s0] =	ssyncadd.remote.s32 $0x1  }
0xcd: {  	_ =	sfence.sel $0xFFFF  }
0xce: {  	[dreg:$0x0] =	wrdreg $0xFFFFFFFF;
	(pc) =	sbr.abs _section_cstart, $3  }
0xcf: {  	[dreg:$0x1] =	wrdreg $0xFFFFFFFF  }
0xd0: {  	_ =	task.clear_ibuf [dreg:s22], $0x2FFFF;
	_ =	strace $0x9FFFFFFF  }
0xd1: {  	(tm) =	ssettm $0x7FFFFFFF  }
tec
execute0_lowered:
.L_overlay_start_1:
0x0: {  	(tag) =	ssettag $0x1  }
0x1: {  	s0 =	srdreg.scid;
	s3 =	rddreg [dreg:$0x0]  }
0x2: {  	s1 =	stileid.u32;
	s4 =	rddreg [dreg:$0x1]  }
0x3: {  	s2 =	simm.s32 $0x0;
	s8 =	simm.s32 $0x100;
	s9 =	simm.s32 $0x8D00  }
0x4: {  	s11 =	simm.s32 $0x2;
	s31 =	simm.s32 $0x200;
	s30 =	simm.s32 $0x300  }
0x5: {  	s29 =	simm.s32 $0x400;
	p0 =	por $0x0, $0x0;
	s22 =	simm.s32 $0x800  }
0x6: {  	s20 =	simm.s32 $0x900;
	s0 =	sand.u32 $0x1, s0;
	s1 =	sshll.u32 s1, $0x1  }
0x7: {  	s18 =	simm.s32 $0xA00;
	s16 =	simm.s32 $0xB00;
	s1 =	sor.u32 s0, s1  }
0x8: {  	s14 =	simm.s32 $0xC00;
	s0 =	ssub.s32 $0x2, s0;
	s5 =	smul.u32 $0x1A0, s1  }
0x9: {  	[smem:$0x7FF] =	sst s2;
	s6 =	smul.u32 $0x68000, s1;
	s24 =	sshrl.u32 s0, $0x1  }
0xa: {  	_ =	strace $0x8000004A;
	s1 =	smul.u32 $0xD000, s1;
	s0 =	ssub.s32 s0, s24  }
0xb: {  	s24 =	simm.s32 $0x700;
	s5 =	sadd.s32 s5, s4;
	s4 =	sadd.s32 $0x188800, s4  }
0xc: {  	s6 =	sshrl.u32 s6, $0x3;
	s0 =	smax.u32 s0, $0x1;
	s5 =	sadd.s32 $0x185400, s5  }
0xd: {  	s28 =	sadd.s32 s4, s6;
	s1 =	sadd.s32 s4, s1;
	s4 =	simm.s32 $0x3  }
0xe: {  	s6 =	simm.s32 $0x1;
	p1 =	sne.s32 s0, $0x1;
	[dreg:$0x3] =	wrdreg s5  }
0xf: {  	s23 =	sadd.s32 $0xC000, s28;
	s25 =	sadd.s32 $0x1000, s1;
	s26 =	sadd.s32 $0x2000, s28  }
0x10: {  	s21 =	sadd.s32 $0x4000, s28;
	s19 =	sadd.s32 $0x5000, s1;
	s17 =	sadd.s32 $0x6000, s28  }
.Ltmp0:
0x11: {  	s15 =	sadd.s32 $0x7000, s1;
	s13 =	sadd.s32 $0x8000, s28;
	(pc) =	sbr.rel @!p1 .LBB2_3-.Ltmp0, $4  }
0x12: {  	s12 =	sadd.s32 $0x9000, s1;
	s10 =	sadd.s32 $0xA000, s28;
	[dreg:$0x4] =	wrdreg s23  }
0x13: {  	s7 =	sadd.s32 $0xB000, s1;
	s5 =	simm.s32 $0xD00;
	[dreg:$0x5] =	wrdreg s25  }
0x14: {  	[dreg:$0x6] =	wrdreg s26;
	s23 =	sadd.s32 $0x3000, s1;
	s26 =	simm.s32 $0x500  }
0x15: {  	s25 =	simm.s32 $0x600;
	s1 =	sadd.s32 $0xFFFFFFFF, s0;
	s0 =	rddreg [dreg:$0x3]  }
0x16: {  	[tilespmem:s2], [sflag:$0x3] =	stream.linear.gather [hbm4b:s0+s2], $0xD00, $0x38;
	[tilespmem:$0x10D00] =	vst v63  }
0x17: {  	_ =	swait.ge [sflag:s4], $0xD00  }
0x18: {  	[sflag:s4] =	ssyncset.done $0x0  }
0x19: {  	[sflag:s4] =	ssyncadd.s32 $0xFFFFF300  }
0x1a: {  	[tilespmem:s5], [sflag:$0x1] =	stream.indirect.gather [hbm4b:s3+s8], $0x80, s2, s8, $0xb8;
	[tilespmem:$0x10D00] =	vst v63  }
0x1b: {  	_ =	swait.ge [sflag:s6], $0x8000  }
0x1c: {  	[sflag:s6] =	ssyncset.done $0x0  }
0x1d: {  	[sflag:s6] =	ssyncadd.s32 $0xFFFF8000  }
0x1e: {  	[tilespmem:s9], [sflag:$0x2] =	stream.indirect.gather [hbm4b:s3+s8], $0x80, s8, s8, $0xb8;
	[tilespmem:$0x10D00] =	vst v63  }
0x1f: {  	_ = 	snop  }
0x20: {  	[hbm4b:s28+s2] =	stream.linear.scatter [tilespmem:s5], [sflag:$0x3], $0x8000, $0x38;
	[tilespmem:$0x10D00] =	vst v63  }
0x21: {  	_ =	swait.ge [sflag:s4], $0x8000  }
0x22: {  	[sflag:s4] =	ssyncset.done $0x0  }
0x23: {  	[sflag:s4] =	ssyncadd.s32 $0xFFFF8000  }
0x24: {  	_ =	swait.ge [sflag:s11], $0x8000  }
0x25: {  	[sflag:s11] =	ssyncset.done $0x0  }
0x26: {  	[sflag:s11] =	ssyncadd.s32 $0xFFFF8000  }
0x27: {  	[tilespmem:s5], [sflag:$0x1] =	stream.indirect.gather [hbm4b:s3+s8], $0x80, s31, s8, $0xb8;
	[tilespmem:$0x10D00] =	vst v63  }
0x28: {  	s0 =	rddreg [dreg:$0x5]  }
0x29: {  	[hbm4b:s0+s2] =	stream.linear.scatter [tilespmem:s9], [sflag:$0x3], $0x8000, $0x38;
	[tilespmem:$0x10D00] =	vst v63  }
0x2a: {  	_ =	swait.ge [sflag:s4], $0x8000  }
0x2b: {  	[sflag:s4] =	ssyncset.done $0x0  }
0x2c: {  	[sflag:s4] =	ssyncadd.s32 $0xFFFF8000  }
0x2d: {  	_ =	swait.ge [sflag:s6], $0x8000  }
0x2e: {  	[sflag:s6] =	ssyncset.done $0x0  }
0x2f: {  	[sflag:s6] =	ssyncadd.s32 $0xFFFF8000  }
0x30: {  	[tilespmem:s9], [sflag:$0x2] =	stream.indirect.gather [hbm4b:s3+s8], $0x80, s30, s8, $0xb8;
	[tilespmem:$0x10D00] =	vst v63  }
0x31: {  	s0 =	rddreg [dreg:$0x6]  }
0x32: {  	[hbm4b:s0+s2] =	stream.linear.scatter [tilespmem:s5], [sflag:$0x3], $0x8000, $0x38;
	[tilespmem:$0x10D00] =	vst v63  }
0x33: {  	_ =	swait.ge [sflag:s4], $0x8000  }
0x34: {  	[sflag:s4] =	ssyncset.done $0x0  }
0x35: {  	[sflag:s4] =	ssyncadd.s32 $0xFFFF8000  }
0x36: {  	_ =	swait.ge [sflag:s11], $0x8000  }
0x37: {  	[sflag:s11] =	ssyncset.done $0x0  }
0x38: {  	[sflag:s11] =	ssyncadd.s32 $0xFFFF8000  }
0x39: {  	[tilespmem:s5], [sflag:$0x1] =	stream.indirect.gather [hbm4b:s3+s8], $0x80, s29, s8, $0xb8;
	[tilespmem:$0x10D00] =	vst v63  }
0x3a: {  	_ = 	snop  }
0x3b: {  	[hbm4b:s23+s2] =	stream.linear.scatter [tilespmem:s9], [sflag:$0x3], $0x8000, $0x38;
	[tilespmem:$0x10D00] =	vst v63  }
0x3c: {  	_ =	swait.ge [sflag:s4], $0x8000  }
0x3d: {  	[sflag:s4] =	ssyncset.done $0x0  }
0x3e: {  	[sflag:s4] =	ssyncadd.s32 $0xFFFF8000  }
0x3f: {  	_ =	swait.ge [sflag:s6], $0x8000  }
0x40: {  	[sflag:s6] =	ssyncset.done $0x0  }
0x41: {  	[sflag:s6] =	ssyncadd.s32 $0xFFFF8000  }
0x42: {  	[tilespmem:s9], [sflag:$0x2] =	stream.indirect.gather [hbm4b:s3+s8], $0x80, s26, s8, $0xb8;
	[tilespmem:$0x10D00] =	vst v63  }
0x43: {  	_ = 	snop  }
0x44: {  	[hbm4b:s21+s2] =	stream.linear.scatter [tilespmem:s5], [sflag:$0x3], $0x8000, $0x38;
	[tilespmem:$0x10D00] =	vst v63  }
0x45: {  	_ =	swait.ge [sflag:s4], $0x8000  }
0x46: {  	[sflag:s4] =	ssyncset.done $0x0  }
0x47: {  	[sflag:s4] =	ssyncadd.s32 $0xFFFF8000  }
0x48: {  	_ =	swait.ge [sflag:s11], $0x8000  }
0x49: {  	[sflag:s11] =	ssyncset.done $0x0  }
0x4a: {  	[sflag:s11] =	ssyncadd.s32 $0xFFFF8000  }
0x4b: {  	[tilespmem:s5], [sflag:$0x1] =	stream.indirect.gather [hbm4b:s3+s8], $0x80, s25, s8, $0xb8;
	[tilespmem:$0x10D00] =	vst v63  }
0x4c: {  	_ = 	snop  }
0x4d: {  	[hbm4b:s19+s2] =	stream.linear.scatter [tilespmem:s9], [sflag:$0x3], $0x8000, $0x38;
	[tilespmem:$0x10D00] =	vst v63  }
0x4e: {  	_ =	swait.ge [sflag:s4], $0x8000  }
0x4f: {  	[sflag:s4] =	ssyncset.done $0x0  }
0x50: {  	[sflag:s4] =	ssyncadd.s32 $0xFFFF8000  }
0x51: {  	_ =	swait.ge [sflag:s6], $0x8000  }
0x52: {  	[sflag:s6] =	ssyncset.done $0x0  }
0x53: {  	[sflag:s6] =	ssyncadd.s32 $0xFFFF8000  }
0x54: {  	[tilespmem:s9], [sflag:$0x2] =	stream.indirect.gather [hbm4b:s3+s8], $0x80, s24, s8, $0xb8;
	[tilespmem:$0x10D00] =	vst v63  }
0x55: {  	_ = 	snop  }
0x56: {  	[hbm4b:s17+s2] =	stream.linear.scatter [tilespmem:s5], [sflag:$0x3], $0x8000, $0x38;
	[tilespmem:$0x10D00] =	vst v63  }
0x57: {  	_ =	swait.ge [sflag:s4], $0x8000  }
0x58: {  	[sflag:s4] =	ssyncset.done $0x0  }
0x59: {  	[sflag:s4] =	ssyncadd.s32 $0xFFFF8000  }
0x5a: {  	_ =	swait.ge [sflag:s11], $0x8000  }
0x5b: {  	[sflag:s11] =	ssyncset.done $0x0  }
0x5c: {  	[sflag:s11] =	ssyncadd.s32 $0xFFFF8000  }
0x5d: {  	[tilespmem:s5], [sflag:$0x1] =	stream.indirect.gather [hbm4b:s3+s8], $0x80, s22, s8, $0xb8;
	[tilespmem:$0x10D00] =	vst v63  }
0x5e: {  	_ = 	snop  }
0x5f: {  	[hbm4b:s15+s2] =	stream.linear.scatter [tilespmem:s9], [sflag:$0x3], $0x8000, $0x38;
	[tilespmem:$0x10D00] =	vst v63  }
0x60: {  	_ =	swait.ge [sflag:s4], $0x8000  }
0x61: {  	[sflag:s4] =	ssyncset.done $0x0  }
0x62: {  	[sflag:s4] =	ssyncadd.s32 $0xFFFF8000  }
0x63: {  	_ =	swait.ge [sflag:s6], $0x8000  }
0x64: {  	[sflag:s6] =	ssyncset.done $0x0  }
0x65: {  	[sflag:s6] =	ssyncadd.s32 $0xFFFF8000  }
0x66: {  	[tilespmem:s9], [sflag:$0x2] =	stream.indirect.gather [hbm4b:s3+s8], $0x80, s20, s8, $0xb8;
	[tilespmem:$0x10D00] =	vst v63  }
0x67: {  	_ = 	snop  }
0x68: {  	[hbm4b:s13+s2] =	stream.linear.scatter [tilespmem:s5], [sflag:$0x3], $0x8000, $0x38;
	[tilespmem:$0x10D00] =	vst v63  }
0x69: {  	_ =	swait.ge [sflag:s4], $0x8000  }
0x6a: {  	[sflag:s4] =	ssyncset.done $0x0  }
0x6b: {  	[sflag:s4] =	ssyncadd.s32 $0xFFFF8000  }
0x6c: {  	_ =	swait.ge [sflag:s11], $0x8000  }
0x6d: {  	[sflag:s11] =	ssyncset.done $0x0  }
0x6e: {  	[sflag:s11] =	ssyncadd.s32 $0xFFFF8000  }
0x6f: {  	[tilespmem:s5], [sflag:$0x1] =	stream.indirect.gather [hbm4b:s3+s8], $0x80, s18, s8, $0xb8;
	[tilespmem:$0x10D00] =	vst v63  }
0x70: {  	_ = 	snop  }
0x71: {  	[hbm4b:s12+s2] =	stream.linear.scatter [tilespmem:s9], [sflag:$0x3], $0x8000, $0x38;
	[tilespmem:$0x10D00] =	vst v63  }
0x72: {  	_ =	swait.ge [sflag:s4], $0x8000  }
0x73: {  	[sflag:s4] =	ssyncset.done $0x0  }
0x74: {  	[sflag:s4] =	ssyncadd.s32 $0xFFFF8000  }
0x75: {  	_ =	swait.ge [sflag:s6], $0x8000  }
0x76: {  	[sflag:s6] =	ssyncset.done $0x0  }
0x77: {  	[sflag:s6] =	ssyncadd.s32 $0xFFFF8000  }
0x78: {  	[tilespmem:s9], [sflag:$0x2] =	stream.indirect.gather [hbm4b:s3+s8], $0x80, s16, s8, $0xb8;
	[tilespmem:$0x10D00] =	vst v63  }
0x79: {  	_ = 	snop  }
0x7a: {  	[hbm4b:s10+s2] =	stream.linear.scatter [tilespmem:s5], [sflag:$0x3], $0x8000, $0x38;
	[tilespmem:$0x10D00] =	vst v63  }
0x7b: {  	_ =	swait.ge [sflag:s4], $0x8000  }
0x7c: {  	[sflag:s4] =	ssyncset.done $0x0  }
0x7d: {  	[sflag:s4] =	ssyncadd.s32 $0xFFFF8000  }
0x7e: {  	_ =	swait.ge [sflag:s11], $0x8000  }
0x7f: {  	[sflag:s11] =	ssyncset.done $0x0  }
0x80: {  	[sflag:s11] =	ssyncadd.s32 $0xFFFF8000  }
0x81: {  	[tilespmem:s5], [sflag:$0x1] =	stream.indirect.gather [hbm4b:s3+s8], $0x80, s14, s8, $0xb8;
	[tilespmem:$0x10D00] =	vst v63  }
0x82: {  	_ = 	snop  }
0x83: {  	[hbm4b:s7+s2] =	stream.linear.scatter [tilespmem:s9], [sflag:$0x3], $0x8000, $0x38;
	[tilespmem:$0x10D00] =	vst v63  }
0x84: {  	_ =	swait.ge [sflag:s4], $0x8000  }
0x85: {  	[sflag:s4] =	ssyncset.done $0x0  }
0x86: {  	[sflag:s4] =	ssyncadd.s32 $0xFFFF8000  }
0x87: {  	p1 =	sne.s32 s1, $0x1;
	_ =	swait.ge [sflag:s6], $0x8000  }
.Ltmp1:
0x88: {  	[sflag:s6] =	ssyncset.done $0x0;
	(pc) =	sbr.rel @!p1 .LBB2_3-.Ltmp1, $4  }
0x89: {  	s0 =	rddreg [dreg:$0x4];
	[sflag:s6] =	ssyncadd.s32 $0xFFFF8000  }
0x8a: {  	[hbm4b:s0+s2] =	stream.linear.scatter [tilespmem:s5], [sflag:$0x3], $0x8000, $0x38;
	[tilespmem:$0x10D00] =	vst v63  }
0x8b: {  	s1 =	sadd.s32 $0xFFFFFFFF, s1;
	_ =	swait.ge [sflag:s4], $0x8000  }
0x8c: {  	p0 =	por $0x1, $0x1;
	s0 =	rddreg [dreg:$0x3];
	[sflag:s4] =	ssyncset.done $0x0  }
.LBB2_2:
0x8d: {  	[sflag:s4] =	ssyncadd.s32 $0xFFFF8000  }
0x8e: {  	[tilespmem:s2], [sflag:$0x3] =	stream.linear.gather [hbm4b:s0+s2], $0xD00, $0x38;
	[tilespmem:$0x10D00] =	vst v63  }
0x8f: {  	_ =	swait.ge [sflag:s4], $0xD00  }
0x90: {  	[sflag:s4] =	ssyncset.done $0x0  }
0x91: {  	[sflag:s4] =	ssyncadd.s32 $0xFFFFF300  }
0x92: {  	[tilespmem:s5], [sflag:$0x1] =	stream.indirect.gather [hbm4b:s3+s8], $0x80, s2, s8, $0xb8;
	[tilespmem:$0x10D00] =	vst v63  }
0x93: {  	_ =	swait.ge [sflag:s6], $0x8000  }
0x94: {  	[sflag:s6] =	ssyncset.done $0x0  }
0x95: {  	[sflag:s6] =	ssyncadd.s32 $0xFFFF8000  }
0x96: {  	[tilespmem:s9], [sflag:$0x2] =	stream.indirect.gather [hbm4b:s3+s8], $0x80, s8, s8, $0xb8;
	[tilespmem:$0x10D00] =	vst v63  }
0x97: {  	_ = 	snop  }
0x98: {  	[hbm4b:s28+s2] =	stream.linear.scatter [tilespmem:s5], [sflag:$0x3], $0x8000, $0x38;
	[tilespmem:$0x10D00] =	vst v63  }
0x99: {  	_ =	swait.ge [sflag:s4], $0x8000  }
0x9a: {  	[sflag:s4] =	ssyncset.done $0x0  }
0x9b: {  	[sflag:s4] =	ssyncadd.s32 $0xFFFF8000  }
0x9c: {  	_ =	swait.ge [sflag:s11], $0x8000  }
0x9d: {  	[sflag:s11] =	ssyncset.done $0x0  }
0x9e: {  	[sflag:s11] =	ssyncadd.s32 $0xFFFF8000  }
0x9f: {  	[tilespmem:s5], [sflag:$0x1] =	stream.indirect.gather [hbm4b:s3+s8], $0x80, s31, s8, $0xb8;
	[tilespmem:$0x10D00] =	vst v63  }
0xa0: {  	s0 =	rddreg [dreg:$0x5]  }
0xa1: {  	[hbm4b:s0+s2] =	stream.linear.scatter [tilespmem:s9], [sflag:$0x3], $0x8000, $0x38;
	[tilespmem:$0x10D00] =	vst v63  }
0xa2: {  	_ =	swait.ge [sflag:s4], $0x8000  }
0xa3: {  	[sflag:s4] =	ssyncset.done $0x0  }
0xa4: {  	[sflag:s4] =	ssyncadd.s32 $0xFFFF8000  }
0xa5: {  	_ =	swait.ge [sflag:s6], $0x8000  }
0xa6: {  	[sflag:s6] =	ssyncset.done $0x0  }
0xa7: {  	[sflag:s6] =	ssyncadd.s32 $0xFFFF8000  }
0xa8: {  	[tilespmem:s9], [sflag:$0x2] =	stream.indirect.gather [hbm4b:s3+s8], $0x80, s30, s8, $0xb8;
	[tilespmem:$0x10D00] =	vst v63  }
0xa9: {  	s0 =	rddreg [dreg:$0x6]  }
0xaa: {  	[hbm4b:s0+s2] =	stream.linear.scatter [tilespmem:s5], [sflag:$0x3], $0x8000, $0x38;
	[tilespmem:$0x10D00] =	vst v63  }
0xab: {  	_ =	swait.ge [sflag:s4], $0x8000  }
0xac: {  	[sflag:s4] =	ssyncset.done $0x0  }
0xad: {  	[sflag:s4] =	ssyncadd.s32 $0xFFFF8000  }
0xae: {  	_ =	swait.ge [sflag:s11], $0x8000  }
0xaf: {  	[sflag:s11] =	ssyncset.done $0x0  }
0xb0: {  	[sflag:s11] =	ssyncadd.s32 $0xFFFF8000  }
0xb1: {  	[tilespmem:s5], [sflag:$0x1] =	stream.indirect.gather [hbm4b:s3+s8], $0x80, s29, s8, $0xb8;
	[tilespmem:$0x10D00] =	vst v63  }
0xb2: {  	_ = 	snop  }
0xb3: {  	[hbm4b:s23+s2] =	stream.linear.scatter [tilespmem:s9], [sflag:$0x3], $0x8000, $0x38;
	[tilespmem:$0x10D00] =	vst v63  }
0xb4: {  	_ =	swait.ge [sflag:s4], $0x8000  }
0xb5: {  	[sflag:s4] =	ssyncset.done $0x0  }
0xb6: {  	[sflag:s4] =	ssyncadd.s32 $0xFFFF8000  }
0xb7: {  	_ =	swait.ge [sflag:s6], $0x8000  }
0xb8: {  	[sflag:s6] =	ssyncset.done $0x0  }
0xb9: {  	[sflag:s6] =	ssyncadd.s32 $0xFFFF8000  }
0xba: {  	[tilespmem:s9], [sflag:$0x2] =	stream.indirect.gather [hbm4b:s3+s8], $0x80, s26, s8, $0xb8;
	[tilespmem:$0x10D00] =	vst v63  }
0xbb: {  	_ = 	snop  }
0xbc: {  	[hbm4b:s21+s2] =	stream.linear.scatter [tilespmem:s5], [sflag:$0x3], $0x8000, $0x38;
	[tilespmem:$0x10D00] =	vst v63  }
0xbd: {  	_ =	swait.ge [sflag:s4], $0x8000  }
0xbe: {  	[sflag:s4] =	ssyncset.done $0x0  }
0xbf: {  	[sflag:s4] =	ssyncadd.s32 $0xFFFF8000  }
0xc0: {  	_ =	swait.ge [sflag:s11], $0x8000  }
0xc1: {  	[sflag:s11] =	ssyncset.done $0x0  }
0xc2: {  	[sflag:s11] =	ssyncadd.s32 $0xFFFF8000  }
0xc3: {  	[tilespmem:s5], [sflag:$0x1] =	stream.indirect.gather [hbm4b:s3+s8], $0x80, s25, s8, $0xb8;
	[tilespmem:$0x10D00] =	vst v63  }
0xc4: {  	_ = 	snop  }
0xc5: {  	[hbm4b:s19+s2] =	stream.linear.scatter [tilespmem:s9], [sflag:$0x3], $0x8000, $0x38;
	[tilespmem:$0x10D00] =	vst v63  }
0xc6: {  	_ =	swait.ge [sflag:s4], $0x8000  }
0xc7: {  	[sflag:s4] =	ssyncset.done $0x0  }
0xc8: {  	[sflag:s4] =	ssyncadd.s32 $0xFFFF8000  }
0xc9: {  	_ =	swait.ge [sflag:s6], $0x8000  }
0xca: {  	[sflag:s6] =	ssyncset.done $0x0  }
0xcb: {  	[sflag:s6] =	ssyncadd.s32 $0xFFFF8000  }
0xcc: {  	[tilespmem:s9], [sflag:$0x2] =	stream.indirect.gather [hbm4b:s3+s8], $0x80, s24, s8, $0xb8;
	[tilespmem:$0x10D00] =	vst v63  }
0xcd: {  	_ = 	snop  }
0xce: {  	[hbm4b:s17+s2] =	stream.linear.scatter [tilespmem:s5], [sflag:$0x3], $0x8000, $0x38;
	[tilespmem:$0x10D00] =	vst v63  }
0xcf: {  	_ =	swait.ge [sflag:s4], $0x8000  }
0xd0: {  	[sflag:s4] =	ssyncset.done $0x0  }
0xd1: {  	[sflag:s4] =	ssyncadd.s32 $0xFFFF8000  }
0xd2: {  	_ =	swait.ge [sflag:s11], $0x8000  }
0xd3: {  	[sflag:s11] =	ssyncset.done $0x0  }
0xd4: {  	[sflag:s11] =	ssyncadd.s32 $0xFFFF8000  }
0xd5: {  	[tilespmem:s5], [sflag:$0x1] =	stream.indirect.gather [hbm4b:s3+s8], $0x80, s22, s8, $0xb8;
	[tilespmem:$0x10D00] =	vst v63  }
0xd6: {  	_ = 	snop  }
0xd7: {  	[hbm4b:s15+s2] =	stream.linear.scatter [tilespmem:s9], [sflag:$0x3], $0x8000, $0x38;
	[tilespmem:$0x10D00] =	vst v63  }
0xd8: {  	_ =	swait.ge [sflag:s4], $0x8000  }
0xd9: {  	[sflag:s4] =	ssyncset.done $0x0  }
0xda: {  	[sflag:s4] =	ssyncadd.s32 $0xFFFF8000  }
0xdb: {  	_ =	swait.ge [sflag:s6], $0x8000  }
0xdc: {  	[sflag:s6] =	ssyncset.done $0x0  }
0xdd: {  	[sflag:s6] =	ssyncadd.s32 $0xFFFF8000  }
0xde: {  	[tilespmem:s9], [sflag:$0x2] =	stream.indirect.gather [hbm4b:s3+s8], $0x80, s20, s8, $0xb8;
	[tilespmem:$0x10D00] =	vst v63  }
0xdf: {  	_ = 	snop  }
0xe0: {  	[hbm4b:s13+s2] =	stream.linear.scatter [tilespmem:s5], [sflag:$0x3], $0x8000, $0x38;
	[tilespmem:$0x10D00] =	vst v63  }
0xe1: {  	_ =	swait.ge [sflag:s4], $0x8000  }
0xe2: {  	[sflag:s4] =	ssyncset.done $0x0  }
0xe3: {  	[sflag:s4] =	ssyncadd.s32 $0xFFFF8000  }
0xe4: {  	_ =	swait.ge [sflag:s11], $0x8000  }
0xe5: {  	[sflag:s11] =	ssyncset.done $0x0  }
0xe6: {  	[sflag:s11] =	ssyncadd.s32 $0xFFFF8000  }
0xe7: {  	[tilespmem:s5], [sflag:$0x1] =	stream.indirect.gather [hbm4b:s3+s8], $0x80, s18, s8, $0xb8;
	[tilespmem:$0x10D00] =	vst v63  }
0xe8: {  	_ = 	snop  }
0xe9: {  	[hbm4b:s12+s2] =	stream.linear.scatter [tilespmem:s9], [sflag:$0x3], $0x8000, $0x38;
	[tilespmem:$0x10D00] =	vst v63  }
0xea: {  	_ =	swait.ge [sflag:s4], $0x8000  }
0xeb: {  	[sflag:s4] =	ssyncset.done $0x0  }
0xec: {  	[sflag:s4] =	ssyncadd.s32 $0xFFFF8000  }
0xed: {  	_ =	swait.ge [sflag:s6], $0x8000  }
0xee: {  	[sflag:s6] =	ssyncset.done $0x0  }
0xef: {  	[sflag:s6] =	ssyncadd.s32 $0xFFFF8000  }
0xf0: {  	[tilespmem:s9], [sflag:$0x2] =	stream.indirect.gather [hbm4b:s3+s8], $0x80, s16, s8, $0xb8;
	[tilespmem:$0x10D00] =	vst v63  }
0xf1: {  	_ = 	snop  }
0xf2: {  	[hbm4b:s10+s2] =	stream.linear.scatter [tilespmem:s5], [sflag:$0x3], $0x8000, $0x38;
	[tilespmem:$0x10D00] =	vst v63  }
0xf3: {  	_ =	swait.ge [sflag:s4], $0x8000  }
0xf4: {  	[sflag:s4] =	ssyncset.done $0x0  }
0xf5: {  	[sflag:s4] =	ssyncadd.s32 $0xFFFF8000  }
0xf6: {  	_ =	swait.ge [sflag:s11], $0x8000  }
0xf7: {  	[sflag:s11] =	ssyncset.done $0x0  }
0xf8: {  	[sflag:s11] =	ssyncadd.s32 $0xFFFF8000  }
0xf9: {  	[tilespmem:s5], [sflag:$0x1] =	stream.indirect.gather [hbm4b:s3+s8], $0x80, s14, s8, $0xb8;
	[tilespmem:$0x10D00] =	vst v63  }
0xfa: {  	_ = 	snop  }
0xfb: {  	[hbm4b:s7+s2] =	stream.linear.scatter [tilespmem:s9], [sflag:$0x3], $0x8000, $0x38;
	[tilespmem:$0x10D00] =	vst v63  }
0xfc: {  	_ =	swait.ge [sflag:s4], $0x8000  }
0xfd: {  	[sflag:s4] =	ssyncset.done $0x0  }
0xfe: {  	[sflag:s4] =	ssyncadd.s32 $0xFFFF8000  }
0xff: {  	p1 =	sne.s32 s1, $0x1;
	_ =	swait.ge [sflag:s6], $0x8000  }
.Ltmp2:
0x100: {  	[sflag:s6] =	ssyncset.done $0x0;
	(pc) =	sbr.rel @p1 .LBB2_2-.Ltmp2, $4  }
0x101: {  	s0 =	rddreg [dreg:$0x4];
	[sflag:s6] =	ssyncadd.s32 $0xFFFF8000  }
0x102: {  	[hbm4b:s0+s2] =	stream.linear.scatter [tilespmem:s5], [sflag:$0x3], $0x8000, $0x38;
	[tilespmem:$0x10D00] =	vst v63  }
0x103: {  	_ =	swait.ge [sflag:s4], $0x8000  }
0x104: {  	s1 =	sadd.s32 $0xFFFFFFFF, s1;
	s0 =	rddreg [dreg:$0x3];
	[sflag:s4] =	ssyncset.done $0x0  }
.LBB2_3:
0x105: {  	[sflag:s4] =	ssyncadd.s32 @p0 $0xFFFF8000  }
0x106: {  	[tilespmem:s2], [sflag:$0x3] =	stream.linear.gather [hbm4b:s0+s2], $0xD00, $0x38;
	[tilespmem:$0x10D00] =	vst v63  }
0x107: {  	_ =	swait.ge [sflag:s4], $0xD00  }
0x108: {  	[sflag:s4] =	ssyncset.done $0x0  }
0x109: {  	[sflag:s4] =	ssyncadd.s32 $0xFFFFF300  }
0x10a: {  	[tilespmem:s5], [sflag:$0x1] =	stream.indirect.gather [hbm4b:s3+s8], $0x80, s2, s8, $0xb8;
	[tilespmem:$0x10D00] =	vst v63  }
0x10b: {  	_ =	swait.ge [sflag:s6], $0x8000  }
0x10c: {  	[sflag:s6] =	ssyncset.done $0x0  }
0x10d: {  	[sflag:s6] =	ssyncadd.s32 $0xFFFF8000  }
0x10e: {  	[tilespmem:s9], [sflag:$0x2] =	stream.indirect.gather [hbm4b:s3+s8], $0x80, s8, s8, $0xb8;
	[tilespmem:$0x10D00] =	vst v63  }
0x10f: {  	_ = 	snop  }
0x110: {  	[hbm4b:s28+s2] =	stream.linear.scatter [tilespmem:s5], [sflag:$0x3], $0x8000, $0x38;
	[tilespmem:$0x10D00] =	vst v63  }
0x111: {  	_ =	swait.ge [sflag:s4], $0x8000  }
0x112: {  	[sflag:s4] =	ssyncset.done $0x0  }
0x113: {  	[sflag:s4] =	ssyncadd.s32 $0xFFFF8000  }
0x114: {  	_ =	swait.ge [sflag:s11], $0x8000  }
0x115: {  	[sflag:s11] =	ssyncset.done $0x0  }
0x116: {  	[sflag:s11] =	ssyncadd.s32 $0xFFFF8000  }
0x117: {  	[tilespmem:s5], [sflag:$0x1] =	stream.indirect.gather [hbm4b:s3+s8], $0x80, s31, s8, $0xb8;
	[tilespmem:$0x10D00] =	vst v63  }
0x118: {  	s1 =	rddreg [dreg:$0x5]  }
0x119: {  	[hbm4b:s1+s2] =	stream.linear.scatter [tilespmem:s9], [sflag:$0x3], $0x8000, $0x38;
	[tilespmem:$0x10D00] =	vst v63  }
0x11a: {  	_ =	swait.ge [sflag:s4], $0x8000  }
0x11b: {  	[sflag:s4] =	ssyncset.done $0x0  }
0x11c: {  	[sflag:s4] =	ssyncadd.s32 $0xFFFF8000  }
0x11d: {  	_ =	swait.ge [sflag:s6], $0x8000  }
0x11e: {  	[sflag:s6] =	ssyncset.done $0x0  }
0x11f: {  	[sflag:s6] =	ssyncadd.s32 $0xFFFF8000  }
0x120: {  	[tilespmem:s9], [sflag:$0x2] =	stream.indirect.gather [hbm4b:s3+s8], $0x80, s30, s8, $0xb8;
	[tilespmem:$0x10D00] =	vst v63  }
0x121: {  	s28 =	rddreg [dreg:$0x6]  }
0x122: {  	[hbm4b:s28+s2] =	stream.linear.scatter [tilespmem:s5], [sflag:$0x3], $0x8000, $0x38;
	[tilespmem:$0x10D00] =	vst v63  }
0x123: {  	_ =	swait.ge [sflag:s4], $0x8000  }
0x124: {  	[sflag:s4] =	ssyncset.done $0x0  }
0x125: {  	[sflag:s4] =	ssyncadd.s32 $0xFFFF8000  }
0x126: {  	_ =	swait.ge [sflag:s11], $0x8000  }
0x127: {  	[sflag:s11] =	ssyncset.done $0x0  }
0x128: {  	[sflag:s11] =	ssyncadd.s32 $0xFFFF8000  }
0x129: {  	[tilespmem:s5], [sflag:$0x1] =	stream.indirect.gather [hbm4b:s3+s8], $0x80, s29, s8, $0xb8;
	[tilespmem:$0x10D00] =	vst v63  }
0x12a: {  	_ = 	snop  }
0x12b: {  	[hbm4b:s23+s2] =	stream.linear.scatter [tilespmem:s9], [sflag:$0x3], $0x8000, $0x38;
	[tilespmem:$0x10D00] =	vst v63  }
0x12c: {  	_ =	swait.ge [sflag:s4], $0x8000  }
0x12d: {  	[sflag:s4] =	ssyncset.done $0x0  }
0x12e: {  	[sflag:s4] =	ssyncadd.s32 $0xFFFF8000  }
0x12f: {  	_ =	swait.ge [sflag:s6], $0x8000  }
0x130: {  	[sflag:s6] =	ssyncset.done $0x0  }
0x131: {  	[sflag:s6] =	ssyncadd.s32 $0xFFFF8000  }
0x132: {  	[tilespmem:s9], [sflag:$0x2] =	stream.indirect.gather [hbm4b:s3+s8], $0x80, s26, s8, $0xb8;
	[tilespmem:$0x10D00] =	vst v63  }
0x133: {  	_ = 	snop  }
0x134: {  	[hbm4b:s21+s2] =	stream.linear.scatter [tilespmem:s5], [sflag:$0x3], $0x8000, $0x38;
	[tilespmem:$0x10D00] =	vst v63  }
0x135: {  	_ =	swait.ge [sflag:s4], $0x8000  }
0x136: {  	[sflag:s4] =	ssyncset.done $0x0  }
0x137: {  	[sflag:s4] =	ssyncadd.s32 $0xFFFF8000  }
0x138: {  	_ =	swait.ge [sflag:s11], $0x8000  }
0x139: {  	[sflag:s11] =	ssyncset.done $0x0  }
0x13a: {  	[sflag:s11] =	ssyncadd.s32 $0xFFFF8000  }
0x13b: {  	[tilespmem:s5], [sflag:$0x1] =	stream.indirect.gather [hbm4b:s3+s8], $0x80, s25, s8, $0xb8;
	[tilespmem:$0x10D00] =	vst v63  }
0x13c: {  	_ = 	snop  }
0x13d: {  	[hbm4b:s19+s2] =	stream.linear.scatter [tilespmem:s9], [sflag:$0x3], $0x8000, $0x38;
	[tilespmem:$0x10D00] =	vst v63  }
0x13e: {  	_ =	swait.ge [sflag:s4], $0x8000  }
0x13f: {  	[sflag:s4] =	ssyncset.done $0x0  }
0x140: {  	[sflag:s4] =	ssyncadd.s32 $0xFFFF8000  }
0x141: {  	_ =	swait.ge [sflag:s6], $0x8000  }
0x142: {  	[sflag:s6] =	ssyncset.done $0x0  }
0x143: {  	[sflag:s6] =	ssyncadd.s32 $0xFFFF8000  }
0x144: {  	[tilespmem:s9], [sflag:$0x2] =	stream.indirect.gather [hbm4b:s3+s8], $0x80, s24, s8, $0xb8;
	[tilespmem:$0x10D00] =	vst v63  }
0x145: {  	_ = 	snop  }
0x146: {  	[hbm4b:s17+s2] =	stream.linear.scatter [tilespmem:s5], [sflag:$0x3], $0x8000, $0x38;
	[tilespmem:$0x10D00] =	vst v63  }
0x147: {  	_ =	swait.ge [sflag:s4], $0x8000  }
0x148: {  	[sflag:s4] =	ssyncset.done $0x0  }
0x149: {  	[sflag:s4] =	ssyncadd.s32 $0xFFFF8000  }
0x14a: {  	_ =	swait.ge [sflag:s11], $0x8000  }
0x14b: {  	[sflag:s11] =	ssyncset.done $0x0  }
0x14c: {  	[sflag:s11] =	ssyncadd.s32 $0xFFFF8000  }
0x14d: {  	[tilespmem:s5], [sflag:$0x1] =	stream.indirect.gather [hbm4b:s3+s8], $0x80, s22, s8, $0xb8;
	[tilespmem:$0x10D00] =	vst v63  }
0x14e: {  	_ = 	snop  }
0x14f: {  	[hbm4b:s15+s2] =	stream.linear.scatter [tilespmem:s9], [sflag:$0x3], $0x8000, $0x38;
	[tilespmem:$0x10D00] =	vst v63  }
0x150: {  	_ =	swait.ge [sflag:s4], $0x8000  }
0x151: {  	[sflag:s4] =	ssyncset.done $0x0  }
0x152: {  	[sflag:s4] =	ssyncadd.s32 $0xFFFF8000  }
0x153: {  	_ =	swait.ge [sflag:s6], $0x8000  }
0x154: {  	[sflag:s6] =	ssyncset.done $0x0  }
0x155: {  	[sflag:s6] =	ssyncadd.s32 $0xFFFF8000  }
0x156: {  	[tilespmem:s9], [sflag:$0x2] =	stream.indirect.gather [hbm4b:s3+s8], $0x80, s20, s8, $0xb8;
	[tilespmem:$0x10D00] =	vst v63  }
0x157: {  	_ = 	snop  }
0x158: {  	[hbm4b:s13+s2] =	stream.linear.scatter [tilespmem:s5], [sflag:$0x3], $0x8000, $0x38;
	[tilespmem:$0x10D00] =	vst v63  }
0x159: {  	_ =	swait.ge [sflag:s4], $0x8000  }
0x15a: {  	[sflag:s4] =	ssyncset.done $0x0  }
0x15b: {  	[sflag:s4] =	ssyncadd.s32 $0xFFFF8000  }
0x15c: {  	_ =	swait.ge [sflag:s11], $0x8000  }
0x15d: {  	[sflag:s11] =	ssyncset.done $0x0  }
0x15e: {  	[sflag:s11] =	ssyncadd.s32 $0xFFFF8000  }
0x15f: {  	[tilespmem:s5], [sflag:$0x1] =	stream.indirect.gather [hbm4b:s3+s8], $0x80, s18, s8, $0xb8;
	[tilespmem:$0x10D00] =	vst v63  }
0x160: {  	_ = 	snop  }
0x161: {  	[hbm4b:s12+s2] =	stream.linear.scatter [tilespmem:s9], [sflag:$0x3], $0x8000, $0x38;
	[tilespmem:$0x10D00] =	vst v63  }
0x162: {  	_ =	swait.ge [sflag:s4], $0x8000  }
0x163: {  	[sflag:s4] =	ssyncset.done $0x0  }
0x164: {  	[sflag:s4] =	ssyncadd.s32 $0xFFFF8000  }
0x165: {  	_ =	swait.ge [sflag:s6], $0x8000  }
0x166: {  	[sflag:s6] =	ssyncset.done $0x0  }
0x167: {  	[sflag:s6] =	ssyncadd.s32 $0xFFFF8000  }
0x168: {  	[tilespmem:s9], [sflag:$0x2] =	stream.indirect.gather [hbm4b:s3+s8], $0x80, s16, s8, $0xb8;
	[tilespmem:$0x10D00] =	vst v63  }
0x169: {  	_ = 	snop  }
0x16a: {  	[hbm4b:s10+s2] =	stream.linear.scatter [tilespmem:s5], [sflag:$0x3], $0x8000, $0x38;
	[tilespmem:$0x10D00] =	vst v63  }
0x16b: {  	_ =	swait.ge [sflag:s4], $0x8000  }
0x16c: {  	[sflag:s4] =	ssyncset.done $0x0  }
0x16d: {  	[sflag:s4] =	ssyncadd.s32 $0xFFFF8000  }
0x16e: {  	_ =	swait.ge [sflag:s11], $0x8000  }
0x16f: {  	[sflag:s11] =	ssyncset.done $0x0  }
0x170: {  	[sflag:s11] =	ssyncadd.s32 $0xFFFF8000  }
0x171: {  	[tilespmem:s5], [sflag:$0x1] =	stream.indirect.gather [hbm4b:s3+s8], $0x80, s14, s8, $0xb8;
	[tilespmem:$0x10D00] =	vst v63  }
0x172: {  	_ = 	snop  }
0x173: {  	[hbm4b:s7+s2] =	stream.linear.scatter [tilespmem:s9], [sflag:$0x3], $0x8000, $0x38;
	[tilespmem:$0x10D00] =	vst v63  }
0x174: {  	_ =	swait.ge [sflag:s4], $0x8000  }
0x175: {  	[sflag:s4] =	ssyncset.done $0x0  }
0x176: {  	[sflag:s4] =	ssyncadd.s32 $0xFFFF8000  }
0x177: {  	_ =	swait.ge [sflag:s6], $0x8000  }
0x178: {  	[sflag:s6] =	ssyncset.done $0x0  }
0x179: {  	s30 =	rddreg [dreg:$0x4];
	[sflag:s6] =	ssyncadd.s32 $0xFFFF8000  }
0x17a: {  	[hbm4b:s30+s2] =	stream.linear.scatter [tilespmem:s5], [sflag:$0x3], $0x8000, $0x38;
	[tilespmem:$0x10D00] =	vst v63  }
0x17b: {  	_ =	swait.ge [sflag:s4], $0x8000  }
0x17c: {  	[sflag:s4] =	ssyncset.done $0x0  }
0x17d: {  	[sflag:s4] =	ssyncadd.s32 $0xFFFF8000  }
0x17e: {  	_ =	sfence.sel $0x180000  }
0x17f: {  	[bflag:$0x0] =	sbarrier.arrive $0xFFFF  }
0x180: {  	_ =	strace $0x9000004A  }
0x181: {  	s31 =	stileid.u32;
	[bflag:$0x2] =	sbarrier.arrive $0xFFFF  }
0x182: {  	p0 =	sne.s32 s31, $0x0;
	s0 =	rddreg [dreg:$0x2]  }
0x183: {  	s0 =	sadd.s32 @!p0 $0x100000, s0  }
0x184: {  	[sflag:s0] =	ssyncadd.tile.s32 @!p0 $0x1;
	_ =	shalt  }
.Lfunc_end2:
_tile_overlayer_lowered:
.L_overlay_start_2:
0x185: {  	(tag) =	ssettag $0x2  }
0x186: {  	s0 =	rddreg [dreg:$0x0];
	s2 =	stileid.u32  }
0x187: {  	s1 =	rddreg [dreg:$0x1];
	p0 =	sne.s32 s2, $0x0  }
0x188: {  	s3 =	rddreg [dreg:$0x2];
	[bflag:$0x3] =	sbarrier.arrive $0xFFFF;
	s2 =	simm.s32 @!p0 $0x1C03  }
0x189: {  	[timem:s3], [sflag:s2] =	dma.local @!p0 [hbm:s0], s1  }
0x18a: {  	s0 =	simm.s32 @!p0 $0x3  }
0x18b: {  	_ =	swait.ge @!p0 [sflag:s0], s1  }
0x18c: {  	s1 =	ssub.s32 @!p0 $0x0, s1;
	[sflag:s0] =	ssyncset.done @!p0 $0x0  }
0x18d: {  	[sflag:s0] =	ssyncadd.s32 @!p0 s1  }
0x18e: {  	[bflag:$0x3] =	sbarrier.arrive $0xFFFF  }
0x18f: {  	_ =	shalt  }

// kernel: kernel.7.cloned.1.call-start
scs
__scs_entry_jumppad:
0x0: {  	(pc) =	sbr.rel $0x88, $3  }
0x1: {  	(tag) =	ssettag $0x0;
	lr =	simm.s32 $0x1  }
0x2: {  	[smem:$0x3F95] =	sst lr;
	_ =	strace $0xD0000000  }
0x3: {  	_ = 	snop  }
0x4: {  	_ = 	snop  }
0x5: {  	_ = 	snop  }
0x6: {  	_ = 	snop  }
0x7: {  	_ = 	snop  }
__scs_overlays_trampoline_lowered:
0x8: {  	[smem:$0x3FA4] =	sst s0  }
0x9: {  	[smem:$0x3FA5] =	sst s1  }
0xa: {  	[smem:$0x3FA6] =	sst s2  }
0xb: {  	[smem:$0x3FA7] =	sst s3  }
0xc: {  	[smem:$0x3FA8] =	sst s4  }
0xd: {  	[smem:$0x3FA9] =	sst s5  }
0xe: {  	[smem:$0x3FAA] =	sst s6  }
0xf: {  	[smem:$0x3FAB] =	sst s7  }
0x10: {  	[smem:$0x3FAC] =	sst s8  }
0x11: {  	[smem:$0x3FAD] =	sst s9;
	s0 =	simm.s32 @!p0 $0x0  }
0x12: {  	s1 =	sld [smem:$0x3F93];
	s0 =	simm.s32 @p0 $0x1  }
0x13: {  	[smem:$0x3FAE] =	sst s0;
	s0 =	simm.s32 @!p1 $0x0  }
0x14: {  	s2 =	sld [smem:$0x3F92];
	s0 =	simm.s32 @p1 $0x1  }
0x15: {  	[smem:$0x3FAF] =	sst s0;
	s0 =	simm.s32 @!p2 $0x0  }
0x16: {  	s3 =	sld [smem:$0x3FDB];
	s0 =	simm.s32 @p2 $0x1  }
0x17: {  	s4 =	simm.s32 $0x1BF5;
	[smem:$0x3FB1] =	sst s0  }
0x18: {  	s0 =	sld [smem:$0x3F94];
	_ =	swait.ge [sflag:s4], $0x0  }
0x19: {  	s7 =	sld [smem:$0x3F95]  }
0x1a: {  	s8 =	sadd.s32 $0xFFFFE003, lr  }
0x1b: {  	s9 =	sadd.s32 $0xFFFFFEF7, lr;
	s5 =	simm.s32 $0xFFFFFFFF;
	p2 =	slt.u32 s8, $0xFFFFF086  }
0x1c: {  	p1 =	slt.u32 s9, $0xF7A;
	s5 =	simm.s32 @!p2 $0x0  }
0x1d: {  	s5 =	simm.s32 @p1 $0x1;
	p0 =	seq.s32 s7, s2  }
0x1e: {  	s7 =	smul.u32 @!p0 $0xF7A, s2;
	p2 =	seq.s32 @!p0 s5, $0x0  }
0x1f: {  	s9 =	smul.u32 $0xF7A, s1;
	s8 =	simm.s32 @!p0 $0x1BF5;
	p2 =	por !p2, p0  }
0x20: {  	[sflag:s8] =	ssyncset.s32 @!p0 $0xFFFFF086;
	s6 =	sadd.s32 @!p0 s3, s7;
	s7 =	simm.s32 @!p0 $0x108  }
0x21: {  	s3 =	sadd.s32 s3, s9;
	s6 =	sadd.s32 @!p0 $0x88, s6;
	s7 =	simm.s32 @p2 $0x1082  }
0x22: {  	[simem:s7], [sflag:s8] =	dma.local @!p0 [hbm:s6], $0xF7A  }
0x23: {  	s9 =	sor.u32 $0xD0000000, s2;
	s6 =	simm.s32 $0x108;
	_ =	swait.ge @!p0 [sflag:s8], $0x0  }
0x24: {  	s3 =	sadd.s32 $0x88, s3;
	s6 =	simm.s32 @!p1 $0x1082;
	[sflag:s4] =	ssyncset.s32 $0xFFFFF086  }
0x25: {  	[simem:s6], [sflag:s4] =	dma.local [hbm:s3], $0xF7A  }
0x26: {  	[smem:$0x3F95] =	sst s1;
	(tag) =	ssettag s2;
	_ =	strace s9  }
0x27: {  	s1 =	sld [smem:$0x3FA5]  }
0x28: {  	s2 =	sld [smem:$0x3FA6]  }
0x29: {  	s4 =	sld [smem:$0x3FA8]  }
0x2a: {  	p0 =	seq.s32 s5, $0x0;
	s5 =	sld [smem:$0x3FA9]  }
0x2b: {  	s6 =	sld [smem:$0x3FAA]  }
0x2c: {  	s7 =	sld [smem:$0x3FAB]  }
0x2d: {  	s3 =	simm.s32 $0x108;
	s8 =	sld [smem:$0x3FAC]  }
0x2e: {  	s3 =	simm.s32 @!p0 $0x1082;
	s9 =	sld [smem:$0x3FAD]  }
0x2f: {  	lr =	sadd.s32 s0, s3;
	s0 =	sld [smem:$0x3FA4]  }
0x30: {  	s3 =	sld [smem:$0x3FA7]  }
0x31: {  	[smem:$0x3FB0] =	sst s10  }
0x32: {  	s10 =	sld [smem:$0x3FAE];
	_ =	sdelay $0x3  }
0x33: {  	p0 =	seq.s32 s10, $0x1;
	s10 =	sld [smem:$0x3FB0];
	_ =	sdelay $0x3  }
0x34: {  	[smem:$0x3FB0] =	sst s10  }
0x35: {  	s10 =	sld [smem:$0x3FAF];
	_ =	sdelay $0x3  }
0x36: {  	p1 =	seq.s32 s10, $0x1;
	s10 =	sld [smem:$0x3FB0];
	_ =	sdelay $0x3  }
0x37: {  	[smem:$0x3FB0] =	sst s10  }
0x38: {  	s10 =	sld [smem:$0x3FB1]  }
0x39: {  	_ = 	snop;
	(pc) =	sbr.ind lr, $3  }
0x3a: {  	_ = 	snop  }
0x3b: {  	_ = 	snop  }
0x3c: {  	p2 =	seq.s32 s10, $0x1;
	s10 =	sld [smem:$0x3FB0]  }
0x3d: {  	_ =	shalt  }
0x3e: {  	_ =	shalt  }
0x3f: {  	_ =	shalt  }
0x40: {  	_ =	shalt  }
0x41: {  	_ =	shalt  }
0x42: {  	_ =	shalt  }
0x43: {  	_ =	shalt  }
0x44: {  	_ =	shalt  }
0x45: {  	_ =	shalt  }
0x46: {  	_ =	shalt  }
0x47: {  	_ =	shalt  }
0x48: {  	_ =	shalt  }
0x49: {  	_ =	shalt  }
0x4a: {  	_ =	shalt  }
0x4b: {  	_ =	shalt  }
0x4c: {  	_ =	shalt  }
0x4d: {  	_ =	shalt  }
0x4e: {  	_ =	shalt  }
0x4f: {  	_ =	shalt  }
0x50: {  	_ =	shalt  }
0x51: {  	_ =	shalt  }
0x52: {  	_ =	shalt  }
0x53: {  	_ =	shalt  }
0x54: {  	_ =	shalt  }
0x55: {  	_ =	shalt  }
0x56: {  	_ =	shalt  }
0x57: {  	_ =	shalt  }
0x58: {  	_ =	shalt  }
0x59: {  	_ =	shalt  }
0x5a: {  	_ =	shalt  }
0x5b: {  	_ =	shalt  }
0x5c: {  	_ =	shalt  }
0x5d: {  	_ =	shalt  }
0x5e: {  	_ =	shalt  }
0x5f: {  	_ =	shalt  }
0x60: {  	_ =	shalt  }
0x61: {  	_ =	shalt  }
0x62: {  	_ =	shalt  }
0x63: {  	_ =	shalt  }
0x64: {  	_ =	shalt  }
0x65: {  	_ =	shalt  }
0x66: {  	_ =	shalt  }
0x67: {  	_ =	shalt  }
0x68: {  	_ =	shalt  }
0x69: {  	_ =	shalt  }
0x6a: {  	_ =	shalt  }
0x6b: {  	_ =	shalt  }
0x6c: {  	_ =	shalt  }
0x6d: {  	_ =	shalt  }
0x6e: {  	_ =	shalt  }
0x6f: {  	_ =	shalt  }
0x70: {  	_ =	shalt  }
0x71: {  	_ =	shalt  }
0x72: {  	_ =	shalt  }
0x73: {  	_ =	shalt  }
0x74: {  	_ =	shalt  }
0x75: {  	_ =	shalt  }
0x76: {  	_ =	shalt  }
0x77: {  	_ =	shalt  }
0x78: {  	_ =	shalt  }
0x79: {  	_ =	shalt  }
0x7a: {  	_ =	shalt  }
0x7b: {  	_ =	shalt  }
0x7c: {  	_ =	shalt  }
0x7d: {  	_ =	shalt  }
0x7e: {  	_ =	shalt  }
0x7f: {  	_ =	shalt  }
0x80: {  	_ =	shalt  }
0x81: {  	_ =	shalt  }
0x82: {  	_ =	shalt  }
0x83: {  	_ =	shalt  }
0x84: {  	_ =	shalt  }
0x85: {  	_ =	shalt  }
0x86: {  	_ =	shalt  }
0x87: {  	_ =	shalt  }
.Lfunc_end0:
.L_simem_size_0:
called_computation_lowered:
.L_overlay_start_0:
0x88: {  	s2 =	sld [smem:$0x3FD9]  }
0x89: {  	s3 =	sld [smem:$0x3FFE];
	_ =	sdelay $0x1  }
0x8a: {  	s1 =	srdreg.scid  }
0x8b: {  	s0 =	sand.u32 $0x1, s1  }
0x8c: {  	s17 =	sshll.u32 s0, $0xA;
	s2 =	sadd.s32 s3, s2  }
0x8d: {  	s2 =	sadd.s32 s2, s17  }
0x8e: {  	[smem:$0x3FBC] =	sst s2  }
0x8f: {  	_ = 	snop  }
0x90: {  	s2 =	sld [smem:$0x3FC8];
	(tm) =	ssettm $0x1  }
0x91: {  	s18 =	sld [smem:$0x3FFB];
	_ =	sdelay $0x3  }
0x92: {  	_ =	strace s18  }
0x93: {  	s3 =	sld [smem:$0x3FFC];
	_ =	sdelay $0x3  }
0x94: {  	_ =	strace s3  }
0x95: {  	s3 =	sld [smem:$0x3FFD];
	_ =	sdelay $0x3  }
0x96: {  	_ =	strace s3  }
0x97: {  	_ =	strace $0x8FFFFFFF  }
0x98: {  	s19 =	sld [smem:$0x3FDB];
	_ =	sdelay $0x1  }
0x99: {  	s4 =	simm.s32 $_scs_section_size  }
0x9a: {  	s5 =	simm.s32 $_size__tile_overlayer_lowered;
	s6 =	simm.s32 $_tile_overlayer_lowered  }
0x9b: {  	s22 =	simm.s32 $0x1BFF;
	s21 =	sshll.u32 s6, $0x1;
	s3 =	sadd.s32 s4, s19  }
0x9c: {  	s7 =	simm.s32 $0x0;
	s20 =	sshll.u32 s5, $0x1;
	s5 =	sadd.s32 s21, s3  }
0x9d: {  	[timem:s7], [sflag:s22] =	dma.local [hbm:s5], s20  }
0x9e: {  	_ =	swait.ge [sflag:s22], s20  }
0x9f: {  	s4 =	ssub.s32 $0x0, s20;
	[sflag:s22] =	ssyncset.done $0x0  }
0xa0: {  	[sflag:s22] =	ssyncadd.s32 s4;
	_ =	sdelay $0x1  }
0xa1: {  	s23 =	simm.s32 $0x1B8B  }
0xa2: {  	_ =	swait.ge [sflag:s23], $0x1  }
0xa3: {  	[sflag:s23] =	ssyncset.done $0x0  }
0xa4: {  	s25 =	simm.s32 $0x1B8E;
	s24 =	sld [smem:$0x3FFE];
	[sflag:s23] =	ssyncadd.s32 $0xFFFFFFFF  }
0xa5: {  	s26 =	simm.s32 $execute0_lowered;
	[smem:$0x3FD2] =	sst s25  }
0xa6: {  	s5 =	sshll.u32 s26, $0x1;
	_ =	strace $0x80000046;
	[dreg:$0x1] =	wrdreg $0xFFFFFFFF  }
0xa7: {  	s28 =	simm.s32 $_size_execute0_lowered;
	s3 =	sadd.s32 s3, s5;
	[dreg:$0x0] =	wrdreg $0x0  }
0xa8: {  	s5 =	sshll.u32 s28, $0x1;
	[dreg:$0x2] =	wrdreg s3  }
0xa9: {  	[dreg:$0x3] =	wrdreg s5  }
0xaa: {  	[dreg:$0x4] =	wrdreg $0xC0  }
0xab: {  	_ =	task [dreg:s7], $0x5FFFF  }
0xac: {  	[dreg:$0x1] =	wrdreg $0xFFFFFFFF  }
0xad: {  	[dreg:$0x0] =	wrdreg $0x60  }
0xae: {  	[dreg:$0x2] =	wrdreg s2  }
0xaf: {  	[dreg:$0x3] =	wrdreg s24  }
0xb0: {  	[dreg:$0x4] =	wrdreg $0x9  }
0xb1: {  	_ =	task.clear_ibuf [dreg:s7], $0x5FFFF;
	_ =	strace $0x90000046  }
0xb2: {  	s29 =	simm.s32 $0x9;
	_ =	strace $0x80000048  }
0xb3: {  	_ =	swait.ge [sflag:s29], $0x1  }
0xb4: {  	[sflag:s29] =	ssyncadd.s32 $0xFFFFFFFF  }
0xb5: {  	_ =	strace $0x90000048  }
0xb6: {  	_ =	sfence  }
0xb7: {  	s30 =	sld [smem:$0x0];
	_ =	sdelay $0x2  }
0xb8: {  	s31 =	sshll.u32 s1, $0xD;
	s1 =	sshrl.u32 s1, $0x2  }
0xb9: {  	s3 =	sand.u32 $0x4000, s31;
	s1 =	sadd.s32 s1, s30  }
0xba: {  	s0 =	sor.u32 s3, s0;
	s1 =	sshll.u32 s1, $0x11  }
0xbb: {  	s0 =	sor.u32 s1, s0  }
0xbc: {  	s0 =	sadd.s32 $0x8F2B, s0  }
0xbd: {  	[sflag:s0] =	ssyncadd.remote.s32 $0x1  }
0xbe: {  	_ =	sfence.sel $0xFFFF  }
0xbf: {  	[dreg:$0x0] =	wrdreg $0xFFFFFFFF;
	(pc) =	sbr.abs _section_cstart, $3  }
0xc0: {  	[dreg:$0x1] =	wrdreg $0xFFFFFFFF  }
0xc1: {  	_ =	task.clear_ibuf [dreg:s7], $0x2FFFF;
	_ =	strace $0x9FFFFFFF  }
0xc2: {  	(tm) =	ssettm $0x7FFFFFFF  }
0xc3: {  	_ =	shalt  }
tec
execute0_lowered:
.L_overlay_start_1:
0x0: {  	(tag) =	ssettag $0x1  }
0x1: {  	s3 =	rddreg [dreg:$0x0]  }
0x2: {  	s0 =	srdreg.scid;
	s2 =	stileid.u32  }
0x3: {  	s1 =	rddreg [dreg:$0x1];
	s9 =	simm.s32 $0x100;
	s10 =	simm.s32 $0xC00  }
0x4: {  	s12 =	simm.s32 $0x1;
	s8 =	simm.s32 $0x2;
	s31 =	simm.s32 $0x200  }
0x5: {  	s30 =	simm.s32 $0x300;
	s28 =	simm.s32 $0x400;
	p0 =	por $0x0, $0x0  }
0x6: {  	s25 =	simm.s32 $0x600;
	s0 =	sand.u32 $0x1, s0;
	s4 =	sshll.u32 s2, $0x1  }
0x7: {  	s23 =	simm.s32 $0x700;
	s21 =	simm.s32 $0x800;
	s4 =	sor.u32 s0, s4  }
0x8: {  	s19 =	simm.s32 $0x900;
	s17 =	simm.s32 $0xA00;
	s5 =	smul.u32 $0x180, s4  }
0x9: {  	s2 =	simm.s32 $0x0;
	s0 =	ssub.s32 $0x2, s0;
	s6 =	smul.u32 $0xC000, s4  }
0xa: {  	[smem:$0x7FF] =	sst s2;
	s7 =	sshrl.u32 s0, $0x1;
	s4 =	smul.u32 $0x60000, s4  }
0xb: {  	s15 =	simm.s32 $0xB00;
	_ =	strace $0x80000047;
	s0 =	ssub.s32 s0, s7  }
0xc: {  	s5 =	sadd.s32 s5, s1;
	s1 =	sadd.s32 $0x5400, s1;
	s4 =	sshrl.u32 s4, $0x3  }
0xd: {  	s0 =	smax.u32 s0, $0x1;
	s5 =	sadd.s32 $0x2400, s5;
	s6 =	sadd.s32 s1, s6  }
0xe: {  	s29 =	sadd.s32 s1, s4;
	s4 =	simm.s32 $0x3;
	p1 =	sne.s32 s0, $0x1  }
0xf: {  	s1 =	sadd.s32 $0xFFFFFFFF, s0;
	[dreg:$0x3] =	wrdreg s5;
	s26 =	sadd.s32 $0x1000, s6  }
.Ltmp0:
0x10: {  	s24 =	sadd.s32 $0x2000, s29;
	s22 =	sadd.s32 $0x3000, s6;
	(pc) =	sbr.rel @!p1 .LBB2_3-.Ltmp0, $4  }
0x11: {  	s20 =	sadd.s32 $0x4000, s29;
	s18 =	sadd.s32 $0x5000, s6;
	s16 =	sadd.s32 $0x6000, s29  }
0x12: {  	s14 =	sadd.s32 $0x7000, s6;
	s13 =	sadd.s32 $0x8000, s29;
	s11 =	sadd.s32 $0x9000, s6  }
0x13: {  	s7 =	sadd.s32 $0xA000, s29;
	s5 =	sadd.s32 $0xB000, s6;
	[dreg:$0x4] =	wrdreg s26  }
0x14: {  	s6 =	simm.s32 $0x8C00;
	s26 =	simm.s32 $0x500;
	s0 =	rddreg [dreg:$0x3]  }
0x15: {  	[tilespmem:s2], [sflag:$0x3] =	stream.linear.gather [hbm4b:s0+s2], $0xC00, $0x38;
	[tilespmem:$0x10C00] =	vst v63  }
0x16: {  	_ =	swait.ge [sflag:s4], $0xC00  }
0x17: {  	[sflag:s4] =	ssyncset.done $0x0  }
0x18: {  	[sflag:s4] =	ssyncadd.s32 $0xFFFFF400  }
0x19: {  	[tilespmem:s10], [sflag:$0x1] =	stream.indirect.gather [hbm4b:s3+s9], $0x80, s2, s9, $0xb8;
	[tilespmem:$0x10C00] =	vst v63  }
0x1a: {  	_ =	swait.ge [sflag:s12], $0x8000  }
0x1b: {  	[sflag:s12] =	ssyncset.done $0x0  }
0x1c: {  	[sflag:s12] =	ssyncadd.s32 $0xFFFF8000  }
0x1d: {  	[tilespmem:s6], [sflag:$0x2] =	stream.indirect.gather [hbm4b:s3+s9], $0x80, s9, s9, $0xb8;
	[tilespmem:$0x10C00] =	vst v63  }
0x1e: {  	_ = 	snop  }
0x1f: {  	[hbm4b:s29+s2] =	stream.linear.scatter [tilespmem:s10], [sflag:$0x3], $0x8000, $0x38;
	[tilespmem:$0x10C00] =	vst v63  }
0x20: {  	_ =	swait.ge [sflag:s4], $0x8000  }
0x21: {  	[sflag:s4] =	ssyncset.done $0x0  }
0x22: {  	[sflag:s4] =	ssyncadd.s32 $0xFFFF8000  }
0x23: {  	_ =	swait.ge [sflag:s8], $0x8000  }
0x24: {  	[sflag:s8] =	ssyncset.done $0x0  }
0x25: {  	[sflag:s8] =	ssyncadd.s32 $0xFFFF8000  }
0x26: {  	[tilespmem:s10], [sflag:$0x1] =	stream.indirect.gather [hbm4b:s3+s9], $0x80, s31, s9, $0xb8;
	[tilespmem:$0x10C00] =	vst v63  }
0x27: {  	s0 =	rddreg [dreg:$0x4]  }
0x28: {  	[hbm4b:s0+s2] =	stream.linear.scatter [tilespmem:s6], [sflag:$0x3], $0x8000, $0x38;
	[tilespmem:$0x10C00] =	vst v63  }
0x29: {  	_ =	swait.ge [sflag:s4], $0x8000  }
0x2a: {  	[sflag:s4] =	ssyncset.done $0x0  }
0x2b: {  	[sflag:s4] =	ssyncadd.s32 $0xFFFF8000  }
0x2c: {  	_ =	swait.ge [sflag:s12], $0x8000  }
0x2d: {  	[sflag:s12] =	ssyncset.done $0x0  }
0x2e: {  	[sflag:s12] =	ssyncadd.s32 $0xFFFF8000  }
0x2f: {  	[tilespmem:s6], [sflag:$0x2] =	stream.indirect.gather [hbm4b:s3+s9], $0x80, s30, s9, $0xb8;
	[tilespmem:$0x10C00] =	vst v63  }
0x30: {  	_ = 	snop  }
0x31: {  	[hbm4b:s24+s2] =	stream.linear.scatter [tilespmem:s10], [sflag:$0x3], $0x8000, $0x38;
	[tilespmem:$0x10C00] =	vst v63  }
0x32: {  	_ =	swait.ge [sflag:s4], $0x8000  }
0x33: {  	[sflag:s4] =	ssyncset.done $0x0  }
0x34: {  	[sflag:s4] =	ssyncadd.s32 $0xFFFF8000  }
0x35: {  	_ =	swait.ge [sflag:s8], $0x8000  }
0x36: {  	[sflag:s8] =	ssyncset.done $0x0  }
0x37: {  	[sflag:s8] =	ssyncadd.s32 $0xFFFF8000  }
0x38: {  	[tilespmem:s10], [sflag:$0x1] =	stream.indirect.gather [hbm4b:s3+s9], $0x80, s28, s9, $0xb8;
	[tilespmem:$0x10C00] =	vst v63  }
0x39: {  	_ = 	snop  }
0x3a: {  	[hbm4b:s22+s2] =	stream.linear.scatter [tilespmem:s6], [sflag:$0x3], $0x8000, $0x38;
	[tilespmem:$0x10C00] =	vst v63  }
0x3b: {  	_ =	swait.ge [sflag:s4], $0x8000  }
0x3c: {  	[sflag:s4] =	ssyncset.done $0x0  }
0x3d: {  	[sflag:s4] =	ssyncadd.s32 $0xFFFF8000  }
0x3e: {  	_ =	swait.ge [sflag:s12], $0x8000  }
0x3f: {  	[sflag:s12] =	ssyncset.done $0x0  }
0x40: {  	[sflag:s12] =	ssyncadd.s32 $0xFFFF8000  }
0x41: {  	[tilespmem:s6], [sflag:$0x2] =	stream.indirect.gather [hbm4b:s3+s9], $0x80, s26, s9, $0xb8;
	[tilespmem:$0x10C00] =	vst v63  }
0x42: {  	_ = 	snop  }
0x43: {  	[hbm4b:s20+s2] =	stream.linear.scatter [tilespmem:s10], [sflag:$0x3], $0x8000, $0x38;
	[tilespmem:$0x10C00] =	vst v63  }
0x44: {  	_ =	swait.ge [sflag:s4], $0x8000  }
0x45: {  	[sflag:s4] =	ssyncset.done $0x0  }
0x46: {  	[sflag:s4] =	ssyncadd.s32 $0xFFFF8000  }
0x47: {  	_ =	swait.ge [sflag:s8], $0x8000  }
0x48: {  	[sflag:s8] =	ssyncset.done $0x0  }
0x49: {  	[sflag:s8] =	ssyncadd.s32 $0xFFFF8000  }
0x4a: {  	[tilespmem:s10], [sflag:$0x1] =	stream.indirect.gather [hbm4b:s3+s9], $0x80, s25, s9, $0xb8;
	[tilespmem:$0x10C00] =	vst v63  }
0x4b: {  	_ = 	snop  }
0x4c: {  	[hbm4b:s18+s2] =	stream.linear.scatter [tilespmem:s6], [sflag:$0x3], $0x8000, $0x38;
	[tilespmem:$0x10C00] =	vst v63  }
0x4d: {  	_ =	swait.ge [sflag:s4], $0x8000  }
0x4e: {  	[sflag:s4] =	ssyncset.done $0x0  }
0x4f: {  	[sflag:s4] =	ssyncadd.s32 $0xFFFF8000  }
0x50: {  	_ =	swait.ge [sflag:s12], $0x8000  }
0x51: {  	[sflag:s12] =	ssyncset.done $0x0  }
0x52: {  	[sflag:s12] =	ssyncadd.s32 $0xFFFF8000  }
0x53: {  	[tilespmem:s6], [sflag:$0x2] =	stream.indirect.gather [hbm4b:s3+s9], $0x80, s23, s9, $0xb8;
	[tilespmem:$0x10C00] =	vst v63  }
0x54: {  	_ = 	snop  }
0x55: {  	[hbm4b:s16+s2] =	stream.linear.scatter [tilespmem:s10], [sflag:$0x3], $0x8000, $0x38;
	[tilespmem:$0x10C00] =	vst v63  }
0x56: {  	_ =	swait.ge [sflag:s4], $0x8000  }
0x57: {  	[sflag:s4] =	ssyncset.done $0x0  }
0x58: {  	[sflag:s4] =	ssyncadd.s32 $0xFFFF8000  }
0x59: {  	_ =	swait.ge [sflag:s8], $0x8000  }
0x5a: {  	[sflag:s8] =	ssyncset.done $0x0  }
0x5b: {  	[sflag:s8] =	ssyncadd.s32 $0xFFFF8000  }
0x5c: {  	[tilespmem:s10], [sflag:$0x1] =	stream.indirect.gather [hbm4b:s3+s9], $0x80, s21, s9, $0xb8;
	[tilespmem:$0x10C00] =	vst v63  }
0x5d: {  	_ = 	snop  }
0x5e: {  	[hbm4b:s14+s2] =	stream.linear.scatter [tilespmem:s6], [sflag:$0x3], $0x8000, $0x38;
	[tilespmem:$0x10C00] =	vst v63  }
0x5f: {  	_ =	swait.ge [sflag:s4], $0x8000  }
0x60: {  	[sflag:s4] =	ssyncset.done $0x0  }
0x61: {  	[sflag:s4] =	ssyncadd.s32 $0xFFFF8000  }
0x62: {  	_ =	swait.ge [sflag:s12], $0x8000  }
0x63: {  	[sflag:s12] =	ssyncset.done $0x0  }
0x64: {  	[sflag:s12] =	ssyncadd.s32 $0xFFFF8000  }
0x65: {  	[tilespmem:s6], [sflag:$0x2] =	stream.indirect.gather [hbm4b:s3+s9], $0x80, s19, s9, $0xb8;
	[tilespmem:$0x10C00] =	vst v63  }
0x66: {  	_ = 	snop  }
0x67: {  	[hbm4b:s13+s2] =	stream.linear.scatter [tilespmem:s10], [sflag:$0x3], $0x8000, $0x38;
	[tilespmem:$0x10C00] =	vst v63  }
0x68: {  	_ =	swait.ge [sflag:s4], $0x8000  }
0x69: {  	[sflag:s4] =	ssyncset.done $0x0  }
0x6a: {  	[sflag:s4] =	ssyncadd.s32 $0xFFFF8000  }
0x6b: {  	_ =	swait.ge [sflag:s8], $0x8000  }
0x6c: {  	[sflag:s8] =	ssyncset.done $0x0  }
0x6d: {  	[sflag:s8] =	ssyncadd.s32 $0xFFFF8000  }
0x6e: {  	[tilespmem:s10], [sflag:$0x1] =	stream.indirect.gather [hbm4b:s3+s9], $0x80, s17, s9, $0xb8;
	[tilespmem:$0x10C00] =	vst v63  }
0x6f: {  	_ = 	snop  }
0x70: {  	[hbm4b:s11+s2] =	stream.linear.scatter [tilespmem:s6], [sflag:$0x3], $0x8000, $0x38;
	[tilespmem:$0x10C00] =	vst v63  }
0x71: {  	_ =	swait.ge [sflag:s4], $0x8000  }
0x72: {  	[sflag:s4] =	ssyncset.done $0x0  }
0x73: {  	[sflag:s4] =	ssyncadd.s32 $0xFFFF8000  }
0x74: {  	_ =	swait.ge [sflag:s12], $0x8000  }
0x75: {  	[sflag:s12] =	ssyncset.done $0x0  }
0x76: {  	[sflag:s12] =	ssyncadd.s32 $0xFFFF8000  }
0x77: {  	[tilespmem:s6], [sflag:$0x2] =	stream.indirect.gather [hbm4b:s3+s9], $0x80, s15, s9, $0xb8;
	[tilespmem:$0x10C00] =	vst v63  }
0x78: {  	_ = 	snop  }
0x79: {  	[hbm4b:s7+s2] =	stream.linear.scatter [tilespmem:s10], [sflag:$0x3], $0x8000, $0x38;
	[tilespmem:$0x10C00] =	vst v63  }
0x7a: {  	_ =	swait.ge [sflag:s4], $0x8000  }
0x7b: {  	[sflag:s4] =	ssyncset.done $0x0  }
0x7c: {  	[sflag:s4] =	ssyncadd.s32 $0xFFFF8000  }
0x7d: {  	p1 =	sne.s32 s1, $0x1;
	_ =	swait.ge [sflag:s8], $0x8000  }
.Ltmp1:
0x7e: {  	[sflag:s8] =	ssyncset.done $0x0;
	(pc) =	sbr.rel @!p1 .LBB2_3-.Ltmp1, $4  }
0x7f: {  	[sflag:s8] =	ssyncadd.s32 $0xFFFF8000  }
0x80: {  	[hbm4b:s5+s2] =	stream.linear.scatter [tilespmem:s6], [sflag:$0x3], $0x8000, $0x38;
	[tilespmem:$0x10C00] =	vst v63  }
0x81: {  	s1 =	sadd.s32 $0xFFFFFFFF, s1;
	_ =	swait.ge [sflag:s4], $0x8000  }
0x82: {  	p0 =	por $0x1, $0x1;
	s0 =	rddreg [dreg:$0x3];
	[sflag:s4] =	ssyncset.done $0x0  }
.LBB2_2:
0x83: {  	[sflag:s4] =	ssyncadd.s32 $0xFFFF8000  }
0x84: {  	[tilespmem:s2], [sflag:$0x3] =	stream.linear.gather [hbm4b:s0+s2], $0xC00, $0x38;
	[tilespmem:$0x10C00] =	vst v63  }
0x85: {  	_ =	swait.ge [sflag:s4], $0xC00  }
0x86: {  	[sflag:s4] =	ssyncset.done $0x0  }
0x87: {  	[sflag:s4] =	ssyncadd.s32 $0xFFFFF400  }
0x88: {  	[tilespmem:s10], [sflag:$0x1] =	stream.indirect.gather [hbm4b:s3+s9], $0x80, s2, s9, $0xb8;
	[tilespmem:$0x10C00] =	vst v63  }
0x89: {  	_ =	swait.ge [sflag:s12], $0x8000  }
0x8a: {  	[sflag:s12] =	ssyncset.done $0x0  }
0x8b: {  	[sflag:s12] =	ssyncadd.s32 $0xFFFF8000  }
0x8c: {  	[tilespmem:s6], [sflag:$0x2] =	stream.indirect.gather [hbm4b:s3+s9], $0x80, s9, s9, $0xb8;
	[tilespmem:$0x10C00] =	vst v63  }
0x8d: {  	_ = 	snop  }
0x8e: {  	[hbm4b:s29+s2] =	stream.linear.scatter [tilespmem:s10], [sflag:$0x3], $0x8000, $0x38;
	[tilespmem:$0x10C00] =	vst v63  }
0x8f: {  	_ =	swait.ge [sflag:s4], $0x8000  }
0x90: {  	[sflag:s4] =	ssyncset.done $0x0  }
0x91: {  	[sflag:s4] =	ssyncadd.s32 $0xFFFF8000  }
0x92: {  	_ =	swait.ge [sflag:s8], $0x8000  }
0x93: {  	[sflag:s8] =	ssyncset.done $0x0  }
0x94: {  	[sflag:s8] =	ssyncadd.s32 $0xFFFF8000  }
0x95: {  	[tilespmem:s10], [sflag:$0x1] =	stream.indirect.gather [hbm4b:s3+s9], $0x80, s31, s9, $0xb8;
	[tilespmem:$0x10C00] =	vst v63  }
0x96: {  	s0 =	rddreg [dreg:$0x4]  }
0x97: {  	[hbm4b:s0+s2] =	stream.linear.scatter [tilespmem:s6], [sflag:$0x3], $0x8000, $0x38;
	[tilespmem:$0x10C00] =	vst v63  }
0x98: {  	_ =	swait.ge [sflag:s4], $0x8000  }
0x99: {  	[sflag:s4] =	ssyncset.done $0x0  }
0x9a: {  	[sflag:s4] =	ssyncadd.s32 $0xFFFF8000  }
0x9b: {  	_ =	swait.ge [sflag:s12], $0x8000  }
0x9c: {  	[sflag:s12] =	ssyncset.done $0x0  }
0x9d: {  	[sflag:s12] =	ssyncadd.s32 $0xFFFF8000  }
0x9e: {  	[tilespmem:s6], [sflag:$0x2] =	stream.indirect.gather [hbm4b:s3+s9], $0x80, s30, s9, $0xb8;
	[tilespmem:$0x10C00] =	vst v63  }
0x9f: {  	_ = 	snop  }
0xa0: {  	[hbm4b:s24+s2] =	stream.linear.scatter [tilespmem:s10], [sflag:$0x3], $0x8000, $0x38;
	[tilespmem:$0x10C00] =	vst v63  }
0xa1: {  	_ =	swait.ge [sflag:s4], $0x8000  }
0xa2: {  	[sflag:s4] =	ssyncset.done $0x0  }
0xa3: {  	[sflag:s4] =	ssyncadd.s32 $0xFFFF8000  }
0xa4: {  	_ =	swait.ge [sflag:s8], $0x8000  }
0xa5: {  	[sflag:s8] =	ssyncset.done $0x0  }
0xa6: {  	[sflag:s8] =	ssyncadd.s32 $0xFFFF8000  }
0xa7: {  	[tilespmem:s10], [sflag:$0x1] =	stream.indirect.gather [hbm4b:s3+s9], $0x80, s28, s9, $0xb8;
	[tilespmem:$0x10C00] =	vst v63  }
0xa8: {  	_ = 	snop  }
0xa9: {  	[hbm4b:s22+s2] =	stream.linear.scatter [tilespmem:s6], [sflag:$0x3], $0x8000, $0x38;
	[tilespmem:$0x10C00] =	vst v63  }
0xaa: {  	_ =	swait.ge [sflag:s4], $0x8000  }
0xab: {  	[sflag:s4] =	ssyncset.done $0x0  }
0xac: {  	[sflag:s4] =	ssyncadd.s32 $0xFFFF8000  }
0xad: {  	_ =	swait.ge [sflag:s12], $0x8000  }
0xae: {  	[sflag:s12] =	ssyncset.done $0x0  }
0xaf: {  	[sflag:s12] =	ssyncadd.s32 $0xFFFF8000  }
0xb0: {  	[tilespmem:s6], [sflag:$0x2] =	stream.indirect.gather [hbm4b:s3+s9], $0x80, s26, s9, $0xb8;
	[tilespmem:$0x10C00] =	vst v63  }
0xb1: {  	_ = 	snop  }
0xb2: {  	[hbm4b:s20+s2] =	stream.linear.scatter [tilespmem:s10], [sflag:$0x3], $0x8000, $0x38;
	[tilespmem:$0x10C00] =	vst v63  }
0xb3: {  	_ =	swait.ge [sflag:s4], $0x8000  }
0xb4: {  	[sflag:s4] =	ssyncset.done $0x0  }
0xb5: {  	[sflag:s4] =	ssyncadd.s32 $0xFFFF8000  }
0xb6: {  	_ =	swait.ge [sflag:s8], $0x8000  }
0xb7: {  	[sflag:s8] =	ssyncset.done $0x0  }
0xb8: {  	[sflag:s8] =	ssyncadd.s32 $0xFFFF8000  }
0xb9: {  	[tilespmem:s10], [sflag:$0x1] =	stream.indirect.gather [hbm4b:s3+s9], $0x80, s25, s9, $0xb8;
	[tilespmem:$0x10C00] =	vst v63  }
0xba: {  	_ = 	snop  }
0xbb: {  	[hbm4b:s18+s2] =	stream.linear.scatter [tilespmem:s6], [sflag:$0x3], $0x8000, $0x38;
	[tilespmem:$0x10C00] =	vst v63  }
0xbc: {  	_ =	swait.ge [sflag:s4], $0x8000  }
0xbd: {  	[sflag:s4] =	ssyncset.done $0x0  }
0xbe: {  	[sflag:s4] =	ssyncadd.s32 $0xFFFF8000  }
0xbf: {  	_ =	swait.ge [sflag:s12], $0x8000  }
0xc0: {  	[sflag:s12] =	ssyncset.done $0x0  }
0xc1: {  	[sflag:s12] =	ssyncadd.s32 $0xFFFF8000  }
0xc2: {  	[tilespmem:s6], [sflag:$0x2] =	stream.indirect.gather [hbm4b:s3+s9], $0x80, s23, s9, $0xb8;
	[tilespmem:$0x10C00] =	vst v63  }
0xc3: {  	_ = 	snop  }
0xc4: {  	[hbm4b:s16+s2] =	stream.linear.scatter [tilespmem:s10], [sflag:$0x3], $0x8000, $0x38;
	[tilespmem:$0x10C00] =	vst v63  }
0xc5: {  	_ =	swait.ge [sflag:s4], $0x8000  }
0xc6: {  	[sflag:s4] =	ssyncset.done $0x0  }
0xc7: {  	[sflag:s4] =	ssyncadd.s32 $0xFFFF8000  }
0xc8: {  	_ =	swait.ge [sflag:s8], $0x8000  }
0xc9: {  	[sflag:s8] =	ssyncset.done $0x0  }
0xca: {  	[sflag:s8] =	ssyncadd.s32 $0xFFFF8000  }
0xcb: {  	[tilespmem:s10], [sflag:$0x1] =	stream.indirect.gather [hbm4b:s3+s9], $0x80, s21, s9, $0xb8;
	[tilespmem:$0x10C00] =	vst v63  }
0xcc: {  	_ = 	snop  }
0xcd: {  	[hbm4b:s14+s2] =	stream.linear.scatter [tilespmem:s6], [sflag:$0x3], $0x8000, $0x38;
	[tilespmem:$0x10C00] =	vst v63  }
0xce: {  	_ =	swait.ge [sflag:s4], $0x8000  }
0xcf: {  	[sflag:s4] =	ssyncset.done $0x0  }
0xd0: {  	[sflag:s4] =	ssyncadd.s32 $0xFFFF8000  }
0xd1: {  	_ =	swait.ge [sflag:s12], $0x8000  }
0xd2: {  	[sflag:s12] =	ssyncset.done $0x0  }
0xd3: {  	[sflag:s12] =	ssyncadd.s32 $0xFFFF8000  }
0xd4: {  	[tilespmem:s6], [sflag:$0x2] =	stream.indirect.gather [hbm4b:s3+s9], $0x80, s19, s9, $0xb8;
	[tilespmem:$0x10C00] =	vst v63  }
0xd5: {  	_ = 	snop  }
0xd6: {  	[hbm4b:s13+s2] =	stream.linear.scatter [tilespmem:s10], [sflag:$0x3], $0x8000, $0x38;
	[tilespmem:$0x10C00] =	vst v63  }
0xd7: {  	_ =	swait.ge [sflag:s4], $0x8000  }
0xd8: {  	[sflag:s4] =	ssyncset.done $0x0  }
0xd9: {  	[sflag:s4] =	ssyncadd.s32 $0xFFFF8000  }
0xda: {  	_ =	swait.ge [sflag:s8], $0x8000  }
0xdb: {  	[sflag:s8] =	ssyncset.done $0x0  }
0xdc: {  	[sflag:s8] =	ssyncadd.s32 $0xFFFF8000  }
0xdd: {  	[tilespmem:s10], [sflag:$0x1] =	stream.indirect.gather [hbm4b:s3+s9], $0x80, s17, s9, $0xb8;
	[tilespmem:$0x10C00] =	vst v63  }
0xde: {  	_ = 	snop  }
0xdf: {  	[hbm4b:s11+s2] =	stream.linear.scatter [tilespmem:s6], [sflag:$0x3], $0x8000, $0x38;
	[tilespmem:$0x10C00] =	vst v63  }
0xe0: {  	_ =	swait.ge [sflag:s4], $0x8000  }
0xe1: {  	[sflag:s4] =	ssyncset.done $0x0  }
0xe2: {  	[sflag:s4] =	ssyncadd.s32 $0xFFFF8000  }
0xe3: {  	_ =	swait.ge [sflag:s12], $0x8000  }
0xe4: {  	[sflag:s12] =	ssyncset.done $0x0  }
0xe5: {  	[sflag:s12] =	ssyncadd.s32 $0xFFFF8000  }
0xe6: {  	[tilespmem:s6], [sflag:$0x2] =	stream.indirect.gather [hbm4b:s3+s9], $0x80, s15, s9, $0xb8;
	[tilespmem:$0x10C00] =	vst v63  }
0xe7: {  	_ = 	snop  }
0xe8: {  	[hbm4b:s7+s2] =	stream.linear.scatter [tilespmem:s10], [sflag:$0x3], $0x8000, $0x38;
	[tilespmem:$0x10C00] =	vst v63  }
0xe9: {  	_ =	swait.ge [sflag:s4], $0x8000  }
0xea: {  	[sflag:s4] =	ssyncset.done $0x0  }
0xeb: {  	[sflag:s4] =	ssyncadd.s32 $0xFFFF8000  }
0xec: {  	p1 =	sne.s32 s1, $0x1;
	_ =	swait.ge [sflag:s8], $0x8000  }
.Ltmp2:
0xed: {  	[sflag:s8] =	ssyncset.done $0x0;
	(pc) =	sbr.rel @p1 .LBB2_2-.Ltmp2, $4  }
0xee: {  	[sflag:s8] =	ssyncadd.s32 $0xFFFF8000  }
0xef: {  	[hbm4b:s5+s2] =	stream.linear.scatter [tilespmem:s6], [sflag:$0x3], $0x8000, $0x38;
	[tilespmem:$0x10C00] =	vst v63  }
0xf0: {  	_ =	swait.ge [sflag:s4], $0x8000  }
0xf1: {  	s1 =	sadd.s32 $0xFFFFFFFF, s1;
	s0 =	rddreg [dreg:$0x3];
	[sflag:s4] =	ssyncset.done $0x0  }
.LBB2_3:
0xf2: {  	[sflag:s4] =	ssyncadd.s32 @p0 $0xFFFF8000  }
0xf3: {  	[tilespmem:s2], [sflag:$0x3] =	stream.linear.gather [hbm4b:s0+s2], $0xC00, $0x38;
	[tilespmem:$0x10C00] =	vst v63  }
0xf4: {  	_ =	swait.ge [sflag:s4], $0xC00  }
0xf5: {  	[sflag:s4] =	ssyncset.done $0x0  }
0xf6: {  	[sflag:s4] =	ssyncadd.s32 $0xFFFFF400  }
0xf7: {  	[tilespmem:s10], [sflag:$0x1] =	stream.indirect.gather [hbm4b:s3+s9], $0x80, s2, s9, $0xb8;
	[tilespmem:$0x10C00] =	vst v63  }
0xf8: {  	_ =	swait.ge [sflag:s12], $0x8000  }
0xf9: {  	[sflag:s12] =	ssyncset.done $0x0  }
0xfa: {  	[sflag:s12] =	ssyncadd.s32 $0xFFFF8000  }
0xfb: {  	[tilespmem:s6], [sflag:$0x2] =	stream.indirect.gather [hbm4b:s3+s9], $0x80, s9, s9, $0xb8;
	[tilespmem:$0x10C00] =	vst v63  }
0xfc: {  	_ = 	snop  }
0xfd: {  	[hbm4b:s29+s2] =	stream.linear.scatter [tilespmem:s10], [sflag:$0x3], $0x8000, $0x38;
	[tilespmem:$0x10C00] =	vst v63  }
0xfe: {  	_ =	swait.ge [sflag:s4], $0x8000  }
0xff: {  	[sflag:s4] =	ssyncset.done $0x0  }
0x100: {  	[sflag:s4] =	ssyncadd.s32 $0xFFFF8000  }
0x101: {  	_ =	swait.ge [sflag:s8], $0x8000  }
0x102: {  	[sflag:s8] =	ssyncset.done $0x0  }
0x103: {  	[sflag:s8] =	ssyncadd.s32 $0xFFFF8000  }
0x104: {  	[tilespmem:s10], [sflag:$0x1] =	stream.indirect.gather [hbm4b:s3+s9], $0x80, s31, s9, $0xb8;
	[tilespmem:$0x10C00] =	vst v63  }
0x105: {  	s29 =	rddreg [dreg:$0x4]  }
0x106: {  	[hbm4b:s29+s2] =	stream.linear.scatter [tilespmem:s6], [sflag:$0x3], $0x8000, $0x38;
	[tilespmem:$0x10C00] =	vst v63  }
0x107: {  	_ =	swait.ge [sflag:s4], $0x8000  }
0x108: {  	[sflag:s4] =	ssyncset.done $0x0  }
0x109: {  	[sflag:s4] =	ssyncadd.s32 $0xFFFF8000  }
0x10a: {  	_ =	swait.ge [sflag:s12], $0x8000  }
0x10b: {  	[sflag:s12] =	ssyncset.done $0x0  }
0x10c: {  	[sflag:s12] =	ssyncadd.s32 $0xFFFF8000  }
0x10d: {  	[tilespmem:s6], [sflag:$0x2] =	stream.indirect.gather [hbm4b:s3+s9], $0x80, s30, s9, $0xb8;
	[tilespmem:$0x10C00] =	vst v63  }
0x10e: {  	_ = 	snop  }
0x10f: {  	[hbm4b:s24+s2] =	stream.linear.scatter [tilespmem:s10], [sflag:$0x3], $0x8000, $0x38;
	[tilespmem:$0x10C00] =	vst v63  }
0x110: {  	_ =	swait.ge [sflag:s4], $0x8000  }
0x111: {  	[sflag:s4] =	ssyncset.done $0x0  }
0x112: {  	[sflag:s4] =	ssyncadd.s32 $0xFFFF8000  }
0x113: {  	_ =	swait.ge [sflag:s8], $0x8000  }
0x114: {  	[sflag:s8] =	ssyncset.done $0x0  }
0x115: {  	[sflag:s8] =	ssyncadd.s32 $0xFFFF8000  }
0x116: {  	[tilespmem:s10], [sflag:$0x1] =	stream.indirect.gather [hbm4b:s3+s9], $0x80, s28, s9, $0xb8;
	[tilespmem:$0x10C00] =	vst v63  }
0x117: {  	_ = 	snop  }
0x118: {  	[hbm4b:s22+s2] =	stream.linear.scatter [tilespmem:s6], [sflag:$0x3], $0x8000, $0x38;
	[tilespmem:$0x10C00] =	vst v63  }
0x119: {  	_ =	swait.ge [sflag:s4], $0x8000  }
0x11a: {  	[sflag:s4] =	ssyncset.done $0x0  }
0x11b: {  	[sflag:s4] =	ssyncadd.s32 $0xFFFF8000  }
0x11c: {  	_ =	swait.ge [sflag:s12], $0x8000  }
0x11d: {  	[sflag:s12] =	ssyncset.done $0x0  }
0x11e: {  	[sflag:s12] =	ssyncadd.s32 $0xFFFF8000  }
0x11f: {  	[tilespmem:s6], [sflag:$0x2] =	stream.indirect.gather [hbm4b:s3+s9], $0x80, s26, s9, $0xb8;
	[tilespmem:$0x10C00] =	vst v63  }
0x120: {  	_ = 	snop  }
0x121: {  	[hbm4b:s20+s2] =	stream.linear.scatter [tilespmem:s10], [sflag:$0x3], $0x8000, $0x38;
	[tilespmem:$0x10C00] =	vst v63  }
0x122: {  	_ =	swait.ge [sflag:s4], $0x8000  }
0x123: {  	[sflag:s4] =	ssyncset.done $0x0  }
0x124: {  	[sflag:s4] =	ssyncadd.s32 $0xFFFF8000  }
0x125: {  	_ =	swait.ge [sflag:s8], $0x8000  }
0x126: {  	[sflag:s8] =	ssyncset.done $0x0  }
0x127: {  	[sflag:s8] =	ssyncadd.s32 $0xFFFF8000  }
0x128: {  	[tilespmem:s10], [sflag:$0x1] =	stream.indirect.gather [hbm4b:s3+s9], $0x80, s25, s9, $0xb8;
	[tilespmem:$0x10C00] =	vst v63  }
0x129: {  	_ = 	snop  }
0x12a: {  	[hbm4b:s18+s2] =	stream.linear.scatter [tilespmem:s6], [sflag:$0x3], $0x8000, $0x38;
	[tilespmem:$0x10C00] =	vst v63  }
0x12b: {  	_ =	swait.ge [sflag:s4], $0x8000  }
0x12c: {  	[sflag:s4] =	ssyncset.done $0x0  }
0x12d: {  	[sflag:s4] =	ssyncadd.s32 $0xFFFF8000  }
0x12e: {  	_ =	swait.ge [sflag:s12], $0x8000  }
0x12f: {  	[sflag:s12] =	ssyncset.done $0x0  }
0x130: {  	[sflag:s12] =	ssyncadd.s32 $0xFFFF8000  }
0x131: {  	[tilespmem:s6], [sflag:$0x2] =	stream.indirect.gather [hbm4b:s3+s9], $0x80, s23, s9, $0xb8;
	[tilespmem:$0x10C00] =	vst v63  }
0x132: {  	_ = 	snop  }
0x133: {  	[hbm4b:s16+s2] =	stream.linear.scatter [tilespmem:s10], [sflag:$0x3], $0x8000, $0x38;
	[tilespmem:$0x10C00] =	vst v63  }
0x134: {  	_ =	swait.ge [sflag:s4], $0x8000  }
0x135: {  	[sflag:s4] =	ssyncset.done $0x0  }
0x136: {  	[sflag:s4] =	ssyncadd.s32 $0xFFFF8000  }
0x137: {  	_ =	swait.ge [sflag:s8], $0x8000  }
0x138: {  	[sflag:s8] =	ssyncset.done $0x0  }
0x139: {  	[sflag:s8] =	ssyncadd.s32 $0xFFFF8000  }
0x13a: {  	[tilespmem:s10], [sflag:$0x1] =	stream.indirect.gather [hbm4b:s3+s9], $0x80, s21, s9, $0xb8;
	[tilespmem:$0x10C00] =	vst v63  }
0x13b: {  	_ = 	snop  }
0x13c: {  	[hbm4b:s14+s2] =	stream.linear.scatter [tilespmem:s6], [sflag:$0x3], $0x8000, $0x38;
	[tilespmem:$0x10C00] =	vst v63  }
0x13d: {  	_ =	swait.ge [sflag:s4], $0x8000  }
0x13e: {  	[sflag:s4] =	ssyncset.done $0x0  }
0x13f: {  	[sflag:s4] =	ssyncadd.s32 $0xFFFF8000  }
0x140: {  	_ =	swait.ge [sflag:s12], $0x8000  }
0x141: {  	[sflag:s12] =	ssyncset.done $0x0  }
0x142: {  	[sflag:s12] =	ssyncadd.s32 $0xFFFF8000  }
0x143: {  	[tilespmem:s6], [sflag:$0x2] =	stream.indirect.gather [hbm4b:s3+s9], $0x80, s19, s9, $0xb8;
	[tilespmem:$0x10C00] =	vst v63  }
0x144: {  	_ = 	snop  }
0x145: {  	[hbm4b:s13+s2] =	stream.linear.scatter [tilespmem:s10], [sflag:$0x3], $0x8000, $0x38;
	[tilespmem:$0x10C00] =	vst v63  }
0x146: {  	_ =	swait.ge [sflag:s4], $0x8000  }
0x147: {  	[sflag:s4] =	ssyncset.done $0x0  }
0x148: {  	[sflag:s4] =	ssyncadd.s32 $0xFFFF8000  }
0x149: {  	_ =	swait.ge [sflag:s8], $0x8000  }
0x14a: {  	[sflag:s8] =	ssyncset.done $0x0  }
0x14b: {  	[sflag:s8] =	ssyncadd.s32 $0xFFFF8000  }
0x14c: {  	[tilespmem:s10], [sflag:$0x1] =	stream.indirect.gather [hbm4b:s3+s9], $0x80, s17, s9, $0xb8;
	[tilespmem:$0x10C00] =	vst v63  }
0x14d: {  	_ = 	snop  }
0x14e: {  	[hbm4b:s11+s2] =	stream.linear.scatter [tilespmem:s6], [sflag:$0x3], $0x8000, $0x38;
	[tilespmem:$0x10C00] =	vst v63  }
0x14f: {  	_ =	swait.ge [sflag:s4], $0x8000  }
0x150: {  	[sflag:s4] =	ssyncset.done $0x0  }
0x151: {  	[sflag:s4] =	ssyncadd.s32 $0xFFFF8000  }
0x152: {  	_ =	swait.ge [sflag:s12], $0x8000  }
0x153: {  	[sflag:s12] =	ssyncset.done $0x0  }
0x154: {  	[sflag:s12] =	ssyncadd.s32 $0xFFFF8000  }
0x155: {  	[tilespmem:s6], [sflag:$0x2] =	stream.indirect.gather [hbm4b:s3+s9], $0x80, s15, s9, $0xb8;
	[tilespmem:$0x10C00] =	vst v63  }
0x156: {  	_ = 	snop  }
0x157: {  	[hbm4b:s7+s2] =	stream.linear.scatter [tilespmem:s10], [sflag:$0x3], $0x8000, $0x38;
	[tilespmem:$0x10C00] =	vst v63  }
0x158: {  	_ =	swait.ge [sflag:s4], $0x8000  }
0x159: {  	[sflag:s4] =	ssyncset.done $0x0  }
0x15a: {  	[sflag:s4] =	ssyncadd.s32 $0xFFFF8000  }
0x15b: {  	_ =	swait.ge [sflag:s8], $0x8000  }
0x15c: {  	[sflag:s8] =	ssyncset.done $0x0  }
0x15d: {  	[sflag:s8] =	ssyncadd.s32 $0xFFFF8000  }
0x15e: {  	[hbm4b:s5+s2] =	stream.linear.scatter [tilespmem:s6], [sflag:$0x3], $0x8000, $0x38;
	[tilespmem:$0x10C00] =	vst v63  }
0x15f: {  	_ =	swait.ge [sflag:s4], $0x8000  }
0x160: {  	[sflag:s4] =	ssyncset.done $0x0  }
0x161: {  	[sflag:s4] =	ssyncadd.s32 $0xFFFF8000  }
0x162: {  	_ =	sfence.sel $0x180000  }
0x163: {  	[bflag:$0x0] =	sbarrier.arrive $0xFFFF  }
0x164: {  	_ =	strace $0x90000047  }
0x165: {  	s31 =	stileid.u32;
	[bflag:$0x2] =	sbarrier.arrive $0xFFFF  }
0x166: {  	p0 =	sne.s32 s31, $0x0;
	s0 =	rddreg [dreg:$0x2]  }
0x167: {  	s0 =	sadd.s32 @!p0 $0x100000, s0  }
0x168: {  	[sflag:s0] =	ssyncadd.tile.s32 @!p0 $0x1;
	_ =	shalt  }
.Lfunc_end2:
_tile_overlayer_lowered:
.L_overlay_start_2:
0x169: {  	(tag) =	ssettag $0x2  }
0x16a: {  	s0 =	rddreg [dreg:$0x0];
	s2 =	stileid.u32  }
0x16b: {  	s1 =	rddreg [dreg:$0x1];
	p0 =	sne.s32 s2, $0x0  }
0x16c: {  	s3 =	rddreg [dreg:$0x2];
	[bflag:$0x3] =	sbarrier.arrive $0xFFFF;
	s2 =	simm.s32 @!p0 $0x1C03  }
0x16d: {  	[timem:s3], [sflag:s2] =	dma.local @!p0 [hbm:s0], s1  }
0x16e: {  	s0 =	simm.s32 @!p0 $0x3  }
0x16f: {  	_ =	swait.ge @!p0 [sflag:s0], s1  }
0x170: {  	s1 =	ssub.s32 @!p0 $0x0, s1;
	[sflag:s0] =	ssyncset.done @!p0 $0x0  }
0x171: {  	[sflag:s0] =	ssyncadd.s32 @!p0 s1  }
0x172: {  	[bflag:$0x3] =	sbarrier.arrive $0xFFFF  }
0x173: {  	_ =	shalt  }

</sc_bundles>
